<compile_context>
chip_gen: v7x
topology: tpu7x:2x2x1
jax: 0.10.2.dev20260603
libtpu: 0.0.44.dev20260713+nightly
codegen_flags: <defaults>
</compile_context>

<pallas_src>
import functools

import jax
import jax.numpy as jnp
from jax import lax
from jax.experimental import pallas as pl
from jax.experimental.pallas import tpu as pltpu
from jax.experimental.pallas import tpu_sc as plsc

_PS = 7
_STRIDE = 2
_NPROJ = 256
_D = 147
_DP = 160
_L = 3721
_LP = 4096
_CHUNK = _LP // 16
_GCH = 128
_NCH = _LP // _GCH
_B = 4
_NTASK = _B * _NPROJ
_NTILE = 32
_TPT = _NTASK // _NTILE


def _patches_t(img):
    p = lax.conv_general_dilated_patches(
        img, filter_shape=(_PS, _PS), window_strides=(_STRIDE, _STRIDE),
        padding="VALID")
    return p.reshape(img.shape[0], _D, _L)


def _proj_tc_kernel(randT_ref, xT_ref, out_ref):
    r = randT_ref[...]
    mu = jnp.mean(r, axis=1, keepdims=True)
    var = jnp.sum((r - mu) ** 2, axis=1, keepdims=True) * (1.0 / (_D - 1))
    rn = r * lax.rsqrt(var)
    x = xT_ref[0]
    acc = lax.dot_general(rn, x, (((1,), (0,)), ((), ())),
                          preferred_element_type=jnp.float32)
    b = lax.bitcast_convert_type(acc, jnp.int32)
    mono = jnp.where(acc < 0, ~b, b | jnp.int32(-2147483648))
    col = lax.broadcasted_iota(jnp.int32, mono.shape, 1)
    mono24 = lax.shift_right_logical(mono, 8)
    out_ref[0] = jnp.where(col >= _L, jnp.int32(0xFFFFFF), mono24)


_sc_mesh = plsc.VectorSubcoreMesh(core_axis_name="c", subcore_axis_name="s")


@functools.partial(
    pl.kernel,
    mesh=_sc_mesh,
    compiler_params=pltpu.CompilerParams(
        needs_layout_passes=False, use_tc_tiling_on_sc=False),
    out_type=jax.ShapeDtypeStruct((_NTASK * 16,), jnp.float32),
    scratch_types=[
        pltpu.VMEM((_LP,), jnp.int32),
        pltpu.VMEM((_LP,), jnp.int32),
        pltpu.VMEM((_LP,), jnp.int32),
        pltpu.VMEM((_LP,), jnp.int32),
        pltpu.VMEM((_LP,), jnp.int32),
        pltpu.VMEM((_LP,), jnp.int32),
        pltpu.VMEM((_LP,), jnp.int32),
        pltpu.VMEM((_LP,), jnp.int32),
        pltpu.VMEM((_LP,), jnp.int32),
        pltpu.VMEM((_LP,), jnp.int32),
        pltpu.VMEM((4096,), jnp.int32),
        pltpu.VMEM((4096,), jnp.int32),
        pltpu.SMEM((256,), jnp.int32),
        pltpu.SMEM((256,), jnp.int32),
        pltpu.VMEM((_GCH, _DP), jnp.bfloat16),
        pltpu.VMEM((_GCH, _DP), jnp.bfloat16),
        pltpu.VMEM((_GCH, _DP), jnp.bfloat16),
        pltpu.VMEM((_GCH, _DP), jnp.bfloat16),
        pltpu.VMEM((_TPT * 16,), jnp.float32),
        pltpu.SemaphoreType.DMA,
        pltpu.SemaphoreType.DMA,
        pltpu.SemaphoreType.DMA,
        pltpu.SemaphoreType.DMA,
        pltpu.SemaphoreType.DMA,
        pltpu.SemaphoreType.DMA,
        pltpu.SemaphoreType.DMA,
        pltpu.SemaphoreType.DMA,
    ],
)
def _sc_swd_kernel(keys_hbm, xp_hbm, yn_hbm, out_hbm,
                   kAx, kBx, pAx, pBx, kAy, kBy, pAy, pBy,
                   idxX, idxY, histx, histy, smx, smy,
                   b0, b1, b2, b3, res,
                   sx0, sx1, sx2, sx3, sy0, sy1, sy2, sy3):
    wid = lax.axis_index("s") * 2 + lax.axis_index("c")
    lanes = lax.iota(jnp.int32, 16)
    ones = jnp.ones((16,), jnp.int32)
    zeros16 = jnp.zeros((16,), jnp.int32)
    gb0 = lanes * _CHUNK

    def radix_pass(xio, yio, shift, first, last, pbase):
        kinx, pinx, koutx, poutx = xio
        kiny, piny, kouty, pouty = yio

        def zb(i, c):
            histx[pl.ds(i * 16, 16)] = zeros16
            histy[pl.ds(i * 16, 16)] = zeros16
            return c
        lax.fori_loop(0, 256, zb, 0, unroll=4)

        _G = 4

        def load_keys(t):
            if first:
                return (plsc.load_gather(kinx, [gb0 + t]),
                        plsc.load_gather(kiny, [gb0 + t]))
            return (kinx[pl.ds(t * 16, 16)], kiny[pl.ds(t * 16, 16)])

        def ph1(i, c):
            t0 = i * 8
            ks = [load_keys(t0 + u) for u in range(8)]
            for kx, ky in ks:
                dgx = lax.shift_right_logical(kx, shift) & 255
                dgy = lax.shift_right_logical(ky, shift) & 255
                plsc.addupdate_scatter(histx, [dgx * 16 + lanes], ones)
                plsc.addupdate_scatter(histy, [dgy * 16 + lanes], ones)
            return c
        lax.fori_loop(0, _CHUNK // 8, ph1, 0)

        def p2a(i, c):
            smx[i] = jnp.sum(histx[pl.ds(i * 16, 16)])
            smy[i] = jnp.sum(histy[pl.ds(i * 16, 16)])
            return c
        lax.fori_loop(0, 256, p2a, 0, unroll=4)

        def p2b(i, carry):
            cx, cy = carry
            tx = smx[i]
            ty = smy[i]
            smx[i] = cx
            smy[i] = cy
            return (cx + tx, cy + ty)
        lax.fori_loop(0, 256, p2b, (jnp.int32(0), jnp.int32(0)))

        def p2c(i, c):
            vx = histx[pl.ds(i * 16, 16)]
            vy = histy[pl.ds(i * 16, 16)]
            histx[pl.ds(i * 16, 16)] = plsc.cumsum(vx) - vx + smx[i]
            histy[pl.ds(i * 16, 16)] = plsc.cumsum(vy) - vy + smy[i]
            return c
        lax.fori_loop(0, 256, p2c, 0, unroll=4)

        def swz(off):
            return lax.shift_left(off & 255, 4) | lax.shift_right_logical(
                off, 8)

        def ph3(i, c):
            t0 = i * _G
            ks = [load_keys(t0 + u) for u in range(_G)]
            if first:
                ps = [(gb0 + t0 + u + pbase,) * 2 for u in range(_G)]
            else:
                ps = [(pinx[pl.ds((t0 + u) * 16, 16)],
                       piny[pl.ds((t0 + u) * 16, 16)]) for u in range(_G)]
            ax = [None] * _G
            ay = [None] * _G
            for u, (kx, ky) in enumerate(ks):
                ax[u] = ((lax.shift_right_logical(kx, shift) & 255) * 16
                         + lanes)
                ay[u] = ((lax.shift_right_logical(ky, shift) & 255) * 16
                         + lanes)
            ox = [plsc.load_gather(histx, [a]) for a in ax]
            oy = [plsc.load_gather(histy, [a]) for a in ay]
            for u in range(1, _G):
                cx = (ax[u] == ax[0]).astype(jnp.int32)
                cy = (ay[u] == ay[0]).astype(jnp.int32)
                for v in range(1, u):
                    cx = cx + (ax[u] == ax[v]).astype(jnp.int32)
                    cy = cy + (ay[u] == ay[v]).astype(jnp.int32)
                ox[u] = ox[u] + cx
                oy[u] = oy[u] + cy
            for u, (kx, ky) in enumerate(ks):
                px, py = ps[u]
                if last:
                    plsc.store_scatter(poutx, [ox[u]], px)
                    plsc.store_scatter(pouty, [oy[u]], py)
                else:
                    sx_ = swz(ox[u])
                    sy_ = swz(oy[u])
                    plsc.store_scatter(koutx, [sx_], kx)
                    plsc.store_scatter(kouty, [sy_], ky)
                    plsc.store_scatter(poutx, [sx_], px)
                    plsc.store_scatter(pouty, [sy_], py)
            for u in range(_G):
                plsc.addupdate_scatter(histx, [ax[u]], ones)
                plsc.addupdate_scatter(histy, [ay[u]], ones)
            return c
        lax.fori_loop(0, _CHUNK // _G, ph3, 0)

    def sort_both(rowx, rowy, pbase):
        pltpu.sync_copy(keys_hbm.at[rowx], kAx)
        pltpu.sync_copy(keys_hbm.at[rowy], kAy)
        radix_pass((kAx, None, kBx, pBx), (kAy, None, kBy, pBy),
                   0, True, False, pbase)
        radix_pass((kBx, pBx, kAx, pAx), (kBy, pBy, kAy, pAy),
                   8, False, False, pbase)
        radix_pass((kAx, pAx, kBx, idxX), (kAy, pAy, kBy, idxY),
                   16, False, True, pbase)

    def task_body(r, c):
        task = wid * _TPT + r
        s = task // _NPROJ
        j = task - s * _NPROJ
        pbase = s * _LP
        sort_both((s * 2) * _NPROJ + j, (s * 2 + 1) * _NPROJ + j, pbase)

        bufs = ((b0, sx0, sy0), (b1, sx1, sy1), (b2, sx2, sy2),
                (b3, sx3, sy3))

        def issue_x(ci, slot):
            buf, sx, _ = bufs[slot]
            pltpu.async_copy(xp_hbm.at[idxX.at[pl.ds(ci * _GCH, _GCH)]],
                             buf, sx)

        def issue_yadd(ci, slot):
            buf, _, sy = bufs[slot]
            pltpu.async_copy(yn_hbm.at[idxY.at[pl.ds(ci * _GCH, _GCH)]],
                             buf, sy, add=True)

        def wait_x(slot):
            buf, sx, _ = bufs[slot]
            pltpu.make_async_copy(xp_hbm.at[pl.ds(0, _GCH)], buf, sx).wait()

        def wait_y(slot):
            buf, _, sy = bufs[slot]
            pltpu.make_async_copy(xp_hbm.at[pl.ds(0, _GCH)], buf, sy).wait()

        issue_x(0, 0)
        issue_x(1, 1)
        wait_x(0)
        issue_yadd(0, 0)

        def chunk_quad(i, accs):
            for b in (0, 1, 2, 3):
                c = 4 * i + b
                m1 = (b + 1) % 4

                @pl.when(c + 1 < _NCH)
                def _():
                    wait_x(m1)
                    issue_yadd(c + 1, m1)

                buf = bufs[b][0]
                wait_y(b)

                def rowloop(ri, carry):
                    a0, a1, a2, a3 = carry
                    r0 = ri * 2
                    ds = [buf[r0 + (q // 5), pl.ds((q % 5) * 32, 32)]
                          for q in range(10)]
                    e = [jnp.abs(d) for d in ds]
                    rs0 = ((e[0] + e[1]) + (e[2] + e[3])) + e[4]
                    rs1 = ((e[5] + e[6]) + (e[7] + e[8])) + e[9]
                    lo0, hi0 = plsc.unpack(
                        rs0, format=plsc.PackFormat.INTERLEAVED)
                    lo1, hi1 = plsc.unpack(
                        rs1, format=plsc.PackFormat.INTERLEAVED)
                    return (a0 + lo0, a1 + hi0, a2 + lo1, a3 + hi1)
                accs = lax.fori_loop(0, _GCH // 2, rowloop, accs, unroll=2)

                @pl.when(c + 2 < _NCH)
                def _():
                    issue_x(c + 2, (b + 2) % 4)
            return accs

        zf = jnp.zeros((16,), jnp.float32)
        accs = lax.fori_loop(0, _NCH // 4, chunk_quad, (zf, zf, zf, zf))
        acc = (accs[0] + accs[1]) + (accs[2] + accs[3])
        res[pl.ds(r * 16, 16)] = acc
        return c

    lax.fori_loop(0, _TPT, task_body, 0)
    pltpu.sync_copy(res, out_hbm.at[pl.ds(wid * _TPT * 16, _TPT * 16)])


def kernel(x, y, rand):
    xT = _patches_t(x)
    yT = _patches_t(y)
    xTp = jnp.pad(xT, ((0, 0), (0, 0), (0, _LP - _L)))
    yTp = jnp.pad(yT, ((0, 0), (0, 0), (0, _LP - _L)))
    xyT = jnp.stack([xTp, yTp], axis=1).reshape(2 * _B, _D, _LP)
    randT = jnp.transpose(rand)

    keys = pl.pallas_call(
        _proj_tc_kernel,
        grid=(2 * _B,),
        in_specs=[
            pl.BlockSpec((_NPROJ, _D), lambda i: (0, 0)),
            pl.BlockSpec((1, _D, _LP), lambda i: (i, 0, 0)),
        ],
        out_specs=pl.BlockSpec((1, _NPROJ, _LP), lambda i: (i, 0, 0)),
        out_shape=jax.ShapeDtypeStruct((2 * _B, _NPROJ, _LP), jnp.int32),
    )(randT, xyT)
    keys2 = keys.reshape(2 * _B * _NPROJ, _LP)

    xp = jnp.pad(jnp.transpose(xT, (0, 2, 1)),
                 ((0, 0), (0, _LP - _L), (0, _DP - _D))
                 ).reshape(_B * _LP, _DP).astype(jnp.bfloat16)
    yn = jnp.pad(jnp.transpose(-yT, (0, 2, 1)),
                 ((0, 0), (0, _LP - _L), (0, _DP - _D))
                 ).reshape(_B * _LP, _DP).astype(jnp.bfloat16)

    sums = _sc_swd_kernel(keys2, xp, yn)
    per_sample = sums.reshape(_B, _NPROJ * 16).sum(axis=1)
    return jnp.mean(per_sample / jnp.float32(_L * _D * _NPROJ))

# --- scband reference (transcript-rebuilt; emitter-appended) ---
"""Pipeline reference for scband-patch-coherent-swdloss-50362786512981 (READ-ONLY COPY).

The authoritative reference and input builder live on the scoring server;
editing this copy changes nothing except your own understanding.
"""

import jax, jax.numpy as jnp
import numpy as np

PATCH_SIZE = 7
STRIDE = 2
NUM_PROJ = 256


def extract_patches(img, patch_size, stride):
    # img: [b, c, h, w] -> patches: [b, L, c*p*p]  (equivalent to F.unfold + transpose)
    patches = jax.lax.conv_general_dilated_patches(
        img,
        filter_shape=(patch_size, patch_size),
        window_strides=(stride, stride),
        padding='VALID',
    )  # [b, c*p*p, oh, ow]
    b = img.shape[0]
    d = patches.shape[1]
    patches = patches.reshape(b, d, -1)
    return jnp.transpose(patches, (0, 2, 1))


def setup_inputs(seed: int = 0) -> dict:
    key = jax.random.key(seed)
    k1, k2, k3 = jax.random.split(key, 3)
    x = jax.random.normal(k1, (4, 3, 128, 128), dtype=jnp.float32)
    y = jax.random.normal(k2, (4, 3, 128, 128), dtype=jnp.float32)
    # random projection matrix (materialized for determinism; torch code draws it inside forward)
    rand = jax.random.normal(k3, (3 * PATCH_SIZE * PATCH_SIZE, NUM_PROJ), dtype=jnp.float32)
    return {"x": x, "y": y, "rand": rand}


def reference(x, y, rand):
    xp = extract_patches(x, PATCH_SIZE, STRIDE)  # [b, L, d]
    yp = extract_patches(y, PATCH_SIZE, STRIDE)
    # torch.std is unbiased (ddof=1)
    rand_n = rand / jnp.std(rand, axis=0, ddof=1, keepdims=True)

    def per_sample(xi, yi):
        proj_in = xi @ rand_n  # [L, num_proj]
        proj_tg = yi @ rand_n
        idx_in = jnp.argsort(proj_in, axis=0)  # [L, num_proj]
        idx_tg = jnp.argsort(proj_tg, axis=0)

        def body(carry, idxs):
            ii, it = idxs
            l = jnp.abs(xi[ii] - yi[it]).mean()
            return carry + l, None

        total, _ = jax.lax.scan(body, jnp.float32(0.0), (idx_in.T, idx_tg.T))
        return total / NUM_PROJ

    results = jax.vmap(per_sample)(xp, yp)  # [b]
    return results.mean()  # batch_reduction='mean'

if __name__ == "__main__":
    import jax
    _d = setup_inputs()
    print(jax.jit(kernel)(*tuple(_d.values())))

</pallas_src>

<mosaic_0001>
#map = affine_map<(d0, d1) -> (0, 0)>
#map1 = affine_map<(d0, d1) -> (0)>
module attributes {stable_mosaic.version = 14 : i64} {
  func.func @_sc_swd_kernel(%arg0: i32, %arg1: i32, %arg2: memref<2048x4096xi32, #tpu.memory_space<hbm>>, %arg3: memref<16384x160xbf16, #tpu.memory_space<hbm>>, %arg4: memref<16384x160xbf16, #tpu.memory_space<hbm>>, %arg5: memref<16384xf32, #tpu.memory_space<hbm>>, %arg6: memref<4096xi32, #tpu.memory_space<vmem>>, %arg7: memref<4096xi32, #tpu.memory_space<vmem>>, %arg8: memref<4096xi32, #tpu.memory_space<vmem>>, %arg9: memref<4096xi32, #tpu.memory_space<vmem>>, %arg10: memref<4096xi32, #tpu.memory_space<vmem>>, %arg11: memref<4096xi32, #tpu.memory_space<vmem>>, %arg12: memref<4096xi32, #tpu.memory_space<vmem>>, %arg13: memref<4096xi32, #tpu.memory_space<vmem>>, %arg14: memref<4096xi32, #tpu.memory_space<vmem>>, %arg15: memref<4096xi32, #tpu.memory_space<vmem>>, %arg16: memref<4096xi32, #tpu.memory_space<vmem>>, %arg17: memref<4096xi32, #tpu.memory_space<vmem>>, %arg18: memref<256xi32, #tpu.memory_space<smem>>, %arg19: memref<256xi32, #tpu.memory_space<smem>>, %arg20: memref<128x160xbf16, #tpu.memory_space<vmem>>, %arg21: memref<128x160xbf16, #tpu.memory_space<vmem>>, %arg22: memref<128x160xbf16, #tpu.memory_space<vmem>>, %arg23: memref<128x160xbf16, #tpu.memory_space<vmem>>, %arg24: memref<512xf32, #tpu.memory_space<vmem>>, %arg25: memref<!tpu.dma_semaphore, #tpu.memory_space<semaphore_mem>>, %arg26: memref<!tpu.dma_semaphore, #tpu.memory_space<semaphore_mem>>, %arg27: memref<!tpu.dma_semaphore, #tpu.memory_space<semaphore_mem>>, %arg28: memref<!tpu.dma_semaphore, #tpu.memory_space<semaphore_mem>>, %arg29: memref<!tpu.dma_semaphore, #tpu.memory_space<semaphore_mem>>, %arg30: memref<!tpu.dma_semaphore, #tpu.memory_space<semaphore_mem>>, %arg31: memref<!tpu.dma_semaphore, #tpu.memory_space<semaphore_mem>>, %arg32: memref<!tpu.dma_semaphore, #tpu.memory_space<semaphore_mem>>) attributes {dimension_semantics = [#tpu.dimension_semantics<core_parallel>, #tpu.dimension_semantics<subcore_parallel>], iteration_bounds = array<i64: 2, 16>, scalar_prefetch = 0 : i64, scratch_operands = 27 : i64, tpu.core_type = #tpu.core_type<sc_vector_subcore>, window_params = [{transform_indices = #map}, {transform_indices = #map}, {transform_indices = #map}, {transform_indices = #map1}]} {
    %mul3A = arith.constant 2 : i32
    %mul3A_0 = arith.muli %arg1, %mul3A : i32
    %add3A = arith.addi %mul3A_0, %arg0 : i32
    %iota3A = tpu.iota {dimensions = array<i32: 0>} : vector<16xi32>
    %broadcast_in_dim3A = arith.constant 1 : i32
    %broadcast_in_dim3A_1 = vector.broadcast %broadcast_in_dim3A : i32 to vector<16xi32>
    %broadcast_in_dim3A_2 = arith.constant 0 : i32
    %broadcast_in_dim3A_3 = vector.broadcast %broadcast_in_dim3A_2 : i32 to vector<16xi32>
    %mul3A_4 = arith.constant 256 : i32
    %mul3A_5 = vector.broadcast %mul3A_4 : i32 to vector<16xi32>
    %mul3A_6 = arith.muli %iota3A, %mul3A_5 : vector<16xi32>
    %scan3A = arith.constant 0 : i32
    %scan3A_7 = arith.constant 0 : i32
    %scan3A_8 = arith.constant 32 : i32
    %scan3A_9 = arith.addi %scan3A_7, %scan3A_8 : i32
    %scan3A_10 = arith.constant 1 : i32
    scf.for %scan3A_16 = %scan3A_7 to %scan3A_9 step %scan3A_10  : i32 {
      %mul3A_17 = arith.constant 32 : i32
      %mul3A_18 = arith.muli %add3A, %mul3A_17 : i32
      %add3A_19 = arith.addi %mul3A_18, %scan3A_16 : i32
      %jit3A = arith.constant 256 : i32
      %div3A = arith.divsi %add3A_19, %jit3A : i32
      %sign3A = arith.constant 0 : i32
      %sign3A_20 = arith.cmpi sgt, %add3A_19, %sign3A : i32
      %sign3A_21 = arith.extui %sign3A_20 : i1 to i32
      %sign3A_22 = arith.constant 0 : i32
      %sign3A_23 = arith.cmpi slt, %add3A_19, %sign3A_22 : i32
      %sign3A_24 = arith.extui %sign3A_23 : i1 to i32
      %sign3A_25 = arith.subi %sign3A_21, %sign3A_24 : i32
      %sign3A_26 = arith.constant 0 : i32
      %sign3A_27 = arith.cmpi sgt, %jit3A, %sign3A_26 : i32
      %sign3A_28 = arith.extui %sign3A_27 : i1 to i32
      %sign3A_29 = arith.constant 0 : i32
      %sign3A_30 = arith.cmpi slt, %jit3A, %sign3A_29 : i32
      %sign3A_31 = arith.extui %sign3A_30 : i1 to i32
      %sign3A_32 = arith.subi %sign3A_28, %sign3A_31 : i32
      %ne3A = arith.cmpi ne, %sign3A_25, %sign3A_32 : i32
      %rem3A = arith.remsi %add3A_19, %jit3A : i32
      %ne3A_33 = arith.constant 0 : i32
      %ne3A_34 = arith.cmpi ne, %rem3A, %ne3A_33 : i32
      %and3A = arith.andi %ne3A, %ne3A_34 : i1
      %sub3A = arith.constant 1 : i32
      %sub3A_35 = arith.subi %div3A, %sub3A : i32
      %select_n3A = arith.select %and3A, %sub3A_35, %div3A : i32
      %mul3A_36 = arith.constant 256 : i32
      %mul3A_37 = arith.muli %select_n3A, %mul3A_36 : i32
      %sub3A_38 = arith.subi %add3A_19, %mul3A_37 : i32
      %mul3A_39 = arith.constant 4096 : i32
      %mul3A_40 = arith.muli %select_n3A, %mul3A_39 : i32
      %mul3A_41 = arith.constant 2 : i32
      %mul3A_42 = arith.muli %select_n3A, %mul3A_41 : i32
      %mul3A_43 = arith.constant 256 : i32
      %mul3A_44 = arith.muli %mul3A_42, %mul3A_43 : i32
      %add3A_45 = arith.addi %mul3A_44, %sub3A_38 : i32
      %mul3A_46 = arith.constant 2 : i32
      %mul3A_47 = arith.muli %select_n3A, %mul3A_46 : i32
      %add3A_48 = arith.constant 1 : i32
      %add3A_49 = arith.addi %mul3A_47, %add3A_48 : i32
      %mul3A_50 = arith.constant 256 : i32
      %mul3A_51 = arith.muli %add3A_49, %mul3A_50 : i32
      %add3A_52 = arith.addi %mul3A_51, %sub3A_38 : i32
      "tpu.region"() ({
        %run_scoped3A = tpu.sem_alloc : memref<!tpu.dma_semaphore, #tpu.memory_space<semaphore_mem>>
        %dma_start3A_200 = arith.constant 0 : i32
        %dma_start3A_201 = tpu.memref_slice %arg2[%add3A_45, %dma_start3A_200] : memref<2048x4096xi32, #tpu.memory_space<hbm>> -> memref<1x4096xi32, #tpu.memory_space<hbm>>
        %dma_start3A_202 = tpu.memref_squeeze %dma_start3A_201 : memref<1x4096xi32, #tpu.memory_space<hbm>> -> memref<4096xi32, #tpu.memory_space<hbm>>
        %dma_start3A_203 = arith.constant 0 : i32
        %dma_start3A_204 = tpu.memref_slice %arg2[%add3A_45, %dma_start3A_203] : memref<2048x4096xi32, #tpu.memory_space<hbm>> -> memref<1x4096xi32, #tpu.memory_space<hbm>>
        %dma_start3A_205 = tpu.memref_squeeze %dma_start3A_204 : memref<1x4096xi32, #tpu.memory_space<hbm>> -> memref<4096xi32, #tpu.memory_space<hbm>>
        tpu.enqueue_dma source(%dma_start3A_205 : memref<4096xi32, #tpu.memory_space<hbm>>) target(%arg6 : memref<4096xi32, #tpu.memory_space<vmem>>) target_semaphore(%run_scoped3A : memref<!tpu.dma_semaphore, #tpu.memory_space<semaphore_mem>>)
        %dma_wait3A_206 = arith.constant 0 : i32
        %dma_wait3A_207 = tpu.memref_slice %arg2[%add3A_45, %dma_wait3A_206] : memref<2048x4096xi32, #tpu.memory_space<hbm>> -> memref<1x4096xi32, #tpu.memory_space<hbm>>
        %dma_wait3A_208 = tpu.memref_squeeze %dma_wait3A_207 : memref<1x4096xi32, #tpu.memory_space<hbm>> -> memref<4096xi32, #tpu.memory_space<hbm>>
        %dma_wait3A_209 = arith.constant 0 : i32
        %dma_wait3A_210 = tpu.memref_slice %arg2[%add3A_45, %dma_wait3A_209] : memref<2048x4096xi32, #tpu.memory_space<hbm>> -> memref<1x4096xi32, #tpu.memory_space<hbm>>
        %dma_wait3A_211 = tpu.memref_squeeze %dma_wait3A_210 : memref<1x4096xi32, #tpu.memory_space<hbm>> -> memref<4096xi32, #tpu.memory_space<hbm>>
        tpu.wait_dma2 semaphore(%run_scoped3A : memref<!tpu.dma_semaphore, #tpu.memory_space<semaphore_mem>>) src(%dma_wait3A_211 : memref<4096xi32, #tpu.memory_space<hbm>>) dst(%arg6 : memref<4096xi32, #tpu.memory_space<vmem>>)
        tpu.yield
      }) : () -> ()
      "tpu.region"() ({
        %run_scoped3A = tpu.sem_alloc : memref<!tpu.dma_semaphore, #tpu.memory_space<semaphore_mem>>
        %dma_start3A_200 = arith.constant 0 : i32
        %dma_start3A_201 = tpu.memref_slice %arg2[%add3A_52, %dma_start3A_200] : memref<2048x4096xi32, #tpu.memory_space<hbm>> -> memref<1x4096xi32, #tpu.memory_space<hbm>>
        %dma_start3A_202 = tpu.memref_squeeze %dma_start3A_201 : memref<1x4096xi32, #tpu.memory_space<hbm>> -> memref<4096xi32, #tpu.memory_space<hbm>>
        %dma_start3A_203 = arith.constant 0 : i32
        %dma_start3A_204 = tpu.memref_slice %arg2[%add3A_52, %dma_start3A_203] : memref<2048x4096xi32, #tpu.memory_space<hbm>> -> memref<1x4096xi32, #tpu.memory_space<hbm>>
        %dma_start3A_205 = tpu.memref_squeeze %dma_start3A_204 : memref<1x4096xi32, #tpu.memory_space<hbm>> -> memref<4096xi32, #tpu.memory_space<hbm>>
        tpu.enqueue_dma source(%dma_start3A_205 : memref<4096xi32, #tpu.memory_space<hbm>>) target(%arg10 : memref<4096xi32, #tpu.memory_space<vmem>>) target_semaphore(%run_scoped3A : memref<!tpu.dma_semaphore, #tpu.memory_space<semaphore_mem>>)
        %dma_wait3A_206 = arith.constant 0 : i32
        %dma_wait3A_207 = tpu.memref_slice %arg2[%add3A_52, %dma_wait3A_206] : memref<2048x4096xi32, #tpu.memory_space<hbm>> -> memref<1x4096xi32, #tpu.memory_space<hbm>>
        %dma_wait3A_208 = tpu.memref_squeeze %dma_wait3A_207 : memref<1x4096xi32, #tpu.memory_space<hbm>> -> memref<4096xi32, #tpu.memory_space<hbm>>
        %dma_wait3A_209 = arith.constant 0 : i32
        %dma_wait3A_210 = tpu.memref_slice %arg2[%add3A_52, %dma_wait3A_209] : memref<2048x4096xi32, #tpu.memory_space<hbm>> -> memref<1x4096xi32, #tpu.memory_space<hbm>>
        %dma_wait3A_211 = tpu.memref_squeeze %dma_wait3A_210 : memref<1x4096xi32, #tpu.memory_space<hbm>> -> memref<4096xi32, #tpu.memory_space<hbm>>
        tpu.wait_dma2 semaphore(%run_scoped3A : memref<!tpu.dma_semaphore, #tpu.memory_space<semaphore_mem>>) src(%dma_wait3A_211 : memref<4096xi32, #tpu.memory_space<hbm>>) dst(%arg10 : memref<4096xi32, #tpu.memory_space<vmem>>)
        tpu.yield
      }) : () -> ()
      %scan3A_53 = arith.constant 0 : i32
      %scan3A_54 = arith.constant 0 : i32
      %scan3A_55 = arith.constant 256 : i32
      %scan3A_56 = arith.addi %scan3A_54, %scan3A_55 : i32
      %scan3A_57 = arith.constant 4 : i32
      scf.for %scan3A_200 = %scan3A_54 to %scan3A_56 step %scan3A_57  : i32 {
        %mul3A_201 = arith.constant 16 : i32
        %mul3A_202 = arith.muli %scan3A_200, %mul3A_201 : i32
        %swap3A_203 = arith.index_cast %mul3A_202 : i32 to index
        %swap3A_204 = tpu.vector_load %arg16[%swap3A_203] {strides = array<i32>} : memref<4096xi32, #tpu.memory_space<vmem>>, vector<16xi32>,
        tpu.vector_store %arg16[%swap3A_203], %broadcast_in_dim3A_3 {strides = array<i32>} : memref<4096xi32, #tpu.memory_space<vmem>>, vector<16xi32>,
        %mul3A_205 = arith.constant 16 : i32
        %mul3A_206 = arith.muli %scan3A_200, %mul3A_205 : i32
        %swap3A_207 = arith.index_cast %mul3A_206 : i32 to index
        %swap3A_208 = tpu.vector_load %arg17[%swap3A_207] {strides = array<i32>} : memref<4096xi32, #tpu.memory_space<vmem>>, vector<16xi32>,
        tpu.vector_store %arg17[%swap3A_207], %broadcast_in_dim3A_3 {strides = array<i32>} : memref<4096xi32, #tpu.memory_space<vmem>>, vector<16xi32>,
        %scan3A_209 = arith.constant 1 : i32
        %scan3A_210 = arith.addi %scan3A_200, %scan3A_209 : i32
        %mul3A_211 = arith.constant 16 : i32
        %mul3A_212 = arith.muli %scan3A_210, %mul3A_211 : i32
        %swap3A_213 = arith.index_cast %mul3A_212 : i32 to index
        %swap3A_214 = tpu.vector_load %arg16[%swap3A_213] {strides = array<i32>} : memref<4096xi32, #tpu.memory_space<vmem>>, vector<16xi32>,
        tpu.vector_store %arg16[%swap3A_213], %broadcast_in_dim3A_3 {strides = array<i32>} : memref<4096xi32, #tpu.memory_space<vmem>>, vector<16xi32>,
        %mul3A_215 = arith.constant 16 : i32
        %mul3A_216 = arith.muli %scan3A_210, %mul3A_215 : i32
        %swap3A_217 = arith.index_cast %mul3A_216 : i32 to index
        %swap3A_218 = tpu.vector_load %arg17[%swap3A_217] {strides = array<i32>} : memref<4096xi32, #tpu.memory_space<vmem>>, vector<16xi32>,
        tpu.vector_store %arg17[%swap3A_217], %broadcast_in_dim3A_3 {strides = array<i32>} : memref<4096xi32, #tpu.memory_space<vmem>>, vector<16xi32>,
        %scan3A_219 = arith.constant 2 : i32
        %scan3A_220 = arith.addi %scan3A_200, %scan3A_219 : i32
        %mul3A_221 = arith.constant 16 : i32
        %mul3A_222 = arith.muli %scan3A_220, %mul3A_221 : i32
        %swap3A_223 = arith.index_cast %mul3A_222 : i32 to index
        %swap3A_224 = tpu.vector_load %arg16[%swap3A_223] {strides = array<i32>} : memref<4096xi32, #tpu.memory_space<vmem>>, vector<16xi32>,
        tpu.vector_store %arg16[%swap3A_223], %broadcast_in_dim3A_3 {strides = array<i32>} : memref<4096xi32, #tpu.memory_space<vmem>>, vector<16xi32>,
        %mul3A_225 = arith.constant 16 : i32
        %mul3A_226 = arith.muli %scan3A_220, %mul3A_225 : i32
        %swap3A_227 = arith.index_cast %mul3A_226 : i32 to index
        %swap3A_228 = tpu.vector_load %arg17[%swap3A_227] {strides = array<i32>} : memref<4096xi32, #tpu.memory_space<vmem>>, vector<16xi32>,
        tpu.vector_store %arg17[%swap3A_227], %broadcast_in_dim3A_3 {strides = array<i32>} : memref<4096xi32, #tpu.memory_space<vmem>>, vector<16xi32>,
        %scan3A_229 = arith.constant 3 : i32
        %scan3A_230 = arith.addi %scan3A_200, %scan3A_229 : i32
        %mul3A_231 = arith.constant 16 : i32
        %mul3A_232 = arith.muli %scan3A_230, %mul3A_231 : i32
        %swap3A_233 = arith.index_cast %mul3A_232 : i32 to index
        %swap3A_234 = tpu.vector_load %arg16[%swap3A_233] {strides = array<i32>} : memref<4096xi32, #tpu.memory_space<vmem>>, vector<16xi32>,
        tpu.vector_store %arg16[%swap3A_233], %broadcast_in_dim3A_3 {strides = array<i32>} : memref<4096xi32, #tpu.memory_space<vmem>>, vector<16xi32>,
        %mul3A_235 = arith.constant 16 : i32
        %mul3A_236 = arith.muli %scan3A_230, %mul3A_235 : i32
        %swap3A_237 = arith.index_cast %mul3A_236 : i32 to index
        %swap3A_238 = tpu.vector_load %arg17[%swap3A_237] {strides = array<i32>} : memref<4096xi32, #tpu.memory_space<vmem>>, vector<16xi32>,
        tpu.vector_store %arg17[%swap3A_237], %broadcast_in_dim3A_3 {strides = array<i32>} : memref<4096xi32, #tpu.memory_space<vmem>>, vector<16xi32>,
      }
      %scan3A_58 = arith.constant 256 : i32
      %scan3A_59 = arith.constant 0 : i32
      %scan3A_60 = arith.constant 0 : i32
      %scan3A_61 = arith.constant 32 : i32
      %scan3A_62 = arith.addi %scan3A_60, %scan3A_61 : i32
      %scan3A_63 = arith.constant 1 : i32
      scf.for %scan3A_200 = %scan3A_60 to %scan3A_62 step %scan3A_63  : i32 {
        %mul3A_201 = arith.constant 8 : i32
        %mul3A_202 = arith.muli %scan3A_200, %mul3A_201 : i32
        %add3A_203 = arith.constant 0 : i32
        %add3A_204 = arith.addi %mul3A_202, %add3A_203 : i32
        %add3A_205 = vector.broadcast %add3A_204 : i32 to vector<16xi32>
        %add3A_206 = arith.addi %mul3A_6, %add3A_205 : vector<16xi32>
        %gather3A = tpu.vector_load_idx %arg6[%add3A_206] : memref<4096xi32, #tpu.memory_space<vmem>>[vector<16xi32>], vector<16xi32>,
        %add3A_207 = vector.broadcast %add3A_204 : i32 to vector<16xi32>
        %add3A_208 = arith.addi %mul3A_6, %add3A_207 : vector<16xi32>
        %gather3A_209 = tpu.vector_load_idx %arg10[%add3A_208] : memref<4096xi32, #tpu.memory_space<vmem>>[vector<16xi32>], vector<16xi32>,
        %add3A_210 = arith.constant 1 : i32
        %add3A_211 = arith.addi %mul3A_202, %add3A_210 : i32
        %add3A_212 = vector.broadcast %add3A_211 : i32 to vector<16xi32>
        %add3A_213 = arith.addi %mul3A_6, %add3A_212 : vector<16xi32>
        %gather3A_214 = tpu.vector_load_idx %arg6[%add3A_213] : memref<4096xi32, #tpu.memory_space<vmem>>[vector<16xi32>], vector<16xi32>,
        %add3A_215 = vector.broadcast %add3A_211 : i32 to vector<16xi32>
        %add3A_216 = arith.addi %mul3A_6, %add3A_215 : vector<16xi32>
        %gather3A_217 = tpu.vector_load_idx %arg10[%add3A_216] : memref<4096xi32, #tpu.memory_space<vmem>>[vector<16xi32>], vector<16xi32>,
        %add3A_218 = arith.constant 2 : i32
        %add3A_219 = arith.addi %mul3A_202, %add3A_218 : i32
        %add3A_220 = vector.broadcast %add3A_219 : i32 to vector<16xi32>
        %add3A_221 = arith.addi %mul3A_6, %add3A_220 : vector<16xi32>
        %gather3A_222 = tpu.vector_load_idx %arg6[%add3A_221] : memref<4096xi32, #tpu.memory_space<vmem>>[vector<16xi32>], vector<16xi32>,
        %add3A_223 = vector.broadcast %add3A_219 : i32 to vector<16xi32>
        %add3A_224 = arith.addi %mul3A_6, %add3A_223 : vector<16xi32>
        %gather3A_225 = tpu.vector_load_idx %arg10[%add3A_224] : memref<4096xi32, #tpu.memory_space<vmem>>[vector<16xi32>], vector<16xi32>,
        %add3A_226 = arith.constant 3 : i32
        %add3A_227 = arith.addi %mul3A_202, %add3A_226 : i32
        %add3A_228 = vector.broadcast %add3A_227 : i32 to vector<16xi32>
        %add3A_229 = arith.addi %mul3A_6, %add3A_228 : vector<16xi32>
        %gather3A_230 = tpu.vector_load_idx %arg6[%add3A_229] : memref<4096xi32, #tpu.memory_space<vmem>>[vector<16xi32>], vector<16xi32>,
        %add3A_231 = vector.broadcast %add3A_227 : i32 to vector<16xi32>
        %add3A_232 = arith.addi %mul3A_6, %add3A_231 : vector<16xi32>
        %gather3A_233 = tpu.vector_load_idx %arg10[%add3A_232] : memref<4096xi32, #tpu.memory_space<vmem>>[vector<16xi32>], vector<16xi32>,
        %add3A_234 = arith.constant 4 : i32
        %add3A_235 = arith.addi %mul3A_202, %add3A_234 : i32
        %add3A_236 = vector.broadcast %add3A_235 : i32 to vector<16xi32>
        %add3A_237 = arith.addi %mul3A_6, %add3A_236 : vector<16xi32>
        %gather3A_238 = tpu.vector_load_idx %arg6[%add3A_237] : memref<4096xi32, #tpu.memory_space<vmem>>[vector<16xi32>], vector<16xi32>,
        %add3A_239 = vector.broadcast %add3A_235 : i32 to vector<16xi32>
        %add3A_240 = arith.addi %mul3A_6, %add3A_239 : vector<16xi32>
        %gather3A_241 = tpu.vector_load_idx %arg10[%add3A_240] : memref<4096xi32, #tpu.memory_space<vmem>>[vector<16xi32>], vector<16xi32>,
        %add3A_242 = arith.constant 5 : i32
        %add3A_243 = arith.addi %mul3A_202, %add3A_242 : i32
        %add3A_244 = vector.broadcast %add3A_243 : i32 to vector<16xi32>
        %add3A_245 = arith.addi %mul3A_6, %add3A_244 : vector<16xi32>
        %gather3A_246 = tpu.vector_load_idx %arg6[%add3A_245] : memref<4096xi32, #tpu.memory_space<vmem>>[vector<16xi32>], vector<16xi32>,
        %add3A_247 = vector.broadcast %add3A_243 : i32 to vector<16xi32>
        %add3A_248 = arith.addi %mul3A_6, %add3A_247 : vector<16xi32>
        %gather3A_249 = tpu.vector_load_idx %arg10[%add3A_248] : memref<4096xi32, #tpu.memory_space<vmem>>[vector<16xi32>], vector<16xi32>,
        %add3A_250 = arith.constant 6 : i32
        %add3A_251 = arith.addi %mul3A_202, %add3A_250 : i32
        %add3A_252 = vector.broadcast %add3A_251 : i32 to vector<16xi32>
        %add3A_253 = arith.addi %mul3A_6, %add3A_252 : vector<16xi32>
        %gather3A_254 = tpu.vector_load_idx %arg6[%add3A_253] : memref<4096xi32, #tpu.memory_space<vmem>>[vector<16xi32>], vector<16xi32>,
        %add3A_255 = vector.broadcast %add3A_251 : i32 to vector<16xi32>
        %add3A_256 = arith.addi %mul3A_6, %add3A_255 : vector<16xi32>
        %gather3A_257 = tpu.vector_load_idx %arg10[%add3A_256] : memref<4096xi32, #tpu.memory_space<vmem>>[vector<16xi32>], vector<16xi32>,
        %add3A_258 = arith.constant 7 : i32
        %add3A_259 = arith.addi %mul3A_202, %add3A_258 : i32
        %add3A_260 = vector.broadcast %add3A_259 : i32 to vector<16xi32>
        %add3A_261 = arith.addi %mul3A_6, %add3A_260 : vector<16xi32>
        %gather3A_262 = tpu.vector_load_idx %arg6[%add3A_261] : memref<4096xi32, #tpu.memory_space<vmem>>[vector<16xi32>], vector<16xi32>,
        %add3A_263 = vector.broadcast %add3A_259 : i32 to vector<16xi32>
        %add3A_264 = arith.addi %mul3A_6, %add3A_263 : vector<16xi32>
        %gather3A_265 = tpu.vector_load_idx %arg10[%add3A_264] : memref<4096xi32, #tpu.memory_space<vmem>>[vector<16xi32>], vector<16xi32>,
        %shift_right_logical3A = arith.constant 0 : i32
        %shift_right_logical3A_266 = vector.broadcast %shift_right_logical3A : i32 to vector<16xi32>
        %shift_right_logical3A_267 = arith.shrui %gather3A, %shift_right_logical3A_266 : vector<16xi32>
        %and3A_268 = arith.constant 255 : i32
        %and3A_269 = vector.broadcast %and3A_268 : i32 to vector<16xi32>
        %and3A_270 = arith.andi %shift_right_logical3A_267, %and3A_269 : vector<16xi32>
        %shift_right_logical3A_271 = arith.constant 0 : i32
        %shift_right_logical3A_272 = vector.broadcast %shift_right_logical3A_271 : i32 to vector<16xi32>
        %shift_right_logical3A_273 = arith.shrui %gather3A_209, %shift_right_logical3A_272 : vector<16xi32>
        %and3A_274 = arith.constant 255 : i32
        %and3A_275 = vector.broadcast %and3A_274 : i32 to vector<16xi32>
        %and3A_276 = arith.andi %shift_right_logical3A_273, %and3A_275 : vector<16xi32>
        %mul3A_277 = arith.constant 16 : i32
        %mul3A_278 = vector.broadcast %mul3A_277 : i32 to vector<16xi32>
        %mul3A_279 = arith.muli %and3A_270, %mul3A_278 : vector<16xi32>
        %add3A_280 = arith.addi %mul3A_279, %iota3A : vector<16xi32>
        tpu.vector_store_idx %arg16[%add3A_280], %broadcast_in_dim3A_1 {add = true} : memref<4096xi32, #tpu.memory_space<vmem>>[vector<16xi32>], vector<16xi32>,
        %mul3A_281 = arith.constant 16 : i32
        %mul3A_282 = vector.broadcast %mul3A_281 : i32 to vector<16xi32>
        %mul3A_283 = arith.muli %and3A_276, %mul3A_282 : vector<16xi32>
        %add3A_284 = arith.addi %mul3A_283, %iota3A : vector<16xi32>
        tpu.vector_store_idx %arg17[%add3A_284], %broadcast_in_dim3A_1 {add = true} : memref<4096xi32, #tpu.memory_space<vmem>>[vector<16xi32>], vector<16xi32>,
        %shift_right_logical3A_285 = arith.constant 0 : i32
        %shift_right_logical3A_286 = vector.broadcast %shift_right_logical3A_285 : i32 to vector<16xi32>
        %shift_right_logical3A_287 = arith.shrui %gather3A_214, %shift_right_logical3A_286 : vector<16xi32>
        %and3A_288 = arith.constant 255 : i32
        %and3A_289 = vector.broadcast %and3A_288 : i32 to vector<16xi32>
        %and3A_290 = arith.andi %shift_right_logical3A_287, %and3A_289 : vector<16xi32>
        %shift_right_logical3A_291 = arith.constant 0 : i32
        %shift_right_logical3A_292 = vector.broadcast %shift_right_logical3A_291 : i32 to vector<16xi32>
        %shift_right_logical3A_293 = arith.shrui %gather3A_217, %shift_right_logical3A_292 : vector<16xi32>
        %and3A_294 = arith.constant 255 : i32
        %and3A_295 = vector.broadcast %and3A_294 : i32 to vector<16xi32>
        %and3A_296 = arith.andi %shift_right_logical3A_293, %and3A_295 : vector<16xi32>
        %mul3A_297 = arith.constant 16 : i32
        %mul3A_298 = vector.broadcast %mul3A_297 : i32 to vector<16xi32>
        %mul3A_299 = arith.muli %and3A_290, %mul3A_298 : vector<16xi32>
        %add3A_300 = arith.addi %mul3A_299, %iota3A : vector<16xi32>
        tpu.vector_store_idx %arg16[%add3A_300], %broadcast_in_dim3A_1 {add = true} : memref<4096xi32, #tpu.memory_space<vmem>>[vector<16xi32>], vector<16xi32>,
        %mul3A_301 = arith.constant 16 : i32
        %mul3A_302 = vector.broadcast %mul3A_301 : i32 to vector<16xi32>
        %mul3A_303 = arith.muli %and3A_296, %mul3A_302 : vector<16xi32>
        %add3A_304 = arith.addi %mul3A_303, %iota3A : vector<16xi32>
        tpu.vector_store_idx %arg17[%add3A_304], %broadcast_in_dim3A_1 {add = true} : memref<4096xi32, #tpu.memory_space<vmem>>[vector<16xi32>], vector<16xi32>,
        %shift_right_logical3A_305 = arith.constant 0 : i32
        %shift_right_logical3A_306 = vector.broadcast %shift_right_logical3A_305 : i32 to vector<16xi32>
        %shift_right_logical3A_307 = arith.shrui %gather3A_222, %shift_right_logical3A_306 : vector<16xi32>
        %and3A_308 = arith.constant 255 : i32
        %and3A_309 = vector.broadcast %and3A_308 : i32 to vector<16xi32>
        %and3A_310 = arith.andi %shift_right_logical3A_307, %and3A_309 : vector<16xi32>
        %shift_right_logical3A_311 = arith.constant 0 : i32
        %shift_right_logical3A_312 = vector.broadcast %shift_right_logical3A_311 : i32 to vector<16xi32>
        %shift_right_logical3A_313 = arith.shrui %gather3A_225, %shift_right_logical3A_312 : vector<16xi32>
        %and3A_314 = arith.constant 255 : i32
        %and3A_315 = vector.broadcast %and3A_314 : i32 to vector<16xi32>
        %and3A_316 = arith.andi %shift_right_logical3A_313, %and3A_315 : vector<16xi32>
        %mul3A_317 = arith.constant 16 : i32
        %mul3A_318 = vector.broadcast %mul3A_317 : i32 to vector<16xi32>
        %mul3A_319 = arith.muli %and3A_310, %mul3A_318 : vector<16xi32>
        %add3A_320 = arith.addi %mul3A_319, %iota3A : vector<16xi32>
        tpu.vector_store_idx %arg16[%add3A_320], %broadcast_in_dim3A_1 {add = true} : memref<4096xi32, #tpu.memory_space<vmem>>[vector<16xi32>], vector<16xi32>,
        %mul3A_321 = arith.constant 16 : i32
        %mul3A_322 = vector.broadcast %mul3A_321 : i32 to vector<16xi32>
        %mul3A_323 = arith.muli %and3A_316, %mul3A_322 : vector<16xi32>
        %add3A_324 = arith.addi %mul3A_323, %iota3A : vector<16xi32>
        tpu.vector_store_idx %arg17[%add3A_324], %broadcast_in_dim3A_1 {add = true} : memref<4096xi32, #tpu.memory_space<vmem>>[vector<16xi32>], vector<16xi32>,
        %shift_right_logical3A_325 = arith.constant 0 : i32
        %shift_right_logical3A_326 = vector.broadcast %shift_right_logical3A_325 : i32 to vector<16xi32>
        %shift_right_logical3A_327 = arith.shrui %gather3A_230, %shift_right_logical3A_326 : vector<16xi32>
        %and3A_328 = arith.constant 255 : i32
        %and3A_329 = vector.broadcast %and3A_328 : i32 to vector<16xi32>
        %and3A_330 = arith.andi %shift_right_logical3A_327, %and3A_329 : vector<16xi32>
        %shift_right_logical3A_331 = arith.constant 0 : i32
        %shift_right_logical3A_332 = vector.broadcast %shift_right_logical3A_331 : i32 to vector<16xi32>
        %shift_right_logical3A_333 = arith.shrui %gather3A_233, %shift_right_logical3A_332 : vector<16xi32>
        %and3A_334 = arith.constant 255 : i32
        %and3A_335 = vector.broadcast %and3A_334 : i32 to vector<16xi32>
        %and3A_336 = arith.andi %shift_right_logical3A_333, %and3A_335 : vector<16xi32>
        %mul3A_337 = arith.constant 16 : i32
        %mul3A_338 = vector.broadcast %mul3A_337 : i32 to vector<16xi32>
        %mul3A_339 = arith.muli %and3A_330, %mul3A_338 : vector<16xi32>
        %add3A_340 = arith.addi %mul3A_339, %iota3A : vector<16xi32>
        tpu.vector_store_idx %arg16[%add3A_340], %broadcast_in_dim3A_1 {add = true} : memref<4096xi32, #tpu.memory_space<vmem>>[vector<16xi32>], vector<16xi32>,
        %mul3A_341 = arith.constant 16 : i32
        %mul3A_342 = vector.broadcast %mul3A_341 : i32 to vector<16xi32>
        %mul3A_343 = arith.muli %and3A_336, %mul3A_342 : vector<16xi32>
        %add3A_344 = arith.addi %mul3A_343, %iota3A : vector<16xi32>
        tpu.vector_store_idx %arg17[%add3A_344], %broadcast_in_dim3A_1 {add = true} : memref<4096xi32, #tpu.memory_space<vmem>>[vector<16xi32>], vector<16xi32>,
        %shift_right_logical3A_345 = arith.constant 0 : i32
        %shift_right_logical3A_346 = vector.broadcast %shift_right_logical3A_345 : i32 to vector<16xi32>
        %shift_right_logical3A_347 = arith.shrui %gather3A_238, %shift_right_logical3A_346 : vector<16xi32>
        %and3A_348 = arith.constant 255 : i32
        %and3A_349 = vector.broadcast %and3A_348 : i32 to vector<16xi32>
        %and3A_350 = arith.andi %shift_right_logical3A_347, %and3A_349 : vector<16xi32>
        %shift_right_logical3A_351 = arith.constant 0 : i32
        %shift_right_logical3A_352 = vector.broadcast %shift_right_logical3A_351 : i32 to vector<16xi32>
        %shift_right_logical3A_353 = arith.shrui %gather3A_241, %shift_right_logical3A_352 : vector<16xi32>
        %and3A_354 = arith.constant 255 : i32
        %and3A_355 = vector.broadcast %and3A_354 : i32 to vector<16xi32>
        %and3A_356 = arith.andi %shift_right_logical3A_353, %and3A_355 : vector<16xi32>
        %mul3A_357 = arith.constant 16 : i32
        %mul3A_358 = vector.broadcast %mul3A_357 : i32 to vector<16xi32>
        %mul3A_359 = arith.muli %and3A_350, %mul3A_358 : vector<16xi32>
        %add3A_360 = arith.addi %mul3A_359, %iota3A : vector<16xi32>
        tpu.vector_store_idx %arg16[%add3A_360], %broadcast_in_dim3A_1 {add = true} : memref<4096xi32, #tpu.memory_space<vmem>>[vector<16xi32>], vector<16xi32>,
        %mul3A_361 = arith.constant 16 : i32
        %mul3A_362 = vector.broadcast %mul3A_361 : i32 to vector<16xi32>
        %mul3A_363 = arith.muli %and3A_356, %mul3A_362 : vector<16xi32>
        %add3A_364 = arith.addi %mul3A_363, %iota3A : vector<16xi32>
        tpu.vector_store_idx %arg17[%add3A_364], %broadcast_in_dim3A_1 {add = true} : memref<4096xi32, #tpu.memory_space<vmem>>[vector<16xi32>], vector<16xi32>,
        %shift_right_logical3A_365 = arith.constant 0 : i32
        %shift_right_logical3A_366 = vector.broadcast %shift_right_logical3A_365 : i32 to vector<16xi32>
        %shift_right_logical3A_367 = arith.shrui %gather3A_246, %shift_right_logical3A_366 : vector<16xi32>
        %and3A_368 = arith.constant 255 : i32
        %and3A_369 = vector.broadcast %and3A_368 : i32 to vector<16xi32>
        %and3A_370 = arith.andi %shift_right_logical3A_367, %and3A_369 : vector<16xi32>
        %shift_right_logical3A_371 = arith.constant 0 : i32
        %shift_right_logical3A_372 = vector.broadcast %shift_right_logical3A_371 : i32 to vector<16xi32>
        %shift_right_logical3A_373 = arith.shrui %gather3A_249, %shift_right_logical3A_372 : vector<16xi32>
        %and3A_374 = arith.constant 255 : i32
        %and3A_375 = vector.broadcast %and3A_374 : i32 to vector<16xi32>
        %and3A_376 = arith.andi %shift_right_logical3A_373, %and3A_375 : vector<16xi32>
        %mul3A_377 = arith.constant 16 : i32
        %mul3A_378 = vector.broadcast %mul3A_377 : i32 to vector<16xi32>
        %mul3A_379 = arith.muli %and3A_370, %mul3A_378 : vector<16xi32>
        %add3A_380 = arith.addi %mul3A_379, %iota3A : vector<16xi32>
        tpu.vector_store_idx %arg16[%add3A_380], %broadcast_in_dim3A_1 {add = true} : memref<4096xi32, #tpu.memory_space<vmem>>[vector<16xi32>], vector<16xi32>,
        %mul3A_381 = arith.constant 16 : i32
        %mul3A_382 = vector.broadcast %mul3A_381 : i32 to vector<16xi32>
        %mul3A_383 = arith.muli %and3A_376, %mul3A_382 : vector<16xi32>
        %add3A_384 = arith.addi %mul3A_383, %iota3A : vector<16xi32>
        tpu.vector_store_idx %arg17[%add3A_384], %broadcast_in_dim3A_1 {add = true} : memref<4096xi32, #tpu.memory_space<vmem>>[vector<16xi32>], vector<16xi32>,
        %shift_right_logical3A_385 = arith.constant 0 : i32
        %shift_right_logical3A_386 = vector.broadcast %shift_right_logical3A_385 : i32 to vector<16xi32>
        %shift_right_logical3A_387 = arith.shrui %gather3A_254, %shift_right_logical3A_386 : vector<16xi32>
        %and3A_388 = arith.constant 255 : i32
        %and3A_389 = vector.broadcast %and3A_388 : i32 to vector<16xi32>
        %and3A_390 = arith.andi %shift_right_logical3A_387, %and3A_389 : vector<16xi32>
        %shift_right_logical3A_391 = arith.constant 0 : i32
        %shift_right_logical3A_392 = vector.broadcast %shift_right_logical3A_391 : i32 to vector<16xi32>
        %shift_right_logical3A_393 = arith.shrui %gather3A_257, %shift_right_logical3A_392 : vector<16xi32>
        %and3A_394 = arith.constant 255 : i32
        %and3A_395 = vector.broadcast %and3A_394 : i32 to vector<16xi32>
        %and3A_396 = arith.andi %shift_right_logical3A_393, %and3A_395 : vector<16xi32>
        %mul3A_397 = arith.constant 16 : i32
        %mul3A_398 = vector.broadcast %mul3A_397 : i32 to vector<16xi32>
        %mul3A_399 = arith.muli %and3A_390, %mul3A_398 : vector<16xi32>
        %add3A_400 = arith.addi %mul3A_399, %iota3A : vector<16xi32>
        tpu.vector_store_idx %arg16[%add3A_400], %broadcast_in_dim3A_1 {add = true} : memref<4096xi32, #tpu.memory_space<vmem>>[vector<16xi32>], vector<16xi32>,
        %mul3A_401 = arith.constant 16 : i32
        %mul3A_402 = vector.broadcast %mul3A_401 : i32 to vector<16xi32>
        %mul3A_403 = arith.muli %and3A_396, %mul3A_402 : vector<16xi32>
        %add3A_404 = arith.addi %mul3A_403, %iota3A : vector<16xi32>
        tpu.vector_store_idx %arg17[%add3A_404], %broadcast_in_dim3A_1 {add = true} : memref<4096xi32, #tpu.memory_space<vmem>>[vector<16xi32>], vector<16xi32>,
        %shift_right_logical3A_405 = arith.constant 0 : i32
        %shift_right_logical3A_406 = vector.broadcast %shift_right_logical3A_405 : i32 to vector<16xi32>
        %shift_right_logical3A_407 = arith.shrui %gather3A_262, %shift_right_logical3A_406 : vector<16xi32>
        %and3A_408 = arith.constant 255 : i32
        %and3A_409 = vector.broadcast %and3A_408 : i32 to vector<16xi32>
        %and3A_410 = arith.andi %shift_right_logical3A_407, %and3A_409 : vector<16xi32>
        %shift_right_logical3A_411 = arith.constant 0 : i32
        %shift_right_logical3A_412 = vector.broadcast %shift_right_logical3A_411 : i32 to vector<16xi32>
        %shift_right_logical3A_413 = arith.shrui %gather3A_265, %shift_right_logical3A_412 : vector<16xi32>
        %and3A_414 = arith.constant 255 : i32
        %and3A_415 = vector.broadcast %and3A_414 : i32 to vector<16xi32>
        %and3A_416 = arith.andi %shift_right_logical3A_413, %and3A_415 : vector<16xi32>
        %mul3A_417 = arith.constant 16 : i32
        %mul3A_418 = vector.broadcast %mul3A_417 : i32 to vector<16xi32>
        %mul3A_419 = arith.muli %and3A_410, %mul3A_418 : vector<16xi32>
        %add3A_420 = arith.addi %mul3A_419, %iota3A : vector<16xi32>
        tpu.vector_store_idx %arg16[%add3A_420], %broadcast_in_dim3A_1 {add = true} : memref<4096xi32, #tpu.memory_space<vmem>>[vector<16xi32>], vector<16xi32>,
        %mul3A_421 = arith.constant 16 : i32
        %mul3A_422 = vector.broadcast %mul3A_421 : i32 to vector<16xi32>
        %mul3A_423 = arith.muli %and3A_416, %mul3A_422 : vector<16xi32>
        %add3A_424 = arith.addi %mul3A_423, %iota3A : vector<16xi32>
        tpu.vector_store_idx %arg17[%add3A_424], %broadcast_in_dim3A_1 {add = true} : memref<4096xi32, #tpu.memory_space<vmem>>[vector<16xi32>], vector<16xi32>,
      }
      %scan3A_64 = arith.constant 32 : i32
      %scan3A_65 = arith.constant 0 : i32
      %scan3A_66 = arith.constant 0 : i32
      %scan3A_67 = arith.constant 256 : i32
      %scan3A_68 = arith.addi %scan3A_66, %scan3A_67 : i32
      %scan3A_69 = arith.constant 4 : i32
      scf.for %scan3A_200 = %scan3A_66 to %scan3A_68 step %scan3A_69  : i32 {
        %mul3A_201 = arith.constant 16 : i32
        %mul3A_202 = arith.muli %scan3A_200, %mul3A_201 : i32
        %get3A = arith.index_cast %mul3A_202 : i32 to index
        %get3A_203 = tpu.vector_load %arg16[%get3A] {strides = array<i32>} : memref<4096xi32, #tpu.memory_space<vmem>>, vector<16xi32>,
        %reduce_sum3A = arith.constant true
        %reduce_sum3A_204 = vector.broadcast %reduce_sum3A : i1 to vector<16xi1>
        %reduce_sum3A_205 = tpu.scan <sum>, %get3A_203 masked %reduce_sum3A_204 : vector<16xi32>, vector<16xi1> -> vector<16xi32>
        %reduce_sum3A_206 = vector.extract %reduce_sum3A_205[15] : i32 from vector<16xi32>
        %swap3A_207 = arith.index_cast %scan3A_200 : i32 to index
        %swap3A_208 = memref.load %arg18[%swap3A_207] : memref<256xi32, #tpu.memory_space<smem>>
        memref.store %reduce_sum3A_206, %arg18[%swap3A_207] : memref<256xi32, #tpu.memory_space<smem>>
        %mul3A_209 = arith.constant 16 : i32
        %mul3A_210 = arith.muli %scan3A_200, %mul3A_209 : i32
        %get3A_211 = arith.index_cast %mul3A_210 : i32 to index
        %get3A_212 = tpu.vector_load %arg17[%get3A_211] {strides = array<i32>} : memref<4096xi32, #tpu.memory_space<vmem>>, vector<16xi32>,
        %reduce_sum3A_213 = arith.constant true
        %reduce_sum3A_214 = vector.broadcast %reduce_sum3A_213 : i1 to vector<16xi1>
        %reduce_sum3A_215 = tpu.scan <sum>, %get3A_212 masked %reduce_sum3A_214 : vector<16xi32>, vector<16xi1> -> vector<16xi32>
        %reduce_sum3A_216 = vector.extract %reduce_sum3A_215[15] : i32 from vector<16xi32>
        %swap3A_217 = arith.index_cast %scan3A_200 : i32 to index
        %swap3A_218 = memref.load %arg19[%swap3A_217] : memref<256xi32, #tpu.memory_space<smem>>
        memref.store %reduce_sum3A_216, %arg19[%swap3A_217] : memref<256xi32, #tpu.memory_space<smem>>
        %scan3A_219 = arith.constant 1 : i32
        %scan3A_220 = arith.addi %scan3A_200, %scan3A_219 : i32
        %mul3A_221 = arith.constant 16 : i32
        %mul3A_222 = arith.muli %scan3A_220, %mul3A_221 : i32
        %get3A_223 = arith.index_cast %mul3A_222 : i32 to index
        %get3A_224 = tpu.vector_load %arg16[%get3A_223] {strides = array<i32>} : memref<4096xi32, #tpu.memory_space<vmem>>, vector<16xi32>,
        %reduce_sum3A_225 = arith.constant true
        %reduce_sum3A_226 = vector.broadcast %reduce_sum3A_225 : i1 to vector<16xi1>
        %reduce_sum3A_227 = tpu.scan <sum>, %get3A_224 masked %reduce_sum3A_226 : vector<16xi32>, vector<16xi1> -> vector<16xi32>
        %reduce_sum3A_228 = vector.extract %reduce_sum3A_227[15] : i32 from vector<16xi32>
        %swap3A_229 = arith.index_cast %scan3A_220 : i32 to index
        %swap3A_230 = memref.load %arg18[%swap3A_229] : memref<256xi32, #tpu.memory_space<smem>>
        memref.store %reduce_sum3A_228, %arg18[%swap3A_229] : memref<256xi32, #tpu.memory_space<smem>>
        %mul3A_231 = arith.constant 16 : i32
        %mul3A_232 = arith.muli %scan3A_220, %mul3A_231 : i32
        %get3A_233 = arith.index_cast %mul3A_232 : i32 to index
        %get3A_234 = tpu.vector_load %arg17[%get3A_233] {strides = array<i32>} : memref<4096xi32, #tpu.memory_space<vmem>>, vector<16xi32>,
        %reduce_sum3A_235 = arith.constant true
        %reduce_sum3A_236 = vector.broadcast %reduce_sum3A_235 : i1 to vector<16xi1>
        %reduce_sum3A_237 = tpu.scan <sum>, %get3A_234 masked %reduce_sum3A_236 : vector<16xi32>, vector<16xi1> -> vector<16xi32>
        %reduce_sum3A_238 = vector.extract %reduce_sum3A_237[15] : i32 from vector<16xi32>
        %swap3A_239 = arith.index_cast %scan3A_220 : i32 to index
        %swap3A_240 = memref.load %arg19[%swap3A_239] : memref<256xi32, #tpu.memory_space<smem>>
        memref.store %reduce_sum3A_238, %arg19[%swap3A_239] : memref<256xi32, #tpu.memory_space<smem>>
        %scan3A_241 = arith.constant 2 : i32
        %scan3A_242 = arith.addi %scan3A_200, %scan3A_241 : i32
        %mul3A_243 = arith.constant 16 : i32
        %mul3A_244 = arith.muli %scan3A_242, %mul3A_243 : i32
        %get3A_245 = arith.index_cast %mul3A_244 : i32 to index
        %get3A_246 = tpu.vector_load %arg16[%get3A_245] {strides = array<i32>} : memref<4096xi32, #tpu.memory_space<vmem>>, vector<16xi32>,
        %reduce_sum3A_247 = arith.constant true
        %reduce_sum3A_248 = vector.broadcast %reduce_sum3A_247 : i1 to vector<16xi1>
        %reduce_sum3A_249 = tpu.scan <sum>, %get3A_246 masked %reduce_sum3A_248 : vector<16xi32>, vector<16xi1> -> vector<16xi32>
        %reduce_sum3A_250 = vector.extract %reduce_sum3A_249[15] : i32 from vector<16xi32>
        %swap3A_251 = arith.index_cast %scan3A_242 : i32 to index
        %swap3A_252 = memref.load %arg18[%swap3A_251] : memref<256xi32, #tpu.memory_space<smem>>
        memref.store %reduce_sum3A_250, %arg18[%swap3A_251] : memref<256xi32, #tpu.memory_space<smem>>
        %mul3A_253 = arith.constant 16 : i32
        %mul3A_254 = arith.muli %scan3A_242, %mul3A_253 : i32
        %get3A_255 = arith.index_cast %mul3A_254 : i32 to index
        %get3A_256 = tpu.vector_load %arg17[%get3A_255] {strides = array<i32>} : memref<4096xi32, #tpu.memory_space<vmem>>, vector<16xi32>,
        %reduce_sum3A_257 = arith.constant true
        %reduce_sum3A_258 = vector.broadcast %reduce_sum3A_257 : i1 to vector<16xi1>
        %reduce_sum3A_259 = tpu.scan <sum>, %get3A_256 masked %reduce_sum3A_258 : vector<16xi32>, vector<16xi1> -> vector<16xi32>
        %reduce_sum3A_260 = vector.extract %reduce_sum3A_259[15] : i32 from vector<16xi32>
        %swap3A_261 = arith.index_cast %scan3A_242 : i32 to index
        %swap3A_262 = memref.load %arg19[%swap3A_261] : memref<256xi32, #tpu.memory_space<smem>>
        memref.store %reduce_sum3A_260, %arg19[%swap3A_261] : memref<256xi32, #tpu.memory_space<smem>>
        %scan3A_263 = arith.constant 3 : i32
        %scan3A_264 = arith.addi %scan3A_200, %scan3A_263 : i32
        %mul3A_265 = arith.constant 16 : i32
        %mul3A_266 = arith.muli %scan3A_264, %mul3A_265 : i32
        %get3A_267 = arith.index_cast %mul3A_266 : i32 to index
        %get3A_268 = tpu.vector_load %arg16[%get3A_267] {strides = array<i32>} : memref<4096xi32, #tpu.memory_space<vmem>>, vector<16xi32>,
        %reduce_sum3A_269 = arith.constant true
        %reduce_sum3A_270 = vector.broadcast %reduce_sum3A_269 : i1 to vector<16xi1>
        %reduce_sum3A_271 = tpu.scan <sum>, %get3A_268 masked %reduce_sum3A_270 : vector<16xi32>, vector<16xi1> -> vector<16xi32>
        %reduce_sum3A_272 = vector.extract %reduce_sum3A_271[15] : i32 from vector<16xi32>
        %swap3A_273 = arith.index_cast %scan3A_264 : i32 to index
        %swap3A_274 = memref.load %arg18[%swap3A_273] : memref<256xi32, #tpu.memory_space<smem>>
        memref.store %reduce_sum3A_272, %arg18[%swap3A_273] : memref<256xi32, #tpu.memory_space<smem>>
        %mul3A_275 = arith.constant 16 : i32
        %mul3A_276 = arith.muli %scan3A_264, %mul3A_275 : i32
        %get3A_277 = arith.index_cast %mul3A_276 : i32 to index
        %get3A_278 = tpu.vector_load %arg17[%get3A_277] {strides = array<i32>} : memref<4096xi32, #tpu.memory_space<vmem>>, vector<16xi32>,
        %reduce_sum3A_279 = arith.constant true
        %reduce_sum3A_280 = vector.broadcast %reduce_sum3A_279 : i1 to vector<16xi1>
        %reduce_sum3A_281 = tpu.scan <sum>, %get3A_278 masked %reduce_sum3A_280 : vector<16xi32>, vector<16xi1> -> vector<16xi32>
        %reduce_sum3A_282 = vector.extract %reduce_sum3A_281[15] : i32 from vector<16xi32>
        %swap3A_283 = arith.index_cast %scan3A_264 : i32 to index
        %swap3A_284 = memref.load %arg19[%swap3A_283] : memref<256xi32, #tpu.memory_space<smem>>
        memref.store %reduce_sum3A_282, %arg19[%swap3A_283] : memref<256xi32, #tpu.memory_space<smem>>
      }
      %scan3A_70 = arith.constant 256 : i32
      %scan3A_71 = arith.constant 0 : i32
      %scan3A_72 = arith.constant 0 : i32
      %scan3A_73 = arith.constant 0 : i32
      %scan3A_74 = arith.constant 256 : i32
      %scan3A_75 = arith.addi %scan3A_73, %scan3A_74 : i32
      %scan3A_76 = arith.constant 1 : i32
      %scan3A_77:2 = scf.for %scan3A_200 = %scan3A_73 to %scan3A_75 step %scan3A_76 iter_args(%scan3A_201 = %scan3A_71, %scan3A_202 = %scan3A_72) -> (i32, i32)  : i32 {
        %get3A = arith.index_cast %scan3A_200 : i32 to index
        %get3A_203 = memref.load %arg18[%get3A] : memref<256xi32, #tpu.memory_space<smem>>
        %get3A_204 = arith.index_cast %scan3A_200 : i32 to index
        %get3A_205 = memref.load %arg19[%get3A_204] : memref<256xi32, #tpu.memory_space<smem>>
        %swap3A_206 = arith.index_cast %scan3A_200 : i32 to index
        %swap3A_207 = memref.load %arg18[%swap3A_206] : memref<256xi32, #tpu.memory_space<smem>>
        memref.store %scan3A_201, %arg18[%swap3A_206] : memref<256xi32, #tpu.memory_space<smem>>
        %swap3A_208 = arith.index_cast %scan3A_200 : i32 to index
        %swap3A_209 = memref.load %arg19[%swap3A_208] : memref<256xi32, #tpu.memory_space<smem>>
        memref.store %scan3A_202, %arg19[%swap3A_208] : memref<256xi32, #tpu.memory_space<smem>>
        %add3A_210 = arith.addi %scan3A_201, %get3A_203 : i32
        %add3A_211 = arith.addi %scan3A_202, %get3A_205 : i32
        scf.yield %add3A_210, %add3A_211 : i32, i32
      }
      %scan3A_78 = arith.constant 256 : i32
      %scan3A_79 = arith.constant 0 : i32
      %scan3A_80 = arith.constant 0 : i32
      %scan3A_81 = arith.constant 256 : i32
      %scan3A_82 = arith.addi %scan3A_80, %scan3A_81 : i32
      %scan3A_83 = arith.constant 4 : i32
      scf.for %scan3A_200 = %scan3A_80 to %scan3A_82 step %scan3A_83  : i32 {
        %mul3A_201 = arith.constant 16 : i32
        %mul3A_202 = arith.muli %scan3A_200, %mul3A_201 : i32
        %get3A = arith.index_cast %mul3A_202 : i32 to index
        %get3A_203 = tpu.vector_load %arg16[%get3A] {strides = array<i32>} : memref<4096xi32, #tpu.memory_space<vmem>>, vector<16xi32>,
        %mul3A_204 = arith.constant 16 : i32
        %mul3A_205 = arith.muli %scan3A_200, %mul3A_204 : i32
        %get3A_206 = arith.index_cast %mul3A_205 : i32 to index
        %get3A_207 = tpu.vector_load %arg17[%get3A_206] {strides = array<i32>} : memref<4096xi32, #tpu.memory_space<vmem>>, vector<16xi32>,
        %broadcast_in_dim3A_208 = arith.constant true
        %broadcast_in_dim3A_209 = vector.broadcast %broadcast_in_dim3A_208 : i1 to vector<16xi1>
        %masked_cumsum3A = tpu.scan <sum>, %get3A_203 masked %broadcast_in_dim3A_209 : vector<16xi32>, vector<16xi1> -> vector<16xi32>
        %sub3A_210 = arith.subi %masked_cumsum3A, %get3A_203 : vector<16xi32>
        %get3A_211 = arith.index_cast %scan3A_200 : i32 to index
        %get3A_212 = memref.load %arg18[%get3A_211] : memref<256xi32, #tpu.memory_space<smem>>
        %add3A_213 = vector.broadcast %get3A_212 : i32 to vector<16xi32>
        %add3A_214 = arith.addi %sub3A_210, %add3A_213 : vector<16xi32>
        %mul3A_215 = arith.constant 16 : i32
        %mul3A_216 = arith.muli %scan3A_200, %mul3A_215 : i32
        %swap3A_217 = arith.index_cast %mul3A_216 : i32 to index
        %swap3A_218 = tpu.vector_load %arg16[%swap3A_217] {strides = array<i32>} : memref<4096xi32, #tpu.memory_space<vmem>>, vector<16xi32>,
        tpu.vector_store %arg16[%swap3A_217], %add3A_214 {strides = array<i32>} : memref<4096xi32, #tpu.memory_space<vmem>>, vector<16xi32>,
        %broadcast_in_dim3A_219 = arith.constant true
        %broadcast_in_dim3A_220 = vector.broadcast %broadcast_in_dim3A_219 : i1 to vector<16xi1>
        %masked_cumsum3A_221 = tpu.scan <sum>, %get3A_207 masked %broadcast_in_dim3A_220 : vector<16xi32>, vector<16xi1> -> vector<16xi32>
        %sub3A_222 = arith.subi %masked_cumsum3A_221, %get3A_207 : vector<16xi32>
        %get3A_223 = arith.index_cast %scan3A_200 : i32 to index
        %get3A_224 = memref.load %arg19[%get3A_223] : memref<256xi32, #tpu.memory_space<smem>>
        %add3A_225 = vector.broadcast %get3A_224 : i32 to vector<16xi32>
        %add3A_226 = arith.addi %sub3A_222, %add3A_225 : vector<16xi32>
        %mul3A_227 = arith.constant 16 : i32
        %mul3A_228 = arith.muli %scan3A_200, %mul3A_227 : i32
        %swap3A_229 = arith.index_cast %mul3A_228 : i32 to index
        %swap3A_230 = tpu.vector_load %arg17[%swap3A_229] {strides = array<i32>} : memref<4096xi32, #tpu.memory_space<vmem>>, vector<16xi32>,
        tpu.vector_store %arg17[%swap3A_229], %add3A_226 {strides = array<i32>} : memref<4096xi32, #tpu.memory_space<vmem>>, vector<16xi32>,
        %scan3A_231 = arith.constant 1 : i32
        %scan3A_232 = arith.addi %scan3A_200, %scan3A_231 : i32
        %mul3A_233 = arith.constant 16 : i32
        %mul3A_234 = arith.muli %scan3A_232, %mul3A_233 : i32
        %get3A_235 = arith.index_cast %mul3A_234 : i32 to index
        %get3A_236 = tpu.vector_load %arg16[%get3A_235] {strides = array<i32>} : memref<4096xi32, #tpu.memory_space<vmem>>, vector<16xi32>,
        %mul3A_237 = arith.constant 16 : i32
        %mul3A_238 = arith.muli %scan3A_232, %mul3A_237 : i32
        %get3A_239 = arith.index_cast %mul3A_238 : i32 to index
        %get3A_240 = tpu.vector_load %arg17[%get3A_239] {strides = array<i32>} : memref<4096xi32, #tpu.memory_space<vmem>>, vector<16xi32>,
        %broadcast_in_dim3A_241 = arith.constant true
        %broadcast_in_dim3A_242 = vector.broadcast %broadcast_in_dim3A_241 : i1 to vector<16xi1>
        %masked_cumsum3A_243 = tpu.scan <sum>, %get3A_236 masked %broadcast_in_dim3A_242 : vector<16xi32>, vector<16xi1> -> vector<16xi32>
        %sub3A_244 = arith.subi %masked_cumsum3A_243, %get3A_236 : vector<16xi32>
        %get3A_245 = arith.index_cast %scan3A_232 : i32 to index
        %get3A_246 = memref.load %arg18[%get3A_245] : memref<256xi32, #tpu.memory_space<smem>>
        %add3A_247 = vector.broadcast %get3A_246 : i32 to vector<16xi32>
        %add3A_248 = arith.addi %sub3A_244, %add3A_247 : vector<16xi32>
        %mul3A_249 = arith.constant 16 : i32
        %mul3A_250 = arith.muli %scan3A_232, %mul3A_249 : i32
        %swap3A_251 = arith.index_cast %mul3A_250 : i32 to index
        %swap3A_252 = tpu.vector_load %arg16[%swap3A_251] {strides = array<i32>} : memref<4096xi32, #tpu.memory_space<vmem>>, vector<16xi32>,
        tpu.vector_store %arg16[%swap3A_251], %add3A_248 {strides = array<i32>} : memref<4096xi32, #tpu.memory_space<vmem>>, vector<16xi32>,
        %broadcast_in_dim3A_253 = arith.constant true
        %broadcast_in_dim3A_254 = vector.broadcast %broadcast_in_dim3A_253 : i1 to vector<16xi1>
        %masked_cumsum3A_255 = tpu.scan <sum>, %get3A_240 masked %broadcast_in_dim3A_254 : vector<16xi32>, vector<16xi1> -> vector<16xi32>
        %sub3A_256 = arith.subi %masked_cumsum3A_255, %get3A_240 : vector<16xi32>
        %get3A_257 = arith.index_cast %scan3A_232 : i32 to index
        %get3A_258 = memref.load %arg19[%get3A_257] : memref<256xi32, #tpu.memory_space<smem>>
        %add3A_259 = vector.broadcast %get3A_258 : i32 to vector<16xi32>
        %add3A_260 = arith.addi %sub3A_256, %add3A_259 : vector<16xi32>
        %mul3A_261 = arith.constant 16 : i32
        %mul3A_262 = arith.muli %scan3A_232, %mul3A_261 : i32
        %swap3A_263 = arith.index_cast %mul3A_262 : i32 to index
        %swap3A_264 = tpu.vector_load %arg17[%swap3A_263] {strides = array<i32>} : memref<4096xi32, #tpu.memory_space<vmem>>, vector<16xi32>,
        tpu.vector_store %arg17[%swap3A_263], %add3A_260 {strides = array<i32>} : memref<4096xi32, #tpu.memory_space<vmem>>, vector<16xi32>,
        %scan3A_265 = arith.constant 2 : i32
        %scan3A_266 = arith.addi %scan3A_200, %scan3A_265 : i32
        %mul3A_267 = arith.constant 16 : i32
        %mul3A_268 = arith.muli %scan3A_266, %mul3A_267 : i32
        %get3A_269 = arith.index_cast %mul3A_268 : i32 to index
        %get3A_270 = tpu.vector_load %arg16[%get3A_269] {strides = array<i32>} : memref<4096xi32, #tpu.memory_space<vmem>>, vector<16xi32>,
        %mul3A_271 = arith.constant 16 : i32
        %mul3A_272 = arith.muli %scan3A_266, %mul3A_271 : i32
        %get3A_273 = arith.index_cast %mul3A_272 : i32 to index
        %get3A_274 = tpu.vector_load %arg17[%get3A_273] {strides = array<i32>} : memref<4096xi32, #tpu.memory_space<vmem>>, vector<16xi32>,
        %broadcast_in_dim3A_275 = arith.constant true
        %broadcast_in_dim3A_276 = vector.broadcast %broadcast_in_dim3A_275 : i1 to vector<16xi1>
        %masked_cumsum3A_277 = tpu.scan <sum>, %get3A_270 masked %broadcast_in_dim3A_276 : vector<16xi32>, vector<16xi1> -> vector<16xi32>
        %sub3A_278 = arith.subi %masked_cumsum3A_277, %get3A_270 : vector<16xi32>
        %get3A_279 = arith.index_cast %scan3A_266 : i32 to index
        %get3A_280 = memref.load %arg18[%get3A_279] : memref<256xi32, #tpu.memory_space<smem>>
        %add3A_281 = vector.broadcast %get3A_280 : i32 to vector<16xi32>
        %add3A_282 = arith.addi %sub3A_278, %add3A_281 : vector<16xi32>
        %mul3A_283 = arith.constant 16 : i32
        %mul3A_284 = arith.muli %scan3A_266, %mul3A_283 : i32
        %swap3A_285 = arith.index_cast %mul3A_284 : i32 to index
        %swap3A_286 = tpu.vector_load %arg16[%swap3A_285] {strides = array<i32>} : memref<4096xi32, #tpu.memory_space<vmem>>, vector<16xi32>,
        tpu.vector_store %arg16[%swap3A_285], %add3A_282 {strides = array<i32>} : memref<4096xi32, #tpu.memory_space<vmem>>, vector<16xi32>,
        %broadcast_in_dim3A_287 = arith.constant true
        %broadcast_in_dim3A_288 = vector.broadcast %broadcast_in_dim3A_287 : i1 to vector<16xi1>
        %masked_cumsum3A_289 = tpu.scan <sum>, %get3A_274 masked %broadcast_in_dim3A_288 : vector<16xi32>, vector<16xi1> -> vector<16xi32>
        %sub3A_290 = arith.subi %masked_cumsum3A_289, %get3A_274 : vector<16xi32>
        %get3A_291 = arith.index_cast %scan3A_266 : i32 to index
        %get3A_292 = memref.load %arg19[%get3A_291] : memref<256xi32, #tpu.memory_space<smem>>
        %add3A_293 = vector.broadcast %get3A_292 : i32 to vector<16xi32>
        %add3A_294 = arith.addi %sub3A_290, %add3A_293 : vector<16xi32>
        %mul3A_295 = arith.constant 16 : i32
        %mul3A_296 = arith.muli %scan3A_266, %mul3A_295 : i32
        %swap3A_297 = arith.index_cast %mul3A_296 : i32 to index
        %swap3A_298 = tpu.vector_load %arg17[%swap3A_297] {strides = array<i32>} : memref<4096xi32, #tpu.memory_space<vmem>>, vector<16xi32>,
        tpu.vector_store %arg17[%swap3A_297], %add3A_294 {strides = array<i32>} : memref<4096xi32, #tpu.memory_space<vmem>>, vector<16xi32>,
        %scan3A_299 = arith.constant 3 : i32
        %scan3A_300 = arith.addi %scan3A_200, %scan3A_299 : i32
        %mul3A_301 = arith.constant 16 : i32
        %mul3A_302 = arith.muli %scan3A_300, %mul3A_301 : i32
        %get3A_303 = arith.index_cast %mul3A_302 : i32 to index
        %get3A_304 = tpu.vector_load %arg16[%get3A_303] {strides = array<i32>} : memref<4096xi32, #tpu.memory_space<vmem>>, vector<16xi32>,
        %mul3A_305 = arith.constant 16 : i32
        %mul3A_306 = arith.muli %scan3A_300, %mul3A_305 : i32
        %get3A_307 = arith.index_cast %mul3A_306 : i32 to index
        %get3A_308 = tpu.vector_load %arg17[%get3A_307] {strides = array<i32>} : memref<4096xi32, #tpu.memory_space<vmem>>, vector<16xi32>,
        %broadcast_in_dim3A_309 = arith.constant true
        %broadcast_in_dim3A_310 = vector.broadcast %broadcast_in_dim3A_309 : i1 to vector<16xi1>
        %masked_cumsum3A_311 = tpu.scan <sum>, %get3A_304 masked %broadcast_in_dim3A_310 : vector<16xi32>, vector<16xi1> -> vector<16xi32>
        %sub3A_312 = arith.subi %masked_cumsum3A_311, %get3A_304 : vector<16xi32>
        %get3A_313 = arith.index_cast %scan3A_300 : i32 to index
        %get3A_314 = memref.load %arg18[%get3A_313] : memref<256xi32, #tpu.memory_space<smem>>
        %add3A_315 = vector.broadcast %get3A_314 : i32 to vector<16xi32>
        %add3A_316 = arith.addi %sub3A_312, %add3A_315 : vector<16xi32>
        %mul3A_317 = arith.constant 16 : i32
        %mul3A_318 = arith.muli %scan3A_300, %mul3A_317 : i32
        %swap3A_319 = arith.index_cast %mul3A_318 : i32 to index
        %swap3A_320 = tpu.vector_load %arg16[%swap3A_319] {strides = array<i32>} : memref<4096xi32, #tpu.memory_space<vmem>>, vector<16xi32>,
        tpu.vector_store %arg16[%swap3A_319], %add3A_316 {strides = array<i32>} : memref<4096xi32, #tpu.memory_space<vmem>>, vector<16xi32>,
        %broadcast_in_dim3A_321 = arith.constant true
        %broadcast_in_dim3A_322 = vector.broadcast %broadcast_in_dim3A_321 : i1 to vector<16xi1>
        %masked_cumsum3A_323 = tpu.scan <sum>, %get3A_308 masked %broadcast_in_dim3A_322 : vector<16xi32>, vector<16xi1> -> vector<16xi32>
        %sub3A_324 = arith.subi %masked_cumsum3A_323, %get3A_308 : vector<16xi32>
        %get3A_325 = arith.index_cast %scan3A_300 : i32 to index
        %get3A_326 = memref.load %arg19[%get3A_325] : memref<256xi32, #tpu.memory_space<smem>>
        %add3A_327 = vector.broadcast %get3A_326 : i32 to vector<16xi32>
        %add3A_328 = arith.addi %sub3A_324, %add3A_327 : vector<16xi32>
        %mul3A_329 = arith.constant 16 : i32
        %mul3A_330 = arith.muli %scan3A_300, %mul3A_329 : i32
        %swap3A_331 = arith.index_cast %mul3A_330 : i32 to index
        %swap3A_332 = tpu.vector_load %arg17[%swap3A_331] {strides = array<i32>} : memref<4096xi32, #tpu.memory_space<vmem>>, vector<16xi32>,
        tpu.vector_store %arg17[%swap3A_331], %add3A_328 {strides = array<i32>} : memref<4096xi32, #tpu.memory_space<vmem>>, vector<16xi32>,
      }
      %scan3A_84 = arith.constant 256 : i32
      %scan3A_85 = arith.constant 0 : i32
      %scan3A_86 = arith.constant 0 : i32
      %scan3A_87 = arith.constant 64 : i32
      %scan3A_88 = arith.addi %scan3A_86, %scan3A_87 : i32
      %scan3A_89 = arith.constant 1 : i32
      scf.for %scan3A_200 = %scan3A_86 to %scan3A_88 step %scan3A_89  : i32 {
        %mul3A_201 = arith.constant 4 : i32
        %mul3A_202 = arith.muli %scan3A_200, %mul3A_201 : i32
        %add3A_203 = arith.constant 0 : i32
        %add3A_204 = arith.addi %mul3A_202, %add3A_203 : i32
        %add3A_205 = vector.broadcast %add3A_204 : i32 to vector<16xi32>
        %add3A_206 = arith.addi %mul3A_6, %add3A_205 : vector<16xi32>
        %gather3A = tpu.vector_load_idx %arg6[%add3A_206] : memref<4096xi32, #tpu.memory_space<vmem>>[vector<16xi32>], vector<16xi32>,
        %add3A_207 = vector.broadcast %add3A_204 : i32 to vector<16xi32>
        %add3A_208 = arith.addi %mul3A_6, %add3A_207 : vector<16xi32>
        %gather3A_209 = tpu.vector_load_idx %arg10[%add3A_208] : memref<4096xi32, #tpu.memory_space<vmem>>[vector<16xi32>], vector<16xi32>,
        %add3A_210 = arith.constant 1 : i32
        %add3A_211 = arith.addi %mul3A_202, %add3A_210 : i32
        %add3A_212 = vector.broadcast %add3A_211 : i32 to vector<16xi32>
        %add3A_213 = arith.addi %mul3A_6, %add3A_212 : vector<16xi32>
        %gather3A_214 = tpu.vector_load_idx %arg6[%add3A_213] : memref<4096xi32, #tpu.memory_space<vmem>>[vector<16xi32>], vector<16xi32>,
        %add3A_215 = vector.broadcast %add3A_211 : i32 to vector<16xi32>
        %add3A_216 = arith.addi %mul3A_6, %add3A_215 : vector<16xi32>
        %gather3A_217 = tpu.vector_load_idx %arg10[%add3A_216] : memref<4096xi32, #tpu.memory_space<vmem>>[vector<16xi32>], vector<16xi32>,
        %add3A_218 = arith.constant 2 : i32
        %add3A_219 = arith.addi %mul3A_202, %add3A_218 : i32
        %add3A_220 = vector.broadcast %add3A_219 : i32 to vector<16xi32>
        %add3A_221 = arith.addi %mul3A_6, %add3A_220 : vector<16xi32>
        %gather3A_222 = tpu.vector_load_idx %arg6[%add3A_221] : memref<4096xi32, #tpu.memory_space<vmem>>[vector<16xi32>], vector<16xi32>,
        %add3A_223 = vector.broadcast %add3A_219 : i32 to vector<16xi32>
        %add3A_224 = arith.addi %mul3A_6, %add3A_223 : vector<16xi32>
        %gather3A_225 = tpu.vector_load_idx %arg10[%add3A_224] : memref<4096xi32, #tpu.memory_space<vmem>>[vector<16xi32>], vector<16xi32>,
        %add3A_226 = arith.constant 3 : i32
        %add3A_227 = arith.addi %mul3A_202, %add3A_226 : i32
        %add3A_228 = vector.broadcast %add3A_227 : i32 to vector<16xi32>
        %add3A_229 = arith.addi %mul3A_6, %add3A_228 : vector<16xi32>
        %gather3A_230 = tpu.vector_load_idx %arg6[%add3A_229] : memref<4096xi32, #tpu.memory_space<vmem>>[vector<16xi32>], vector<16xi32>,
        %add3A_231 = vector.broadcast %add3A_227 : i32 to vector<16xi32>
        %add3A_232 = arith.addi %mul3A_6, %add3A_231 : vector<16xi32>
        %gather3A_233 = tpu.vector_load_idx %arg10[%add3A_232] : memref<4096xi32, #tpu.memory_space<vmem>>[vector<16xi32>], vector<16xi32>,
        %add3A_234 = vector.broadcast %mul3A_202 : i32 to vector<16xi32>
        %add3A_235 = arith.addi %mul3A_6, %add3A_234 : vector<16xi32>
        %add3A_236 = arith.constant 0 : i32
        %add3A_237 = vector.broadcast %add3A_236 : i32 to vector<16xi32>
        %add3A_238 = arith.addi %add3A_235, %add3A_237 : vector<16xi32>
        %add3A_239 = vector.broadcast %mul3A_40 : i32 to vector<16xi32>
        %add3A_240 = arith.addi %add3A_238, %add3A_239 : vector<16xi32>
        %add3A_241 = vector.broadcast %mul3A_202 : i32 to vector<16xi32>
        %add3A_242 = arith.addi %mul3A_6, %add3A_241 : vector<16xi32>
        %add3A_243 = arith.constant 1 : i32
        %add3A_244 = vector.broadcast %add3A_243 : i32 to vector<16xi32>
        %add3A_245 = arith.addi %add3A_242, %add3A_244 : vector<16xi32>
        %add3A_246 = vector.broadcast %mul3A_40 : i32 to vector<16xi32>
        %add3A_247 = arith.addi %add3A_245, %add3A_246 : vector<16xi32>
        %add3A_248 = vector.broadcast %mul3A_202 : i32 to vector<16xi32>
        %add3A_249 = arith.addi %mul3A_6, %add3A_248 : vector<16xi32>
        %add3A_250 = arith.constant 2 : i32
        %add3A_251 = vector.broadcast %add3A_250 : i32 to vector<16xi32>
        %add3A_252 = arith.addi %add3A_249, %add3A_251 : vector<16xi32>
        %add3A_253 = vector.broadcast %mul3A_40 : i32 to vector<16xi32>
        %add3A_254 = arith.addi %add3A_252, %add3A_253 : vector<16xi32>
        %add3A_255 = vector.broadcast %mul3A_202 : i32 to vector<16xi32>
        %add3A_256 = arith.addi %mul3A_6, %add3A_255 : vector<16xi32>
        %add3A_257 = arith.constant 3 : i32
        %add3A_258 = vector.broadcast %add3A_257 : i32 to vector<16xi32>
        %add3A_259 = arith.addi %add3A_256, %add3A_258 : vector<16xi32>
        %add3A_260 = vector.broadcast %mul3A_40 : i32 to vector<16xi32>
        %add3A_261 = arith.addi %add3A_259, %add3A_260 : vector<16xi32>
        %shift_right_logical3A = arith.constant 0 : i32
        %shift_right_logical3A_262 = vector.broadcast %shift_right_logical3A : i32 to vector<16xi32>
        %shift_right_logical3A_263 = arith.shrui %gather3A, %shift_right_logical3A_262 : vector<16xi32>
        %and3A_264 = arith.constant 255 : i32
        %and3A_265 = vector.broadcast %and3A_264 : i32 to vector<16xi32>
        %and3A_266 = arith.andi %shift_right_logical3A_263, %and3A_265 : vector<16xi32>
        %mul3A_267 = arith.constant 16 : i32
        %mul3A_268 = vector.broadcast %mul3A_267 : i32 to vector<16xi32>
        %mul3A_269 = arith.muli %and3A_266, %mul3A_268 : vector<16xi32>
        %add3A_270 = arith.addi %mul3A_269, %iota3A : vector<16xi32>
        %shift_right_logical3A_271 = arith.constant 0 : i32
        %shift_right_logical3A_272 = vector.broadcast %shift_right_logical3A_271 : i32 to vector<16xi32>
        %shift_right_logical3A_273 = arith.shrui %gather3A_209, %shift_right_logical3A_272 : vector<16xi32>
        %and3A_274 = arith.constant 255 : i32
        %and3A_275 = vector.broadcast %and3A_274 : i32 to vector<16xi32>
        %and3A_276 = arith.andi %shift_right_logical3A_273, %and3A_275 : vector<16xi32>
        %mul3A_277 = arith.constant 16 : i32
        %mul3A_278 = vector.broadcast %mul3A_277 : i32 to vector<16xi32>
        %mul3A_279 = arith.muli %and3A_276, %mul3A_278 : vector<16xi32>
        %add3A_280 = arith.addi %mul3A_279, %iota3A : vector<16xi32>
        %shift_right_logical3A_281 = arith.constant 0 : i32
        %shift_right_logical3A_282 = vector.broadcast %shift_right_logical3A_281 : i32 to vector<16xi32>
        %shift_right_logical3A_283 = arith.shrui %gather3A_214, %shift_right_logical3A_282 : vector<16xi32>
        %and3A_284 = arith.constant 255 : i32
        %and3A_285 = vector.broadcast %and3A_284 : i32 to vector<16xi32>
        %and3A_286 = arith.andi %shift_right_logical3A_283, %and3A_285 : vector<16xi32>
        %mul3A_287 = arith.constant 16 : i32
        %mul3A_288 = vector.broadcast %mul3A_287 : i32 to vector<16xi32>
        %mul3A_289 = arith.muli %and3A_286, %mul3A_288 : vector<16xi32>
        %add3A_290 = arith.addi %mul3A_289, %iota3A : vector<16xi32>
        %shift_right_logical3A_291 = arith.constant 0 : i32
        %shift_right_logical3A_292 = vector.broadcast %shift_right_logical3A_291 : i32 to vector<16xi32>
        %shift_right_logical3A_293 = arith.shrui %gather3A_217, %shift_right_logical3A_292 : vector<16xi32>
        %and3A_294 = arith.constant 255 : i32
        %and3A_295 = vector.broadcast %and3A_294 : i32 to vector<16xi32>
        %and3A_296 = arith.andi %shift_right_logical3A_293, %and3A_295 : vector<16xi32>
        %mul3A_297 = arith.constant 16 : i32
        %mul3A_298 = vector.broadcast %mul3A_297 : i32 to vector<16xi32>
        %mul3A_299 = arith.muli %and3A_296, %mul3A_298 : vector<16xi32>
        %add3A_300 = arith.addi %mul3A_299, %iota3A : vector<16xi32>
        %shift_right_logical3A_301 = arith.constant 0 : i32
        %shift_right_logical3A_302 = vector.broadcast %shift_right_logical3A_301 : i32 to vector<16xi32>
        %shift_right_logical3A_303 = arith.shrui %gather3A_222, %shift_right_logical3A_302 : vector<16xi32>
        %and3A_304 = arith.constant 255 : i32
        %and3A_305 = vector.broadcast %and3A_304 : i32 to vector<16xi32>
        %and3A_306 = arith.andi %shift_right_logical3A_303, %and3A_305 : vector<16xi32>
        %mul3A_307 = arith.constant 16 : i32
        %mul3A_308 = vector.broadcast %mul3A_307 : i32 to vector<16xi32>
        %mul3A_309 = arith.muli %and3A_306, %mul3A_308 : vector<16xi32>
        %add3A_310 = arith.addi %mul3A_309, %iota3A : vector<16xi32>
        %shift_right_logical3A_311 = arith.constant 0 : i32
        %shift_right_logical3A_312 = vector.broadcast %shift_right_logical3A_311 : i32 to vector<16xi32>
        %shift_right_logical3A_313 = arith.shrui %gather3A_225, %shift_right_logical3A_312 : vector<16xi32>
        %and3A_314 = arith.constant 255 : i32
        %and3A_315 = vector.broadcast %and3A_314 : i32 to vector<16xi32>
        %and3A_316 = arith.andi %shift_right_logical3A_313, %and3A_315 : vector<16xi32>
        %mul3A_317 = arith.constant 16 : i32
        %mul3A_318 = vector.broadcast %mul3A_317 : i32 to vector<16xi32>
        %mul3A_319 = arith.muli %and3A_316, %mul3A_318 : vector<16xi32>
        %add3A_320 = arith.addi %mul3A_319, %iota3A : vector<16xi32>
        %shift_right_logical3A_321 = arith.constant 0 : i32
        %shift_right_logical3A_322 = vector.broadcast %shift_right_logical3A_321 : i32 to vector<16xi32>
        %shift_right_logical3A_323 = arith.shrui %gather3A_230, %shift_right_logical3A_322 : vector<16xi32>
        %and3A_324 = arith.constant 255 : i32
        %and3A_325 = vector.broadcast %and3A_324 : i32 to vector<16xi32>
        %and3A_326 = arith.andi %shift_right_logical3A_323, %and3A_325 : vector<16xi32>
        %mul3A_327 = arith.constant 16 : i32
        %mul3A_328 = vector.broadcast %mul3A_327 : i32 to vector<16xi32>
        %mul3A_329 = arith.muli %and3A_326, %mul3A_328 : vector<16xi32>
        %add3A_330 = arith.addi %mul3A_329, %iota3A : vector<16xi32>
        %shift_right_logical3A_331 = arith.constant 0 : i32
        %shift_right_logical3A_332 = vector.broadcast %shift_right_logical3A_331 : i32 to vector<16xi32>
        %shift_right_logical3A_333 = arith.shrui %gather3A_233, %shift_right_logical3A_332 : vector<16xi32>
        %and3A_334 = arith.constant 255 : i32
        %and3A_335 = vector.broadcast %and3A_334 : i32 to vector<16xi32>
        %and3A_336 = arith.andi %shift_right_logical3A_333, %and3A_335 : vector<16xi32>
        %mul3A_337 = arith.constant 16 : i32
        %mul3A_338 = vector.broadcast %mul3A_337 : i32 to vector<16xi32>
        %mul3A_339 = arith.muli %and3A_336, %mul3A_338 : vector<16xi32>
        %add3A_340 = arith.addi %mul3A_339, %iota3A : vector<16xi32>
        %gather3A_341 = tpu.vector_load_idx %arg16[%add3A_270] : memref<4096xi32, #tpu.memory_space<vmem>>[vector<16xi32>], vector<16xi32>,
        %gather3A_342 = tpu.vector_load_idx %arg16[%add3A_290] : memref<4096xi32, #tpu.memory_space<vmem>>[vector<16xi32>], vector<16xi32>,
        %gather3A_343 = tpu.vector_load_idx %arg16[%add3A_310] : memref<4096xi32, #tpu.memory_space<vmem>>[vector<16xi32>], vector<16xi32>,
        %gather3A_344 = tpu.vector_load_idx %arg16[%add3A_330] : memref<4096xi32, #tpu.memory_space<vmem>>[vector<16xi32>], vector<16xi32>,
        %gather3A_345 = tpu.vector_load_idx %arg17[%add3A_280] : memref<4096xi32, #tpu.memory_space<vmem>>[vector<16xi32>], vector<16xi32>,
        %gather3A_346 = tpu.vector_load_idx %arg17[%add3A_300] : memref<4096xi32, #tpu.memory_space<vmem>>[vector<16xi32>], vector<16xi32>,
        %gather3A_347 = tpu.vector_load_idx %arg17[%add3A_320] : memref<4096xi32, #tpu.memory_space<vmem>>[vector<16xi32>], vector<16xi32>,
        %gather3A_348 = tpu.vector_load_idx %arg17[%add3A_340] : memref<4096xi32, #tpu.memory_space<vmem>>[vector<16xi32>], vector<16xi32>,
        %eq3A = arith.cmpi eq, %add3A_290, %add3A_270 : vector<16xi32>
        %convert_element_type3A = arith.extui %eq3A : vector<16xi1> to vector<16xi32>
        %eq3A_349 = arith.cmpi eq, %add3A_300, %add3A_280 : vector<16xi32>
        %convert_element_type3A_350 = arith.extui %eq3A_349 : vector<16xi1> to vector<16xi32>
        %add3A_351 = arith.addi %gather3A_342, %convert_element_type3A : vector<16xi32>
        %add3A_352 = arith.addi %gather3A_346, %convert_element_type3A_350 : vector<16xi32>
        %eq3A_353 = arith.cmpi eq, %add3A_310, %add3A_270 : vector<16xi32>
        %convert_element_type3A_354 = arith.extui %eq3A_353 : vector<16xi1> to vector<16xi32>
        %eq3A_355 = arith.cmpi eq, %add3A_320, %add3A_280 : vector<16xi32>
        %convert_element_type3A_356 = arith.extui %eq3A_355 : vector<16xi1> to vector<16xi32>
        %eq3A_357 = arith.cmpi eq, %add3A_310, %add3A_290 : vector<16xi32>
        %convert_element_type3A_358 = arith.extui %eq3A_357 : vector<16xi1> to vector<16xi32>
        %add3A_359 = arith.addi %convert_element_type3A_354, %convert_element_type3A_358 : vector<16xi32>
        %eq3A_360 = arith.cmpi eq, %add3A_320, %add3A_300 : vector<16xi32>
        %convert_element_type3A_361 = arith.extui %eq3A_360 : vector<16xi1> to vector<16xi32>
        %add3A_362 = arith.addi %convert_element_type3A_356, %convert_element_type3A_361 : vector<16xi32>
        %add3A_363 = arith.addi %gather3A_343, %add3A_359 : vector<16xi32>
        %add3A_364 = arith.addi %gather3A_347, %add3A_362 : vector<16xi32>
        %eq3A_365 = arith.cmpi eq, %add3A_330, %add3A_270 : vector<16xi32>
        %convert_element_type3A_366 = arith.extui %eq3A_365 : vector<16xi1> to vector<16xi32>
        %eq3A_367 = arith.cmpi eq, %add3A_340, %add3A_280 : vector<16xi32>
        %convert_element_type3A_368 = arith.extui %eq3A_367 : vector<16xi1> to vector<16xi32>
        %eq3A_369 = arith.cmpi eq, %add3A_330, %add3A_290 : vector<16xi32>
        %convert_element_type3A_370 = arith.extui %eq3A_369 : vector<16xi1> to vector<16xi32>
        %add3A_371 = arith.addi %convert_element_type3A_366, %convert_element_type3A_370 : vector<16xi32>
        %eq3A_372 = arith.cmpi eq, %add3A_340, %add3A_300 : vector<16xi32>
        %convert_element_type3A_373 = arith.extui %eq3A_372 : vector<16xi1> to vector<16xi32>
        %add3A_374 = arith.addi %convert_element_type3A_368, %convert_element_type3A_373 : vector<16xi32>
        %eq3A_375 = arith.cmpi eq, %add3A_330, %add3A_310 : vector<16xi32>
        %convert_element_type3A_376 = arith.extui %eq3A_375 : vector<16xi1> to vector<16xi32>
        %add3A_377 = arith.addi %add3A_371, %convert_element_type3A_376 : vector<16xi32>
        %eq3A_378 = arith.cmpi eq, %add3A_340, %add3A_320 : vector<16xi32>
        %convert_element_type3A_379 = arith.extui %eq3A_378 : vector<16xi1> to vector<16xi32>
        %add3A_380 = arith.addi %add3A_374, %convert_element_type3A_379 : vector<16xi32>
        %add3A_381 = arith.addi %gather3A_344, %add3A_377 : vector<16xi32>
        %add3A_382 = arith.addi %gather3A_348, %add3A_380 : vector<16xi32>
        %and3A_383 = arith.constant 255 : i32
        %and3A_384 = vector.broadcast %and3A_383 : i32 to vector<16xi32>
        %and3A_385 = arith.andi %gather3A_341, %and3A_384 : vector<16xi32>
        %shift_left3A = arith.constant 4 : i32
        %shift_left3A_386 = vector.broadcast %shift_left3A : i32 to vector<16xi32>
        %shift_left3A_387 = arith.shli %and3A_385, %shift_left3A_386 : vector<16xi32>
        %shift_right_logical3A_388 = arith.constant 8 : i32
        %shift_right_logical3A_389 = vector.broadcast %shift_right_logical3A_388 : i32 to vector<16xi32>
        %shift_right_logical3A_390 = arith.shrui %gather3A_341, %shift_right_logical3A_389 : vector<16xi32>
        %or3A = arith.ori %shift_left3A_387, %shift_right_logical3A_390 : vector<16xi32>
        %and3A_391 = arith.constant 255 : i32
        %and3A_392 = vector.broadcast %and3A_391 : i32 to vector<16xi32>
        %and3A_393 = arith.andi %gather3A_345, %and3A_392 : vector<16xi32>
        %shift_left3A_394 = arith.constant 4 : i32
        %shift_left3A_395 = vector.broadcast %shift_left3A_394 : i32 to vector<16xi32>
        %shift_left3A_396 = arith.shli %and3A_393, %shift_left3A_395 : vector<16xi32>
        %shift_right_logical3A_397 = arith.constant 8 : i32
        %shift_right_logical3A_398 = vector.broadcast %shift_right_logical3A_397 : i32 to vector<16xi32>
        %shift_right_logical3A_399 = arith.shrui %gather3A_345, %shift_right_logical3A_398 : vector<16xi32>
        %or3A_400 = arith.ori %shift_left3A_396, %shift_right_logical3A_399 : vector<16xi32>
        tpu.vector_store_idx %arg7[%or3A], %gather3A : memref<4096xi32, #tpu.memory_space<vmem>>[vector<16xi32>], vector<16xi32>,
        tpu.vector_store_idx %arg11[%or3A_400], %gather3A_209 : memref<4096xi32, #tpu.memory_space<vmem>>[vector<16xi32>], vector<16xi32>,
        tpu.vector_store_idx %arg9[%or3A], %add3A_240 : memref<4096xi32, #tpu.memory_space<vmem>>[vector<16xi32>], vector<16xi32>,
        tpu.vector_store_idx %arg13[%or3A_400], %add3A_240 : memref<4096xi32, #tpu.memory_space<vmem>>[vector<16xi32>], vector<16xi32>,
        %and3A_401 = arith.constant 255 : i32
        %and3A_402 = vector.broadcast %and3A_401 : i32 to vector<16xi32>
        %and3A_403 = arith.andi %add3A_351, %and3A_402 : vector<16xi32>
        %shift_left3A_404 = arith.constant 4 : i32
        %shift_left3A_405 = vector.broadcast %shift_left3A_404 : i32 to vector<16xi32>
        %shift_left3A_406 = arith.shli %and3A_403, %shift_left3A_405 : vector<16xi32>
        %shift_right_logical3A_407 = arith.constant 8 : i32
        %shift_right_logical3A_408 = vector.broadcast %shift_right_logical3A_407 : i32 to vector<16xi32>
        %shift_right_logical3A_409 = arith.shrui %add3A_351, %shift_right_logical3A_408 : vector<16xi32>
        %or3A_410 = arith.ori %shift_left3A_406, %shift_right_logical3A_409 : vector<16xi32>
        %and3A_411 = arith.constant 255 : i32
        %and3A_412 = vector.broadcast %and3A_411 : i32 to vector<16xi32>
        %and3A_413 = arith.andi %add3A_352, %and3A_412 : vector<16xi32>
        %shift_left3A_414 = arith.constant 4 : i32
        %shift_left3A_415 = vector.broadcast %shift_left3A_414 : i32 to vector<16xi32>
        %shift_left3A_416 = arith.shli %and3A_413, %shift_left3A_415 : vector<16xi32>
        %shift_right_logical3A_417 = arith.constant 8 : i32
        %shift_right_logical3A_418 = vector.broadcast %shift_right_logical3A_417 : i32 to vector<16xi32>
        %shift_right_logical3A_419 = arith.shrui %add3A_352, %shift_right_logical3A_418 : vector<16xi32>
        %or3A_420 = arith.ori %shift_left3A_416, %shift_right_logical3A_419 : vector<16xi32>
        tpu.vector_store_idx %arg7[%or3A_410], %gather3A_214 : memref<4096xi32, #tpu.memory_space<vmem>>[vector<16xi32>], vector<16xi32>,
        tpu.vector_store_idx %arg11[%or3A_420], %gather3A_217 : memref<4096xi32, #tpu.memory_space<vmem>>[vector<16xi32>], vector<16xi32>,
        tpu.vector_store_idx %arg9[%or3A_410], %add3A_247 : memref<4096xi32, #tpu.memory_space<vmem>>[vector<16xi32>], vector<16xi32>,
        tpu.vector_store_idx %arg13[%or3A_420], %add3A_247 : memref<4096xi32, #tpu.memory_space<vmem>>[vector<16xi32>], vector<16xi32>,
        %and3A_421 = arith.constant 255 : i32
        %and3A_422 = vector.broadcast %and3A_421 : i32 to vector<16xi32>
        %and3A_423 = arith.andi %add3A_363, %and3A_422 : vector<16xi32>
        %shift_left3A_424 = arith.constant 4 : i32
        %shift_left3A_425 = vector.broadcast %shift_left3A_424 : i32 to vector<16xi32>
        %shift_left3A_426 = arith.shli %and3A_423, %shift_left3A_425 : vector<16xi32>
        %shift_right_logical3A_427 = arith.constant 8 : i32
        %shift_right_logical3A_428 = vector.broadcast %shift_right_logical3A_427 : i32 to vector<16xi32>
        %shift_right_logical3A_429 = arith.shrui %add3A_363, %shift_right_logical3A_428 : vector<16xi32>
        %or3A_430 = arith.ori %shift_left3A_426, %shift_right_logical3A_429 : vector<16xi32>
        %and3A_431 = arith.constant 255 : i32
        %and3A_432 = vector.broadcast %and3A_431 : i32 to vector<16xi32>
        %and3A_433 = arith.andi %add3A_364, %and3A_432 : vector<16xi32>
        %shift_left3A_434 = arith.constant 4 : i32
        %shift_left3A_435 = vector.broadcast %shift_left3A_434 : i32 to vector<16xi32>
        %shift_left3A_436 = arith.shli %and3A_433, %shift_left3A_435 : vector<16xi32>
        %shift_right_logical3A_437 = arith.constant 8 : i32
        %shift_right_logical3A_438 = vector.broadcast %shift_right_logical3A_437 : i32 to vector<16xi32>
        %shift_right_logical3A_439 = arith.shrui %add3A_364, %shift_right_logical3A_438 : vector<16xi32>
        %or3A_440 = arith.ori %shift_left3A_436, %shift_right_logical3A_439 : vector<16xi32>
        tpu.vector_store_idx %arg7[%or3A_430], %gather3A_222 : memref<4096xi32, #tpu.memory_space<vmem>>[vector<16xi32>], vector<16xi32>,
        tpu.vector_store_idx %arg11[%or3A_440], %gather3A_225 : memref<4096xi32, #tpu.memory_space<vmem>>[vector<16xi32>], vector<16xi32>,
        tpu.vector_store_idx %arg9[%or3A_430], %add3A_254 : memref<4096xi32, #tpu.memory_space<vmem>>[vector<16xi32>], vector<16xi32>,
        tpu.vector_store_idx %arg13[%or3A_440], %add3A_254 : memref<4096xi32, #tpu.memory_space<vmem>>[vector<16xi32>], vector<16xi32>,
        %and3A_441 = arith.constant 255 : i32
        %and3A_442 = vector.broadcast %and3A_441 : i32 to vector<16xi32>
        %and3A_443 = arith.andi %add3A_381, %and3A_442 : vector<16xi32>
        %shift_left3A_444 = arith.constant 4 : i32
        %shift_left3A_445 = vector.broadcast %shift_left3A_444 : i32 to vector<16xi32>
        %shift_left3A_446 = arith.shli %and3A_443, %shift_left3A_445 : vector<16xi32>
        %shift_right_logical3A_447 = arith.constant 8 : i32
        %shift_right_logical3A_448 = vector.broadcast %shift_right_logical3A_447 : i32 to vector<16xi32>
        %shift_right_logical3A_449 = arith.shrui %add3A_381, %shift_right_logical3A_448 : vector<16xi32>
        %or3A_450 = arith.ori %shift_left3A_446, %shift_right_logical3A_449 : vector<16xi32>
        %and3A_451 = arith.constant 255 : i32
        %and3A_452 = vector.broadcast %and3A_451 : i32 to vector<16xi32>
        %and3A_453 = arith.andi %add3A_382, %and3A_452 : vector<16xi32>
        %shift_left3A_454 = arith.constant 4 : i32
        %shift_left3A_455 = vector.broadcast %shift_left3A_454 : i32 to vector<16xi32>
        %shift_left3A_456 = arith.shli %and3A_453, %shift_left3A_455 : vector<16xi32>
        %shift_right_logical3A_457 = arith.constant 8 : i32
        %shift_right_logical3A_458 = vector.broadcast %shift_right_logical3A_457 : i32 to vector<16xi32>
        %shift_right_logical3A_459 = arith.shrui %add3A_382, %shift_right_logical3A_458 : vector<16xi32>
        %or3A_460 = arith.ori %shift_left3A_456, %shift_right_logical3A_459 : vector<16xi32>
        tpu.vector_store_idx %arg7[%or3A_450], %gather3A_230 : memref<4096xi32, #tpu.memory_space<vmem>>[vector<16xi32>], vector<16xi32>,
        tpu.vector_store_idx %arg11[%or3A_460], %gather3A_233 : memref<4096xi32, #tpu.memory_space<vmem>>[vector<16xi32>], vector<16xi32>,
        tpu.vector_store_idx %arg9[%or3A_450], %add3A_261 : memref<4096xi32, #tpu.memory_space<vmem>>[vector<16xi32>], vector<16xi32>,
        tpu.vector_store_idx %arg13[%or3A_460], %add3A_261 : memref<4096xi32, #tpu.memory_space<vmem>>[vector<16xi32>], vector<16xi32>,
        tpu.vector_store_idx %arg16[%add3A_270], %broadcast_in_dim3A_1 {add = true} : memref<4096xi32, #tpu.memory_space<vmem>>[vector<16xi32>], vector<16xi32>,
        tpu.vector_store_idx %arg17[%add3A_280], %broadcast_in_dim3A_1 {add = true} : memref<4096xi32, #tpu.memory_space<vmem>>[vector<16xi32>], vector<16xi32>,
        tpu.vector_store_idx %arg16[%add3A_290], %broadcast_in_dim3A_1 {add = true} : memref<4096xi32, #tpu.memory_space<vmem>>[vector<16xi32>], vector<16xi32>,
        tpu.vector_store_idx %arg17[%add3A_300], %broadcast_in_dim3A_1 {add = true} : memref<4096xi32, #tpu.memory_space<vmem>>[vector<16xi32>], vector<16xi32>,
        tpu.vector_store_idx %arg16[%add3A_310], %broadcast_in_dim3A_1 {add = true} : memref<4096xi32, #tpu.memory_space<vmem>>[vector<16xi32>], vector<16xi32>,
        tpu.vector_store_idx %arg17[%add3A_320], %broadcast_in_dim3A_1 {add = true} : memref<4096xi32, #tpu.memory_space<vmem>>[vector<16xi32>], vector<16xi32>,
        tpu.vector_store_idx %arg16[%add3A_330], %broadcast_in_dim3A_1 {add = true} : memref<4096xi32, #tpu.memory_space<vmem>>[vector<16xi32>], vector<16xi32>,
        tpu.vector_store_idx %arg17[%add3A_340], %broadcast_in_dim3A_1 {add = true} : memref<4096xi32, #tpu.memory_space<vmem>>[vector<16xi32>], vector<16xi32>,
      }
      %scan3A_90 = arith.constant 64 : i32
      %scan3A_91 = arith.constant 0 : i32
      %scan3A_92 = arith.constant 0 : i32
      %scan3A_93 = arith.constant 256 : i32
      %scan3A_94 = arith.addi %scan3A_92, %scan3A_93 : i32
      %scan3A_95 = arith.constant 4 : i32
      scf.for %scan3A_200 = %scan3A_92 to %scan3A_94 step %scan3A_95  : i32 {
        %mul3A_201 = arith.constant 16 : i32
        %mul3A_202 = arith.muli %scan3A_200, %mul3A_201 : i32
        %swap3A_203 = arith.index_cast %mul3A_202 : i32 to index
        %swap3A_204 = tpu.vector_load %arg16[%swap3A_203] {strides = array<i32>} : memref<4096xi32, #tpu.memory_space<vmem>>, vector<16xi32>,
        tpu.vector_store %arg16[%swap3A_203], %broadcast_in_dim3A_3 {strides = array<i32>} : memref<4096xi32, #tpu.memory_space<vmem>>, vector<16xi32>,
        %mul3A_205 = arith.constant 16 : i32
        %mul3A_206 = arith.muli %scan3A_200, %mul3A_205 : i32
        %swap3A_207 = arith.index_cast %mul3A_206 : i32 to index
        %swap3A_208 = tpu.vector_load %arg17[%swap3A_207] {strides = array<i32>} : memref<4096xi32, #tpu.memory_space<vmem>>, vector<16xi32>,
        tpu.vector_store %arg17[%swap3A_207], %broadcast_in_dim3A_3 {strides = array<i32>} : memref<4096xi32, #tpu.memory_space<vmem>>, vector<16xi32>,
        %scan3A_209 = arith.constant 1 : i32
        %scan3A_210 = arith.addi %scan3A_200, %scan3A_209 : i32
        %mul3A_211 = arith.constant 16 : i32
        %mul3A_212 = arith.muli %scan3A_210, %mul3A_211 : i32
        %swap3A_213 = arith.index_cast %mul3A_212 : i32 to index
        %swap3A_214 = tpu.vector_load %arg16[%swap3A_213] {strides = array<i32>} : memref<4096xi32, #tpu.memory_space<vmem>>, vector<16xi32>,
        tpu.vector_store %arg16[%swap3A_213], %broadcast_in_dim3A_3 {strides = array<i32>} : memref<4096xi32, #tpu.memory_space<vmem>>, vector<16xi32>,
        %mul3A_215 = arith.constant 16 : i32
        %mul3A_216 = arith.muli %scan3A_210, %mul3A_215 : i32
        %swap3A_217 = arith.index_cast %mul3A_216 : i32 to index
        %swap3A_218 = tpu.vector_load %arg17[%swap3A_217] {strides = array<i32>} : memref<4096xi32, #tpu.memory_space<vmem>>, vector<16xi32>,
        tpu.vector_store %arg17[%swap3A_217], %broadcast_in_dim3A_3 {strides = array<i32>} : memref<4096xi32, #tpu.memory_space<vmem>>, vector<16xi32>,
        %scan3A_219 = arith.constant 2 : i32
        %scan3A_220 = arith.addi %scan3A_200, %scan3A_219 : i32
        %mul3A_221 = arith.constant 16 : i32
        %mul3A_222 = arith.muli %scan3A_220, %mul3A_221 : i32
        %swap3A_223 = arith.index_cast %mul3A_222 : i32 to index
        %swap3A_224 = tpu.vector_load %arg16[%swap3A_223] {strides = array<i32>} : memref<4096xi32, #tpu.memory_space<vmem>>, vector<16xi32>,
        tpu.vector_store %arg16[%swap3A_223], %broadcast_in_dim3A_3 {strides = array<i32>} : memref<4096xi32, #tpu.memory_space<vmem>>, vector<16xi32>,
        %mul3A_225 = arith.constant 16 : i32
        %mul3A_226 = arith.muli %scan3A_220, %mul3A_225 : i32
        %swap3A_227 = arith.index_cast %mul3A_226 : i32 to index
        %swap3A_228 = tpu.vector_load %arg17[%swap3A_227] {strides = array<i32>} : memref<4096xi32, #tpu.memory_space<vmem>>, vector<16xi32>,
        tpu.vector_store %arg17[%swap3A_227], %broadcast_in_dim3A_3 {strides = array<i32>} : memref<4096xi32, #tpu.memory_space<vmem>>, vector<16xi32>,
        %scan3A_229 = arith.constant 3 : i32
        %scan3A_230 = arith.addi %scan3A_200, %scan3A_229 : i32
        %mul3A_231 = arith.constant 16 : i32
        %mul3A_232 = arith.muli %scan3A_230, %mul3A_231 : i32
        %swap3A_233 = arith.index_cast %mul3A_232 : i32 to index
        %swap3A_234 = tpu.vector_load %arg16[%swap3A_233] {strides = array<i32>} : memref<4096xi32, #tpu.memory_space<vmem>>, vector<16xi32>,
        tpu.vector_store %arg16[%swap3A_233], %broadcast_in_dim3A_3 {strides = array<i32>} : memref<4096xi32, #tpu.memory_space<vmem>>, vector<16xi32>,
        %mul3A_235 = arith.constant 16 : i32
        %mul3A_236 = arith.muli %scan3A_230, %mul3A_235 : i32
        %swap3A_237 = arith.index_cast %mul3A_236 : i32 to index
        %swap3A_238 = tpu.vector_load %arg17[%swap3A_237] {strides = array<i32>} : memref<4096xi32, #tpu.memory_space<vmem>>, vector<16xi32>,
        tpu.vector_store %arg17[%swap3A_237], %broadcast_in_dim3A_3 {strides = array<i32>} : memref<4096xi32, #tpu.memory_space<vmem>>, vector<16xi32>,
      }
      %scan3A_96 = arith.constant 256 : i32
      %scan3A_97 = arith.constant 0 : i32
      %scan3A_98 = arith.constant 0 : i32
      %scan3A_99 = arith.constant 32 : i32
      %scan3A_100 = arith.addi %scan3A_98, %scan3A_99 : i32
      %scan3A_101 = arith.constant 1 : i32
      scf.for %scan3A_200 = %scan3A_98 to %scan3A_100 step %scan3A_101  : i32 {
        %mul3A_201 = arith.constant 8 : i32
        %mul3A_202 = arith.muli %scan3A_200, %mul3A_201 : i32
        %add3A_203 = arith.constant 0 : i32
        %add3A_204 = arith.addi %mul3A_202, %add3A_203 : i32
        %mul3A_205 = arith.constant 16 : i32
        %mul3A_206 = arith.muli %add3A_204, %mul3A_205 : i32
        %get3A = arith.index_cast %mul3A_206 : i32 to index
        %get3A_207 = tpu.vector_load %arg7[%get3A] {strides = array<i32>} : memref<4096xi32, #tpu.memory_space<vmem>>, vector<16xi32>,
        %mul3A_208 = arith.constant 16 : i32
        %mul3A_209 = arith.muli %add3A_204, %mul3A_208 : i32
        %get3A_210 = arith.index_cast %mul3A_209 : i32 to index
        %get3A_211 = tpu.vector_load %arg11[%get3A_210] {strides = array<i32>} : memref<4096xi32, #tpu.memory_space<vmem>>, vector<16xi32>,
        %add3A_212 = arith.constant 1 : i32
        %add3A_213 = arith.addi %mul3A_202, %add3A_212 : i32
        %mul3A_214 = arith.constant 16 : i32
        %mul3A_215 = arith.muli %add3A_213, %mul3A_214 : i32
        %get3A_216 = arith.index_cast %mul3A_215 : i32 to index
        %get3A_217 = tpu.vector_load %arg7[%get3A_216] {strides = array<i32>} : memref<4096xi32, #tpu.memory_space<vmem>>, vector<16xi32>,
        %mul3A_218 = arith.constant 16 : i32
        %mul3A_219 = arith.muli %add3A_213, %mul3A_218 : i32
        %get3A_220 = arith.index_cast %mul3A_219 : i32 to index
        %get3A_221 = tpu.vector_load %arg11[%get3A_220] {strides = array<i32>} : memref<4096xi32, #tpu.memory_space<vmem>>, vector<16xi32>,
        %add3A_222 = arith.constant 2 : i32
        %add3A_223 = arith.addi %mul3A_202, %add3A_222 : i32
        %mul3A_224 = arith.constant 16 : i32
        %mul3A_225 = arith.muli %add3A_223, %mul3A_224 : i32
        %get3A_226 = arith.index_cast %mul3A_225 : i32 to index
        %get3A_227 = tpu.vector_load %arg7[%get3A_226] {strides = array<i32>} : memref<4096xi32, #tpu.memory_space<vmem>>, vector<16xi32>,
        %mul3A_228 = arith.constant 16 : i32
        %mul3A_229 = arith.muli %add3A_223, %mul3A_228 : i32
        %get3A_230 = arith.index_cast %mul3A_229 : i32 to index
        %get3A_231 = tpu.vector_load %arg11[%get3A_230] {strides = array<i32>} : memref<4096xi32, #tpu.memory_space<vmem>>, vector<16xi32>,
        %add3A_232 = arith.constant 3 : i32
        %add3A_233 = arith.addi %mul3A_202, %add3A_232 : i32
        %mul3A_234 = arith.constant 16 : i32
        %mul3A_235 = arith.muli %add3A_233, %mul3A_234 : i32
        %get3A_236 = arith.index_cast %mul3A_235 : i32 to index
        %get3A_237 = tpu.vector_load %arg7[%get3A_236] {strides = array<i32>} : memref<4096xi32, #tpu.memory_space<vmem>>, vector<16xi32>,
        %mul3A_238 = arith.constant 16 : i32
        %mul3A_239 = arith.muli %add3A_233, %mul3A_238 : i32
        %get3A_240 = arith.index_cast %mul3A_239 : i32 to index
        %get3A_241 = tpu.vector_load %arg11[%get3A_240] {strides = array<i32>} : memref<4096xi32, #tpu.memory_space<vmem>>, vector<16xi32>,
        %add3A_242 = arith.constant 4 : i32
        %add3A_243 = arith.addi %mul3A_202, %add3A_242 : i32
        %mul3A_244 = arith.constant 16 : i32
        %mul3A_245 = arith.muli %add3A_243, %mul3A_244 : i32
        %get3A_246 = arith.index_cast %mul3A_245 : i32 to index
        %get3A_247 = tpu.vector_load %arg7[%get3A_246] {strides = array<i32>} : memref<4096xi32, #tpu.memory_space<vmem>>, vector<16xi32>,
        %mul3A_248 = arith.constant 16 : i32
        %mul3A_249 = arith.muli %add3A_243, %mul3A_248 : i32
        %get3A_250 = arith.index_cast %mul3A_249 : i32 to index
        %get3A_251 = tpu.vector_load %arg11[%get3A_250] {strides = array<i32>} : memref<4096xi32, #tpu.memory_space<vmem>>, vector<16xi32>,
        %add3A_252 = arith.constant 5 : i32
        %add3A_253 = arith.addi %mul3A_202, %add3A_252 : i32
        %mul3A_254 = arith.constant 16 : i32
        %mul3A_255 = arith.muli %add3A_253, %mul3A_254 : i32
        %get3A_256 = arith.index_cast %mul3A_255 : i32 to index
        %get3A_257 = tpu.vector_load %arg7[%get3A_256] {strides = array<i32>} : memref<4096xi32, #tpu.memory_space<vmem>>, vector<16xi32>,
        %mul3A_258 = arith.constant 16 : i32
        %mul3A_259 = arith.muli %add3A_253, %mul3A_258 : i32
        %get3A_260 = arith.index_cast %mul3A_259 : i32 to index
        %get3A_261 = tpu.vector_load %arg11[%get3A_260] {strides = array<i32>} : memref<4096xi32, #tpu.memory_space<vmem>>, vector<16xi32>,
        %add3A_262 = arith.constant 6 : i32
        %add3A_263 = arith.addi %mul3A_202, %add3A_262 : i32
        %mul3A_264 = arith.constant 16 : i32
        %mul3A_265 = arith.muli %add3A_263, %mul3A_264 : i32
        %get3A_266 = arith.index_cast %mul3A_265 : i32 to index
        %get3A_267 = tpu.vector_load %arg7[%get3A_266] {strides = array<i32>} : memref<4096xi32, #tpu.memory_space<vmem>>, vector<16xi32>,
        %mul3A_268 = arith.constant 16 : i32
        %mul3A_269 = arith.muli %add3A_263, %mul3A_268 : i32
        %get3A_270 = arith.index_cast %mul3A_269 : i32 to index
        %get3A_271 = tpu.vector_load %arg11[%get3A_270] {strides = array<i32>} : memref<4096xi32, #tpu.memory_space<vmem>>, vector<16xi32>,
        %add3A_272 = arith.constant 7 : i32
        %add3A_273 = arith.addi %mul3A_202, %add3A_272 : i32
        %mul3A_274 = arith.constant 16 : i32
        %mul3A_275 = arith.muli %add3A_273, %mul3A_274 : i32
        %get3A_276 = arith.index_cast %mul3A_275 : i32 to index
        %get3A_277 = tpu.vector_load %arg7[%get3A_276] {strides = array<i32>} : memref<4096xi32, #tpu.memory_space<vmem>>, vector<16xi32>,
        %mul3A_278 = arith.constant 16 : i32
        %mul3A_279 = arith.muli %add3A_273, %mul3A_278 : i32
        %get3A_280 = arith.index_cast %mul3A_279 : i32 to index
        %get3A_281 = tpu.vector_load %arg11[%get3A_280] {strides = array<i32>} : memref<4096xi32, #tpu.memory_space<vmem>>, vector<16xi32>,
        %shift_right_logical3A = arith.constant 8 : i32
        %shift_right_logical3A_282 = vector.broadcast %shift_right_logical3A : i32 to vector<16xi32>
        %shift_right_logical3A_283 = arith.shrui %get3A_207, %shift_right_logical3A_282 : vector<16xi32>
        %and3A_284 = arith.constant 255 : i32
        %and3A_285 = vector.broadcast %and3A_284 : i32 to vector<16xi32>
        %and3A_286 = arith.andi %shift_right_logical3A_283, %and3A_285 : vector<16xi32>
        %shift_right_logical3A_287 = arith.constant 8 : i32
        %shift_right_logical3A_288 = vector.broadcast %shift_right_logical3A_287 : i32 to vector<16xi32>
        %shift_right_logical3A_289 = arith.shrui %get3A_211, %shift_right_logical3A_288 : vector<16xi32>
        %and3A_290 = arith.constant 255 : i32
        %and3A_291 = vector.broadcast %and3A_290 : i32 to vector<16xi32>
        %and3A_292 = arith.andi %shift_right_logical3A_289, %and3A_291 : vector<16xi32>
        %mul3A_293 = arith.constant 16 : i32
        %mul3A_294 = vector.broadcast %mul3A_293 : i32 to vector<16xi32>
        %mul3A_295 = arith.muli %and3A_286, %mul3A_294 : vector<16xi32>
        %add3A_296 = arith.addi %mul3A_295, %iota3A : vector<16xi32>
        tpu.vector_store_idx %arg16[%add3A_296], %broadcast_in_dim3A_1 {add = true} : memref<4096xi32, #tpu.memory_space<vmem>>[vector<16xi32>], vector<16xi32>,
        %mul3A_297 = arith.constant 16 : i32
        %mul3A_298 = vector.broadcast %mul3A_297 : i32 to vector<16xi32>
        %mul3A_299 = arith.muli %and3A_292, %mul3A_298 : vector<16xi32>
        %add3A_300 = arith.addi %mul3A_299, %iota3A : vector<16xi32>
        tpu.vector_store_idx %arg17[%add3A_300], %broadcast_in_dim3A_1 {add = true} : memref<4096xi32, #tpu.memory_space<vmem>>[vector<16xi32>], vector<16xi32>,
        %shift_right_logical3A_301 = arith.constant 8 : i32
        %shift_right_logical3A_302 = vector.broadcast %shift_right_logical3A_301 : i32 to vector<16xi32>
        %shift_right_logical3A_303 = arith.shrui %get3A_217, %shift_right_logical3A_302 : vector<16xi32>
        %and3A_304 = arith.constant 255 : i32
        %and3A_305 = vector.broadcast %and3A_304 : i32 to vector<16xi32>
        %and3A_306 = arith.andi %shift_right_logical3A_303, %and3A_305 : vector<16xi32>
        %shift_right_logical3A_307 = arith.constant 8 : i32
        %shift_right_logical3A_308 = vector.broadcast %shift_right_logical3A_307 : i32 to vector<16xi32>
        %shift_right_logical3A_309 = arith.shrui %get3A_221, %shift_right_logical3A_308 : vector<16xi32>
        %and3A_310 = arith.constant 255 : i32
        %and3A_311 = vector.broadcast %and3A_310 : i32 to vector<16xi32>
        %and3A_312 = arith.andi %shift_right_logical3A_309, %and3A_311 : vector<16xi32>
        %mul3A_313 = arith.constant 16 : i32
        %mul3A_314 = vector.broadcast %mul3A_313 : i32 to vector<16xi32>
        %mul3A_315 = arith.muli %and3A_306, %mul3A_314 : vector<16xi32>
        %add3A_316 = arith.addi %mul3A_315, %iota3A : vector<16xi32>
        tpu.vector_store_idx %arg16[%add3A_316], %broadcast_in_dim3A_1 {add = true} : memref<4096xi32, #tpu.memory_space<vmem>>[vector<16xi32>], vector<16xi32>,
        %mul3A_317 = arith.constant 16 : i32
        %mul3A_318 = vector.broadcast %mul3A_317 : i32 to vector<16xi32>
        %mul3A_319 = arith.muli %and3A_312, %mul3A_318 : vector<16xi32>
        %add3A_320 = arith.addi %mul3A_319, %iota3A : vector<16xi32>
        tpu.vector_store_idx %arg17[%add3A_320], %broadcast_in_dim3A_1 {add = true} : memref<4096xi32, #tpu.memory_space<vmem>>[vector<16xi32>], vector<16xi32>,
        %shift_right_logical3A_321 = arith.constant 8 : i32
        %shift_right_logical3A_322 = vector.broadcast %shift_right_logical3A_321 : i32 to vector<16xi32>
        %shift_right_logical3A_323 = arith.shrui %get3A_227, %shift_right_logical3A_322 : vector<16xi32>
        %and3A_324 = arith.constant 255 : i32
        %and3A_325 = vector.broadcast %and3A_324 : i32 to vector<16xi32>
        %and3A_326 = arith.andi %shift_right_logical3A_323, %and3A_325 : vector<16xi32>
        %shift_right_logical3A_327 = arith.constant 8 : i32
        %shift_right_logical3A_328 = vector.broadcast %shift_right_logical3A_327 : i32 to vector<16xi32>
        %shift_right_logical3A_329 = arith.shrui %get3A_231, %shift_right_logical3A_328 : vector<16xi32>
        %and3A_330 = arith.constant 255 : i32
        %and3A_331 = vector.broadcast %and3A_330 : i32 to vector<16xi32>
        %and3A_332 = arith.andi %shift_right_logical3A_329, %and3A_331 : vector<16xi32>
        %mul3A_333 = arith.constant 16 : i32
        %mul3A_334 = vector.broadcast %mul3A_333 : i32 to vector<16xi32>
        %mul3A_335 = arith.muli %and3A_326, %mul3A_334 : vector<16xi32>
        %add3A_336 = arith.addi %mul3A_335, %iota3A : vector<16xi32>
        tpu.vector_store_idx %arg16[%add3A_336], %broadcast_in_dim3A_1 {add = true} : memref<4096xi32, #tpu.memory_space<vmem>>[vector<16xi32>], vector<16xi32>,
        %mul3A_337 = arith.constant 16 : i32
        %mul3A_338 = vector.broadcast %mul3A_337 : i32 to vector<16xi32>
        %mul3A_339 = arith.muli %and3A_332, %mul3A_338 : vector<16xi32>
        %add3A_340 = arith.addi %mul3A_339, %iota3A : vector<16xi32>
        tpu.vector_store_idx %arg17[%add3A_340], %broadcast_in_dim3A_1 {add = true} : memref<4096xi32, #tpu.memory_space<vmem>>[vector<16xi32>], vector<16xi32>,
        %shift_right_logical3A_341 = arith.constant 8 : i32
        %shift_right_logical3A_342 = vector.broadcast %shift_right_logical3A_341 : i32 to vector<16xi32>
        %shift_right_logical3A_343 = arith.shrui %get3A_237, %shift_right_logical3A_342 : vector<16xi32>
        %and3A_344 = arith.constant 255 : i32
        %and3A_345 = vector.broadcast %and3A_344 : i32 to vector<16xi32>
        %and3A_346 = arith.andi %shift_right_logical3A_343, %and3A_345 : vector<16xi32>
        %shift_right_logical3A_347 = arith.constant 8 : i32
        %shift_right_logical3A_348 = vector.broadcast %shift_right_logical3A_347 : i32 to vector<16xi32>
        %shift_right_logical3A_349 = arith.shrui %get3A_241, %shift_right_logical3A_348 : vector<16xi32>
        %and3A_350 = arith.constant 255 : i32
        %and3A_351 = vector.broadcast %and3A_350 : i32 to vector<16xi32>
        %and3A_352 = arith.andi %shift_right_logical3A_349, %and3A_351 : vector<16xi32>
        %mul3A_353 = arith.constant 16 : i32
        %mul3A_354 = vector.broadcast %mul3A_353 : i32 to vector<16xi32>
        %mul3A_355 = arith.muli %and3A_346, %mul3A_354 : vector<16xi32>
        %add3A_356 = arith.addi %mul3A_355, %iota3A : vector<16xi32>
        tpu.vector_store_idx %arg16[%add3A_356], %broadcast_in_dim3A_1 {add = true} : memref<4096xi32, #tpu.memory_space<vmem>>[vector<16xi32>], vector<16xi32>,
        %mul3A_357 = arith.constant 16 : i32
        %mul3A_358 = vector.broadcast %mul3A_357 : i32 to vector<16xi32>
        %mul3A_359 = arith.muli %and3A_352, %mul3A_358 : vector<16xi32>
        %add3A_360 = arith.addi %mul3A_359, %iota3A : vector<16xi32>
        tpu.vector_store_idx %arg17[%add3A_360], %broadcast_in_dim3A_1 {add = true} : memref<4096xi32, #tpu.memory_space<vmem>>[vector<16xi32>], vector<16xi32>,
        %shift_right_logical3A_361 = arith.constant 8 : i32
        %shift_right_logical3A_362 = vector.broadcast %shift_right_logical3A_361 : i32 to vector<16xi32>
        %shift_right_logical3A_363 = arith.shrui %get3A_247, %shift_right_logical3A_362 : vector<16xi32>
        %and3A_364 = arith.constant 255 : i32
        %and3A_365 = vector.broadcast %and3A_364 : i32 to vector<16xi32>
        %and3A_366 = arith.andi %shift_right_logical3A_363, %and3A_365 : vector<16xi32>
        %shift_right_logical3A_367 = arith.constant 8 : i32
        %shift_right_logical3A_368 = vector.broadcast %shift_right_logical3A_367 : i32 to vector<16xi32>
        %shift_right_logical3A_369 = arith.shrui %get3A_251, %shift_right_logical3A_368 : vector<16xi32>
        %and3A_370 = arith.constant 255 : i32
        %and3A_371 = vector.broadcast %and3A_370 : i32 to vector<16xi32>
        %and3A_372 = arith.andi %shift_right_logical3A_369, %and3A_371 : vector<16xi32>
        %mul3A_373 = arith.constant 16 : i32
        %mul3A_374 = vector.broadcast %mul3A_373 : i32 to vector<16xi32>
        %mul3A_375 = arith.muli %and3A_366, %mul3A_374 : vector<16xi32>
        %add3A_376 = arith.addi %mul3A_375, %iota3A : vector<16xi32>
        tpu.vector_store_idx %arg16[%add3A_376], %broadcast_in_dim3A_1 {add = true} : memref<4096xi32, #tpu.memory_space<vmem>>[vector<16xi32>], vector<16xi32>,
        %mul3A_377 = arith.constant 16 : i32
        %mul3A_378 = vector.broadcast %mul3A_377 : i32 to vector<16xi32>
        %mul3A_379 = arith.muli %and3A_372, %mul3A_378 : vector<16xi32>
        %add3A_380 = arith.addi %mul3A_379, %iota3A : vector<16xi32>
        tpu.vector_store_idx %arg17[%add3A_380], %broadcast_in_dim3A_1 {add = true} : memref<4096xi32, #tpu.memory_space<vmem>>[vector<16xi32>], vector<16xi32>,
        %shift_right_logical3A_381 = arith.constant 8 : i32
        %shift_right_logical3A_382 = vector.broadcast %shift_right_logical3A_381 : i32 to vector<16xi32>
        %shift_right_logical3A_383 = arith.shrui %get3A_257, %shift_right_logical3A_382 : vector<16xi32>
        %and3A_384 = arith.constant 255 : i32
        %and3A_385 = vector.broadcast %and3A_384 : i32 to vector<16xi32>
        %and3A_386 = arith.andi %shift_right_logical3A_383, %and3A_385 : vector<16xi32>
        %shift_right_logical3A_387 = arith.constant 8 : i32
        %shift_right_logical3A_388 = vector.broadcast %shift_right_logical3A_387 : i32 to vector<16xi32>
        %shift_right_logical3A_389 = arith.shrui %get3A_261, %shift_right_logical3A_388 : vector<16xi32>
        %and3A_390 = arith.constant 255 : i32
        %and3A_391 = vector.broadcast %and3A_390 : i32 to vector<16xi32>
        %and3A_392 = arith.andi %shift_right_logical3A_389, %and3A_391 : vector<16xi32>
        %mul3A_393 = arith.constant 16 : i32
        %mul3A_394 = vector.broadcast %mul3A_393 : i32 to vector<16xi32>
        %mul3A_395 = arith.muli %and3A_386, %mul3A_394 : vector<16xi32>
        %add3A_396 = arith.addi %mul3A_395, %iota3A : vector<16xi32>
        tpu.vector_store_idx %arg16[%add3A_396], %broadcast_in_dim3A_1 {add = true} : memref<4096xi32, #tpu.memory_space<vmem>>[vector<16xi32>], vector<16xi32>,
        %mul3A_397 = arith.constant 16 : i32
        %mul3A_398 = vector.broadcast %mul3A_397 : i32 to vector<16xi32>
        %mul3A_399 = arith.muli %and3A_392, %mul3A_398 : vector<16xi32>
        %add3A_400 = arith.addi %mul3A_399, %iota3A : vector<16xi32>
        tpu.vector_store_idx %arg17[%add3A_400], %broadcast_in_dim3A_1 {add = true} : memref<4096xi32, #tpu.memory_space<vmem>>[vector<16xi32>], vector<16xi32>,
        %shift_right_logical3A_401 = arith.constant 8 : i32
        %shift_right_logical3A_402 = vector.broadcast %shift_right_logical3A_401 : i32 to vector<16xi32>
        %shift_right_logical3A_403 = arith.shrui %get3A_267, %shift_right_logical3A_402 : vector<16xi32>
        %and3A_404 = arith.constant 255 : i32
        %and3A_405 = vector.broadcast %and3A_404 : i32 to vector<16xi32>
        %and3A_406 = arith.andi %shift_right_logical3A_403, %and3A_405 : vector<16xi32>
        %shift_right_logical3A_407 = arith.constant 8 : i32
        %shift_right_logical3A_408 = vector.broadcast %shift_right_logical3A_407 : i32 to vector<16xi32>
        %shift_right_logical3A_409 = arith.shrui %get3A_271, %shift_right_logical3A_408 : vector<16xi32>
        %and3A_410 = arith.constant 255 : i32
        %and3A_411 = vector.broadcast %and3A_410 : i32 to vector<16xi32>
        %and3A_412 = arith.andi %shift_right_logical3A_409, %and3A_411 : vector<16xi32>
        %mul3A_413 = arith.constant 16 : i32
        %mul3A_414 = vector.broadcast %mul3A_413 : i32 to vector<16xi32>
        %mul3A_415 = arith.muli %and3A_406, %mul3A_414 : vector<16xi32>
        %add3A_416 = arith.addi %mul3A_415, %iota3A : vector<16xi32>
        tpu.vector_store_idx %arg16[%add3A_416], %broadcast_in_dim3A_1 {add = true} : memref<4096xi32, #tpu.memory_space<vmem>>[vector<16xi32>], vector<16xi32>,
        %mul3A_417 = arith.constant 16 : i32
        %mul3A_418 = vector.broadcast %mul3A_417 : i32 to vector<16xi32>
        %mul3A_419 = arith.muli %and3A_412, %mul3A_418 : vector<16xi32>
        %add3A_420 = arith.addi %mul3A_419, %iota3A : vector<16xi32>
        tpu.vector_store_idx %arg17[%add3A_420], %broadcast_in_dim3A_1 {add = true} : memref<4096xi32, #tpu.memory_space<vmem>>[vector<16xi32>], vector<16xi32>,
        %shift_right_logical3A_421 = arith.constant 8 : i32
        %shift_right_logical3A_422 = vector.broadcast %shift_right_logical3A_421 : i32 to vector<16xi32>
        %shift_right_logical3A_423 = arith.shrui %get3A_277, %shift_right_logical3A_422 : vector<16xi32>
        %and3A_424 = arith.constant 255 : i32
        %and3A_425 = vector.broadcast %and3A_424 : i32 to vector<16xi32>
        %and3A_426 = arith.andi %shift_right_logical3A_423, %and3A_425 : vector<16xi32>
        %shift_right_logical3A_427 = arith.constant 8 : i32
        %shift_right_logical3A_428 = vector.broadcast %shift_right_logical3A_427 : i32 to vector<16xi32>
        %shift_right_logical3A_429 = arith.shrui %get3A_281, %shift_right_logical3A_428 : vector<16xi32>
        %and3A_430 = arith.constant 255 : i32
        %and3A_431 = vector.broadcast %and3A_430 : i32 to vector<16xi32>
        %and3A_432 = arith.andi %shift_right_logical3A_429, %and3A_431 : vector<16xi32>
        %mul3A_433 = arith.constant 16 : i32
        %mul3A_434 = vector.broadcast %mul3A_433 : i32 to vector<16xi32>
        %mul3A_435 = arith.muli %and3A_426, %mul3A_434 : vector<16xi32>
        %add3A_436 = arith.addi %mul3A_435, %iota3A : vector<16xi32>
        tpu.vector_store_idx %arg16[%add3A_436], %broadcast_in_dim3A_1 {add = true} : memref<4096xi32, #tpu.memory_space<vmem>>[vector<16xi32>], vector<16xi32>,
        %mul3A_437 = arith.constant 16 : i32
        %mul3A_438 = vector.broadcast %mul3A_437 : i32 to vector<16xi32>
        %mul3A_439 = arith.muli %and3A_432, %mul3A_438 : vector<16xi32>
        %add3A_440 = arith.addi %mul3A_439, %iota3A : vector<16xi32>
        tpu.vector_store_idx %arg17[%add3A_440], %broadcast_in_dim3A_1 {add = true} : memref<4096xi32, #tpu.memory_space<vmem>>[vector<16xi32>], vector<16xi32>,
      }
      %scan3A_102 = arith.constant 32 : i32
      %scan3A_103 = arith.constant 0 : i32
      %scan3A_104 = arith.constant 0 : i32
      %scan3A_105 = arith.constant 256 : i32
      %scan3A_106 = arith.addi %scan3A_104, %scan3A_105 : i32
      %scan3A_107 = arith.constant 4 : i32
      scf.for %scan3A_200 = %scan3A_104 to %scan3A_106 step %scan3A_107  : i32 {
        %mul3A_201 = arith.constant 16 : i32
        %mul3A_202 = arith.muli %scan3A_200, %mul3A_201 : i32
        %get3A = arith.index_cast %mul3A_202 : i32 to index
        %get3A_203 = tpu.vector_load %arg16[%get3A] {strides = array<i32>} : memref<4096xi32, #tpu.memory_space<vmem>>, vector<16xi32>,
        %reduce_sum3A = arith.constant true
        %reduce_sum3A_204 = vector.broadcast %reduce_sum3A : i1 to vector<16xi1>
        %reduce_sum3A_205 = tpu.scan <sum>, %get3A_203 masked %reduce_sum3A_204 : vector<16xi32>, vector<16xi1> -> vector<16xi32>
        %reduce_sum3A_206 = vector.extract %reduce_sum3A_205[15] : i32 from vector<16xi32>
        %swap3A_207 = arith.index_cast %scan3A_200 : i32 to index
        %swap3A_208 = memref.load %arg18[%swap3A_207] : memref<256xi32, #tpu.memory_space<smem>>
        memref.store %reduce_sum3A_206, %arg18[%swap3A_207] : memref<256xi32, #tpu.memory_space<smem>>
        %mul3A_209 = arith.constant 16 : i32
        %mul3A_210 = arith.muli %scan3A_200, %mul3A_209 : i32
        %get3A_211 = arith.index_cast %mul3A_210 : i32 to index
        %get3A_212 = tpu.vector_load %arg17[%get3A_211] {strides = array<i32>} : memref<4096xi32, #tpu.memory_space<vmem>>, vector<16xi32>,
        %reduce_sum3A_213 = arith.constant true
        %reduce_sum3A_214 = vector.broadcast %reduce_sum3A_213 : i1 to vector<16xi1>
        %reduce_sum3A_215 = tpu.scan <sum>, %get3A_212 masked %reduce_sum3A_214 : vector<16xi32>, vector<16xi1> -> vector<16xi32>
        %reduce_sum3A_216 = vector.extract %reduce_sum3A_215[15] : i32 from vector<16xi32>
        %swap3A_217 = arith.index_cast %scan3A_200 : i32 to index
        %swap3A_218 = memref.load %arg19[%swap3A_217] : memref<256xi32, #tpu.memory_space<smem>>
        memref.store %reduce_sum3A_216, %arg19[%swap3A_217] : memref<256xi32, #tpu.memory_space<smem>>
        %scan3A_219 = arith.constant 1 : i32
        %scan3A_220 = arith.addi %scan3A_200, %scan3A_219 : i32
        %mul3A_221 = arith.constant 16 : i32
        %mul3A_222 = arith.muli %scan3A_220, %mul3A_221 : i32
        %get3A_223 = arith.index_cast %mul3A_222 : i32 to index
        %get3A_224 = tpu.vector_load %arg16[%get3A_223] {strides = array<i32>} : memref<4096xi32, #tpu.memory_space<vmem>>, vector<16xi32>,
        %reduce_sum3A_225 = arith.constant true
        %reduce_sum3A_226 = vector.broadcast %reduce_sum3A_225 : i1 to vector<16xi1>
        %reduce_sum3A_227 = tpu.scan <sum>, %get3A_224 masked %reduce_sum3A_226 : vector<16xi32>, vector<16xi1> -> vector<16xi32>
        %reduce_sum3A_228 = vector.extract %reduce_sum3A_227[15] : i32 from vector<16xi32>
        %swap3A_229 = arith.index_cast %scan3A_220 : i32 to index
        %swap3A_230 = memref.load %arg18[%swap3A_229] : memref<256xi32, #tpu.memory_space<smem>>
        memref.store %reduce_sum3A_228, %arg18[%swap3A_229] : memref<256xi32, #tpu.memory_space<smem>>
        %mul3A_231 = arith.constant 16 : i32
        %mul3A_232 = arith.muli %scan3A_220, %mul3A_231 : i32
        %get3A_233 = arith.index_cast %mul3A_232 : i32 to index
        %get3A_234 = tpu.vector_load %arg17[%get3A_233] {strides = array<i32>} : memref<4096xi32, #tpu.memory_space<vmem>>, vector<16xi32>,
        %reduce_sum3A_235 = arith.constant true
        %reduce_sum3A_236 = vector.broadcast %reduce_sum3A_235 : i1 to vector<16xi1>
        %reduce_sum3A_237 = tpu.scan <sum>, %get3A_234 masked %reduce_sum3A_236 : vector<16xi32>, vector<16xi1> -> vector<16xi32>
        %reduce_sum3A_238 = vector.extract %reduce_sum3A_237[15] : i32 from vector<16xi32>
        %swap3A_239 = arith.index_cast %scan3A_220 : i32 to index
        %swap3A_240 = memref.load %arg19[%swap3A_239] : memref<256xi32, #tpu.memory_space<smem>>
        memref.store %reduce_sum3A_238, %arg19[%swap3A_239] : memref<256xi32, #tpu.memory_space<smem>>
        %scan3A_241 = arith.constant 2 : i32
        %scan3A_242 = arith.addi %scan3A_200, %scan3A_241 : i32
        %mul3A_243 = arith.constant 16 : i32
        %mul3A_244 = arith.muli %scan3A_242, %mul3A_243 : i32
        %get3A_245 = arith.index_cast %mul3A_244 : i32 to index
        %get3A_246 = tpu.vector_load %arg16[%get3A_245] {strides = array<i32>} : memref<4096xi32, #tpu.memory_space<vmem>>, vector<16xi32>,
        %reduce_sum3A_247 = arith.constant true
        %reduce_sum3A_248 = vector.broadcast %reduce_sum3A_247 : i1 to vector<16xi1>
        %reduce_sum3A_249 = tpu.scan <sum>, %get3A_246 masked %reduce_sum3A_248 : vector<16xi32>, vector<16xi1> -> vector<16xi32>
        %reduce_sum3A_250 = vector.extract %reduce_sum3A_249[15] : i32 from vector<16xi32>
        %swap3A_251 = arith.index_cast %scan3A_242 : i32 to index
        %swap3A_252 = memref.load %arg18[%swap3A_251] : memref<256xi32, #tpu.memory_space<smem>>
        memref.store %reduce_sum3A_250, %arg18[%swap3A_251] : memref<256xi32, #tpu.memory_space<smem>>
        %mul3A_253 = arith.constant 16 : i32
        %mul3A_254 = arith.muli %scan3A_242, %mul3A_253 : i32
        %get3A_255 = arith.index_cast %mul3A_254 : i32 to index
        %get3A_256 = tpu.vector_load %arg17[%get3A_255] {strides = array<i32>} : memref<4096xi32, #tpu.memory_space<vmem>>, vector<16xi32>,
        %reduce_sum3A_257 = arith.constant true
        %reduce_sum3A_258 = vector.broadcast %reduce_sum3A_257 : i1 to vector<16xi1>
        %reduce_sum3A_259 = tpu.scan <sum>, %get3A_256 masked %reduce_sum3A_258 : vector<16xi32>, vector<16xi1> -> vector<16xi32>
        %reduce_sum3A_260 = vector.extract %reduce_sum3A_259[15] : i32 from vector<16xi32>
        %swap3A_261 = arith.index_cast %scan3A_242 : i32 to index
        %swap3A_262 = memref.load %arg19[%swap3A_261] : memref<256xi32, #tpu.memory_space<smem>>
        memref.store %reduce_sum3A_260, %arg19[%swap3A_261] : memref<256xi32, #tpu.memory_space<smem>>
        %scan3A_263 = arith.constant 3 : i32
        %scan3A_264 = arith.addi %scan3A_200, %scan3A_263 : i32
        %mul3A_265 = arith.constant 16 : i32
        %mul3A_266 = arith.muli %scan3A_264, %mul3A_265 : i32
        %get3A_267 = arith.index_cast %mul3A_266 : i32 to index
        %get3A_268 = tpu.vector_load %arg16[%get3A_267] {strides = array<i32>} : memref<4096xi32, #tpu.memory_space<vmem>>, vector<16xi32>,
        %reduce_sum3A_269 = arith.constant true
        %reduce_sum3A_270 = vector.broadcast %reduce_sum3A_269 : i1 to vector<16xi1>
        %reduce_sum3A_271 = tpu.scan <sum>, %get3A_268 masked %reduce_sum3A_270 : vector<16xi32>, vector<16xi1> -> vector<16xi32>
        %reduce_sum3A_272 = vector.extract %reduce_sum3A_271[15] : i32 from vector<16xi32>
        %swap3A_273 = arith.index_cast %scan3A_264 : i32 to index
        %swap3A_274 = memref.load %arg18[%swap3A_273] : memref<256xi32, #tpu.memory_space<smem>>
        memref.store %reduce_sum3A_272, %arg18[%swap3A_273] : memref<256xi32, #tpu.memory_space<smem>>
        %mul3A_275 = arith.constant 16 : i32
        %mul3A_276 = arith.muli %scan3A_264, %mul3A_275 : i32
        %get3A_277 = arith.index_cast %mul3A_276 : i32 to index
        %get3A_278 = tpu.vector_load %arg17[%get3A_277] {strides = array<i32>} : memref<4096xi32, #tpu.memory_space<vmem>>, vector<16xi32>,
        %reduce_sum3A_279 = arith.constant true
        %reduce_sum3A_280 = vector.broadcast %reduce_sum3A_279 : i1 to vector<16xi1>
        %reduce_sum3A_281 = tpu.scan <sum>, %get3A_278 masked %reduce_sum3A_280 : vector<16xi32>, vector<16xi1> -> vector<16xi32>
        %reduce_sum3A_282 = vector.extract %reduce_sum3A_281[15] : i32 from vector<16xi32>
        %swap3A_283 = arith.index_cast %scan3A_264 : i32 to index
        %swap3A_284 = memref.load %arg19[%swap3A_283] : memref<256xi32, #tpu.memory_space<smem>>
        memref.store %reduce_sum3A_282, %arg19[%swap3A_283] : memref<256xi32, #tpu.memory_space<smem>>
      }
      %scan3A_108 = arith.constant 256 : i32
      %scan3A_109 = arith.constant 0 : i32
      %scan3A_110 = arith.constant 0 : i32
      %scan3A_111 = arith.constant 0 : i32
      %scan3A_112 = arith.constant 256 : i32
      %scan3A_113 = arith.addi %scan3A_111, %scan3A_112 : i32
      %scan3A_114 = arith.constant 1 : i32
      %scan3A_115:2 = scf.for %scan3A_200 = %scan3A_111 to %scan3A_113 step %scan3A_114 iter_args(%scan3A_201 = %scan3A_109, %scan3A_202 = %scan3A_110) -> (i32, i32)  : i32 {
        %get3A = arith.index_cast %scan3A_200 : i32 to index
        %get3A_203 = memref.load %arg18[%get3A] : memref<256xi32, #tpu.memory_space<smem>>
        %get3A_204 = arith.index_cast %scan3A_200 : i32 to index
        %get3A_205 = memref.load %arg19[%get3A_204] : memref<256xi32, #tpu.memory_space<smem>>
        %swap3A_206 = arith.index_cast %scan3A_200 : i32 to index
        %swap3A_207 = memref.load %arg18[%swap3A_206] : memref<256xi32, #tpu.memory_space<smem>>
        memref.store %scan3A_201, %arg18[%swap3A_206] : memref<256xi32, #tpu.memory_space<smem>>
        %swap3A_208 = arith.index_cast %scan3A_200 : i32 to index
        %swap3A_209 = memref.load %arg19[%swap3A_208] : memref<256xi32, #tpu.memory_space<smem>>
        memref.store %scan3A_202, %arg19[%swap3A_208] : memref<256xi32, #tpu.memory_space<smem>>
        %add3A_210 = arith.addi %scan3A_201, %get3A_203 : i32
        %add3A_211 = arith.addi %scan3A_202, %get3A_205 : i32
        scf.yield %add3A_210, %add3A_211 : i32, i32
      }
      %scan3A_116 = arith.constant 256 : i32
      %scan3A_117 = arith.constant 0 : i32
      %scan3A_118 = arith.constant 0 : i32
      %scan3A_119 = arith.constant 256 : i32
      %scan3A_120 = arith.addi %scan3A_118, %scan3A_119 : i32
      %scan3A_121 = arith.constant 4 : i32
      scf.for %scan3A_200 = %scan3A_118 to %scan3A_120 step %scan3A_121  : i32 {
        %mul3A_201 = arith.constant 16 : i32
        %mul3A_202 = arith.muli %scan3A_200, %mul3A_201 : i32
        %get3A = arith.index_cast %mul3A_202 : i32 to index
        %get3A_203 = tpu.vector_load %arg16[%get3A] {strides = array<i32>} : memref<4096xi32, #tpu.memory_space<vmem>>, vector<16xi32>,
        %mul3A_204 = arith.constant 16 : i32
        %mul3A_205 = arith.muli %scan3A_200, %mul3A_204 : i32
        %get3A_206 = arith.index_cast %mul3A_205 : i32 to index
        %get3A_207 = tpu.vector_load %arg17[%get3A_206] {strides = array<i32>} : memref<4096xi32, #tpu.memory_space<vmem>>, vector<16xi32>,
        %broadcast_in_dim3A_208 = arith.constant true
        %broadcast_in_dim3A_209 = vector.broadcast %broadcast_in_dim3A_208 : i1 to vector<16xi1>
        %masked_cumsum3A = tpu.scan <sum>, %get3A_203 masked %broadcast_in_dim3A_209 : vector<16xi32>, vector<16xi1> -> vector<16xi32>
        %sub3A_210 = arith.subi %masked_cumsum3A, %get3A_203 : vector<16xi32>
        %get3A_211 = arith.index_cast %scan3A_200 : i32 to index
        %get3A_212 = memref.load %arg18[%get3A_211] : memref<256xi32, #tpu.memory_space<smem>>
        %add3A_213 = vector.broadcast %get3A_212 : i32 to vector<16xi32>
        %add3A_214 = arith.addi %sub3A_210, %add3A_213 : vector<16xi32>
        %mul3A_215 = arith.constant 16 : i32
        %mul3A_216 = arith.muli %scan3A_200, %mul3A_215 : i32
        %swap3A_217 = arith.index_cast %mul3A_216 : i32 to index
        %swap3A_218 = tpu.vector_load %arg16[%swap3A_217] {strides = array<i32>} : memref<4096xi32, #tpu.memory_space<vmem>>, vector<16xi32>,
        tpu.vector_store %arg16[%swap3A_217], %add3A_214 {strides = array<i32>} : memref<4096xi32, #tpu.memory_space<vmem>>, vector<16xi32>,
        %broadcast_in_dim3A_219 = arith.constant true
        %broadcast_in_dim3A_220 = vector.broadcast %broadcast_in_dim3A_219 : i1 to vector<16xi1>
        %masked_cumsum3A_221 = tpu.scan <sum>, %get3A_207 masked %broadcast_in_dim3A_220 : vector<16xi32>, vector<16xi1> -> vector<16xi32>
        %sub3A_222 = arith.subi %masked_cumsum3A_221, %get3A_207 : vector<16xi32>
        %get3A_223 = arith.index_cast %scan3A_200 : i32 to index
        %get3A_224 = memref.load %arg19[%get3A_223] : memref<256xi32, #tpu.memory_space<smem>>
        %add3A_225 = vector.broadcast %get3A_224 : i32 to vector<16xi32>
        %add3A_226 = arith.addi %sub3A_222, %add3A_225 : vector<16xi32>
        %mul3A_227 = arith.constant 16 : i32
        %mul3A_228 = arith.muli %scan3A_200, %mul3A_227 : i32
        %swap3A_229 = arith.index_cast %mul3A_228 : i32 to index
        %swap3A_230 = tpu.vector_load %arg17[%swap3A_229] {strides = array<i32>} : memref<4096xi32, #tpu.memory_space<vmem>>, vector<16xi32>,
        tpu.vector_store %arg17[%swap3A_229], %add3A_226 {strides = array<i32>} : memref<4096xi32, #tpu.memory_space<vmem>>, vector<16xi32>,
        %scan3A_231 = arith.constant 1 : i32
        %scan3A_232 = arith.addi %scan3A_200, %scan3A_231 : i32
        %mul3A_233 = arith.constant 16 : i32
        %mul3A_234 = arith.muli %scan3A_232, %mul3A_233 : i32
        %get3A_235 = arith.index_cast %mul3A_234 : i32 to index
        %get3A_236 = tpu.vector_load %arg16[%get3A_235] {strides = array<i32>} : memref<4096xi32, #tpu.memory_space<vmem>>, vector<16xi32>,
        %mul3A_237 = arith.constant 16 : i32
        %mul3A_238 = arith.muli %scan3A_232, %mul3A_237 : i32
        %get3A_239 = arith.index_cast %mul3A_238 : i32 to index
        %get3A_240 = tpu.vector_load %arg17[%get3A_239] {strides = array<i32>} : memref<4096xi32, #tpu.memory_space<vmem>>, vector<16xi32>,
        %broadcast_in_dim3A_241 = arith.constant true
        %broadcast_in_dim3A_242 = vector.broadcast %broadcast_in_dim3A_241 : i1 to vector<16xi1>
        %masked_cumsum3A_243 = tpu.scan <sum>, %get3A_236 masked %broadcast_in_dim3A_242 : vector<16xi32>, vector<16xi1> -> vector<16xi32>
        %sub3A_244 = arith.subi %masked_cumsum3A_243, %get3A_236 : vector<16xi32>
        %get3A_245 = arith.index_cast %scan3A_232 : i32 to index
        %get3A_246 = memref.load %arg18[%get3A_245] : memref<256xi32, #tpu.memory_space<smem>>
        %add3A_247 = vector.broadcast %get3A_246 : i32 to vector<16xi32>
        %add3A_248 = arith.addi %sub3A_244, %add3A_247 : vector<16xi32>
        %mul3A_249 = arith.constant 16 : i32
        %mul3A_250 = arith.muli %scan3A_232, %mul3A_249 : i32
        %swap3A_251 = arith.index_cast %mul3A_250 : i32 to index
        %swap3A_252 = tpu.vector_load %arg16[%swap3A_251] {strides = array<i32>} : memref<4096xi32, #tpu.memory_space<vmem>>, vector<16xi32>,
        tpu.vector_store %arg16[%swap3A_251], %add3A_248 {strides = array<i32>} : memref<4096xi32, #tpu.memory_space<vmem>>, vector<16xi32>,
        %broadcast_in_dim3A_253 = arith.constant true
        %broadcast_in_dim3A_254 = vector.broadcast %broadcast_in_dim3A_253 : i1 to vector<16xi1>
        %masked_cumsum3A_255 = tpu.scan <sum>, %get3A_240 masked %broadcast_in_dim3A_254 : vector<16xi32>, vector<16xi1> -> vector<16xi32>
        %sub3A_256 = arith.subi %masked_cumsum3A_255, %get3A_240 : vector<16xi32>
        %get3A_257 = arith.index_cast %scan3A_232 : i32 to index
        %get3A_258 = memref.load %arg19[%get3A_257] : memref<256xi32, #tpu.memory_space<smem>>
        %add3A_259 = vector.broadcast %get3A_258 : i32 to vector<16xi32>
        %add3A_260 = arith.addi %sub3A_256, %add3A_259 : vector<16xi32>
        %mul3A_261 = arith.constant 16 : i32
        %mul3A_262 = arith.muli %scan3A_232, %mul3A_261 : i32
        %swap3A_263 = arith.index_cast %mul3A_262 : i32 to index
        %swap3A_264 = tpu.vector_load %arg17[%swap3A_263] {strides = array<i32>} : memref<4096xi32, #tpu.memory_space<vmem>>, vector<16xi32>,
        tpu.vector_store %arg17[%swap3A_263], %add3A_260 {strides = array<i32>} : memref<4096xi32, #tpu.memory_space<vmem>>, vector<16xi32>,
        %scan3A_265 = arith.constant 2 : i32
        %scan3A_266 = arith.addi %scan3A_200, %scan3A_265 : i32
        %mul3A_267 = arith.constant 16 : i32
        %mul3A_268 = arith.muli %scan3A_266, %mul3A_267 : i32
        %get3A_269 = arith.index_cast %mul3A_268 : i32 to index
        %get3A_270 = tpu.vector_load %arg16[%get3A_269] {strides = array<i32>} : memref<4096xi32, #tpu.memory_space<vmem>>, vector<16xi32>,
        %mul3A_271 = arith.constant 16 : i32
        %mul3A_272 = arith.muli %scan3A_266, %mul3A_271 : i32
        %get3A_273 = arith.index_cast %mul3A_272 : i32 to index
        %get3A_274 = tpu.vector_load %arg17[%get3A_273] {strides = array<i32>} : memref<4096xi32, #tpu.memory_space<vmem>>, vector<16xi32>,
        %broadcast_in_dim3A_275 = arith.constant true
        %broadcast_in_dim3A_276 = vector.broadcast %broadcast_in_dim3A_275 : i1 to vector<16xi1>
        %masked_cumsum3A_277 = tpu.scan <sum>, %get3A_270 masked %broadcast_in_dim3A_276 : vector<16xi32>, vector<16xi1> -> vector<16xi32>
        %sub3A_278 = arith.subi %masked_cumsum3A_277, %get3A_270 : vector<16xi32>
        %get3A_279 = arith.index_cast %scan3A_266 : i32 to index
        %get3A_280 = memref.load %arg18[%get3A_279] : memref<256xi32, #tpu.memory_space<smem>>
        %add3A_281 = vector.broadcast %get3A_280 : i32 to vector<16xi32>
        %add3A_282 = arith.addi %sub3A_278, %add3A_281 : vector<16xi32>
        %mul3A_283 = arith.constant 16 : i32
        %mul3A_284 = arith.muli %scan3A_266, %mul3A_283 : i32
        %swap3A_285 = arith.index_cast %mul3A_284 : i32 to index
        %swap3A_286 = tpu.vector_load %arg16[%swap3A_285] {strides = array<i32>} : memref<4096xi32, #tpu.memory_space<vmem>>, vector<16xi32>,
        tpu.vector_store %arg16[%swap3A_285], %add3A_282 {strides = array<i32>} : memref<4096xi32, #tpu.memory_space<vmem>>, vector<16xi32>,
        %broadcast_in_dim3A_287 = arith.constant true
        %broadcast_in_dim3A_288 = vector.broadcast %broadcast_in_dim3A_287 : i1 to vector<16xi1>
        %masked_cumsum3A_289 = tpu.scan <sum>, %get3A_274 masked %broadcast_in_dim3A_288 : vector<16xi32>, vector<16xi1> -> vector<16xi32>
        %sub3A_290 = arith.subi %masked_cumsum3A_289, %get3A_274 : vector<16xi32>
        %get3A_291 = arith.index_cast %scan3A_266 : i32 to index
        %get3A_292 = memref.load %arg19[%get3A_291] : memref<256xi32, #tpu.memory_space<smem>>
        %add3A_293 = vector.broadcast %get3A_292 : i32 to vector<16xi32>
        %add3A_294 = arith.addi %sub3A_290, %add3A_293 : vector<16xi32>
        %mul3A_295 = arith.constant 16 : i32
        %mul3A_296 = arith.muli %scan3A_266, %mul3A_295 : i32
        %swap3A_297 = arith.index_cast %mul3A_296 : i32 to index
        %swap3A_298 = tpu.vector_load %arg17[%swap3A_297] {strides = array<i32>} : memref<4096xi32, #tpu.memory_space<vmem>>, vector<16xi32>,
        tpu.vector_store %arg17[%swap3A_297], %add3A_294 {strides = array<i32>} : memref<4096xi32, #tpu.memory_space<vmem>>, vector<16xi32>,
        %scan3A_299 = arith.constant 3 : i32
        %scan3A_300 = arith.addi %scan3A_200, %scan3A_299 : i32
        %mul3A_301 = arith.constant 16 : i32
        %mul3A_302 = arith.muli %scan3A_300, %mul3A_301 : i32
        %get3A_303 = arith.index_cast %mul3A_302 : i32 to index
        %get3A_304 = tpu.vector_load %arg16[%get3A_303] {strides = array<i32>} : memref<4096xi32, #tpu.memory_space<vmem>>, vector<16xi32>,
        %mul3A_305 = arith.constant 16 : i32
        %mul3A_306 = arith.muli %scan3A_300, %mul3A_305 : i32
        %get3A_307 = arith.index_cast %mul3A_306 : i32 to index
        %get3A_308 = tpu.vector_load %arg17[%get3A_307] {strides = array<i32>} : memref<4096xi32, #tpu.memory_space<vmem>>, vector<16xi32>,
        %broadcast_in_dim3A_309 = arith.constant true
        %broadcast_in_dim3A_310 = vector.broadcast %broadcast_in_dim3A_309 : i1 to vector<16xi1>
        %masked_cumsum3A_311 = tpu.scan <sum>, %get3A_304 masked %broadcast_in_dim3A_310 : vector<16xi32>, vector<16xi1> -> vector<16xi32>
        %sub3A_312 = arith.subi %masked_cumsum3A_311, %get3A_304 : vector<16xi32>
        %get3A_313 = arith.index_cast %scan3A_300 : i32 to index
        %get3A_314 = memref.load %arg18[%get3A_313] : memref<256xi32, #tpu.memory_space<smem>>
        %add3A_315 = vector.broadcast %get3A_314 : i32 to vector<16xi32>
        %add3A_316 = arith.addi %sub3A_312, %add3A_315 : vector<16xi32>
        %mul3A_317 = arith.constant 16 : i32
        %mul3A_318 = arith.muli %scan3A_300, %mul3A_317 : i32
        %swap3A_319 = arith.index_cast %mul3A_318 : i32 to index
        %swap3A_320 = tpu.vector_load %arg16[%swap3A_319] {strides = array<i32>} : memref<4096xi32, #tpu.memory_space<vmem>>, vector<16xi32>,
        tpu.vector_store %arg16[%swap3A_319], %add3A_316 {strides = array<i32>} : memref<4096xi32, #tpu.memory_space<vmem>>, vector<16xi32>,
        %broadcast_in_dim3A_321 = arith.constant true
        %broadcast_in_dim3A_322 = vector.broadcast %broadcast_in_dim3A_321 : i1 to vector<16xi1>
        %masked_cumsum3A_323 = tpu.scan <sum>, %get3A_308 masked %broadcast_in_dim3A_322 : vector<16xi32>, vector<16xi1> -> vector<16xi32>
        %sub3A_324 = arith.subi %masked_cumsum3A_323, %get3A_308 : vector<16xi32>
        %get3A_325 = arith.index_cast %scan3A_300 : i32 to index
        %get3A_326 = memref.load %arg19[%get3A_325] : memref<256xi32, #tpu.memory_space<smem>>
        %add3A_327 = vector.broadcast %get3A_326 : i32 to vector<16xi32>
        %add3A_328 = arith.addi %sub3A_324, %add3A_327 : vector<16xi32>
        %mul3A_329 = arith.constant 16 : i32
        %mul3A_330 = arith.muli %scan3A_300, %mul3A_329 : i32
        %swap3A_331 = arith.index_cast %mul3A_330 : i32 to index
        %swap3A_332 = tpu.vector_load %arg17[%swap3A_331] {strides = array<i32>} : memref<4096xi32, #tpu.memory_space<vmem>>, vector<16xi32>,
        tpu.vector_store %arg17[%swap3A_331], %add3A_328 {strides = array<i32>} : memref<4096xi32, #tpu.memory_space<vmem>>, vector<16xi32>,
      }
      %scan3A_122 = arith.constant 256 : i32
      %scan3A_123 = arith.constant 0 : i32
      %scan3A_124 = arith.constant 0 : i32
      %scan3A_125 = arith.constant 64 : i32
      %scan3A_126 = arith.addi %scan3A_124, %scan3A_125 : i32
      %scan3A_127 = arith.constant 1 : i32
      scf.for %scan3A_200 = %scan3A_124 to %scan3A_126 step %scan3A_127  : i32 {
        %mul3A_201 = arith.constant 4 : i32
        %mul3A_202 = arith.muli %scan3A_200, %mul3A_201 : i32
        %add3A_203 = arith.constant 0 : i32
        %add3A_204 = arith.addi %mul3A_202, %add3A_203 : i32
        %mul3A_205 = arith.constant 16 : i32
        %mul3A_206 = arith.muli %add3A_204, %mul3A_205 : i32
        %get3A = arith.index_cast %mul3A_206 : i32 to index
        %get3A_207 = tpu.vector_load %arg7[%get3A] {strides = array<i32>} : memref<4096xi32, #tpu.memory_space<vmem>>, vector<16xi32>,
        %mul3A_208 = arith.constant 16 : i32
        %mul3A_209 = arith.muli %add3A_204, %mul3A_208 : i32
        %get3A_210 = arith.index_cast %mul3A_209 : i32 to index
        %get3A_211 = tpu.vector_load %arg11[%get3A_210] {strides = array<i32>} : memref<4096xi32, #tpu.memory_space<vmem>>, vector<16xi32>,
        %add3A_212 = arith.constant 1 : i32
        %add3A_213 = arith.addi %mul3A_202, %add3A_212 : i32
        %mul3A_214 = arith.constant 16 : i32
        %mul3A_215 = arith.muli %add3A_213, %mul3A_214 : i32
        %get3A_216 = arith.index_cast %mul3A_215 : i32 to index
        %get3A_217 = tpu.vector_load %arg7[%get3A_216] {strides = array<i32>} : memref<4096xi32, #tpu.memory_space<vmem>>, vector<16xi32>,
        %mul3A_218 = arith.constant 16 : i32
        %mul3A_219 = arith.muli %add3A_213, %mul3A_218 : i32
        %get3A_220 = arith.index_cast %mul3A_219 : i32 to index
        %get3A_221 = tpu.vector_load %arg11[%get3A_220] {strides = array<i32>} : memref<4096xi32, #tpu.memory_space<vmem>>, vector<16xi32>,
        %add3A_222 = arith.constant 2 : i32
        %add3A_223 = arith.addi %mul3A_202, %add3A_222 : i32
        %mul3A_224 = arith.constant 16 : i32
        %mul3A_225 = arith.muli %add3A_223, %mul3A_224 : i32
        %get3A_226 = arith.index_cast %mul3A_225 : i32 to index
        %get3A_227 = tpu.vector_load %arg7[%get3A_226] {strides = array<i32>} : memref<4096xi32, #tpu.memory_space<vmem>>, vector<16xi32>,
        %mul3A_228 = arith.constant 16 : i32
        %mul3A_229 = arith.muli %add3A_223, %mul3A_228 : i32
        %get3A_230 = arith.index_cast %mul3A_229 : i32 to index
        %get3A_231 = tpu.vector_load %arg11[%get3A_230] {strides = array<i32>} : memref<4096xi32, #tpu.memory_space<vmem>>, vector<16xi32>,
        %add3A_232 = arith.constant 3 : i32
        %add3A_233 = arith.addi %mul3A_202, %add3A_232 : i32
        %mul3A_234 = arith.constant 16 : i32
        %mul3A_235 = arith.muli %add3A_233, %mul3A_234 : i32
        %get3A_236 = arith.index_cast %mul3A_235 : i32 to index
        %get3A_237 = tpu.vector_load %arg7[%get3A_236] {strides = array<i32>} : memref<4096xi32, #tpu.memory_space<vmem>>, vector<16xi32>,
        %mul3A_238 = arith.constant 16 : i32
        %mul3A_239 = arith.muli %add3A_233, %mul3A_238 : i32
        %get3A_240 = arith.index_cast %mul3A_239 : i32 to index
        %get3A_241 = tpu.vector_load %arg11[%get3A_240] {strides = array<i32>} : memref<4096xi32, #tpu.memory_space<vmem>>, vector<16xi32>,
        %add3A_242 = arith.constant 0 : i32
        %add3A_243 = arith.addi %mul3A_202, %add3A_242 : i32
        %mul3A_244 = arith.constant 16 : i32
        %mul3A_245 = arith.muli %add3A_243, %mul3A_244 : i32
        %get3A_246 = arith.index_cast %mul3A_245 : i32 to index
        %get3A_247 = tpu.vector_load %arg9[%get3A_246] {strides = array<i32>} : memref<4096xi32, #tpu.memory_space<vmem>>, vector<16xi32>,
        %add3A_248 = arith.constant 0 : i32
        %add3A_249 = arith.addi %mul3A_202, %add3A_248 : i32
        %mul3A_250 = arith.constant 16 : i32
        %mul3A_251 = arith.muli %add3A_249, %mul3A_250 : i32
        %get3A_252 = arith.index_cast %mul3A_251 : i32 to index
        %get3A_253 = tpu.vector_load %arg13[%get3A_252] {strides = array<i32>} : memref<4096xi32, #tpu.memory_space<vmem>>, vector<16xi32>,
        %add3A_254 = arith.constant 1 : i32
        %add3A_255 = arith.addi %mul3A_202, %add3A_254 : i32
        %mul3A_256 = arith.constant 16 : i32
        %mul3A_257 = arith.muli %add3A_255, %mul3A_256 : i32
        %get3A_258 = arith.index_cast %mul3A_257 : i32 to index
        %get3A_259 = tpu.vector_load %arg9[%get3A_258] {strides = array<i32>} : memref<4096xi32, #tpu.memory_space<vmem>>, vector<16xi32>,
        %add3A_260 = arith.constant 1 : i32
        %add3A_261 = arith.addi %mul3A_202, %add3A_260 : i32
        %mul3A_262 = arith.constant 16 : i32
        %mul3A_263 = arith.muli %add3A_261, %mul3A_262 : i32
        %get3A_264 = arith.index_cast %mul3A_263 : i32 to index
        %get3A_265 = tpu.vector_load %arg13[%get3A_264] {strides = array<i32>} : memref<4096xi32, #tpu.memory_space<vmem>>, vector<16xi32>,
        %add3A_266 = arith.constant 2 : i32
        %add3A_267 = arith.addi %mul3A_202, %add3A_266 : i32
        %mul3A_268 = arith.constant 16 : i32
        %mul3A_269 = arith.muli %add3A_267, %mul3A_268 : i32
        %get3A_270 = arith.index_cast %mul3A_269 : i32 to index
        %get3A_271 = tpu.vector_load %arg9[%get3A_270] {strides = array<i32>} : memref<4096xi32, #tpu.memory_space<vmem>>, vector<16xi32>,
        %add3A_272 = arith.constant 2 : i32
        %add3A_273 = arith.addi %mul3A_202, %add3A_272 : i32
        %mul3A_274 = arith.constant 16 : i32
        %mul3A_275 = arith.muli %add3A_273, %mul3A_274 : i32
        %get3A_276 = arith.index_cast %mul3A_275 : i32 to index
        %get3A_277 = tpu.vector_load %arg13[%get3A_276] {strides = array<i32>} : memref<4096xi32, #tpu.memory_space<vmem>>, vector<16xi32>,
        %add3A_278 = arith.constant 3 : i32
        %add3A_279 = arith.addi %mul3A_202, %add3A_278 : i32
        %mul3A_280 = arith.constant 16 : i32
        %mul3A_281 = arith.muli %add3A_279, %mul3A_280 : i32
        %get3A_282 = arith.index_cast %mul3A_281 : i32 to index
        %get3A_283 = tpu.vector_load %arg9[%get3A_282] {strides = array<i32>} : memref<4096xi32, #tpu.memory_space<vmem>>, vector<16xi32>,
        %add3A_284 = arith.constant 3 : i32
        %add3A_285 = arith.addi %mul3A_202, %add3A_284 : i32
        %mul3A_286 = arith.constant 16 : i32
        %mul3A_287 = arith.muli %add3A_285, %mul3A_286 : i32
        %get3A_288 = arith.index_cast %mul3A_287 : i32 to index
        %get3A_289 = tpu.vector_load %arg13[%get3A_288] {strides = array<i32>} : memref<4096xi32, #tpu.memory_space<vmem>>, vector<16xi32>,
        %shift_right_logical3A = arith.constant 8 : i32
        %shift_right_logical3A_290 = vector.broadcast %shift_right_logical3A : i32 to vector<16xi32>
        %shift_right_logical3A_291 = arith.shrui %get3A_207, %shift_right_logical3A_290 : vector<16xi32>
        %and3A_292 = arith.constant 255 : i32
        %and3A_293 = vector.broadcast %and3A_292 : i32 to vector<16xi32>
        %and3A_294 = arith.andi %shift_right_logical3A_291, %and3A_293 : vector<16xi32>
        %mul3A_295 = arith.constant 16 : i32
        %mul3A_296 = vector.broadcast %mul3A_295 : i32 to vector<16xi32>
        %mul3A_297 = arith.muli %and3A_294, %mul3A_296 : vector<16xi32>
        %add3A_298 = arith.addi %mul3A_297, %iota3A : vector<16xi32>
        %shift_right_logical3A_299 = arith.constant 8 : i32
        %shift_right_logical3A_300 = vector.broadcast %shift_right_logical3A_299 : i32 to vector<16xi32>
        %shift_right_logical3A_301 = arith.shrui %get3A_211, %shift_right_logical3A_300 : vector<16xi32>
        %and3A_302 = arith.constant 255 : i32
        %and3A_303 = vector.broadcast %and3A_302 : i32 to vector<16xi32>
        %and3A_304 = arith.andi %shift_right_logical3A_301, %and3A_303 : vector<16xi32>
        %mul3A_305 = arith.constant 16 : i32
        %mul3A_306 = vector.broadcast %mul3A_305 : i32 to vector<16xi32>
        %mul3A_307 = arith.muli %and3A_304, %mul3A_306 : vector<16xi32>
        %add3A_308 = arith.addi %mul3A_307, %iota3A : vector<16xi32>
        %shift_right_logical3A_309 = arith.constant 8 : i32
        %shift_right_logical3A_310 = vector.broadcast %shift_right_logical3A_309 : i32 to vector<16xi32>
        %shift_right_logical3A_311 = arith.shrui %get3A_217, %shift_right_logical3A_310 : vector<16xi32>
        %and3A_312 = arith.constant 255 : i32
        %and3A_313 = vector.broadcast %and3A_312 : i32 to vector<16xi32>
        %and3A_314 = arith.andi %shift_right_logical3A_311, %and3A_313 : vector<16xi32>
        %mul3A_315 = arith.constant 16 : i32
        %mul3A_316 = vector.broadcast %mul3A_315 : i32 to vector<16xi32>
        %mul3A_317 = arith.muli %and3A_314, %mul3A_316 : vector<16xi32>
        %add3A_318 = arith.addi %mul3A_317, %iota3A : vector<16xi32>
        %shift_right_logical3A_319 = arith.constant 8 : i32
        %shift_right_logical3A_320 = vector.broadcast %shift_right_logical3A_319 : i32 to vector<16xi32>
        %shift_right_logical3A_321 = arith.shrui %get3A_221, %shift_right_logical3A_320 : vector<16xi32>
        %and3A_322 = arith.constant 255 : i32
        %and3A_323 = vector.broadcast %and3A_322 : i32 to vector<16xi32>
        %and3A_324 = arith.andi %shift_right_logical3A_321, %and3A_323 : vector<16xi32>
        %mul3A_325 = arith.constant 16 : i32
        %mul3A_326 = vector.broadcast %mul3A_325 : i32 to vector<16xi32>
        %mul3A_327 = arith.muli %and3A_324, %mul3A_326 : vector<16xi32>
        %add3A_328 = arith.addi %mul3A_327, %iota3A : vector<16xi32>
        %shift_right_logical3A_329 = arith.constant 8 : i32
        %shift_right_logical3A_330 = vector.broadcast %shift_right_logical3A_329 : i32 to vector<16xi32>
        %shift_right_logical3A_331 = arith.shrui %get3A_227, %shift_right_logical3A_330 : vector<16xi32>
        %and3A_332 = arith.constant 255 : i32
        %and3A_333 = vector.broadcast %and3A_332 : i32 to vector<16xi32>
        %and3A_334 = arith.andi %shift_right_logical3A_331, %and3A_333 : vector<16xi32>
        %mul3A_335 = arith.constant 16 : i32
        %mul3A_336 = vector.broadcast %mul3A_335 : i32 to vector<16xi32>
        %mul3A_337 = arith.muli %and3A_334, %mul3A_336 : vector<16xi32>
        %add3A_338 = arith.addi %mul3A_337, %iota3A : vector<16xi32>
        %shift_right_logical3A_339 = arith.constant 8 : i32
        %shift_right_logical3A_340 = vector.broadcast %shift_right_logical3A_339 : i32 to vector<16xi32>
        %shift_right_logical3A_341 = arith.shrui %get3A_231, %shift_right_logical3A_340 : vector<16xi32>
        %and3A_342 = arith.constant 255 : i32
        %and3A_343 = vector.broadcast %and3A_342 : i32 to vector<16xi32>
        %and3A_344 = arith.andi %shift_right_logical3A_341, %and3A_343 : vector<16xi32>
        %mul3A_345 = arith.constant 16 : i32
        %mul3A_346 = vector.broadcast %mul3A_345 : i32 to vector<16xi32>
        %mul3A_347 = arith.muli %and3A_344, %mul3A_346 : vector<16xi32>
        %add3A_348 = arith.addi %mul3A_347, %iota3A : vector<16xi32>
        %shift_right_logical3A_349 = arith.constant 8 : i32
        %shift_right_logical3A_350 = vector.broadcast %shift_right_logical3A_349 : i32 to vector<16xi32>
        %shift_right_logical3A_351 = arith.shrui %get3A_237, %shift_right_logical3A_350 : vector<16xi32>
        %and3A_352 = arith.constant 255 : i32
        %and3A_353 = vector.broadcast %and3A_352 : i32 to vector<16xi32>
        %and3A_354 = arith.andi %shift_right_logical3A_351, %and3A_353 : vector<16xi32>
        %mul3A_355 = arith.constant 16 : i32
        %mul3A_356 = vector.broadcast %mul3A_355 : i32 to vector<16xi32>
        %mul3A_357 = arith.muli %and3A_354, %mul3A_356 : vector<16xi32>
        %add3A_358 = arith.addi %mul3A_357, %iota3A : vector<16xi32>
        %shift_right_logical3A_359 = arith.constant 8 : i32
        %shift_right_logical3A_360 = vector.broadcast %shift_right_logical3A_359 : i32 to vector<16xi32>
        %shift_right_logical3A_361 = arith.shrui %get3A_241, %shift_right_logical3A_360 : vector<16xi32>
        %and3A_362 = arith.constant 255 : i32
        %and3A_363 = vector.broadcast %and3A_362 : i32 to vector<16xi32>
        %and3A_364 = arith.andi %shift_right_logical3A_361, %and3A_363 : vector<16xi32>
        %mul3A_365 = arith.constant 16 : i32
        %mul3A_366 = vector.broadcast %mul3A_365 : i32 to vector<16xi32>
        %mul3A_367 = arith.muli %and3A_364, %mul3A_366 : vector<16xi32>
        %add3A_368 = arith.addi %mul3A_367, %iota3A : vector<16xi32>
        %gather3A = tpu.vector_load_idx %arg16[%add3A_298] : memref<4096xi32, #tpu.memory_space<vmem>>[vector<16xi32>], vector<16xi32>,
        %gather3A_369 = tpu.vector_load_idx %arg16[%add3A_318] : memref<4096xi32, #tpu.memory_space<vmem>>[vector<16xi32>], vector<16xi32>,
        %gather3A_370 = tpu.vector_load_idx %arg16[%add3A_338] : memref<4096xi32, #tpu.memory_space<vmem>>[vector<16xi32>], vector<16xi32>,
        %gather3A_371 = tpu.vector_load_idx %arg16[%add3A_358] : memref<4096xi32, #tpu.memory_space<vmem>>[vector<16xi32>], vector<16xi32>,
        %gather3A_372 = tpu.vector_load_idx %arg17[%add3A_308] : memref<4096xi32, #tpu.memory_space<vmem>>[vector<16xi32>], vector<16xi32>,
        %gather3A_373 = tpu.vector_load_idx %arg17[%add3A_328] : memref<4096xi32, #tpu.memory_space<vmem>>[vector<16xi32>], vector<16xi32>,
        %gather3A_374 = tpu.vector_load_idx %arg17[%add3A_348] : memref<4096xi32, #tpu.memory_space<vmem>>[vector<16xi32>], vector<16xi32>,
        %gather3A_375 = tpu.vector_load_idx %arg17[%add3A_368] : memref<4096xi32, #tpu.memory_space<vmem>>[vector<16xi32>], vector<16xi32>,
        %eq3A = arith.cmpi eq, %add3A_318, %add3A_298 : vector<16xi32>
        %convert_element_type3A = arith.extui %eq3A : vector<16xi1> to vector<16xi32>
        %eq3A_376 = arith.cmpi eq, %add3A_328, %add3A_308 : vector<16xi32>
        %convert_element_type3A_377 = arith.extui %eq3A_376 : vector<16xi1> to vector<16xi32>
        %add3A_378 = arith.addi %gather3A_369, %convert_element_type3A : vector<16xi32>
        %add3A_379 = arith.addi %gather3A_373, %convert_element_type3A_377 : vector<16xi32>
        %eq3A_380 = arith.cmpi eq, %add3A_338, %add3A_298 : vector<16xi32>
        %convert_element_type3A_381 = arith.extui %eq3A_380 : vector<16xi1> to vector<16xi32>
        %eq3A_382 = arith.cmpi eq, %add3A_348, %add3A_308 : vector<16xi32>
        %convert_element_type3A_383 = arith.extui %eq3A_382 : vector<16xi1> to vector<16xi32>
        %eq3A_384 = arith.cmpi eq, %add3A_338, %add3A_318 : vector<16xi32>
        %convert_element_type3A_385 = arith.extui %eq3A_384 : vector<16xi1> to vector<16xi32>
        %add3A_386 = arith.addi %convert_element_type3A_381, %convert_element_type3A_385 : vector<16xi32>
        %eq3A_387 = arith.cmpi eq, %add3A_348, %add3A_328 : vector<16xi32>
        %convert_element_type3A_388 = arith.extui %eq3A_387 : vector<16xi1> to vector<16xi32>
        %add3A_389 = arith.addi %convert_element_type3A_383, %convert_element_type3A_388 : vector<16xi32>
        %add3A_390 = arith.addi %gather3A_370, %add3A_386 : vector<16xi32>
        %add3A_391 = arith.addi %gather3A_374, %add3A_389 : vector<16xi32>
        %eq3A_392 = arith.cmpi eq, %add3A_358, %add3A_298 : vector<16xi32>
        %convert_element_type3A_393 = arith.extui %eq3A_392 : vector<16xi1> to vector<16xi32>
        %eq3A_394 = arith.cmpi eq, %add3A_368, %add3A_308 : vector<16xi32>
        %convert_element_type3A_395 = arith.extui %eq3A_394 : vector<16xi1> to vector<16xi32>
        %eq3A_396 = arith.cmpi eq, %add3A_358, %add3A_318 : vector<16xi32>
        %convert_element_type3A_397 = arith.extui %eq3A_396 : vector<16xi1> to vector<16xi32>
        %add3A_398 = arith.addi %convert_element_type3A_393, %convert_element_type3A_397 : vector<16xi32>
        %eq3A_399 = arith.cmpi eq, %add3A_368, %add3A_328 : vector<16xi32>
        %convert_element_type3A_400 = arith.extui %eq3A_399 : vector<16xi1> to vector<16xi32>
        %add3A_401 = arith.addi %convert_element_type3A_395, %convert_element_type3A_400 : vector<16xi32>
        %eq3A_402 = arith.cmpi eq, %add3A_358, %add3A_338 : vector<16xi32>
        %convert_element_type3A_403 = arith.extui %eq3A_402 : vector<16xi1> to vector<16xi32>
        %add3A_404 = arith.addi %add3A_398, %convert_element_type3A_403 : vector<16xi32>
        %eq3A_405 = arith.cmpi eq, %add3A_368, %add3A_348 : vector<16xi32>
        %convert_element_type3A_406 = arith.extui %eq3A_405 : vector<16xi1> to vector<16xi32>
        %add3A_407 = arith.addi %add3A_401, %convert_element_type3A_406 : vector<16xi32>
        %add3A_408 = arith.addi %gather3A_371, %add3A_404 : vector<16xi32>
        %add3A_409 = arith.addi %gather3A_375, %add3A_407 : vector<16xi32>
        %and3A_410 = arith.constant 255 : i32
        %and3A_411 = vector.broadcast %and3A_410 : i32 to vector<16xi32>
        %and3A_412 = arith.andi %gather3A, %and3A_411 : vector<16xi32>
        %shift_left3A = arith.constant 4 : i32
        %shift_left3A_413 = vector.broadcast %shift_left3A : i32 to vector<16xi32>
        %shift_left3A_414 = arith.shli %and3A_412, %shift_left3A_413 : vector<16xi32>
        %shift_right_logical3A_415 = arith.constant 8 : i32
        %shift_right_logical3A_416 = vector.broadcast %shift_right_logical3A_415 : i32 to vector<16xi32>
        %shift_right_logical3A_417 = arith.shrui %gather3A, %shift_right_logical3A_416 : vector<16xi32>
        %or3A = arith.ori %shift_left3A_414, %shift_right_logical3A_417 : vector<16xi32>
        %and3A_418 = arith.constant 255 : i32
        %and3A_419 = vector.broadcast %and3A_418 : i32 to vector<16xi32>
        %and3A_420 = arith.andi %gather3A_372, %and3A_419 : vector<16xi32>
        %shift_left3A_421 = arith.constant 4 : i32
        %shift_left3A_422 = vector.broadcast %shift_left3A_421 : i32 to vector<16xi32>
        %shift_left3A_423 = arith.shli %and3A_420, %shift_left3A_422 : vector<16xi32>
        %shift_right_logical3A_424 = arith.constant 8 : i32
        %shift_right_logical3A_425 = vector.broadcast %shift_right_logical3A_424 : i32 to vector<16xi32>
        %shift_right_logical3A_426 = arith.shrui %gather3A_372, %shift_right_logical3A_425 : vector<16xi32>
        %or3A_427 = arith.ori %shift_left3A_423, %shift_right_logical3A_426 : vector<16xi32>
        tpu.vector_store_idx %arg6[%or3A], %get3A_207 : memref<4096xi32, #tpu.memory_space<vmem>>[vector<16xi32>], vector<16xi32>,
        tpu.vector_store_idx %arg10[%or3A_427], %get3A_211 : memref<4096xi32, #tpu.memory_space<vmem>>[vector<16xi32>], vector<16xi32>,
        tpu.vector_store_idx %arg8[%or3A], %get3A_247 : memref<4096xi32, #tpu.memory_space<vmem>>[vector<16xi32>], vector<16xi32>,
        tpu.vector_store_idx %arg12[%or3A_427], %get3A_253 : memref<4096xi32, #tpu.memory_space<vmem>>[vector<16xi32>], vector<16xi32>,
        %and3A_428 = arith.constant 255 : i32
        %and3A_429 = vector.broadcast %and3A_428 : i32 to vector<16xi32>
        %and3A_430 = arith.andi %add3A_378, %and3A_429 : vector<16xi32>
        %shift_left3A_431 = arith.constant 4 : i32
        %shift_left3A_432 = vector.broadcast %shift_left3A_431 : i32 to vector<16xi32>
        %shift_left3A_433 = arith.shli %and3A_430, %shift_left3A_432 : vector<16xi32>
        %shift_right_logical3A_434 = arith.constant 8 : i32
        %shift_right_logical3A_435 = vector.broadcast %shift_right_logical3A_434 : i32 to vector<16xi32>
        %shift_right_logical3A_436 = arith.shrui %add3A_378, %shift_right_logical3A_435 : vector<16xi32>
        %or3A_437 = arith.ori %shift_left3A_433, %shift_right_logical3A_436 : vector<16xi32>
        %and3A_438 = arith.constant 255 : i32
        %and3A_439 = vector.broadcast %and3A_438 : i32 to vector<16xi32>
        %and3A_440 = arith.andi %add3A_379, %and3A_439 : vector<16xi32>
        %shift_left3A_441 = arith.constant 4 : i32
        %shift_left3A_442 = vector.broadcast %shift_left3A_441 : i32 to vector<16xi32>
        %shift_left3A_443 = arith.shli %and3A_440, %shift_left3A_442 : vector<16xi32>
        %shift_right_logical3A_444 = arith.constant 8 : i32
        %shift_right_logical3A_445 = vector.broadcast %shift_right_logical3A_444 : i32 to vector<16xi32>
        %shift_right_logical3A_446 = arith.shrui %add3A_379, %shift_right_logical3A_445 : vector<16xi32>
        %or3A_447 = arith.ori %shift_left3A_443, %shift_right_logical3A_446 : vector<16xi32>
        tpu.vector_store_idx %arg6[%or3A_437], %get3A_217 : memref<4096xi32, #tpu.memory_space<vmem>>[vector<16xi32>], vector<16xi32>,
        tpu.vector_store_idx %arg10[%or3A_447], %get3A_221 : memref<4096xi32, #tpu.memory_space<vmem>>[vector<16xi32>], vector<16xi32>,
        tpu.vector_store_idx %arg8[%or3A_437], %get3A_259 : memref<4096xi32, #tpu.memory_space<vmem>>[vector<16xi32>], vector<16xi32>,
        tpu.vector_store_idx %arg12[%or3A_447], %get3A_265 : memref<4096xi32, #tpu.memory_space<vmem>>[vector<16xi32>], vector<16xi32>,
        %and3A_448 = arith.constant 255 : i32
        %and3A_449 = vector.broadcast %and3A_448 : i32 to vector<16xi32>
        %and3A_450 = arith.andi %add3A_390, %and3A_449 : vector<16xi32>
        %shift_left3A_451 = arith.constant 4 : i32
        %shift_left3A_452 = vector.broadcast %shift_left3A_451 : i32 to vector<16xi32>
        %shift_left3A_453 = arith.shli %and3A_450, %shift_left3A_452 : vector<16xi32>
        %shift_right_logical3A_454 = arith.constant 8 : i32
        %shift_right_logical3A_455 = vector.broadcast %shift_right_logical3A_454 : i32 to vector<16xi32>
        %shift_right_logical3A_456 = arith.shrui %add3A_390, %shift_right_logical3A_455 : vector<16xi32>
        %or3A_457 = arith.ori %shift_left3A_453, %shift_right_logical3A_456 : vector<16xi32>
        %and3A_458 = arith.constant 255 : i32
        %and3A_459 = vector.broadcast %and3A_458 : i32 to vector<16xi32>
        %and3A_460 = arith.andi %add3A_391, %and3A_459 : vector<16xi32>
        %shift_left3A_461 = arith.constant 4 : i32
        %shift_left3A_462 = vector.broadcast %shift_left3A_461 : i32 to vector<16xi32>
        %shift_left3A_463 = arith.shli %and3A_460, %shift_left3A_462 : vector<16xi32>
        %shift_right_logical3A_464 = arith.constant 8 : i32
        %shift_right_logical3A_465 = vector.broadcast %shift_right_logical3A_464 : i32 to vector<16xi32>
        %shift_right_logical3A_466 = arith.shrui %add3A_391, %shift_right_logical3A_465 : vector<16xi32>
        %or3A_467 = arith.ori %shift_left3A_463, %shift_right_logical3A_466 : vector<16xi32>
        tpu.vector_store_idx %arg6[%or3A_457], %get3A_227 : memref<4096xi32, #tpu.memory_space<vmem>>[vector<16xi32>], vector<16xi32>,
        tpu.vector_store_idx %arg10[%or3A_467], %get3A_231 : memref<4096xi32, #tpu.memory_space<vmem>>[vector<16xi32>], vector<16xi32>,
        tpu.vector_store_idx %arg8[%or3A_457], %get3A_271 : memref<4096xi32, #tpu.memory_space<vmem>>[vector<16xi32>], vector<16xi32>,
        tpu.vector_store_idx %arg12[%or3A_467], %get3A_277 : memref<4096xi32, #tpu.memory_space<vmem>>[vector<16xi32>], vector<16xi32>,
        %and3A_468 = arith.constant 255 : i32
        %and3A_469 = vector.broadcast %and3A_468 : i32 to vector<16xi32>
        %and3A_470 = arith.andi %add3A_408, %and3A_469 : vector<16xi32>
        %shift_left3A_471 = arith.constant 4 : i32
        %shift_left3A_472 = vector.broadcast %shift_left3A_471 : i32 to vector<16xi32>
        %shift_left3A_473 = arith.shli %and3A_470, %shift_left3A_472 : vector<16xi32>
        %shift_right_logical3A_474 = arith.constant 8 : i32
        %shift_right_logical3A_475 = vector.broadcast %shift_right_logical3A_474 : i32 to vector<16xi32>
        %shift_right_logical3A_476 = arith.shrui %add3A_408, %shift_right_logical3A_475 : vector<16xi32>
        %or3A_477 = arith.ori %shift_left3A_473, %shift_right_logical3A_476 : vector<16xi32>
        %and3A_478 = arith.constant 255 : i32
        %and3A_479 = vector.broadcast %and3A_478 : i32 to vector<16xi32>
        %and3A_480 = arith.andi %add3A_409, %and3A_479 : vector<16xi32>
        %shift_left3A_481 = arith.constant 4 : i32
        %shift_left3A_482 = vector.broadcast %shift_left3A_481 : i32 to vector<16xi32>
        %shift_left3A_483 = arith.shli %and3A_480, %shift_left3A_482 : vector<16xi32>
        %shift_right_logical3A_484 = arith.constant 8 : i32
        %shift_right_logical3A_485 = vector.broadcast %shift_right_logical3A_484 : i32 to vector<16xi32>
        %shift_right_logical3A_486 = arith.shrui %add3A_409, %shift_right_logical3A_485 : vector<16xi32>
        %or3A_487 = arith.ori %shift_left3A_483, %shift_right_logical3A_486 : vector<16xi32>
        tpu.vector_store_idx %arg6[%or3A_477], %get3A_237 : memref<4096xi32, #tpu.memory_space<vmem>>[vector<16xi32>], vector<16xi32>,
        tpu.vector_store_idx %arg10[%or3A_487], %get3A_241 : memref<4096xi32, #tpu.memory_space<vmem>>[vector<16xi32>], vector<16xi32>,
        tpu.vector_store_idx %arg8[%or3A_477], %get3A_283 : memref<4096xi32, #tpu.memory_space<vmem>>[vector<16xi32>], vector<16xi32>,
        tpu.vector_store_idx %arg12[%or3A_487], %get3A_289 : memref<4096xi32, #tpu.memory_space<vmem>>[vector<16xi32>], vector<16xi32>,
        tpu.vector_store_idx %arg16[%add3A_298], %broadcast_in_dim3A_1 {add = true} : memref<4096xi32, #tpu.memory_space<vmem>>[vector<16xi32>], vector<16xi32>,
        tpu.vector_store_idx %arg17[%add3A_308], %broadcast_in_dim3A_1 {add = true} : memref<4096xi32, #tpu.memory_space<vmem>>[vector<16xi32>], vector<16xi32>,
        tpu.vector_store_idx %arg16[%add3A_318], %broadcast_in_dim3A_1 {add = true} : memref<4096xi32, #tpu.memory_space<vmem>>[vector<16xi32>], vector<16xi32>,
        tpu.vector_store_idx %arg17[%add3A_328], %broadcast_in_dim3A_1 {add = true} : memref<4096xi32, #tpu.memory_space<vmem>>[vector<16xi32>], vector<16xi32>,
        tpu.vector_store_idx %arg16[%add3A_338], %broadcast_in_dim3A_1 {add = true} : memref<4096xi32, #tpu.memory_space<vmem>>[vector<16xi32>], vector<16xi32>,
        tpu.vector_store_idx %arg17[%add3A_348], %broadcast_in_dim3A_1 {add = true} : memref<4096xi32, #tpu.memory_space<vmem>>[vector<16xi32>], vector<16xi32>,
        tpu.vector_store_idx %arg16[%add3A_358], %broadcast_in_dim3A_1 {add = true} : memref<4096xi32, #tpu.memory_space<vmem>>[vector<16xi32>], vector<16xi32>,
        tpu.vector_store_idx %arg17[%add3A_368], %broadcast_in_dim3A_1 {add = true} : memref<4096xi32, #tpu.memory_space<vmem>>[vector<16xi32>], vector<16xi32>,
      }
      %scan3A_128 = arith.constant 64 : i32
      %scan3A_129 = arith.constant 0 : i32
      %scan3A_130 = arith.constant 0 : i32
      %scan3A_131 = arith.constant 256 : i32
      %scan3A_132 = arith.addi %scan3A_130, %scan3A_131 : i32
      %scan3A_133 = arith.constant 4 : i32
      scf.for %scan3A_200 = %scan3A_130 to %scan3A_132 step %scan3A_133  : i32 {
        %mul3A_201 = arith.constant 16 : i32
        %mul3A_202 = arith.muli %scan3A_200, %mul3A_201 : i32
        %swap3A_203 = arith.index_cast %mul3A_202 : i32 to index
        %swap3A_204 = tpu.vector_load %arg16[%swap3A_203] {strides = array<i32>} : memref<4096xi32, #tpu.memory_space<vmem>>, vector<16xi32>,
        tpu.vector_store %arg16[%swap3A_203], %broadcast_in_dim3A_3 {strides = array<i32>} : memref<4096xi32, #tpu.memory_space<vmem>>, vector<16xi32>,
        %mul3A_205 = arith.constant 16 : i32
        %mul3A_206 = arith.muli %scan3A_200, %mul3A_205 : i32
        %swap3A_207 = arith.index_cast %mul3A_206 : i32 to index
        %swap3A_208 = tpu.vector_load %arg17[%swap3A_207] {strides = array<i32>} : memref<4096xi32, #tpu.memory_space<vmem>>, vector<16xi32>,
        tpu.vector_store %arg17[%swap3A_207], %broadcast_in_dim3A_3 {strides = array<i32>} : memref<4096xi32, #tpu.memory_space<vmem>>, vector<16xi32>,
        %scan3A_209 = arith.constant 1 : i32
        %scan3A_210 = arith.addi %scan3A_200, %scan3A_209 : i32
        %mul3A_211 = arith.constant 16 : i32
        %mul3A_212 = arith.muli %scan3A_210, %mul3A_211 : i32
        %swap3A_213 = arith.index_cast %mul3A_212 : i32 to index
        %swap3A_214 = tpu.vector_load %arg16[%swap3A_213] {strides = array<i32>} : memref<4096xi32, #tpu.memory_space<vmem>>, vector<16xi32>,
        tpu.vector_store %arg16[%swap3A_213], %broadcast_in_dim3A_3 {strides = array<i32>} : memref<4096xi32, #tpu.memory_space<vmem>>, vector<16xi32>,
        %mul3A_215 = arith.constant 16 : i32
        %mul3A_216 = arith.muli %scan3A_210, %mul3A_215 : i32
        %swap3A_217 = arith.index_cast %mul3A_216 : i32 to index
        %swap3A_218 = tpu.vector_load %arg17[%swap3A_217] {strides = array<i32>} : memref<4096xi32, #tpu.memory_space<vmem>>, vector<16xi32>,
        tpu.vector_store %arg17[%swap3A_217], %broadcast_in_dim3A_3 {strides = array<i32>} : memref<4096xi32, #tpu.memory_space<vmem>>, vector<16xi32>,
        %scan3A_219 = arith.constant 2 : i32
        %scan3A_220 = arith.addi %scan3A_200, %scan3A_219 : i32
        %mul3A_221 = arith.constant 16 : i32
        %mul3A_222 = arith.muli %scan3A_220, %mul3A_221 : i32
        %swap3A_223 = arith.index_cast %mul3A_222 : i32 to index
        %swap3A_224 = tpu.vector_load %arg16[%swap3A_223] {strides = array<i32>} : memref<4096xi32, #tpu.memory_space<vmem>>, vector<16xi32>,
        tpu.vector_store %arg16[%swap3A_223], %broadcast_in_dim3A_3 {strides = array<i32>} : memref<4096xi32, #tpu.memory_space<vmem>>, vector<16xi32>,
        %mul3A_225 = arith.constant 16 : i32
        %mul3A_226 = arith.muli %scan3A_220, %mul3A_225 : i32
        %swap3A_227 = arith.index_cast %mul3A_226 : i32 to index
        %swap3A_228 = tpu.vector_load %arg17[%swap3A_227] {strides = array<i32>} : memref<4096xi32, #tpu.memory_space<vmem>>, vector<16xi32>,
        tpu.vector_store %arg17[%swap3A_227], %broadcast_in_dim3A_3 {strides = array<i32>} : memref<4096xi32, #tpu.memory_space<vmem>>, vector<16xi32>,
        %scan3A_229 = arith.constant 3 : i32
        %scan3A_230 = arith.addi %scan3A_200, %scan3A_229 : i32
        %mul3A_231 = arith.constant 16 : i32
        %mul3A_232 = arith.muli %scan3A_230, %mul3A_231 : i32
        %swap3A_233 = arith.index_cast %mul3A_232 : i32 to index
        %swap3A_234 = tpu.vector_load %arg16[%swap3A_233] {strides = array<i32>} : memref<4096xi32, #tpu.memory_space<vmem>>, vector<16xi32>,
        tpu.vector_store %arg16[%swap3A_233], %broadcast_in_dim3A_3 {strides = array<i32>} : memref<4096xi32, #tpu.memory_space<vmem>>, vector<16xi32>,
        %mul3A_235 = arith.constant 16 : i32
        %mul3A_236 = arith.muli %scan3A_230, %mul3A_235 : i32
        %swap3A_237 = arith.index_cast %mul3A_236 : i32 to index
        %swap3A_238 = tpu.vector_load %arg17[%swap3A_237] {strides = array<i32>} : memref<4096xi32, #tpu.memory_space<vmem>>, vector<16xi32>,
        tpu.vector_store %arg17[%swap3A_237], %broadcast_in_dim3A_3 {strides = array<i32>} : memref<4096xi32, #tpu.memory_space<vmem>>, vector<16xi32>,
      }
      %scan3A_134 = arith.constant 256 : i32
      %scan3A_135 = arith.constant 0 : i32
      %scan3A_136 = arith.constant 0 : i32
      %scan3A_137 = arith.constant 32 : i32
      %scan3A_138 = arith.addi %scan3A_136, %scan3A_137 : i32
      %scan3A_139 = arith.constant 1 : i32
      scf.for %scan3A_200 = %scan3A_136 to %scan3A_138 step %scan3A_139  : i32 {
        %mul3A_201 = arith.constant 8 : i32
        %mul3A_202 = arith.muli %scan3A_200, %mul3A_201 : i32
        %add3A_203 = arith.constant 0 : i32
        %add3A_204 = arith.addi %mul3A_202, %add3A_203 : i32
        %mul3A_205 = arith.constant 16 : i32
        %mul3A_206 = arith.muli %add3A_204, %mul3A_205 : i32
        %get3A = arith.index_cast %mul3A_206 : i32 to index
        %get3A_207 = tpu.vector_load %arg6[%get3A] {strides = array<i32>} : memref<4096xi32, #tpu.memory_space<vmem>>, vector<16xi32>,
        %mul3A_208 = arith.constant 16 : i32
        %mul3A_209 = arith.muli %add3A_204, %mul3A_208 : i32
        %get3A_210 = arith.index_cast %mul3A_209 : i32 to index
        %get3A_211 = tpu.vector_load %arg10[%get3A_210] {strides = array<i32>} : memref<4096xi32, #tpu.memory_space<vmem>>, vector<16xi32>,
        %add3A_212 = arith.constant 1 : i32
        %add3A_213 = arith.addi %mul3A_202, %add3A_212 : i32
        %mul3A_214 = arith.constant 16 : i32
        %mul3A_215 = arith.muli %add3A_213, %mul3A_214 : i32
        %get3A_216 = arith.index_cast %mul3A_215 : i32 to index
        %get3A_217 = tpu.vector_load %arg6[%get3A_216] {strides = array<i32>} : memref<4096xi32, #tpu.memory_space<vmem>>, vector<16xi32>,
        %mul3A_218 = arith.constant 16 : i32
        %mul3A_219 = arith.muli %add3A_213, %mul3A_218 : i32
        %get3A_220 = arith.index_cast %mul3A_219 : i32 to index
        %get3A_221 = tpu.vector_load %arg10[%get3A_220] {strides = array<i32>} : memref<4096xi32, #tpu.memory_space<vmem>>, vector<16xi32>,
        %add3A_222 = arith.constant 2 : i32
        %add3A_223 = arith.addi %mul3A_202, %add3A_222 : i32
        %mul3A_224 = arith.constant 16 : i32
        %mul3A_225 = arith.muli %add3A_223, %mul3A_224 : i32
        %get3A_226 = arith.index_cast %mul3A_225 : i32 to index
        %get3A_227 = tpu.vector_load %arg6[%get3A_226] {strides = array<i32>} : memref<4096xi32, #tpu.memory_space<vmem>>, vector<16xi32>,
        %mul3A_228 = arith.constant 16 : i32
        %mul3A_229 = arith.muli %add3A_223, %mul3A_228 : i32
        %get3A_230 = arith.index_cast %mul3A_229 : i32 to index
        %get3A_231 = tpu.vector_load %arg10[%get3A_230] {strides = array<i32>} : memref<4096xi32, #tpu.memory_space<vmem>>, vector<16xi32>,
        %add3A_232 = arith.constant 3 : i32
        %add3A_233 = arith.addi %mul3A_202, %add3A_232 : i32
        %mul3A_234 = arith.constant 16 : i32
        %mul3A_235 = arith.muli %add3A_233, %mul3A_234 : i32
        %get3A_236 = arith.index_cast %mul3A_235 : i32 to index
        %get3A_237 = tpu.vector_load %arg6[%get3A_236] {strides = array<i32>} : memref<4096xi32, #tpu.memory_space<vmem>>, vector<16xi32>,
        %mul3A_238 = arith.constant 16 : i32
        %mul3A_239 = arith.muli %add3A_233, %mul3A_238 : i32
        %get3A_240 = arith.index_cast %mul3A_239 : i32 to index
        %get3A_241 = tpu.vector_load %arg10[%get3A_240] {strides = array<i32>} : memref<4096xi32, #tpu.memory_space<vmem>>, vector<16xi32>,
        %add3A_242 = arith.constant 4 : i32
        %add3A_243 = arith.addi %mul3A_202, %add3A_242 : i32
        %mul3A_244 = arith.constant 16 : i32
        %mul3A_245 = arith.muli %add3A_243, %mul3A_244 : i32
        %get3A_246 = arith.index_cast %mul3A_245 : i32 to index
        %get3A_247 = tpu.vector_load %arg6[%get3A_246] {strides = array<i32>} : memref<4096xi32, #tpu.memory_space<vmem>>, vector<16xi32>,
        %mul3A_248 = arith.constant 16 : i32
        %mul3A_249 = arith.muli %add3A_243, %mul3A_248 : i32
        %get3A_250 = arith.index_cast %mul3A_249 : i32 to index
        %get3A_251 = tpu.vector_load %arg10[%get3A_250] {strides = array<i32>} : memref<4096xi32, #tpu.memory_space<vmem>>, vector<16xi32>,
        %add3A_252 = arith.constant 5 : i32
        %add3A_253 = arith.addi %mul3A_202, %add3A_252 : i32
        %mul3A_254 = arith.constant 16 : i32
        %mul3A_255 = arith.muli %add3A_253, %mul3A_254 : i32
        %get3A_256 = arith.index_cast %mul3A_255 : i32 to index
        %get3A_257 = tpu.vector_load %arg6[%get3A_256] {strides = array<i32>} : memref<4096xi32, #tpu.memory_space<vmem>>, vector<16xi32>,
        %mul3A_258 = arith.constant 16 : i32
        %mul3A_259 = arith.muli %add3A_253, %mul3A_258 : i32
        %get3A_260 = arith.index_cast %mul3A_259 : i32 to index
        %get3A_261 = tpu.vector_load %arg10[%get3A_260] {strides = array<i32>} : memref<4096xi32, #tpu.memory_space<vmem>>, vector<16xi32>,
        %add3A_262 = arith.constant 6 : i32
        %add3A_263 = arith.addi %mul3A_202, %add3A_262 : i32
        %mul3A_264 = arith.constant 16 : i32
        %mul3A_265 = arith.muli %add3A_263, %mul3A_264 : i32
        %get3A_266 = arith.index_cast %mul3A_265 : i32 to index
        %get3A_267 = tpu.vector_load %arg6[%get3A_266] {strides = array<i32>} : memref<4096xi32, #tpu.memory_space<vmem>>, vector<16xi32>,
        %mul3A_268 = arith.constant 16 : i32
        %mul3A_269 = arith.muli %add3A_263, %mul3A_268 : i32
        %get3A_270 = arith.index_cast %mul3A_269 : i32 to index
        %get3A_271 = tpu.vector_load %arg10[%get3A_270] {strides = array<i32>} : memref<4096xi32, #tpu.memory_space<vmem>>, vector<16xi32>,
        %add3A_272 = arith.constant 7 : i32
        %add3A_273 = arith.addi %mul3A_202, %add3A_272 : i32
        %mul3A_274 = arith.constant 16 : i32
        %mul3A_275 = arith.muli %add3A_273, %mul3A_274 : i32
        %get3A_276 = arith.index_cast %mul3A_275 : i32 to index
        %get3A_277 = tpu.vector_load %arg6[%get3A_276] {strides = array<i32>} : memref<4096xi32, #tpu.memory_space<vmem>>, vector<16xi32>,
        %mul3A_278 = arith.constant 16 : i32
        %mul3A_279 = arith.muli %add3A_273, %mul3A_278 : i32
        %get3A_280 = arith.index_cast %mul3A_279 : i32 to index
        %get3A_281 = tpu.vector_load %arg10[%get3A_280] {strides = array<i32>} : memref<4096xi32, #tpu.memory_space<vmem>>, vector<16xi32>,
        %shift_right_logical3A = arith.constant 16 : i32
        %shift_right_logical3A_282 = vector.broadcast %shift_right_logical3A : i32 to vector<16xi32>
        %shift_right_logical3A_283 = arith.shrui %get3A_207, %shift_right_logical3A_282 : vector<16xi32>
        %and3A_284 = arith.constant 255 : i32
        %and3A_285 = vector.broadcast %and3A_284 : i32 to vector<16xi32>
        %and3A_286 = arith.andi %shift_right_logical3A_283, %and3A_285 : vector<16xi32>
        %shift_right_logical3A_287 = arith.constant 16 : i32
        %shift_right_logical3A_288 = vector.broadcast %shift_right_logical3A_287 : i32 to vector<16xi32>
        %shift_right_logical3A_289 = arith.shrui %get3A_211, %shift_right_logical3A_288 : vector<16xi32>
        %and3A_290 = arith.constant 255 : i32
        %and3A_291 = vector.broadcast %and3A_290 : i32 to vector<16xi32>
        %and3A_292 = arith.andi %shift_right_logical3A_289, %and3A_291 : vector<16xi32>
        %mul3A_293 = arith.constant 16 : i32
        %mul3A_294 = vector.broadcast %mul3A_293 : i32 to vector<16xi32>
        %mul3A_295 = arith.muli %and3A_286, %mul3A_294 : vector<16xi32>
        %add3A_296 = arith.addi %mul3A_295, %iota3A : vector<16xi32>
        tpu.vector_store_idx %arg16[%add3A_296], %broadcast_in_dim3A_1 {add = true} : memref<4096xi32, #tpu.memory_space<vmem>>[vector<16xi32>], vector<16xi32>,
        %mul3A_297 = arith.constant 16 : i32
        %mul3A_298 = vector.broadcast %mul3A_297 : i32 to vector<16xi32>
        %mul3A_299 = arith.muli %and3A_292, %mul3A_298 : vector<16xi32>
        %add3A_300 = arith.addi %mul3A_299, %iota3A : vector<16xi32>
        tpu.vector_store_idx %arg17[%add3A_300], %broadcast_in_dim3A_1 {add = true} : memref<4096xi32, #tpu.memory_space<vmem>>[vector<16xi32>], vector<16xi32>,
        %shift_right_logical3A_301 = arith.constant 16 : i32
        %shift_right_logical3A_302 = vector.broadcast %shift_right_logical3A_301 : i32 to vector<16xi32>
        %shift_right_logical3A_303 = arith.shrui %get3A_217, %shift_right_logical3A_302 : vector<16xi32>
        %and3A_304 = arith.constant 255 : i32
        %and3A_305 = vector.broadcast %and3A_304 : i32 to vector<16xi32>
        %and3A_306 = arith.andi %shift_right_logical3A_303, %and3A_305 : vector<16xi32>
        %shift_right_logical3A_307 = arith.constant 16 : i32
        %shift_right_logical3A_308 = vector.broadcast %shift_right_logical3A_307 : i32 to vector<16xi32>
        %shift_right_logical3A_309 = arith.shrui %get3A_221, %shift_right_logical3A_308 : vector<16xi32>
        %and3A_310 = arith.constant 255 : i32
        %and3A_311 = vector.broadcast %and3A_310 : i32 to vector<16xi32>
        %and3A_312 = arith.andi %shift_right_logical3A_309, %and3A_311 : vector<16xi32>
        %mul3A_313 = arith.constant 16 : i32
        %mul3A_314 = vector.broadcast %mul3A_313 : i32 to vector<16xi32>
        %mul3A_315 = arith.muli %and3A_306, %mul3A_314 : vector<16xi32>
        %add3A_316 = arith.addi %mul3A_315, %iota3A : vector<16xi32>
        tpu.vector_store_idx %arg16[%add3A_316], %broadcast_in_dim3A_1 {add = true} : memref<4096xi32, #tpu.memory_space<vmem>>[vector<16xi32>], vector<16xi32>,
        %mul3A_317 = arith.constant 16 : i32
        %mul3A_318 = vector.broadcast %mul3A_317 : i32 to vector<16xi32>
        %mul3A_319 = arith.muli %and3A_312, %mul3A_318 : vector<16xi32>
        %add3A_320 = arith.addi %mul3A_319, %iota3A : vector<16xi32>
        tpu.vector_store_idx %arg17[%add3A_320], %broadcast_in_dim3A_1 {add = true} : memref<4096xi32, #tpu.memory_space<vmem>>[vector<16xi32>], vector<16xi32>,
        %shift_right_logical3A_321 = arith.constant 16 : i32
        %shift_right_logical3A_322 = vector.broadcast %shift_right_logical3A_321 : i32 to vector<16xi32>
        %shift_right_logical3A_323 = arith.shrui %get3A_227, %shift_right_logical3A_322 : vector<16xi32>
        %and3A_324 = arith.constant 255 : i32
        %and3A_325 = vector.broadcast %and3A_324 : i32 to vector<16xi32>
        %and3A_326 = arith.andi %shift_right_logical3A_323, %and3A_325 : vector<16xi32>
        %shift_right_logical3A_327 = arith.constant 16 : i32
        %shift_right_logical3A_328 = vector.broadcast %shift_right_logical3A_327 : i32 to vector<16xi32>
        %shift_right_logical3A_329 = arith.shrui %get3A_231, %shift_right_logical3A_328 : vector<16xi32>
        %and3A_330 = arith.constant 255 : i32
        %and3A_331 = vector.broadcast %and3A_330 : i32 to vector<16xi32>
        %and3A_332 = arith.andi %shift_right_logical3A_329, %and3A_331 : vector<16xi32>
        %mul3A_333 = arith.constant 16 : i32
        %mul3A_334 = vector.broadcast %mul3A_333 : i32 to vector<16xi32>
        %mul3A_335 = arith.muli %and3A_326, %mul3A_334 : vector<16xi32>
        %add3A_336 = arith.addi %mul3A_335, %iota3A : vector<16xi32>
        tpu.vector_store_idx %arg16[%add3A_336], %broadcast_in_dim3A_1 {add = true} : memref<4096xi32, #tpu.memory_space<vmem>>[vector<16xi32>], vector<16xi32>,
        %mul3A_337 = arith.constant 16 : i32
        %mul3A_338 = vector.broadcast %mul3A_337 : i32 to vector<16xi32>
        %mul3A_339 = arith.muli %and3A_332, %mul3A_338 : vector<16xi32>
        %add3A_340 = arith.addi %mul3A_339, %iota3A : vector<16xi32>
        tpu.vector_store_idx %arg17[%add3A_340], %broadcast_in_dim3A_1 {add = true} : memref<4096xi32, #tpu.memory_space<vmem>>[vector<16xi32>], vector<16xi32>,
        %shift_right_logical3A_341 = arith.constant 16 : i32
        %shift_right_logical3A_342 = vector.broadcast %shift_right_logical3A_341 : i32 to vector<16xi32>
        %shift_right_logical3A_343 = arith.shrui %get3A_237, %shift_right_logical3A_342 : vector<16xi32>
        %and3A_344 = arith.constant 255 : i32
        %and3A_345 = vector.broadcast %and3A_344 : i32 to vector<16xi32>
        %and3A_346 = arith.andi %shift_right_logical3A_343, %and3A_345 : vector<16xi32>
        %shift_right_logical3A_347 = arith.constant 16 : i32
        %shift_right_logical3A_348 = vector.broadcast %shift_right_logical3A_347 : i32 to vector<16xi32>
        %shift_right_logical3A_349 = arith.shrui %get3A_241, %shift_right_logical3A_348 : vector<16xi32>
        %and3A_350 = arith.constant 255 : i32
        %and3A_351 = vector.broadcast %and3A_350 : i32 to vector<16xi32>
        %and3A_352 = arith.andi %shift_right_logical3A_349, %and3A_351 : vector<16xi32>
        %mul3A_353 = arith.constant 16 : i32
        %mul3A_354 = vector.broadcast %mul3A_353 : i32 to vector<16xi32>
        %mul3A_355 = arith.muli %and3A_346, %mul3A_354 : vector<16xi32>
        %add3A_356 = arith.addi %mul3A_355, %iota3A : vector<16xi32>
        tpu.vector_store_idx %arg16[%add3A_356], %broadcast_in_dim3A_1 {add = true} : memref<4096xi32, #tpu.memory_space<vmem>>[vector<16xi32>], vector<16xi32>,
        %mul3A_357 = arith.constant 16 : i32
        %mul3A_358 = vector.broadcast %mul3A_357 : i32 to vector<16xi32>
        %mul3A_359 = arith.muli %and3A_352, %mul3A_358 : vector<16xi32>
        %add3A_360 = arith.addi %mul3A_359, %iota3A : vector<16xi32>
        tpu.vector_store_idx %arg17[%add3A_360], %broadcast_in_dim3A_1 {add = true} : memref<4096xi32, #tpu.memory_space<vmem>>[vector<16xi32>], vector<16xi32>,
        %shift_right_logical3A_361 = arith.constant 16 : i32
        %shift_right_logical3A_362 = vector.broadcast %shift_right_logical3A_361 : i32 to vector<16xi32>
        %shift_right_logical3A_363 = arith.shrui %get3A_247, %shift_right_logical3A_362 : vector<16xi32>
        %and3A_364 = arith.constant 255 : i32
        %and3A_365 = vector.broadcast %and3A_364 : i32 to vector<16xi32>
        %and3A_366 = arith.andi %shift_right_logical3A_363, %and3A_365 : vector<16xi32>
        %shift_right_logical3A_367 = arith.constant 16 : i32
        %shift_right_logical3A_368 = vector.broadcast %shift_right_logical3A_367 : i32 to vector<16xi32>
        %shift_right_logical3A_369 = arith.shrui %get3A_251, %shift_right_logical3A_368 : vector<16xi32>
        %and3A_370 = arith.constant 255 : i32
        %and3A_371 = vector.broadcast %and3A_370 : i32 to vector<16xi32>
        %and3A_372 = arith.andi %shift_right_logical3A_369, %and3A_371 : vector<16xi32>
        %mul3A_373 = arith.constant 16 : i32
        %mul3A_374 = vector.broadcast %mul3A_373 : i32 to vector<16xi32>
        %mul3A_375 = arith.muli %and3A_366, %mul3A_374 : vector<16xi32>
        %add3A_376 = arith.addi %mul3A_375, %iota3A : vector<16xi32>
        tpu.vector_store_idx %arg16[%add3A_376], %broadcast_in_dim3A_1 {add = true} : memref<4096xi32, #tpu.memory_space<vmem>>[vector<16xi32>], vector<16xi32>,
        %mul3A_377 = arith.constant 16 : i32
        %mul3A_378 = vector.broadcast %mul3A_377 : i32 to vector<16xi32>
        %mul3A_379 = arith.muli %and3A_372, %mul3A_378 : vector<16xi32>
        %add3A_380 = arith.addi %mul3A_379, %iota3A : vector<16xi32>
        tpu.vector_store_idx %arg17[%add3A_380], %broadcast_in_dim3A_1 {add = true} : memref<4096xi32, #tpu.memory_space<vmem>>[vector<16xi32>], vector<16xi32>,
        %shift_right_logical3A_381 = arith.constant 16 : i32
        %shift_right_logical3A_382 = vector.broadcast %shift_right_logical3A_381 : i32 to vector<16xi32>
        %shift_right_logical3A_383 = arith.shrui %get3A_257, %shift_right_logical3A_382 : vector<16xi32>
        %and3A_384 = arith.constant 255 : i32
        %and3A_385 = vector.broadcast %and3A_384 : i32 to vector<16xi32>
        %and3A_386 = arith.andi %shift_right_logical3A_383, %and3A_385 : vector<16xi32>
        %shift_right_logical3A_387 = arith.constant 16 : i32
        %shift_right_logical3A_388 = vector.broadcast %shift_right_logical3A_387 : i32 to vector<16xi32>
        %shift_right_logical3A_389 = arith.shrui %get3A_261, %shift_right_logical3A_388 : vector<16xi32>
        %and3A_390 = arith.constant 255 : i32
        %and3A_391 = vector.broadcast %and3A_390 : i32 to vector<16xi32>
        %and3A_392 = arith.andi %shift_right_logical3A_389, %and3A_391 : vector<16xi32>
        %mul3A_393 = arith.constant 16 : i32
        %mul3A_394 = vector.broadcast %mul3A_393 : i32 to vector<16xi32>
        %mul3A_395 = arith.muli %and3A_386, %mul3A_394 : vector<16xi32>
        %add3A_396 = arith.addi %mul3A_395, %iota3A : vector<16xi32>
        tpu.vector_store_idx %arg16[%add3A_396], %broadcast_in_dim3A_1 {add = true} : memref<4096xi32, #tpu.memory_space<vmem>>[vector<16xi32>], vector<16xi32>,
        %mul3A_397 = arith.constant 16 : i32
        %mul3A_398 = vector.broadcast %mul3A_397 : i32 to vector<16xi32>
        %mul3A_399 = arith.muli %and3A_392, %mul3A_398 : vector<16xi32>
        %add3A_400 = arith.addi %mul3A_399, %iota3A : vector<16xi32>
        tpu.vector_store_idx %arg17[%add3A_400], %broadcast_in_dim3A_1 {add = true} : memref<4096xi32, #tpu.memory_space<vmem>>[vector<16xi32>], vector<16xi32>,
        %shift_right_logical3A_401 = arith.constant 16 : i32
        %shift_right_logical3A_402 = vector.broadcast %shift_right_logical3A_401 : i32 to vector<16xi32>
        %shift_right_logical3A_403 = arith.shrui %get3A_267, %shift_right_logical3A_402 : vector<16xi32>
        %and3A_404 = arith.constant 255 : i32
        %and3A_405 = vector.broadcast %and3A_404 : i32 to vector<16xi32>
        %and3A_406 = arith.andi %shift_right_logical3A_403, %and3A_405 : vector<16xi32>
        %shift_right_logical3A_407 = arith.constant 16 : i32
        %shift_right_logical3A_408 = vector.broadcast %shift_right_logical3A_407 : i32 to vector<16xi32>
        %shift_right_logical3A_409 = arith.shrui %get3A_271, %shift_right_logical3A_408 : vector<16xi32>
        %and3A_410 = arith.constant 255 : i32
        %and3A_411 = vector.broadcast %and3A_410 : i32 to vector<16xi32>
        %and3A_412 = arith.andi %shift_right_logical3A_409, %and3A_411 : vector<16xi32>
        %mul3A_413 = arith.constant 16 : i32
        %mul3A_414 = vector.broadcast %mul3A_413 : i32 to vector<16xi32>
        %mul3A_415 = arith.muli %and3A_406, %mul3A_414 : vector<16xi32>
        %add3A_416 = arith.addi %mul3A_415, %iota3A : vector<16xi32>
        tpu.vector_store_idx %arg16[%add3A_416], %broadcast_in_dim3A_1 {add = true} : memref<4096xi32, #tpu.memory_space<vmem>>[vector<16xi32>], vector<16xi32>,
        %mul3A_417 = arith.constant 16 : i32
        %mul3A_418 = vector.broadcast %mul3A_417 : i32 to vector<16xi32>
        %mul3A_419 = arith.muli %and3A_412, %mul3A_418 : vector<16xi32>
        %add3A_420 = arith.addi %mul3A_419, %iota3A : vector<16xi32>
        tpu.vector_store_idx %arg17[%add3A_420], %broadcast_in_dim3A_1 {add = true} : memref<4096xi32, #tpu.memory_space<vmem>>[vector<16xi32>], vector<16xi32>,
        %shift_right_logical3A_421 = arith.constant 16 : i32
        %shift_right_logical3A_422 = vector.broadcast %shift_right_logical3A_421 : i32 to vector<16xi32>
        %shift_right_logical3A_423 = arith.shrui %get3A_277, %shift_right_logical3A_422 : vector<16xi32>
        %and3A_424 = arith.constant 255 : i32
        %and3A_425 = vector.broadcast %and3A_424 : i32 to vector<16xi32>
        %and3A_426 = arith.andi %shift_right_logical3A_423, %and3A_425 : vector<16xi32>
        %shift_right_logical3A_427 = arith.constant 16 : i32
        %shift_right_logical3A_428 = vector.broadcast %shift_right_logical3A_427 : i32 to vector<16xi32>
        %shift_right_logical3A_429 = arith.shrui %get3A_281, %shift_right_logical3A_428 : vector<16xi32>
        %and3A_430 = arith.constant 255 : i32
        %and3A_431 = vector.broadcast %and3A_430 : i32 to vector<16xi32>
        %and3A_432 = arith.andi %shift_right_logical3A_429, %and3A_431 : vector<16xi32>
        %mul3A_433 = arith.constant 16 : i32
        %mul3A_434 = vector.broadcast %mul3A_433 : i32 to vector<16xi32>
        %mul3A_435 = arith.muli %and3A_426, %mul3A_434 : vector<16xi32>
        %add3A_436 = arith.addi %mul3A_435, %iota3A : vector<16xi32>
        tpu.vector_store_idx %arg16[%add3A_436], %broadcast_in_dim3A_1 {add = true} : memref<4096xi32, #tpu.memory_space<vmem>>[vector<16xi32>], vector<16xi32>,
        %mul3A_437 = arith.constant 16 : i32
        %mul3A_438 = vector.broadcast %mul3A_437 : i32 to vector<16xi32>
        %mul3A_439 = arith.muli %and3A_432, %mul3A_438 : vector<16xi32>
        %add3A_440 = arith.addi %mul3A_439, %iota3A : vector<16xi32>
        tpu.vector_store_idx %arg17[%add3A_440], %broadcast_in_dim3A_1 {add = true} : memref<4096xi32, #tpu.memory_space<vmem>>[vector<16xi32>], vector<16xi32>,
      }
      %scan3A_140 = arith.constant 32 : i32
      %scan3A_141 = arith.constant 0 : i32
      %scan3A_142 = arith.constant 0 : i32
      %scan3A_143 = arith.constant 256 : i32
      %scan3A_144 = arith.addi %scan3A_142, %scan3A_143 : i32
      %scan3A_145 = arith.constant 4 : i32
      scf.for %scan3A_200 = %scan3A_142 to %scan3A_144 step %scan3A_145  : i32 {
        %mul3A_201 = arith.constant 16 : i32
        %mul3A_202 = arith.muli %scan3A_200, %mul3A_201 : i32
        %get3A = arith.index_cast %mul3A_202 : i32 to index
        %get3A_203 = tpu.vector_load %arg16[%get3A] {strides = array<i32>} : memref<4096xi32, #tpu.memory_space<vmem>>, vector<16xi32>,
        %reduce_sum3A = arith.constant true
        %reduce_sum3A_204 = vector.broadcast %reduce_sum3A : i1 to vector<16xi1>
        %reduce_sum3A_205 = tpu.scan <sum>, %get3A_203 masked %reduce_sum3A_204 : vector<16xi32>, vector<16xi1> -> vector<16xi32>
        %reduce_sum3A_206 = vector.extract %reduce_sum3A_205[15] : i32 from vector<16xi32>
        %swap3A_207 = arith.index_cast %scan3A_200 : i32 to index
        %swap3A_208 = memref.load %arg18[%swap3A_207] : memref<256xi32, #tpu.memory_space<smem>>
        memref.store %reduce_sum3A_206, %arg18[%swap3A_207] : memref<256xi32, #tpu.memory_space<smem>>
        %mul3A_209 = arith.constant 16 : i32
        %mul3A_210 = arith.muli %scan3A_200, %mul3A_209 : i32
        %get3A_211 = arith.index_cast %mul3A_210 : i32 to index
        %get3A_212 = tpu.vector_load %arg17[%get3A_211] {strides = array<i32>} : memref<4096xi32, #tpu.memory_space<vmem>>, vector<16xi32>,
        %reduce_sum3A_213 = arith.constant true
        %reduce_sum3A_214 = vector.broadcast %reduce_sum3A_213 : i1 to vector<16xi1>
        %reduce_sum3A_215 = tpu.scan <sum>, %get3A_212 masked %reduce_sum3A_214 : vector<16xi32>, vector<16xi1> -> vector<16xi32>
        %reduce_sum3A_216 = vector.extract %reduce_sum3A_215[15] : i32 from vector<16xi32>
        %swap3A_217 = arith.index_cast %scan3A_200 : i32 to index
        %swap3A_218 = memref.load %arg19[%swap3A_217] : memref<256xi32, #tpu.memory_space<smem>>
        memref.store %reduce_sum3A_216, %arg19[%swap3A_217] : memref<256xi32, #tpu.memory_space<smem>>
        %scan3A_219 = arith.constant 1 : i32
        %scan3A_220 = arith.addi %scan3A_200, %scan3A_219 : i32
        %mul3A_221 = arith.constant 16 : i32
        %mul3A_222 = arith.muli %scan3A_220, %mul3A_221 : i32
        %get3A_223 = arith.index_cast %mul3A_222 : i32 to index
        %get3A_224 = tpu.vector_load %arg16[%get3A_223] {strides = array<i32>} : memref<4096xi32, #tpu.memory_space<vmem>>, vector<16xi32>,
        %reduce_sum3A_225 = arith.constant true
        %reduce_sum3A_226 = vector.broadcast %reduce_sum3A_225 : i1 to vector<16xi1>
        %reduce_sum3A_227 = tpu.scan <sum>, %get3A_224 masked %reduce_sum3A_226 : vector<16xi32>, vector<16xi1> -> vector<16xi32>
        %reduce_sum3A_228 = vector.extract %reduce_sum3A_227[15] : i32 from vector<16xi32>
        %swap3A_229 = arith.index_cast %scan3A_220 : i32 to index
        %swap3A_230 = memref.load %arg18[%swap3A_229] : memref<256xi32, #tpu.memory_space<smem>>
        memref.store %reduce_sum3A_228, %arg18[%swap3A_229] : memref<256xi32, #tpu.memory_space<smem>>
        %mul3A_231 = arith.constant 16 : i32
        %mul3A_232 = arith.muli %scan3A_220, %mul3A_231 : i32
        %get3A_233 = arith.index_cast %mul3A_232 : i32 to index
        %get3A_234 = tpu.vector_load %arg17[%get3A_233] {strides = array<i32>} : memref<4096xi32, #tpu.memory_space<vmem>>, vector<16xi32>,
        %reduce_sum3A_235 = arith.constant true
        %reduce_sum3A_236 = vector.broadcast %reduce_sum3A_235 : i1 to vector<16xi1>
        %reduce_sum3A_237 = tpu.scan <sum>, %get3A_234 masked %reduce_sum3A_236 : vector<16xi32>, vector<16xi1> -> vector<16xi32>
        %reduce_sum3A_238 = vector.extract %reduce_sum3A_237[15] : i32 from vector<16xi32>
        %swap3A_239 = arith.index_cast %scan3A_220 : i32 to index
        %swap3A_240 = memref.load %arg19[%swap3A_239] : memref<256xi32, #tpu.memory_space<smem>>
        memref.store %reduce_sum3A_238, %arg19[%swap3A_239] : memref<256xi32, #tpu.memory_space<smem>>
        %scan3A_241 = arith.constant 2 : i32
        %scan3A_242 = arith.addi %scan3A_200, %scan3A_241 : i32
        %mul3A_243 = arith.constant 16 : i32
        %mul3A_244 = arith.muli %scan3A_242, %mul3A_243 : i32
        %get3A_245 = arith.index_cast %mul3A_244 : i32 to index
        %get3A_246 = tpu.vector_load %arg16[%get3A_245] {strides = array<i32>} : memref<4096xi32, #tpu.memory_space<vmem>>, vector<16xi32>,
        %reduce_sum3A_247 = arith.constant true
        %reduce_sum3A_248 = vector.broadcast %reduce_sum3A_247 : i1 to vector<16xi1>
        %reduce_sum3A_249 = tpu.scan <sum>, %get3A_246 masked %reduce_sum3A_248 : vector<16xi32>, vector<16xi1> -> vector<16xi32>
        %reduce_sum3A_250 = vector.extract %reduce_sum3A_249[15] : i32 from vector<16xi32>
        %swap3A_251 = arith.index_cast %scan3A_242 : i32 to index
        %swap3A_252 = memref.load %arg18[%swap3A_251] : memref<256xi32, #tpu.memory_space<smem>>
        memref.store %reduce_sum3A_250, %arg18[%swap3A_251] : memref<256xi32, #tpu.memory_space<smem>>
        %mul3A_253 = arith.constant 16 : i32
        %mul3A_254 = arith.muli %scan3A_242, %mul3A_253 : i32
        %get3A_255 = arith.index_cast %mul3A_254 : i32 to index
        %get3A_256 = tpu.vector_load %arg17[%get3A_255] {strides = array<i32>} : memref<4096xi32, #tpu.memory_space<vmem>>, vector<16xi32>,
        %reduce_sum3A_257 = arith.constant true
        %reduce_sum3A_258 = vector.broadcast %reduce_sum3A_257 : i1 to vector<16xi1>
        %reduce_sum3A_259 = tpu.scan <sum>, %get3A_256 masked %reduce_sum3A_258 : vector<16xi32>, vector<16xi1> -> vector<16xi32>
        %reduce_sum3A_260 = vector.extract %reduce_sum3A_259[15] : i32 from vector<16xi32>
        %swap3A_261 = arith.index_cast %scan3A_242 : i32 to index
        %swap3A_262 = memref.load %arg19[%swap3A_261] : memref<256xi32, #tpu.memory_space<smem>>
        memref.store %reduce_sum3A_260, %arg19[%swap3A_261] : memref<256xi32, #tpu.memory_space<smem>>
        %scan3A_263 = arith.constant 3 : i32
        %scan3A_264 = arith.addi %scan3A_200, %scan3A_263 : i32
        %mul3A_265 = arith.constant 16 : i32
        %mul3A_266 = arith.muli %scan3A_264, %mul3A_265 : i32
        %get3A_267 = arith.index_cast %mul3A_266 : i32 to index
        %get3A_268 = tpu.vector_load %arg16[%get3A_267] {strides = array<i32>} : memref<4096xi32, #tpu.memory_space<vmem>>, vector<16xi32>,
        %reduce_sum3A_269 = arith.constant true
        %reduce_sum3A_270 = vector.broadcast %reduce_sum3A_269 : i1 to vector<16xi1>
        %reduce_sum3A_271 = tpu.scan <sum>, %get3A_268 masked %reduce_sum3A_270 : vector<16xi32>, vector<16xi1> -> vector<16xi32>
        %reduce_sum3A_272 = vector.extract %reduce_sum3A_271[15] : i32 from vector<16xi32>
        %swap3A_273 = arith.index_cast %scan3A_264 : i32 to index
        %swap3A_274 = memref.load %arg18[%swap3A_273] : memref<256xi32, #tpu.memory_space<smem>>
        memref.store %reduce_sum3A_272, %arg18[%swap3A_273] : memref<256xi32, #tpu.memory_space<smem>>
        %mul3A_275 = arith.constant 16 : i32
        %mul3A_276 = arith.muli %scan3A_264, %mul3A_275 : i32
        %get3A_277 = arith.index_cast %mul3A_276 : i32 to index
        %get3A_278 = tpu.vector_load %arg17[%get3A_277] {strides = array<i32>} : memref<4096xi32, #tpu.memory_space<vmem>>, vector<16xi32>,
        %reduce_sum3A_279 = arith.constant true
        %reduce_sum3A_280 = vector.broadcast %reduce_sum3A_279 : i1 to vector<16xi1>
        %reduce_sum3A_281 = tpu.scan <sum>, %get3A_278 masked %reduce_sum3A_280 : vector<16xi32>, vector<16xi1> -> vector<16xi32>
        %reduce_sum3A_282 = vector.extract %reduce_sum3A_281[15] : i32 from vector<16xi32>
        %swap3A_283 = arith.index_cast %scan3A_264 : i32 to index
        %swap3A_284 = memref.load %arg19[%swap3A_283] : memref<256xi32, #tpu.memory_space<smem>>
        memref.store %reduce_sum3A_282, %arg19[%swap3A_283] : memref<256xi32, #tpu.memory_space<smem>>
      }
      %scan3A_146 = arith.constant 256 : i32
      %scan3A_147 = arith.constant 0 : i32
      %scan3A_148 = arith.constant 0 : i32
      %scan3A_149 = arith.constant 0 : i32
      %scan3A_150 = arith.constant 256 : i32
      %scan3A_151 = arith.addi %scan3A_149, %scan3A_150 : i32
      %scan3A_152 = arith.constant 1 : i32
      %scan3A_153:2 = scf.for %scan3A_200 = %scan3A_149 to %scan3A_151 step %scan3A_152 iter_args(%scan3A_201 = %scan3A_147, %scan3A_202 = %scan3A_148) -> (i32, i32)  : i32 {
        %get3A = arith.index_cast %scan3A_200 : i32 to index
        %get3A_203 = memref.load %arg18[%get3A] : memref<256xi32, #tpu.memory_space<smem>>
        %get3A_204 = arith.index_cast %scan3A_200 : i32 to index
        %get3A_205 = memref.load %arg19[%get3A_204] : memref<256xi32, #tpu.memory_space<smem>>
        %swap3A_206 = arith.index_cast %scan3A_200 : i32 to index
        %swap3A_207 = memref.load %arg18[%swap3A_206] : memref<256xi32, #tpu.memory_space<smem>>
        memref.store %scan3A_201, %arg18[%swap3A_206] : memref<256xi32, #tpu.memory_space<smem>>
        %swap3A_208 = arith.index_cast %scan3A_200 : i32 to index
        %swap3A_209 = memref.load %arg19[%swap3A_208] : memref<256xi32, #tpu.memory_space<smem>>
        memref.store %scan3A_202, %arg19[%swap3A_208] : memref<256xi32, #tpu.memory_space<smem>>
        %add3A_210 = arith.addi %scan3A_201, %get3A_203 : i32
        %add3A_211 = arith.addi %scan3A_202, %get3A_205 : i32
        scf.yield %add3A_210, %add3A_211 : i32, i32
      }
      %scan3A_154 = arith.constant 256 : i32
      %scan3A_155 = arith.constant 0 : i32
      %scan3A_156 = arith.constant 0 : i32
      %scan3A_157 = arith.constant 256 : i32
      %scan3A_158 = arith.addi %scan3A_156, %scan3A_157 : i32
      %scan3A_159 = arith.constant 4 : i32
      scf.for %scan3A_200 = %scan3A_156 to %scan3A_158 step %scan3A_159  : i32 {
        %mul3A_201 = arith.constant 16 : i32
        %mul3A_202 = arith.muli %scan3A_200, %mul3A_201 : i32
        %get3A = arith.index_cast %mul3A_202 : i32 to index
        %get3A_203 = tpu.vector_load %arg16[%get3A] {strides = array<i32>} : memref<4096xi32, #tpu.memory_space<vmem>>, vector<16xi32>,
        %mul3A_204 = arith.constant 16 : i32
        %mul3A_205 = arith.muli %scan3A_200, %mul3A_204 : i32
        %get3A_206 = arith.index_cast %mul3A_205 : i32 to index
        %get3A_207 = tpu.vector_load %arg17[%get3A_206] {strides = array<i32>} : memref<4096xi32, #tpu.memory_space<vmem>>, vector<16xi32>,
        %broadcast_in_dim3A_208 = arith.constant true
        %broadcast_in_dim3A_209 = vector.broadcast %broadcast_in_dim3A_208 : i1 to vector<16xi1>
        %masked_cumsum3A = tpu.scan <sum>, %get3A_203 masked %broadcast_in_dim3A_209 : vector<16xi32>, vector<16xi1> -> vector<16xi32>
        %sub3A_210 = arith.subi %masked_cumsum3A, %get3A_203 : vector<16xi32>
        %get3A_211 = arith.index_cast %scan3A_200 : i32 to index
        %get3A_212 = memref.load %arg18[%get3A_211] : memref<256xi32, #tpu.memory_space<smem>>
        %add3A_213 = vector.broadcast %get3A_212 : i32 to vector<16xi32>
        %add3A_214 = arith.addi %sub3A_210, %add3A_213 : vector<16xi32>
        %mul3A_215 = arith.constant 16 : i32
        %mul3A_216 = arith.muli %scan3A_200, %mul3A_215 : i32
        %swap3A_217 = arith.index_cast %mul3A_216 : i32 to index
        %swap3A_218 = tpu.vector_load %arg16[%swap3A_217] {strides = array<i32>} : memref<4096xi32, #tpu.memory_space<vmem>>, vector<16xi32>,
        tpu.vector_store %arg16[%swap3A_217], %add3A_214 {strides = array<i32>} : memref<4096xi32, #tpu.memory_space<vmem>>, vector<16xi32>,
        %broadcast_in_dim3A_219 = arith.constant true
        %broadcast_in_dim3A_220 = vector.broadcast %broadcast_in_dim3A_219 : i1 to vector<16xi1>
        %masked_cumsum3A_221 = tpu.scan <sum>, %get3A_207 masked %broadcast_in_dim3A_220 : vector<16xi32>, vector<16xi1> -> vector<16xi32>
        %sub3A_222 = arith.subi %masked_cumsum3A_221, %get3A_207 : vector<16xi32>
        %get3A_223 = arith.index_cast %scan3A_200 : i32 to index
        %get3A_224 = memref.load %arg19[%get3A_223] : memref<256xi32, #tpu.memory_space<smem>>
        %add3A_225 = vector.broadcast %get3A_224 : i32 to vector<16xi32>
        %add3A_226 = arith.addi %sub3A_222, %add3A_225 : vector<16xi32>
        %mul3A_227 = arith.constant 16 : i32
        %mul3A_228 = arith.muli %scan3A_200, %mul3A_227 : i32
        %swap3A_229 = arith.index_cast %mul3A_228 : i32 to index
        %swap3A_230 = tpu.vector_load %arg17[%swap3A_229] {strides = array<i32>} : memref<4096xi32, #tpu.memory_space<vmem>>, vector<16xi32>,
        tpu.vector_store %arg17[%swap3A_229], %add3A_226 {strides = array<i32>} : memref<4096xi32, #tpu.memory_space<vmem>>, vector<16xi32>,
        %scan3A_231 = arith.constant 1 : i32
        %scan3A_232 = arith.addi %scan3A_200, %scan3A_231 : i32
        %mul3A_233 = arith.constant 16 : i32
        %mul3A_234 = arith.muli %scan3A_232, %mul3A_233 : i32
        %get3A_235 = arith.index_cast %mul3A_234 : i32 to index
        %get3A_236 = tpu.vector_load %arg16[%get3A_235] {strides = array<i32>} : memref<4096xi32, #tpu.memory_space<vmem>>, vector<16xi32>,
        %mul3A_237 = arith.constant 16 : i32
        %mul3A_238 = arith.muli %scan3A_232, %mul3A_237 : i32
        %get3A_239 = arith.index_cast %mul3A_238 : i32 to index
        %get3A_240 = tpu.vector_load %arg17[%get3A_239] {strides = array<i32>} : memref<4096xi32, #tpu.memory_space<vmem>>, vector<16xi32>,
        %broadcast_in_dim3A_241 = arith.constant true
        %broadcast_in_dim3A_242 = vector.broadcast %broadcast_in_dim3A_241 : i1 to vector<16xi1>
        %masked_cumsum3A_243 = tpu.scan <sum>, %get3A_236 masked %broadcast_in_dim3A_242 : vector<16xi32>, vector<16xi1> -> vector<16xi32>
        %sub3A_244 = arith.subi %masked_cumsum3A_243, %get3A_236 : vector<16xi32>
        %get3A_245 = arith.index_cast %scan3A_232 : i32 to index
        %get3A_246 = memref.load %arg18[%get3A_245] : memref<256xi32, #tpu.memory_space<smem>>
        %add3A_247 = vector.broadcast %get3A_246 : i32 to vector<16xi32>
        %add3A_248 = arith.addi %sub3A_244, %add3A_247 : vector<16xi32>
        %mul3A_249 = arith.constant 16 : i32
        %mul3A_250 = arith.muli %scan3A_232, %mul3A_249 : i32
        %swap3A_251 = arith.index_cast %mul3A_250 : i32 to index
        %swap3A_252 = tpu.vector_load %arg16[%swap3A_251] {strides = array<i32>} : memref<4096xi32, #tpu.memory_space<vmem>>, vector<16xi32>,
        tpu.vector_store %arg16[%swap3A_251], %add3A_248 {strides = array<i32>} : memref<4096xi32, #tpu.memory_space<vmem>>, vector<16xi32>,
        %broadcast_in_dim3A_253 = arith.constant true
        %broadcast_in_dim3A_254 = vector.broadcast %broadcast_in_dim3A_253 : i1 to vector<16xi1>
        %masked_cumsum3A_255 = tpu.scan <sum>, %get3A_240 masked %broadcast_in_dim3A_254 : vector<16xi32>, vector<16xi1> -> vector<16xi32>
        %sub3A_256 = arith.subi %masked_cumsum3A_255, %get3A_240 : vector<16xi32>
        %get3A_257 = arith.index_cast %scan3A_232 : i32 to index
        %get3A_258 = memref.load %arg19[%get3A_257] : memref<256xi32, #tpu.memory_space<smem>>
        %add3A_259 = vector.broadcast %get3A_258 : i32 to vector<16xi32>
        %add3A_260 = arith.addi %sub3A_256, %add3A_259 : vector<16xi32>
        %mul3A_261 = arith.constant 16 : i32
        %mul3A_262 = arith.muli %scan3A_232, %mul3A_261 : i32
        %swap3A_263 = arith.index_cast %mul3A_262 : i32 to index
        %swap3A_264 = tpu.vector_load %arg17[%swap3A_263] {strides = array<i32>} : memref<4096xi32, #tpu.memory_space<vmem>>, vector<16xi32>,
        tpu.vector_store %arg17[%swap3A_263], %add3A_260 {strides = array<i32>} : memref<4096xi32, #tpu.memory_space<vmem>>, vector<16xi32>,
        %scan3A_265 = arith.constant 2 : i32
        %scan3A_266 = arith.addi %scan3A_200, %scan3A_265 : i32
        %mul3A_267 = arith.constant 16 : i32
        %mul3A_268 = arith.muli %scan3A_266, %mul3A_267 : i32
        %get3A_269 = arith.index_cast %mul3A_268 : i32 to index
        %get3A_270 = tpu.vector_load %arg16[%get3A_269] {strides = array<i32>} : memref<4096xi32, #tpu.memory_space<vmem>>, vector<16xi32>,
        %mul3A_271 = arith.constant 16 : i32
        %mul3A_272 = arith.muli %scan3A_266, %mul3A_271 : i32
        %get3A_273 = arith.index_cast %mul3A_272 : i32 to index
        %get3A_274 = tpu.vector_load %arg17[%get3A_273] {strides = array<i32>} : memref<4096xi32, #tpu.memory_space<vmem>>, vector<16xi32>,
        %broadcast_in_dim3A_275 = arith.constant true
        %broadcast_in_dim3A_276 = vector.broadcast %broadcast_in_dim3A_275 : i1 to vector<16xi1>
        %masked_cumsum3A_277 = tpu.scan <sum>, %get3A_270 masked %broadcast_in_dim3A_276 : vector<16xi32>, vector<16xi1> -> vector<16xi32>
        %sub3A_278 = arith.subi %masked_cumsum3A_277, %get3A_270 : vector<16xi32>
        %get3A_279 = arith.index_cast %scan3A_266 : i32 to index
        %get3A_280 = memref.load %arg18[%get3A_279] : memref<256xi32, #tpu.memory_space<smem>>
        %add3A_281 = vector.broadcast %get3A_280 : i32 to vector<16xi32>
        %add3A_282 = arith.addi %sub3A_278, %add3A_281 : vector<16xi32>
        %mul3A_283 = arith.constant 16 : i32
        %mul3A_284 = arith.muli %scan3A_266, %mul3A_283 : i32
        %swap3A_285 = arith.index_cast %mul3A_284 : i32 to index
        %swap3A_286 = tpu.vector_load %arg16[%swap3A_285] {strides = array<i32>} : memref<4096xi32, #tpu.memory_space<vmem>>, vector<16xi32>,
        tpu.vector_store %arg16[%swap3A_285], %add3A_282 {strides = array<i32>} : memref<4096xi32, #tpu.memory_space<vmem>>, vector<16xi32>,
        %broadcast_in_dim3A_287 = arith.constant true
        %broadcast_in_dim3A_288 = vector.broadcast %broadcast_in_dim3A_287 : i1 to vector<16xi1>
        %masked_cumsum3A_289 = tpu.scan <sum>, %get3A_274 masked %broadcast_in_dim3A_288 : vector<16xi32>, vector<16xi1> -> vector<16xi32>
        %sub3A_290 = arith.subi %masked_cumsum3A_289, %get3A_274 : vector<16xi32>
        %get3A_291 = arith.index_cast %scan3A_266 : i32 to index
        %get3A_292 = memref.load %arg19[%get3A_291] : memref<256xi32, #tpu.memory_space<smem>>
        %add3A_293 = vector.broadcast %get3A_292 : i32 to vector<16xi32>
        %add3A_294 = arith.addi %sub3A_290, %add3A_293 : vector<16xi32>
        %mul3A_295 = arith.constant 16 : i32
        %mul3A_296 = arith.muli %scan3A_266, %mul3A_295 : i32
        %swap3A_297 = arith.index_cast %mul3A_296 : i32 to index
        %swap3A_298 = tpu.vector_load %arg17[%swap3A_297] {strides = array<i32>} : memref<4096xi32, #tpu.memory_space<vmem>>, vector<16xi32>,
        tpu.vector_store %arg17[%swap3A_297], %add3A_294 {strides = array<i32>} : memref<4096xi32, #tpu.memory_space<vmem>>, vector<16xi32>,
        %scan3A_299 = arith.constant 3 : i32
        %scan3A_300 = arith.addi %scan3A_200, %scan3A_299 : i32
        %mul3A_301 = arith.constant 16 : i32
        %mul3A_302 = arith.muli %scan3A_300, %mul3A_301 : i32
        %get3A_303 = arith.index_cast %mul3A_302 : i32 to index
        %get3A_304 = tpu.vector_load %arg16[%get3A_303] {strides = array<i32>} : memref<4096xi32, #tpu.memory_space<vmem>>, vector<16xi32>,
        %mul3A_305 = arith.constant 16 : i32
        %mul3A_306 = arith.muli %scan3A_300, %mul3A_305 : i32
        %get3A_307 = arith.index_cast %mul3A_306 : i32 to index
        %get3A_308 = tpu.vector_load %arg17[%get3A_307] {strides = array<i32>} : memref<4096xi32, #tpu.memory_space<vmem>>, vector<16xi32>,
        %broadcast_in_dim3A_309 = arith.constant true
        %broadcast_in_dim3A_310 = vector.broadcast %broadcast_in_dim3A_309 : i1 to vector<16xi1>
        %masked_cumsum3A_311 = tpu.scan <sum>, %get3A_304 masked %broadcast_in_dim3A_310 : vector<16xi32>, vector<16xi1> -> vector<16xi32>
        %sub3A_312 = arith.subi %masked_cumsum3A_311, %get3A_304 : vector<16xi32>
        %get3A_313 = arith.index_cast %scan3A_300 : i32 to index
        %get3A_314 = memref.load %arg18[%get3A_313] : memref<256xi32, #tpu.memory_space<smem>>
        %add3A_315 = vector.broadcast %get3A_314 : i32 to vector<16xi32>
        %add3A_316 = arith.addi %sub3A_312, %add3A_315 : vector<16xi32>
        %mul3A_317 = arith.constant 16 : i32
        %mul3A_318 = arith.muli %scan3A_300, %mul3A_317 : i32
        %swap3A_319 = arith.index_cast %mul3A_318 : i32 to index
        %swap3A_320 = tpu.vector_load %arg16[%swap3A_319] {strides = array<i32>} : memref<4096xi32, #tpu.memory_space<vmem>>, vector<16xi32>,
        tpu.vector_store %arg16[%swap3A_319], %add3A_316 {strides = array<i32>} : memref<4096xi32, #tpu.memory_space<vmem>>, vector<16xi32>,
        %broadcast_in_dim3A_321 = arith.constant true
        %broadcast_in_dim3A_322 = vector.broadcast %broadcast_in_dim3A_321 : i1 to vector<16xi1>
        %masked_cumsum3A_323 = tpu.scan <sum>, %get3A_308 masked %broadcast_in_dim3A_322 : vector<16xi32>, vector<16xi1> -> vector<16xi32>
        %sub3A_324 = arith.subi %masked_cumsum3A_323, %get3A_308 : vector<16xi32>
        %get3A_325 = arith.index_cast %scan3A_300 : i32 to index
        %get3A_326 = memref.load %arg19[%get3A_325] : memref<256xi32, #tpu.memory_space<smem>>
        %add3A_327 = vector.broadcast %get3A_326 : i32 to vector<16xi32>
        %add3A_328 = arith.addi %sub3A_324, %add3A_327 : vector<16xi32>
        %mul3A_329 = arith.constant 16 : i32
        %mul3A_330 = arith.muli %scan3A_300, %mul3A_329 : i32
        %swap3A_331 = arith.index_cast %mul3A_330 : i32 to index
        %swap3A_332 = tpu.vector_load %arg17[%swap3A_331] {strides = array<i32>} : memref<4096xi32, #tpu.memory_space<vmem>>, vector<16xi32>,
        tpu.vector_store %arg17[%swap3A_331], %add3A_328 {strides = array<i32>} : memref<4096xi32, #tpu.memory_space<vmem>>, vector<16xi32>,
      }
      %scan3A_160 = arith.constant 256 : i32
      %scan3A_161 = arith.constant 0 : i32
      %scan3A_162 = arith.constant 0 : i32
      %scan3A_163 = arith.constant 64 : i32
      %scan3A_164 = arith.addi %scan3A_162, %scan3A_163 : i32
      %scan3A_165 = arith.constant 1 : i32
      scf.for %scan3A_200 = %scan3A_162 to %scan3A_164 step %scan3A_165  : i32 {
        %mul3A_201 = arith.constant 4 : i32
        %mul3A_202 = arith.muli %scan3A_200, %mul3A_201 : i32
        %add3A_203 = arith.constant 0 : i32
        %add3A_204 = arith.addi %mul3A_202, %add3A_203 : i32
        %mul3A_205 = arith.constant 16 : i32
        %mul3A_206 = arith.muli %add3A_204, %mul3A_205 : i32
        %get3A = arith.index_cast %mul3A_206 : i32 to index
        %get3A_207 = tpu.vector_load %arg6[%get3A] {strides = array<i32>} : memref<4096xi32, #tpu.memory_space<vmem>>, vector<16xi32>,
        %mul3A_208 = arith.constant 16 : i32
        %mul3A_209 = arith.muli %add3A_204, %mul3A_208 : i32
        %get3A_210 = arith.index_cast %mul3A_209 : i32 to index
        %get3A_211 = tpu.vector_load %arg10[%get3A_210] {strides = array<i32>} : memref<4096xi32, #tpu.memory_space<vmem>>, vector<16xi32>,
        %add3A_212 = arith.constant 1 : i32
        %add3A_213 = arith.addi %mul3A_202, %add3A_212 : i32
        %mul3A_214 = arith.constant 16 : i32
        %mul3A_215 = arith.muli %add3A_213, %mul3A_214 : i32
        %get3A_216 = arith.index_cast %mul3A_215 : i32 to index
        %get3A_217 = tpu.vector_load %arg6[%get3A_216] {strides = array<i32>} : memref<4096xi32, #tpu.memory_space<vmem>>, vector<16xi32>,
        %mul3A_218 = arith.constant 16 : i32
        %mul3A_219 = arith.muli %add3A_213, %mul3A_218 : i32
        %get3A_220 = arith.index_cast %mul3A_219 : i32 to index
        %get3A_221 = tpu.vector_load %arg10[%get3A_220] {strides = array<i32>} : memref<4096xi32, #tpu.memory_space<vmem>>, vector<16xi32>,
        %add3A_222 = arith.constant 2 : i32
        %add3A_223 = arith.addi %mul3A_202, %add3A_222 : i32
        %mul3A_224 = arith.constant 16 : i32
        %mul3A_225 = arith.muli %add3A_223, %mul3A_224 : i32
        %get3A_226 = arith.index_cast %mul3A_225 : i32 to index
        %get3A_227 = tpu.vector_load %arg6[%get3A_226] {strides = array<i32>} : memref<4096xi32, #tpu.memory_space<vmem>>, vector<16xi32>,
        %mul3A_228 = arith.constant 16 : i32
        %mul3A_229 = arith.muli %add3A_223, %mul3A_228 : i32
        %get3A_230 = arith.index_cast %mul3A_229 : i32 to index
        %get3A_231 = tpu.vector_load %arg10[%get3A_230] {strides = array<i32>} : memref<4096xi32, #tpu.memory_space<vmem>>, vector<16xi32>,
        %add3A_232 = arith.constant 3 : i32
        %add3A_233 = arith.addi %mul3A_202, %add3A_232 : i32
        %mul3A_234 = arith.constant 16 : i32
        %mul3A_235 = arith.muli %add3A_233, %mul3A_234 : i32
        %get3A_236 = arith.index_cast %mul3A_235 : i32 to index
        %get3A_237 = tpu.vector_load %arg6[%get3A_236] {strides = array<i32>} : memref<4096xi32, #tpu.memory_space<vmem>>, vector<16xi32>,
        %mul3A_238 = arith.constant 16 : i32
        %mul3A_239 = arith.muli %add3A_233, %mul3A_238 : i32
        %get3A_240 = arith.index_cast %mul3A_239 : i32 to index
        %get3A_241 = tpu.vector_load %arg10[%get3A_240] {strides = array<i32>} : memref<4096xi32, #tpu.memory_space<vmem>>, vector<16xi32>,
        %add3A_242 = arith.constant 0 : i32
        %add3A_243 = arith.addi %mul3A_202, %add3A_242 : i32
        %mul3A_244 = arith.constant 16 : i32
        %mul3A_245 = arith.muli %add3A_243, %mul3A_244 : i32
        %get3A_246 = arith.index_cast %mul3A_245 : i32 to index
        %get3A_247 = tpu.vector_load %arg8[%get3A_246] {strides = array<i32>} : memref<4096xi32, #tpu.memory_space<vmem>>, vector<16xi32>,
        %add3A_248 = arith.constant 0 : i32
        %add3A_249 = arith.addi %mul3A_202, %add3A_248 : i32
        %mul3A_250 = arith.constant 16 : i32
        %mul3A_251 = arith.muli %add3A_249, %mul3A_250 : i32
        %get3A_252 = arith.index_cast %mul3A_251 : i32 to index
        %get3A_253 = tpu.vector_load %arg12[%get3A_252] {strides = array<i32>} : memref<4096xi32, #tpu.memory_space<vmem>>, vector<16xi32>,
        %add3A_254 = arith.constant 1 : i32
        %add3A_255 = arith.addi %mul3A_202, %add3A_254 : i32
        %mul3A_256 = arith.constant 16 : i32
        %mul3A_257 = arith.muli %add3A_255, %mul3A_256 : i32
        %get3A_258 = arith.index_cast %mul3A_257 : i32 to index
        %get3A_259 = tpu.vector_load %arg8[%get3A_258] {strides = array<i32>} : memref<4096xi32, #tpu.memory_space<vmem>>, vector<16xi32>,
        %add3A_260 = arith.constant 1 : i32
        %add3A_261 = arith.addi %mul3A_202, %add3A_260 : i32
        %mul3A_262 = arith.constant 16 : i32
        %mul3A_263 = arith.muli %add3A_261, %mul3A_262 : i32
        %get3A_264 = arith.index_cast %mul3A_263 : i32 to index
        %get3A_265 = tpu.vector_load %arg12[%get3A_264] {strides = array<i32>} : memref<4096xi32, #tpu.memory_space<vmem>>, vector<16xi32>,
        %add3A_266 = arith.constant 2 : i32
        %add3A_267 = arith.addi %mul3A_202, %add3A_266 : i32
        %mul3A_268 = arith.constant 16 : i32
        %mul3A_269 = arith.muli %add3A_267, %mul3A_268 : i32
        %get3A_270 = arith.index_cast %mul3A_269 : i32 to index
        %get3A_271 = tpu.vector_load %arg8[%get3A_270] {strides = array<i32>} : memref<4096xi32, #tpu.memory_space<vmem>>, vector<16xi32>,
        %add3A_272 = arith.constant 2 : i32
        %add3A_273 = arith.addi %mul3A_202, %add3A_272 : i32
        %mul3A_274 = arith.constant 16 : i32
        %mul3A_275 = arith.muli %add3A_273, %mul3A_274 : i32
        %get3A_276 = arith.index_cast %mul3A_275 : i32 to index
        %get3A_277 = tpu.vector_load %arg12[%get3A_276] {strides = array<i32>} : memref<4096xi32, #tpu.memory_space<vmem>>, vector<16xi32>,
        %add3A_278 = arith.constant 3 : i32
        %add3A_279 = arith.addi %mul3A_202, %add3A_278 : i32
        %mul3A_280 = arith.constant 16 : i32
        %mul3A_281 = arith.muli %add3A_279, %mul3A_280 : i32
        %get3A_282 = arith.index_cast %mul3A_281 : i32 to index
        %get3A_283 = tpu.vector_load %arg8[%get3A_282] {strides = array<i32>} : memref<4096xi32, #tpu.memory_space<vmem>>, vector<16xi32>,
        %add3A_284 = arith.constant 3 : i32
        %add3A_285 = arith.addi %mul3A_202, %add3A_284 : i32
        %mul3A_286 = arith.constant 16 : i32
        %mul3A_287 = arith.muli %add3A_285, %mul3A_286 : i32
        %get3A_288 = arith.index_cast %mul3A_287 : i32 to index
        %get3A_289 = tpu.vector_load %arg12[%get3A_288] {strides = array<i32>} : memref<4096xi32, #tpu.memory_space<vmem>>, vector<16xi32>,
        %shift_right_logical3A = arith.constant 16 : i32
        %shift_right_logical3A_290 = vector.broadcast %shift_right_logical3A : i32 to vector<16xi32>
        %shift_right_logical3A_291 = arith.shrui %get3A_207, %shift_right_logical3A_290 : vector<16xi32>
        %and3A_292 = arith.constant 255 : i32
        %and3A_293 = vector.broadcast %and3A_292 : i32 to vector<16xi32>
        %and3A_294 = arith.andi %shift_right_logical3A_291, %and3A_293 : vector<16xi32>
        %mul3A_295 = arith.constant 16 : i32
        %mul3A_296 = vector.broadcast %mul3A_295 : i32 to vector<16xi32>
        %mul3A_297 = arith.muli %and3A_294, %mul3A_296 : vector<16xi32>
        %add3A_298 = arith.addi %mul3A_297, %iota3A : vector<16xi32>
        %shift_right_logical3A_299 = arith.constant 16 : i32
        %shift_right_logical3A_300 = vector.broadcast %shift_right_logical3A_299 : i32 to vector<16xi32>
        %shift_right_logical3A_301 = arith.shrui %get3A_211, %shift_right_logical3A_300 : vector<16xi32>
        %and3A_302 = arith.constant 255 : i32
        %and3A_303 = vector.broadcast %and3A_302 : i32 to vector<16xi32>
        %and3A_304 = arith.andi %shift_right_logical3A_301, %and3A_303 : vector<16xi32>
        %mul3A_305 = arith.constant 16 : i32
        %mul3A_306 = vector.broadcast %mul3A_305 : i32 to vector<16xi32>
        %mul3A_307 = arith.muli %and3A_304, %mul3A_306 : vector<16xi32>
        %add3A_308 = arith.addi %mul3A_307, %iota3A : vector<16xi32>
        %shift_right_logical3A_309 = arith.constant 16 : i32
        %shift_right_logical3A_310 = vector.broadcast %shift_right_logical3A_309 : i32 to vector<16xi32>
        %shift_right_logical3A_311 = arith.shrui %get3A_217, %shift_right_logical3A_310 : vector<16xi32>
        %and3A_312 = arith.constant 255 : i32
        %and3A_313 = vector.broadcast %and3A_312 : i32 to vector<16xi32>
        %and3A_314 = arith.andi %shift_right_logical3A_311, %and3A_313 : vector<16xi32>
        %mul3A_315 = arith.constant 16 : i32
        %mul3A_316 = vector.broadcast %mul3A_315 : i32 to vector<16xi32>
        %mul3A_317 = arith.muli %and3A_314, %mul3A_316 : vector<16xi32>
        %add3A_318 = arith.addi %mul3A_317, %iota3A : vector<16xi32>
        %shift_right_logical3A_319 = arith.constant 16 : i32
        %shift_right_logical3A_320 = vector.broadcast %shift_right_logical3A_319 : i32 to vector<16xi32>
        %shift_right_logical3A_321 = arith.shrui %get3A_221, %shift_right_logical3A_320 : vector<16xi32>
        %and3A_322 = arith.constant 255 : i32
        %and3A_323 = vector.broadcast %and3A_322 : i32 to vector<16xi32>
        %and3A_324 = arith.andi %shift_right_logical3A_321, %and3A_323 : vector<16xi32>
        %mul3A_325 = arith.constant 16 : i32
        %mul3A_326 = vector.broadcast %mul3A_325 : i32 to vector<16xi32>
        %mul3A_327 = arith.muli %and3A_324, %mul3A_326 : vector<16xi32>
        %add3A_328 = arith.addi %mul3A_327, %iota3A : vector<16xi32>
        %shift_right_logical3A_329 = arith.constant 16 : i32
        %shift_right_logical3A_330 = vector.broadcast %shift_right_logical3A_329 : i32 to vector<16xi32>
        %shift_right_logical3A_331 = arith.shrui %get3A_227, %shift_right_logical3A_330 : vector<16xi32>
        %and3A_332 = arith.constant 255 : i32
        %and3A_333 = vector.broadcast %and3A_332 : i32 to vector<16xi32>
        %and3A_334 = arith.andi %shift_right_logical3A_331, %and3A_333 : vector<16xi32>
        %mul3A_335 = arith.constant 16 : i32
        %mul3A_336 = vector.broadcast %mul3A_335 : i32 to vector<16xi32>
        %mul3A_337 = arith.muli %and3A_334, %mul3A_336 : vector<16xi32>
        %add3A_338 = arith.addi %mul3A_337, %iota3A : vector<16xi32>
        %shift_right_logical3A_339 = arith.constant 16 : i32
        %shift_right_logical3A_340 = vector.broadcast %shift_right_logical3A_339 : i32 to vector<16xi32>
        %shift_right_logical3A_341 = arith.shrui %get3A_231, %shift_right_logical3A_340 : vector<16xi32>
        %and3A_342 = arith.constant 255 : i32
        %and3A_343 = vector.broadcast %and3A_342 : i32 to vector<16xi32>
        %and3A_344 = arith.andi %shift_right_logical3A_341, %and3A_343 : vector<16xi32>
        %mul3A_345 = arith.constant 16 : i32
        %mul3A_346 = vector.broadcast %mul3A_345 : i32 to vector<16xi32>
        %mul3A_347 = arith.muli %and3A_344, %mul3A_346 : vector<16xi32>
        %add3A_348 = arith.addi %mul3A_347, %iota3A : vector<16xi32>
        %shift_right_logical3A_349 = arith.constant 16 : i32
        %shift_right_logical3A_350 = vector.broadcast %shift_right_logical3A_349 : i32 to vector<16xi32>
        %shift_right_logical3A_351 = arith.shrui %get3A_237, %shift_right_logical3A_350 : vector<16xi32>
        %and3A_352 = arith.constant 255 : i32
        %and3A_353 = vector.broadcast %and3A_352 : i32 to vector<16xi32>
        %and3A_354 = arith.andi %shift_right_logical3A_351, %and3A_353 : vector<16xi32>
        %mul3A_355 = arith.constant 16 : i32
        %mul3A_356 = vector.broadcast %mul3A_355 : i32 to vector<16xi32>
        %mul3A_357 = arith.muli %and3A_354, %mul3A_356 : vector<16xi32>
        %add3A_358 = arith.addi %mul3A_357, %iota3A : vector<16xi32>
        %shift_right_logical3A_359 = arith.constant 16 : i32
        %shift_right_logical3A_360 = vector.broadcast %shift_right_logical3A_359 : i32 to vector<16xi32>
        %shift_right_logical3A_361 = arith.shrui %get3A_241, %shift_right_logical3A_360 : vector<16xi32>
        %and3A_362 = arith.constant 255 : i32
        %and3A_363 = vector.broadcast %and3A_362 : i32 to vector<16xi32>
        %and3A_364 = arith.andi %shift_right_logical3A_361, %and3A_363 : vector<16xi32>
        %mul3A_365 = arith.constant 16 : i32
        %mul3A_366 = vector.broadcast %mul3A_365 : i32 to vector<16xi32>
        %mul3A_367 = arith.muli %and3A_364, %mul3A_366 : vector<16xi32>
        %add3A_368 = arith.addi %mul3A_367, %iota3A : vector<16xi32>
        %gather3A = tpu.vector_load_idx %arg16[%add3A_298] : memref<4096xi32, #tpu.memory_space<vmem>>[vector<16xi32>], vector<16xi32>,
        %gather3A_369 = tpu.vector_load_idx %arg16[%add3A_318] : memref<4096xi32, #tpu.memory_space<vmem>>[vector<16xi32>], vector<16xi32>,
        %gather3A_370 = tpu.vector_load_idx %arg16[%add3A_338] : memref<4096xi32, #tpu.memory_space<vmem>>[vector<16xi32>], vector<16xi32>,
        %gather3A_371 = tpu.vector_load_idx %arg16[%add3A_358] : memref<4096xi32, #tpu.memory_space<vmem>>[vector<16xi32>], vector<16xi32>,
        %gather3A_372 = tpu.vector_load_idx %arg17[%add3A_308] : memref<4096xi32, #tpu.memory_space<vmem>>[vector<16xi32>], vector<16xi32>,
        %gather3A_373 = tpu.vector_load_idx %arg17[%add3A_328] : memref<4096xi32, #tpu.memory_space<vmem>>[vector<16xi32>], vector<16xi32>,
        %gather3A_374 = tpu.vector_load_idx %arg17[%add3A_348] : memref<4096xi32, #tpu.memory_space<vmem>>[vector<16xi32>], vector<16xi32>,
        %gather3A_375 = tpu.vector_load_idx %arg17[%add3A_368] : memref<4096xi32, #tpu.memory_space<vmem>>[vector<16xi32>], vector<16xi32>,
        %eq3A = arith.cmpi eq, %add3A_318, %add3A_298 : vector<16xi32>
        %convert_element_type3A = arith.extui %eq3A : vector<16xi1> to vector<16xi32>
        %eq3A_376 = arith.cmpi eq, %add3A_328, %add3A_308 : vector<16xi32>
        %convert_element_type3A_377 = arith.extui %eq3A_376 : vector<16xi1> to vector<16xi32>
        %add3A_378 = arith.addi %gather3A_369, %convert_element_type3A : vector<16xi32>
        %add3A_379 = arith.addi %gather3A_373, %convert_element_type3A_377 : vector<16xi32>
        %eq3A_380 = arith.cmpi eq, %add3A_338, %add3A_298 : vector<16xi32>
        %convert_element_type3A_381 = arith.extui %eq3A_380 : vector<16xi1> to vector<16xi32>
        %eq3A_382 = arith.cmpi eq, %add3A_348, %add3A_308 : vector<16xi32>
        %convert_element_type3A_383 = arith.extui %eq3A_382 : vector<16xi1> to vector<16xi32>
        %eq3A_384 = arith.cmpi eq, %add3A_338, %add3A_318 : vector<16xi32>
        %convert_element_type3A_385 = arith.extui %eq3A_384 : vector<16xi1> to vector<16xi32>
        %add3A_386 = arith.addi %convert_element_type3A_381, %convert_element_type3A_385 : vector<16xi32>
        %eq3A_387 = arith.cmpi eq, %add3A_348, %add3A_328 : vector<16xi32>
        %convert_element_type3A_388 = arith.extui %eq3A_387 : vector<16xi1> to vector<16xi32>
        %add3A_389 = arith.addi %convert_element_type3A_383, %convert_element_type3A_388 : vector<16xi32>
        %add3A_390 = arith.addi %gather3A_370, %add3A_386 : vector<16xi32>
        %add3A_391 = arith.addi %gather3A_374, %add3A_389 : vector<16xi32>
        %eq3A_392 = arith.cmpi eq, %add3A_358, %add3A_298 : vector<16xi32>
        %convert_element_type3A_393 = arith.extui %eq3A_392 : vector<16xi1> to vector<16xi32>
        %eq3A_394 = arith.cmpi eq, %add3A_368, %add3A_308 : vector<16xi32>
        %convert_element_type3A_395 = arith.extui %eq3A_394 : vector<16xi1> to vector<16xi32>
        %eq3A_396 = arith.cmpi eq, %add3A_358, %add3A_318 : vector<16xi32>
        %convert_element_type3A_397 = arith.extui %eq3A_396 : vector<16xi1> to vector<16xi32>
        %add3A_398 = arith.addi %convert_element_type3A_393, %convert_element_type3A_397 : vector<16xi32>
        %eq3A_399 = arith.cmpi eq, %add3A_368, %add3A_328 : vector<16xi32>
        %convert_element_type3A_400 = arith.extui %eq3A_399 : vector<16xi1> to vector<16xi32>
        %add3A_401 = arith.addi %convert_element_type3A_395, %convert_element_type3A_400 : vector<16xi32>
        %eq3A_402 = arith.cmpi eq, %add3A_358, %add3A_338 : vector<16xi32>
        %convert_element_type3A_403 = arith.extui %eq3A_402 : vector<16xi1> to vector<16xi32>
        %add3A_404 = arith.addi %add3A_398, %convert_element_type3A_403 : vector<16xi32>
        %eq3A_405 = arith.cmpi eq, %add3A_368, %add3A_348 : vector<16xi32>
        %convert_element_type3A_406 = arith.extui %eq3A_405 : vector<16xi1> to vector<16xi32>
        %add3A_407 = arith.addi %add3A_401, %convert_element_type3A_406 : vector<16xi32>
        %add3A_408 = arith.addi %gather3A_371, %add3A_404 : vector<16xi32>
        %add3A_409 = arith.addi %gather3A_375, %add3A_407 : vector<16xi32>
        tpu.vector_store_idx %arg14[%gather3A], %get3A_247 : memref<4096xi32, #tpu.memory_space<vmem>>[vector<16xi32>], vector<16xi32>,
        tpu.vector_store_idx %arg15[%gather3A_372], %get3A_253 : memref<4096xi32, #tpu.memory_space<vmem>>[vector<16xi32>], vector<16xi32>,
        tpu.vector_store_idx %arg14[%add3A_378], %get3A_259 : memref<4096xi32, #tpu.memory_space<vmem>>[vector<16xi32>], vector<16xi32>,
        tpu.vector_store_idx %arg15[%add3A_379], %get3A_265 : memref<4096xi32, #tpu.memory_space<vmem>>[vector<16xi32>], vector<16xi32>,
        tpu.vector_store_idx %arg14[%add3A_390], %get3A_271 : memref<4096xi32, #tpu.memory_space<vmem>>[vector<16xi32>], vector<16xi32>,
        tpu.vector_store_idx %arg15[%add3A_391], %get3A_277 : memref<4096xi32, #tpu.memory_space<vmem>>[vector<16xi32>], vector<16xi32>,
        tpu.vector_store_idx %arg14[%add3A_408], %get3A_283 : memref<4096xi32, #tpu.memory_space<vmem>>[vector<16xi32>], vector<16xi32>,
        tpu.vector_store_idx %arg15[%add3A_409], %get3A_289 : memref<4096xi32, #tpu.memory_space<vmem>>[vector<16xi32>], vector<16xi32>,
        tpu.vector_store_idx %arg16[%add3A_298], %broadcast_in_dim3A_1 {add = true} : memref<4096xi32, #tpu.memory_space<vmem>>[vector<16xi32>], vector<16xi32>,
        tpu.vector_store_idx %arg17[%add3A_308], %broadcast_in_dim3A_1 {add = true} : memref<4096xi32, #tpu.memory_space<vmem>>[vector<16xi32>], vector<16xi32>,
        tpu.vector_store_idx %arg16[%add3A_318], %broadcast_in_dim3A_1 {add = true} : memref<4096xi32, #tpu.memory_space<vmem>>[vector<16xi32>], vector<16xi32>,
        tpu.vector_store_idx %arg17[%add3A_328], %broadcast_in_dim3A_1 {add = true} : memref<4096xi32, #tpu.memory_space<vmem>>[vector<16xi32>], vector<16xi32>,
        tpu.vector_store_idx %arg16[%add3A_338], %broadcast_in_dim3A_1 {add = true} : memref<4096xi32, #tpu.memory_space<vmem>>[vector<16xi32>], vector<16xi32>,
        tpu.vector_store_idx %arg17[%add3A_348], %broadcast_in_dim3A_1 {add = true} : memref<4096xi32, #tpu.memory_space<vmem>>[vector<16xi32>], vector<16xi32>,
        tpu.vector_store_idx %arg16[%add3A_358], %broadcast_in_dim3A_1 {add = true} : memref<4096xi32, #tpu.memory_space<vmem>>[vector<16xi32>], vector<16xi32>,
        tpu.vector_store_idx %arg17[%add3A_368], %broadcast_in_dim3A_1 {add = true} : memref<4096xi32, #tpu.memory_space<vmem>>[vector<16xi32>], vector<16xi32>,
      }
      %scan3A_166 = arith.constant 64 : i32
      %dma_start3A = arith.constant 0 : i32
      %dma_start3A_167 = tpu.memref_slice %arg14[%dma_start3A] : memref<4096xi32, #tpu.memory_space<vmem>> -> memref<128xi32, #tpu.memory_space<vmem>>
      %dma_start3A_168 = arith.constant 0 : i32
      %dma_start3A_169 = arith.constant 0 : i32
      %dma_start3A_170 = tpu.memref_slice %arg3[%dma_start3A_168, %dma_start3A_169] : memref<16384x160xbf16, #tpu.memory_space<hbm>> -> memref<16384x160xbf16, #tpu.memory_space<hbm>>
      tpu.enqueue_indirect_dma source(%dma_start3A_170 : memref<16384x160xbf16, #tpu.memory_space<hbm>>) target(%arg20 : memref<128x160xbf16, #tpu.memory_space<vmem>>) offsets(%dma_start3A_167 : memref<128xi32, #tpu.memory_space<vmem>>) semaphore(%arg25 : memref<!tpu.dma_semaphore, #tpu.memory_space<semaphore_mem>>)
      %dma_start3A_171 = arith.constant 128 : i32
      %dma_start3A_172 = tpu.memref_slice %arg14[%dma_start3A_171] : memref<4096xi32, #tpu.memory_space<vmem>> -> memref<128xi32, #tpu.memory_space<vmem>>
      %dma_start3A_173 = arith.constant 0 : i32
      %dma_start3A_174 = arith.constant 0 : i32
      %dma_start3A_175 = tpu.memref_slice %arg3[%dma_start3A_173, %dma_start3A_174] : memref<16384x160xbf16, #tpu.memory_space<hbm>> -> memref<16384x160xbf16, #tpu.memory_space<hbm>>
      tpu.enqueue_indirect_dma source(%dma_start3A_175 : memref<16384x160xbf16, #tpu.memory_space<hbm>>) target(%arg21 : memref<128x160xbf16, #tpu.memory_space<vmem>>) offsets(%dma_start3A_172 : memref<128xi32, #tpu.memory_space<vmem>>) semaphore(%arg26 : memref<!tpu.dma_semaphore, #tpu.memory_space<semaphore_mem>>)
      %dma_wait3A = arith.constant 0 : i32
      %dma_wait3A_176 = arith.constant 0 : i32
      %dma_wait3A_177 = tpu.memref_slice %arg3[%dma_wait3A, %dma_wait3A_176] : memref<16384x160xbf16, #tpu.memory_space<hbm>> -> memref<128x160xbf16, #tpu.memory_space<hbm>>
      %dma_wait3A_178 = arith.constant 0 : i32
      %dma_wait3A_179 = arith.constant 0 : i32
      %dma_wait3A_180 = tpu.memref_slice %arg3[%dma_wait3A_178, %dma_wait3A_179] : memref<16384x160xbf16, #tpu.memory_space<hbm>> -> memref<128x160xbf16, #tpu.memory_space<hbm>>
      tpu.wait_dma2 semaphore(%arg25 : memref<!tpu.dma_semaphore, #tpu.memory_space<semaphore_mem>>) src(%dma_wait3A_180 : memref<128x160xbf16, #tpu.memory_space<hbm>>) dst(%arg20 : memref<128x160xbf16, #tpu.memory_space<vmem>>)
      %dma_start3A_181 = arith.constant 0 : i32
      %dma_start3A_182 = tpu.memref_slice %arg15[%dma_start3A_181] : memref<4096xi32, #tpu.memory_space<vmem>> -> memref<128xi32, #tpu.memory_space<vmem>>
      %dma_start3A_183 = arith.constant 0 : i32
      %dma_start3A_184 = arith.constant 0 : i32
      %dma_start3A_185 = tpu.memref_slice %arg4[%dma_start3A_183, %dma_start3A_184] : memref<16384x160xbf16, #tpu.memory_space<hbm>> -> memref<16384x160xbf16, #tpu.memory_space<hbm>>
      tpu.enqueue_indirect_dma source(%dma_start3A_185 : memref<16384x160xbf16, #tpu.memory_space<hbm>>) target(%arg20 : memref<128x160xbf16, #tpu.memory_space<vmem>>) offsets(%dma_start3A_182 : memref<128xi32, #tpu.memory_space<vmem>>) semaphore(%arg29 : memref<!tpu.dma_semaphore, #tpu.memory_space<semaphore_mem>>) {add = true}
      %broadcast_in_dim3A_186 = arith.constant 0.000000e+00 : f32
      %broadcast_in_dim3A_187 = vector.broadcast %broadcast_in_dim3A_186 : f32 to vector<16xf32>
      %scan3A_188 = arith.constant 0 : i32
      %scan3A_189 = arith.constant 8 : i32
      %scan3A_190 = arith.addi %scan3A_188, %scan3A_189 : i32
      %scan3A_191 = arith.constant 1 : i32
      %scan3A_192:4 = scf.for %scan3A_200 = %scan3A_188 to %scan3A_190 step %scan3A_191 iter_args(%scan3A_201 = %broadcast_in_dim3A_187, %scan3A_202 = %broadcast_in_dim3A_187, %scan3A_203 = %broadcast_in_dim3A_187, %scan3A_204 = %broadcast_in_dim3A_187) -> (vector<16xf32>, vector<16xf32>, vector<16xf32>, vector<16xf32>)  : i32 {
        %mul3A_205 = arith.constant 4 : i32
        %mul3A_206 = arith.muli %mul3A_205, %scan3A_200 : i32
        %add3A_207 = arith.constant 0 : i32
        %add3A_208 = arith.addi %mul3A_206, %add3A_207 : i32
        %add3A_209 = arith.constant 1 : i32
        %add3A_210 = arith.addi %add3A_208, %add3A_209 : i32
        %lt3A = arith.constant 32 : i32
        %lt3A_211 = arith.cmpi slt, %add3A_210, %lt3A : i32
        %convert_element_type3A = arith.extui %lt3A_211 : i1 to i32
        %cond3A = arith.constant 0 : i32
        %cond3A_212 = arith.cmpi ne, %convert_element_type3A, %cond3A : i32
        scf.if %cond3A_212 {
          %dma_wait3A_322 = arith.constant 0 : i32
          %dma_wait3A_323 = arith.constant 0 : i32
          %dma_wait3A_324 = tpu.memref_slice %arg3[%dma_wait3A_322, %dma_wait3A_323] : memref<16384x160xbf16, #tpu.memory_space<hbm>> -> memref<128x160xbf16, #tpu.memory_space<hbm>>
          %dma_wait3A_325 = arith.constant 0 : i32
          %dma_wait3A_326 = arith.constant 0 : i32
          %dma_wait3A_327 = tpu.memref_slice %arg3[%dma_wait3A_325, %dma_wait3A_326] : memref<16384x160xbf16, #tpu.memory_space<hbm>> -> memref<128x160xbf16, #tpu.memory_space<hbm>>
          tpu.wait_dma2 semaphore(%arg26 : memref<!tpu.dma_semaphore, #tpu.memory_space<semaphore_mem>>) src(%dma_wait3A_327 : memref<128x160xbf16, #tpu.memory_space<hbm>>) dst(%arg21 : memref<128x160xbf16, #tpu.memory_space<vmem>>)
          %add3A_328 = arith.constant 1 : i32
          %add3A_329 = arith.addi %add3A_208, %add3A_328 : i32
          %mul3A_330 = arith.constant 128 : i32
          %mul3A_331 = arith.muli %add3A_329, %mul3A_330 : i32
          %dma_start3A_332 = tpu.memref_slice %arg15[%mul3A_331] : memref<4096xi32, #tpu.memory_space<vmem>> -> memref<128xi32, #tpu.memory_space<vmem>>
          %dma_start3A_333 = arith.constant 0 : i32
          %dma_start3A_334 = arith.constant 0 : i32
          %dma_start3A_335 = tpu.memref_slice %arg4[%dma_start3A_333, %dma_start3A_334] : memref<16384x160xbf16, #tpu.memory_space<hbm>> -> memref<16384x160xbf16, #tpu.memory_space<hbm>>
          tpu.enqueue_indirect_dma source(%dma_start3A_335 : memref<16384x160xbf16, #tpu.memory_space<hbm>>) target(%arg21 : memref<128x160xbf16, #tpu.memory_space<vmem>>) offsets(%dma_start3A_332 : memref<128xi32, #tpu.memory_space<vmem>>) semaphore(%arg30 : memref<!tpu.dma_semaphore, #tpu.memory_space<semaphore_mem>>) {add = true}
        } else {
        }
        %dma_wait3A_213 = arith.constant 0 : i32
        %dma_wait3A_214 = arith.constant 0 : i32
        %dma_wait3A_215 = tpu.memref_slice %arg3[%dma_wait3A_213, %dma_wait3A_214] : memref<16384x160xbf16, #tpu.memory_space<hbm>> -> memref<128x160xbf16, #tpu.memory_space<hbm>>
        %dma_wait3A_216 = arith.constant 0 : i32
        %dma_wait3A_217 = arith.constant 0 : i32
        %dma_wait3A_218 = tpu.memref_slice %arg3[%dma_wait3A_216, %dma_wait3A_217] : memref<16384x160xbf16, #tpu.memory_space<hbm>> -> memref<128x160xbf16, #tpu.memory_space<hbm>>
        tpu.wait_dma2 semaphore(%arg29 : memref<!tpu.dma_semaphore, #tpu.memory_space<semaphore_mem>>) src(%dma_wait3A_218 : memref<128x160xbf16, #tpu.memory_space<hbm>>) dst(%arg20 : memref<128x160xbf16, #tpu.memory_space<vmem>>)
        %scan3A_219 = arith.constant 0 : i32
        %scan3A_220 = arith.constant 64 : i32
        %scan3A_221 = arith.addi %scan3A_219, %scan3A_220 : i32
        %scan3A_222 = arith.constant 2 : i32
        %scan3A_223:4 = scf.for %scan3A_322 = %scan3A_219 to %scan3A_221 step %scan3A_222 iter_args(%scan3A_323 = %scan3A_201, %scan3A_324 = %scan3A_202, %scan3A_325 = %scan3A_203, %scan3A_326 = %scan3A_204) -> (vector<16xf32>, vector<16xf32>, vector<16xf32>, vector<16xf32>)  : i32 {
          %mul3A_327 = arith.constant 2 : i32
          %mul3A_328 = arith.muli %scan3A_322, %mul3A_327 : i32
          %add3A_329 = arith.constant 0 : i32
          %add3A_330 = arith.addi %mul3A_328, %add3A_329 : i32
          %get3A = arith.index_cast %add3A_330 : i32 to index
          %get3A_331 = arith.constant 0 : index
          %get3A_332 = tpu.vector_load %arg20[%get3A, %get3A_331] {strides = array<i32>} : memref<128x160xbf16, #tpu.memory_space<vmem>>, vector<32xbf16>,
          %add3A_333 = arith.constant 0 : i32
          %add3A_334 = arith.addi %mul3A_328, %add3A_333 : i32
          %get3A_335 = arith.index_cast %add3A_334 : i32 to index
          %get3A_336 = arith.constant 32 : index
          %get3A_337 = tpu.vector_load %arg20[%get3A_335, %get3A_336] {strides = array<i32>} : memref<128x160xbf16, #tpu.memory_space<vmem>>, vector<32xbf16>,
          %add3A_338 = arith.constant 0 : i32
          %add3A_339 = arith.addi %mul3A_328, %add3A_338 : i32
          %get3A_340 = arith.index_cast %add3A_339 : i32 to index
          %get3A_341 = arith.constant 64 : index
          %get3A_342 = tpu.vector_load %arg20[%get3A_340, %get3A_341] {strides = array<i32>} : memref<128x160xbf16, #tpu.memory_space<vmem>>, vector<32xbf16>,
          %add3A_343 = arith.constant 0 : i32
          %add3A_344 = arith.addi %mul3A_328, %add3A_343 : i32
          %get3A_345 = arith.index_cast %add3A_344 : i32 to index
          %get3A_346 = arith.constant 96 : index
          %get3A_347 = tpu.vector_load %arg20[%get3A_345, %get3A_346] {strides = array<i32>} : memref<128x160xbf16, #tpu.memory_space<vmem>>, vector<32xbf16>,
          %add3A_348 = arith.constant 0 : i32
          %add3A_349 = arith.addi %mul3A_328, %add3A_348 : i32
          %get3A_350 = arith.index_cast %add3A_349 : i32 to index
          %get3A_351 = arith.constant 128 : index
          %get3A_352 = tpu.vector_load %arg20[%get3A_350, %get3A_351] {strides = array<i32>} : memref<128x160xbf16, #tpu.memory_space<vmem>>, vector<32xbf16>,
          %add3A_353 = arith.constant 1 : i32
          %add3A_354 = arith.addi %mul3A_328, %add3A_353 : i32
          %get3A_355 = arith.index_cast %add3A_354 : i32 to index
          %get3A_356 = arith.constant 0 : index
          %get3A_357 = tpu.vector_load %arg20[%get3A_355, %get3A_356] {strides = array<i32>} : memref<128x160xbf16, #tpu.memory_space<vmem>>, vector<32xbf16>,
          %add3A_358 = arith.constant 1 : i32
          %add3A_359 = arith.addi %mul3A_328, %add3A_358 : i32
          %get3A_360 = arith.index_cast %add3A_359 : i32 to index
          %get3A_361 = arith.constant 32 : index
          %get3A_362 = tpu.vector_load %arg20[%get3A_360, %get3A_361] {strides = array<i32>} : memref<128x160xbf16, #tpu.memory_space<vmem>>, vector<32xbf16>,
          %add3A_363 = arith.constant 1 : i32
          %add3A_364 = arith.addi %mul3A_328, %add3A_363 : i32
          %get3A_365 = arith.index_cast %add3A_364 : i32 to index
          %get3A_366 = arith.constant 64 : index
          %get3A_367 = tpu.vector_load %arg20[%get3A_365, %get3A_366] {strides = array<i32>} : memref<128x160xbf16, #tpu.memory_space<vmem>>, vector<32xbf16>,
          %add3A_368 = arith.constant 1 : i32
          %add3A_369 = arith.addi %mul3A_328, %add3A_368 : i32
          %get3A_370 = arith.index_cast %add3A_369 : i32 to index
          %get3A_371 = arith.constant 96 : index
          %get3A_372 = tpu.vector_load %arg20[%get3A_370, %get3A_371] {strides = array<i32>} : memref<128x160xbf16, #tpu.memory_space<vmem>>, vector<32xbf16>,
          %add3A_373 = arith.constant 1 : i32
          %add3A_374 = arith.addi %mul3A_328, %add3A_373 : i32
          %get3A_375 = arith.index_cast %add3A_374 : i32 to index
          %get3A_376 = arith.constant 128 : index
          %get3A_377 = tpu.vector_load %arg20[%get3A_375, %get3A_376] {strides = array<i32>} : memref<128x160xbf16, #tpu.memory_space<vmem>>, vector<32xbf16>,
          %abs3A = math.absf %get3A_332 : vector<32xbf16>
          %abs3A_378 = math.absf %get3A_337 : vector<32xbf16>
          %abs3A_379 = math.absf %get3A_342 : vector<32xbf16>
          %abs3A_380 = math.absf %get3A_347 : vector<32xbf16>
          %abs3A_381 = math.absf %get3A_352 : vector<32xbf16>
          %abs3A_382 = math.absf %get3A_357 : vector<32xbf16>
          %abs3A_383 = math.absf %get3A_362 : vector<32xbf16>
          %abs3A_384 = math.absf %get3A_367 : vector<32xbf16>
          %abs3A_385 = math.absf %get3A_372 : vector<32xbf16>
          %abs3A_386 = math.absf %get3A_377 : vector<32xbf16>
          %add3A_387 = arith.addf %abs3A, %abs3A_378 : vector<32xbf16>
          %add3A_388 = arith.addf %abs3A_379, %abs3A_380 : vector<32xbf16>
          %add3A_389 = arith.addf %add3A_387, %add3A_388 : vector<32xbf16>
          %add3A_390 = arith.addf %add3A_389, %abs3A_381 : vector<32xbf16>
          %add3A_391 = arith.addf %abs3A_382, %abs3A_383 : vector<32xbf16>
          %add3A_392 = arith.addf %abs3A_384, %abs3A_385 : vector<32xbf16>
          %add3A_393 = arith.addf %add3A_391, %add3A_392 : vector<32xbf16>
          %add3A_394 = arith.addf %add3A_393, %abs3A_386 : vector<32xbf16>
          %unpack3A = tpu.unpack_subelements %add3A_390, 0 {pack_format = #tpu.pack_format<interleaved>} : vector<32xbf16> -> vector<16xf32>
          %unpack3A_395 = tpu.unpack_subelements %add3A_390, 1 {pack_format = #tpu.pack_format<interleaved>} : vector<32xbf16> -> vector<16xf32>
          %unpack3A_396 = tpu.unpack_subelements %add3A_394, 0 {pack_format = #tpu.pack_format<interleaved>} : vector<32xbf16> -> vector<16xf32>
          %unpack3A_397 = tpu.unpack_subelements %add3A_394, 1 {pack_format = #tpu.pack_format<interleaved>} : vector<32xbf16> -> vector<16xf32>
          %add3A_398 = arith.addf %scan3A_323, %unpack3A : vector<16xf32>
          %add3A_399 = arith.addf %scan3A_324, %unpack3A_395 : vector<16xf32>
          %add3A_400 = arith.addf %scan3A_325, %unpack3A_396 : vector<16xf32>
          %add3A_401 = arith.addf %scan3A_326, %unpack3A_397 : vector<16xf32>
          %scan3A_402 = arith.constant 1 : i32
          %scan3A_403 = arith.addi %scan3A_322, %scan3A_402 : i32
          %mul3A_404 = arith.constant 2 : i32
          %mul3A_405 = arith.muli %scan3A_403, %mul3A_404 : i32
          %add3A_406 = arith.constant 0 : i32
          %add3A_407 = arith.addi %mul3A_405, %add3A_406 : i32
          %get3A_408 = arith.index_cast %add3A_407 : i32 to index
          %get3A_409 = arith.constant 0 : index
          %get3A_410 = tpu.vector_load %arg20[%get3A_408, %get3A_409] {strides = array<i32>} : memref<128x160xbf16, #tpu.memory_space<vmem>>, vector<32xbf16>,
          %add3A_411 = arith.constant 0 : i32
          %add3A_412 = arith.addi %mul3A_405, %add3A_411 : i32
          %get3A_413 = arith.index_cast %add3A_412 : i32 to index
          %get3A_414 = arith.constant 32 : index
          %get3A_415 = tpu.vector_load %arg20[%get3A_413, %get3A_414] {strides = array<i32>} : memref<128x160xbf16, #tpu.memory_space<vmem>>, vector<32xbf16>,
          %add3A_416 = arith.constant 0 : i32
          %add3A_417 = arith.addi %mul3A_405, %add3A_416 : i32
          %get3A_418 = arith.index_cast %add3A_417 : i32 to index
          %get3A_419 = arith.constant 64 : index
          %get3A_420 = tpu.vector_load %arg20[%get3A_418, %get3A_419] {strides = array<i32>} : memref<128x160xbf16, #tpu.memory_space<vmem>>, vector<32xbf16>,
          %add3A_421 = arith.constant 0 : i32
          %add3A_422 = arith.addi %mul3A_405, %add3A_421 : i32
          %get3A_423 = arith.index_cast %add3A_422 : i32 to index
          %get3A_424 = arith.constant 96 : index
          %get3A_425 = tpu.vector_load %arg20[%get3A_423, %get3A_424] {strides = array<i32>} : memref<128x160xbf16, #tpu.memory_space<vmem>>, vector<32xbf16>,
          %add3A_426 = arith.constant 0 : i32
          %add3A_427 = arith.addi %mul3A_405, %add3A_426 : i32
          %get3A_428 = arith.index_cast %add3A_427 : i32 to index
          %get3A_429 = arith.constant 128 : index
          %get3A_430 = tpu.vector_load %arg20[%get3A_428, %get3A_429] {strides = array<i32>} : memref<128x160xbf16, #tpu.memory_space<vmem>>, vector<32xbf16>,
          %add3A_431 = arith.constant 1 : i32
          %add3A_432 = arith.addi %mul3A_405, %add3A_431 : i32
          %get3A_433 = arith.index_cast %add3A_432 : i32 to index
          %get3A_434 = arith.constant 0 : index
          %get3A_435 = tpu.vector_load %arg20[%get3A_433, %get3A_434] {strides = array<i32>} : memref<128x160xbf16, #tpu.memory_space<vmem>>, vector<32xbf16>,
          %add3A_436 = arith.constant 1 : i32
          %add3A_437 = arith.addi %mul3A_405, %add3A_436 : i32
          %get3A_438 = arith.index_cast %add3A_437 : i32 to index
          %get3A_439 = arith.constant 32 : index
          %get3A_440 = tpu.vector_load %arg20[%get3A_438, %get3A_439] {strides = array<i32>} : memref<128x160xbf16, #tpu.memory_space<vmem>>, vector<32xbf16>,
          %add3A_441 = arith.constant 1 : i32
          %add3A_442 = arith.addi %mul3A_405, %add3A_441 : i32
          %get3A_443 = arith.index_cast %add3A_442 : i32 to index
          %get3A_444 = arith.constant 64 : index
          %get3A_445 = tpu.vector_load %arg20[%get3A_443, %get3A_444] {strides = array<i32>} : memref<128x160xbf16, #tpu.memory_space<vmem>>, vector<32xbf16>,
          %add3A_446 = arith.constant 1 : i32
          %add3A_447 = arith.addi %mul3A_405, %add3A_446 : i32
          %get3A_448 = arith.index_cast %add3A_447 : i32 to index
          %get3A_449 = arith.constant 96 : index
          %get3A_450 = tpu.vector_load %arg20[%get3A_448, %get3A_449] {strides = array<i32>} : memref<128x160xbf16, #tpu.memory_space<vmem>>, vector<32xbf16>,
          %add3A_451 = arith.constant 1 : i32
          %add3A_452 = arith.addi %mul3A_405, %add3A_451 : i32
          %get3A_453 = arith.index_cast %add3A_452 : i32 to index
          %get3A_454 = arith.constant 128 : index
          %get3A_455 = tpu.vector_load %arg20[%get3A_453, %get3A_454] {strides = array<i32>} : memref<128x160xbf16, #tpu.memory_space<vmem>>, vector<32xbf16>,
          %abs3A_456 = math.absf %get3A_410 : vector<32xbf16>
          %abs3A_457 = math.absf %get3A_415 : vector<32xbf16>
          %abs3A_458 = math.absf %get3A_420 : vector<32xbf16>
          %abs3A_459 = math.absf %get3A_425 : vector<32xbf16>
          %abs3A_460 = math.absf %get3A_430 : vector<32xbf16>
          %abs3A_461 = math.absf %get3A_435 : vector<32xbf16>
          %abs3A_462 = math.absf %get3A_440 : vector<32xbf16>
          %abs3A_463 = math.absf %get3A_445 : vector<32xbf16>
          %abs3A_464 = math.absf %get3A_450 : vector<32xbf16>
          %abs3A_465 = math.absf %get3A_455 : vector<32xbf16>
          %add3A_466 = arith.addf %abs3A_456, %abs3A_457 : vector<32xbf16>
          %add3A_467 = arith.addf %abs3A_458, %abs3A_459 : vector<32xbf16>
          %add3A_468 = arith.addf %add3A_466, %add3A_467 : vector<32xbf16>
          %add3A_469 = arith.addf %add3A_468, %abs3A_460 : vector<32xbf16>
          %add3A_470 = arith.addf %abs3A_461, %abs3A_462 : vector<32xbf16>
          %add3A_471 = arith.addf %abs3A_463, %abs3A_464 : vector<32xbf16>
          %add3A_472 = arith.addf %add3A_470, %add3A_471 : vector<32xbf16>
          %add3A_473 = arith.addf %add3A_472, %abs3A_465 : vector<32xbf16>
          %unpack3A_474 = tpu.unpack_subelements %add3A_469, 0 {pack_format = #tpu.pack_format<interleaved>} : vector<32xbf16> -> vector<16xf32>
          %unpack3A_475 = tpu.unpack_subelements %add3A_469, 1 {pack_format = #tpu.pack_format<interleaved>} : vector<32xbf16> -> vector<16xf32>
          %unpack3A_476 = tpu.unpack_subelements %add3A_473, 0 {pack_format = #tpu.pack_format<interleaved>} : vector<32xbf16> -> vector<16xf32>
          %unpack3A_477 = tpu.unpack_subelements %add3A_473, 1 {pack_format = #tpu.pack_format<interleaved>} : vector<32xbf16> -> vector<16xf32>
          %add3A_478 = arith.addf %add3A_398, %unpack3A_474 : vector<16xf32>
          %add3A_479 = arith.addf %add3A_399, %unpack3A_475 : vector<16xf32>
          %add3A_480 = arith.addf %add3A_400, %unpack3A_476 : vector<16xf32>
          %add3A_481 = arith.addf %add3A_401, %unpack3A_477 : vector<16xf32>
          scf.yield %add3A_478, %add3A_479, %add3A_480, %add3A_481 : vector<16xf32>, vector<16xf32>, vector<16xf32>, vector<16xf32>
        }
        %scan3A_224 = arith.constant 64 : i32
        %add3A_225 = arith.constant 2 : i32
        %add3A_226 = arith.addi %add3A_208, %add3A_225 : i32
        %lt3A_227 = arith.constant 32 : i32
        %lt3A_228 = arith.cmpi slt, %add3A_226, %lt3A_227 : i32
        %convert_element_type3A_229 = arith.extui %lt3A_228 : i1 to i32
        %cond3A_230 = arith.constant 0 : i32
        %cond3A_231 = arith.cmpi ne, %convert_element_type3A_229, %cond3A_230 : i32
        scf.if %cond3A_231 {
          %add3A_322 = arith.constant 2 : i32
          %add3A_323 = arith.addi %add3A_208, %add3A_322 : i32
          %mul3A_324 = arith.constant 128 : i32
          %mul3A_325 = arith.muli %add3A_323, %mul3A_324 : i32
          %dma_start3A_326 = tpu.memref_slice %arg14[%mul3A_325] : memref<4096xi32, #tpu.memory_space<vmem>> -> memref<128xi32, #tpu.memory_space<vmem>>
          %dma_start3A_327 = arith.constant 0 : i32
          %dma_start3A_328 = arith.constant 0 : i32
          %dma_start3A_329 = tpu.memref_slice %arg3[%dma_start3A_327, %dma_start3A_328] : memref<16384x160xbf16, #tpu.memory_space<hbm>> -> memref<16384x160xbf16, #tpu.memory_space<hbm>>
          tpu.enqueue_indirect_dma source(%dma_start3A_329 : memref<16384x160xbf16, #tpu.memory_space<hbm>>) target(%arg22 : memref<128x160xbf16, #tpu.memory_space<vmem>>) offsets(%dma_start3A_326 : memref<128xi32, #tpu.memory_space<vmem>>) semaphore(%arg27 : memref<!tpu.dma_semaphore, #tpu.memory_space<semaphore_mem>>)
        } else {
        }
        %mul3A_232 = arith.constant 4 : i32
        %mul3A_233 = arith.muli %mul3A_232, %scan3A_200 : i32
        %add3A_234 = arith.constant 1 : i32
        %add3A_235 = arith.addi %mul3A_233, %add3A_234 : i32
        %add3A_236 = arith.constant 1 : i32
        %add3A_237 = arith.addi %add3A_235, %add3A_236 : i32
        %lt3A_238 = arith.constant 32 : i32
        %lt3A_239 = arith.cmpi slt, %add3A_237, %lt3A_238 : i32
        %convert_element_type3A_240 = arith.extui %lt3A_239 : i1 to i32
        %cond3A_241 = arith.constant 0 : i32
        %cond3A_242 = arith.cmpi ne, %convert_element_type3A_240, %cond3A_241 : i32
        scf.if %cond3A_242 {
          %dma_wait3A_322 = arith.constant 0 : i32
          %dma_wait3A_323 = arith.constant 0 : i32
          %dma_wait3A_324 = tpu.memref_slice %arg3[%dma_wait3A_322, %dma_wait3A_323] : memref<16384x160xbf16, #tpu.memory_space<hbm>> -> memref<128x160xbf16, #tpu.memory_space<hbm>>
          %dma_wait3A_325 = arith.constant 0 : i32
          %dma_wait3A_326 = arith.constant 0 : i32
          %dma_wait3A_327 = tpu.memref_slice %arg3[%dma_wait3A_325, %dma_wait3A_326] : memref<16384x160xbf16, #tpu.memory_space<hbm>> -> memref<128x160xbf16, #tpu.memory_space<hbm>>
          tpu.wait_dma2 semaphore(%arg27 : memref<!tpu.dma_semaphore, #tpu.memory_space<semaphore_mem>>) src(%dma_wait3A_327 : memref<128x160xbf16, #tpu.memory_space<hbm>>) dst(%arg22 : memref<128x160xbf16, #tpu.memory_space<vmem>>)
          %add3A_328 = arith.constant 1 : i32
          %add3A_329 = arith.addi %add3A_235, %add3A_328 : i32
          %mul3A_330 = arith.constant 128 : i32
          %mul3A_331 = arith.muli %add3A_329, %mul3A_330 : i32
          %dma_start3A_332 = tpu.memref_slice %arg15[%mul3A_331] : memref<4096xi32, #tpu.memory_space<vmem>> -> memref<128xi32, #tpu.memory_space<vmem>>
          %dma_start3A_333 = arith.constant 0 : i32
          %dma_start3A_334 = arith.constant 0 : i32
          %dma_start3A_335 = tpu.memref_slice %arg4[%dma_start3A_333, %dma_start3A_334] : memref<16384x160xbf16, #tpu.memory_space<hbm>> -> memref<16384x160xbf16, #tpu.memory_space<hbm>>
          tpu.enqueue_indirect_dma source(%dma_start3A_335 : memref<16384x160xbf16, #tpu.memory_space<hbm>>) target(%arg22 : memref<128x160xbf16, #tpu.memory_space<vmem>>) offsets(%dma_start3A_332 : memref<128xi32, #tpu.memory_space<vmem>>) semaphore(%arg31 : memref<!tpu.dma_semaphore, #tpu.memory_space<semaphore_mem>>) {add = true}
        } else {
        }
        %dma_wait3A_243 = arith.constant 0 : i32
        %dma_wait3A_244 = arith.constant 0 : i32
        %dma_wait3A_245 = tpu.memref_slice %arg3[%dma_wait3A_243, %dma_wait3A_244] : memref<16384x160xbf16, #tpu.memory_space<hbm>> -> memref<128x160xbf16, #tpu.memory_space<hbm>>
        %dma_wait3A_246 = arith.constant 0 : i32
        %dma_wait3A_247 = arith.constant 0 : i32
        %dma_wait3A_248 = tpu.memref_slice %arg3[%dma_wait3A_246, %dma_wait3A_247] : memref<16384x160xbf16, #tpu.memory_space<hbm>> -> memref<128x160xbf16, #tpu.memory_space<hbm>>
        tpu.wait_dma2 semaphore(%arg30 : memref<!tpu.dma_semaphore, #tpu.memory_space<semaphore_mem>>) src(%dma_wait3A_248 : memref<128x160xbf16, #tpu.memory_space<hbm>>) dst(%arg21 : memref<128x160xbf16, #tpu.memory_space<vmem>>)
        %scan3A_249 = arith.constant 0 : i32
        %scan3A_250 = arith.constant 64 : i32
        %scan3A_251 = arith.addi %scan3A_249, %scan3A_250 : i32
        %scan3A_252 = arith.constant 2 : i32
        %scan3A_253:4 = scf.for %scan3A_322 = %scan3A_249 to %scan3A_251 step %scan3A_252 iter_args(%scan3A_323 = %scan3A_223#0, %scan3A_324 = %scan3A_223#1, %scan3A_325 = %scan3A_223#2, %scan3A_326 = %scan3A_223#3) -> (vector<16xf32>, vector<16xf32>, vector<16xf32>, vector<16xf32>)  : i32 {
          %mul3A_327 = arith.constant 2 : i32
          %mul3A_328 = arith.muli %scan3A_322, %mul3A_327 : i32
          %add3A_329 = arith.constant 0 : i32
          %add3A_330 = arith.addi %mul3A_328, %add3A_329 : i32
          %get3A = arith.index_cast %add3A_330 : i32 to index
          %get3A_331 = arith.constant 0 : index
          %get3A_332 = tpu.vector_load %arg21[%get3A, %get3A_331] {strides = array<i32>} : memref<128x160xbf16, #tpu.memory_space<vmem>>, vector<32xbf16>,
          %add3A_333 = arith.constant 0 : i32
          %add3A_334 = arith.addi %mul3A_328, %add3A_333 : i32
          %get3A_335 = arith.index_cast %add3A_334 : i32 to index
          %get3A_336 = arith.constant 32 : index
          %get3A_337 = tpu.vector_load %arg21[%get3A_335, %get3A_336] {strides = array<i32>} : memref<128x160xbf16, #tpu.memory_space<vmem>>, vector<32xbf16>,
          %add3A_338 = arith.constant 0 : i32
          %add3A_339 = arith.addi %mul3A_328, %add3A_338 : i32
          %get3A_340 = arith.index_cast %add3A_339 : i32 to index
          %get3A_341 = arith.constant 64 : index
          %get3A_342 = tpu.vector_load %arg21[%get3A_340, %get3A_341] {strides = array<i32>} : memref<128x160xbf16, #tpu.memory_space<vmem>>, vector<32xbf16>,
          %add3A_343 = arith.constant 0 : i32
          %add3A_344 = arith.addi %mul3A_328, %add3A_343 : i32
          %get3A_345 = arith.index_cast %add3A_344 : i32 to index
          %get3A_346 = arith.constant 96 : index
          %get3A_347 = tpu.vector_load %arg21[%get3A_345, %get3A_346] {strides = array<i32>} : memref<128x160xbf16, #tpu.memory_space<vmem>>, vector<32xbf16>,
          %add3A_348 = arith.constant 0 : i32
          %add3A_349 = arith.addi %mul3A_328, %add3A_348 : i32
          %get3A_350 = arith.index_cast %add3A_349 : i32 to index
          %get3A_351 = arith.constant 128 : index
          %get3A_352 = tpu.vector_load %arg21[%get3A_350, %get3A_351] {strides = array<i32>} : memref<128x160xbf16, #tpu.memory_space<vmem>>, vector<32xbf16>,
          %add3A_353 = arith.constant 1 : i32
          %add3A_354 = arith.addi %mul3A_328, %add3A_353 : i32
          %get3A_355 = arith.index_cast %add3A_354 : i32 to index
          %get3A_356 = arith.constant 0 : index
          %get3A_357 = tpu.vector_load %arg21[%get3A_355, %get3A_356] {strides = array<i32>} : memref<128x160xbf16, #tpu.memory_space<vmem>>, vector<32xbf16>,
          %add3A_358 = arith.constant 1 : i32
          %add3A_359 = arith.addi %mul3A_328, %add3A_358 : i32
          %get3A_360 = arith.index_cast %add3A_359 : i32 to index
          %get3A_361 = arith.constant 32 : index
          %get3A_362 = tpu.vector_load %arg21[%get3A_360, %get3A_361] {strides = array<i32>} : memref<128x160xbf16, #tpu.memory_space<vmem>>, vector<32xbf16>,
          %add3A_363 = arith.constant 1 : i32
          %add3A_364 = arith.addi %mul3A_328, %add3A_363 : i32
          %get3A_365 = arith.index_cast %add3A_364 : i32 to index
          %get3A_366 = arith.constant 64 : index
          %get3A_367 = tpu.vector_load %arg21[%get3A_365, %get3A_366] {strides = array<i32>} : memref<128x160xbf16, #tpu.memory_space<vmem>>, vector<32xbf16>,
          %add3A_368 = arith.constant 1 : i32
          %add3A_369 = arith.addi %mul3A_328, %add3A_368 : i32
          %get3A_370 = arith.index_cast %add3A_369 : i32 to index
          %get3A_371 = arith.constant 96 : index
          %get3A_372 = tpu.vector_load %arg21[%get3A_370, %get3A_371] {strides = array<i32>} : memref<128x160xbf16, #tpu.memory_space<vmem>>, vector<32xbf16>,
          %add3A_373 = arith.constant 1 : i32
          %add3A_374 = arith.addi %mul3A_328, %add3A_373 : i32
          %get3A_375 = arith.index_cast %add3A_374 : i32 to index
          %get3A_376 = arith.constant 128 : index
          %get3A_377 = tpu.vector_load %arg21[%get3A_375, %get3A_376] {strides = array<i32>} : memref<128x160xbf16, #tpu.memory_space<vmem>>, vector<32xbf16>,
          %abs3A = math.absf %get3A_332 : vector<32xbf16>
          %abs3A_378 = math.absf %get3A_337 : vector<32xbf16>
          %abs3A_379 = math.absf %get3A_342 : vector<32xbf16>
          %abs3A_380 = math.absf %get3A_347 : vector<32xbf16>
          %abs3A_381 = math.absf %get3A_352 : vector<32xbf16>
          %abs3A_382 = math.absf %get3A_357 : vector<32xbf16>
          %abs3A_383 = math.absf %get3A_362 : vector<32xbf16>
          %abs3A_384 = math.absf %get3A_367 : vector<32xbf16>
          %abs3A_385 = math.absf %get3A_372 : vector<32xbf16>
          %abs3A_386 = math.absf %get3A_377 : vector<32xbf16>
          %add3A_387 = arith.addf %abs3A, %abs3A_378 : vector<32xbf16>
          %add3A_388 = arith.addf %abs3A_379, %abs3A_380 : vector<32xbf16>
          %add3A_389 = arith.addf %add3A_387, %add3A_388 : vector<32xbf16>
          %add3A_390 = arith.addf %add3A_389, %abs3A_381 : vector<32xbf16>
          %add3A_391 = arith.addf %abs3A_382, %abs3A_383 : vector<32xbf16>
          %add3A_392 = arith.addf %abs3A_384, %abs3A_385 : vector<32xbf16>
          %add3A_393 = arith.addf %add3A_391, %add3A_392 : vector<32xbf16>
          %add3A_394 = arith.addf %add3A_393, %abs3A_386 : vector<32xbf16>
          %unpack3A = tpu.unpack_subelements %add3A_390, 0 {pack_format = #tpu.pack_format<interleaved>} : vector<32xbf16> -> vector<16xf32>
          %unpack3A_395 = tpu.unpack_subelements %add3A_390, 1 {pack_format = #tpu.pack_format<interleaved>} : vector<32xbf16> -> vector<16xf32>
          %unpack3A_396 = tpu.unpack_subelements %add3A_394, 0 {pack_format = #tpu.pack_format<interleaved>} : vector<32xbf16> -> vector<16xf32>
          %unpack3A_397 = tpu.unpack_subelements %add3A_394, 1 {pack_format = #tpu.pack_format<interleaved>} : vector<32xbf16> -> vector<16xf32>
          %add3A_398 = arith.addf %scan3A_323, %unpack3A : vector<16xf32>
          %add3A_399 = arith.addf %scan3A_324, %unpack3A_395 : vector<16xf32>
          %add3A_400 = arith.addf %scan3A_325, %unpack3A_396 : vector<16xf32>
          %add3A_401 = arith.addf %scan3A_326, %unpack3A_397 : vector<16xf32>
          %scan3A_402 = arith.constant 1 : i32
          %scan3A_403 = arith.addi %scan3A_322, %scan3A_402 : i32
          %mul3A_404 = arith.constant 2 : i32
          %mul3A_405 = arith.muli %scan3A_403, %mul3A_404 : i32
          %add3A_406 = arith.constant 0 : i32
          %add3A_407 = arith.addi %mul3A_405, %add3A_406 : i32
          %get3A_408 = arith.index_cast %add3A_407 : i32 to index
          %get3A_409 = arith.constant 0 : index
          %get3A_410 = tpu.vector_load %arg21[%get3A_408, %get3A_409] {strides = array<i32>} : memref<128x160xbf16, #tpu.memory_space<vmem>>, vector<32xbf16>,
          %add3A_411 = arith.constant 0 : i32
          %add3A_412 = arith.addi %mul3A_405, %add3A_411 : i32
          %get3A_413 = arith.index_cast %add3A_412 : i32 to index
          %get3A_414 = arith.constant 32 : index
          %get3A_415 = tpu.vector_load %arg21[%get3A_413, %get3A_414] {strides = array<i32>} : memref<128x160xbf16, #tpu.memory_space<vmem>>, vector<32xbf16>,
          %add3A_416 = arith.constant 0 : i32
          %add3A_417 = arith.addi %mul3A_405, %add3A_416 : i32
          %get3A_418 = arith.index_cast %add3A_417 : i32 to index
          %get3A_419 = arith.constant 64 : index
          %get3A_420 = tpu.vector_load %arg21[%get3A_418, %get3A_419] {strides = array<i32>} : memref<128x160xbf16, #tpu.memory_space<vmem>>, vector<32xbf16>,
          %add3A_421 = arith.constant 0 : i32
          %add3A_422 = arith.addi %mul3A_405, %add3A_421 : i32
          %get3A_423 = arith.index_cast %add3A_422 : i32 to index
          %get3A_424 = arith.constant 96 : index
          %get3A_425 = tpu.vector_load %arg21[%get3A_423, %get3A_424] {strides = array<i32>} : memref<128x160xbf16, #tpu.memory_space<vmem>>, vector<32xbf16>,
          %add3A_426 = arith.constant 0 : i32
          %add3A_427 = arith.addi %mul3A_405, %add3A_426 : i32
          %get3A_428 = arith.index_cast %add3A_427 : i32 to index
          %get3A_429 = arith.constant 128 : index
          %get3A_430 = tpu.vector_load %arg21[%get3A_428, %get3A_429] {strides = array<i32>} : memref<128x160xbf16, #tpu.memory_space<vmem>>, vector<32xbf16>,
          %add3A_431 = arith.constant 1 : i32
          %add3A_432 = arith.addi %mul3A_405, %add3A_431 : i32
          %get3A_433 = arith.index_cast %add3A_432 : i32 to index
          %get3A_434 = arith.constant 0 : index
          %get3A_435 = tpu.vector_load %arg21[%get3A_433, %get3A_434] {strides = array<i32>} : memref<128x160xbf16, #tpu.memory_space<vmem>>, vector<32xbf16>,
          %add3A_436 = arith.constant 1 : i32
          %add3A_437 = arith.addi %mul3A_405, %add3A_436 : i32
          %get3A_438 = arith.index_cast %add3A_437 : i32 to index
          %get3A_439 = arith.constant 32 : index
          %get3A_440 = tpu.vector_load %arg21[%get3A_438, %get3A_439] {strides = array<i32>} : memref<128x160xbf16, #tpu.memory_space<vmem>>, vector<32xbf16>,
          %add3A_441 = arith.constant 1 : i32
          %add3A_442 = arith.addi %mul3A_405, %add3A_441 : i32
          %get3A_443 = arith.index_cast %add3A_442 : i32 to index
          %get3A_444 = arith.constant 64 : index
          %get3A_445 = tpu.vector_load %arg21[%get3A_443, %get3A_444] {strides = array<i32>} : memref<128x160xbf16, #tpu.memory_space<vmem>>, vector<32xbf16>,
          %add3A_446 = arith.constant 1 : i32
          %add3A_447 = arith.addi %mul3A_405, %add3A_446 : i32
          %get3A_448 = arith.index_cast %add3A_447 : i32 to index
          %get3A_449 = arith.constant 96 : index
          %get3A_450 = tpu.vector_load %arg21[%get3A_448, %get3A_449] {strides = array<i32>} : memref<128x160xbf16, #tpu.memory_space<vmem>>, vector<32xbf16>,
          %add3A_451 = arith.constant 1 : i32
          %add3A_452 = arith.addi %mul3A_405, %add3A_451 : i32
          %get3A_453 = arith.index_cast %add3A_452 : i32 to index
          %get3A_454 = arith.constant 128 : index
          %get3A_455 = tpu.vector_load %arg21[%get3A_453, %get3A_454] {strides = array<i32>} : memref<128x160xbf16, #tpu.memory_space<vmem>>, vector<32xbf16>,
          %abs3A_456 = math.absf %get3A_410 : vector<32xbf16>
          %abs3A_457 = math.absf %get3A_415 : vector<32xbf16>
          %abs3A_458 = math.absf %get3A_420 : vector<32xbf16>
          %abs3A_459 = math.absf %get3A_425 : vector<32xbf16>
          %abs3A_460 = math.absf %get3A_430 : vector<32xbf16>
          %abs3A_461 = math.absf %get3A_435 : vector<32xbf16>
          %abs3A_462 = math.absf %get3A_440 : vector<32xbf16>
          %abs3A_463 = math.absf %get3A_445 : vector<32xbf16>
          %abs3A_464 = math.absf %get3A_450 : vector<32xbf16>
          %abs3A_465 = math.absf %get3A_455 : vector<32xbf16>
          %add3A_466 = arith.addf %abs3A_456, %abs3A_457 : vector<32xbf16>
          %add3A_467 = arith.addf %abs3A_458, %abs3A_459 : vector<32xbf16>
          %add3A_468 = arith.addf %add3A_466, %add3A_467 : vector<32xbf16>
          %add3A_469 = arith.addf %add3A_468, %abs3A_460 : vector<32xbf16>
          %add3A_470 = arith.addf %abs3A_461, %abs3A_462 : vector<32xbf16>
          %add3A_471 = arith.addf %abs3A_463, %abs3A_464 : vector<32xbf16>
          %add3A_472 = arith.addf %add3A_470, %add3A_471 : vector<32xbf16>
          %add3A_473 = arith.addf %add3A_472, %abs3A_465 : vector<32xbf16>
          %unpack3A_474 = tpu.unpack_subelements %add3A_469, 0 {pack_format = #tpu.pack_format<interleaved>} : vector<32xbf16> -> vector<16xf32>
          %unpack3A_475 = tpu.unpack_subelements %add3A_469, 1 {pack_format = #tpu.pack_format<interleaved>} : vector<32xbf16> -> vector<16xf32>
          %unpack3A_476 = tpu.unpack_subelements %add3A_473, 0 {pack_format = #tpu.pack_format<interleaved>} : vector<32xbf16> -> vector<16xf32>
          %unpack3A_477 = tpu.unpack_subelements %add3A_473, 1 {pack_format = #tpu.pack_format<interleaved>} : vector<32xbf16> -> vector<16xf32>
          %add3A_478 = arith.addf %add3A_398, %unpack3A_474 : vector<16xf32>
          %add3A_479 = arith.addf %add3A_399, %unpack3A_475 : vector<16xf32>
          %add3A_480 = arith.addf %add3A_400, %unpack3A_476 : vector<16xf32>
          %add3A_481 = arith.addf %add3A_401, %unpack3A_477 : vector<16xf32>
          scf.yield %add3A_478, %add3A_479, %add3A_480, %add3A_481 : vector<16xf32>, vector<16xf32>, vector<16xf32>, vector<16xf32>
        }
        %scan3A_254 = arith.constant 64 : i32
        %add3A_255 = arith.constant 2 : i32
        %add3A_256 = arith.addi %add3A_235, %add3A_255 : i32
        %lt3A_257 = arith.constant 32 : i32
        %lt3A_258 = arith.cmpi slt, %add3A_256, %lt3A_257 : i32
        %convert_element_type3A_259 = arith.extui %lt3A_258 : i1 to i32
        %cond3A_260 = arith.constant 0 : i32
        %cond3A_261 = arith.cmpi ne, %convert_element_type3A_259, %cond3A_260 : i32
        scf.if %cond3A_261 {
          %add3A_322 = arith.constant 2 : i32
          %add3A_323 = arith.addi %add3A_235, %add3A_322 : i32
          %mul3A_324 = arith.constant 128 : i32
          %mul3A_325 = arith.muli %add3A_323, %mul3A_324 : i32
          %dma_start3A_326 = tpu.memref_slice %arg14[%mul3A_325] : memref<4096xi32, #tpu.memory_space<vmem>> -> memref<128xi32, #tpu.memory_space<vmem>>
          %dma_start3A_327 = arith.constant 0 : i32
          %dma_start3A_328 = arith.constant 0 : i32
          %dma_start3A_329 = tpu.memref_slice %arg3[%dma_start3A_327, %dma_start3A_328] : memref<16384x160xbf16, #tpu.memory_space<hbm>> -> memref<16384x160xbf16, #tpu.memory_space<hbm>>
          tpu.enqueue_indirect_dma source(%dma_start3A_329 : memref<16384x160xbf16, #tpu.memory_space<hbm>>) target(%arg23 : memref<128x160xbf16, #tpu.memory_space<vmem>>) offsets(%dma_start3A_326 : memref<128xi32, #tpu.memory_space<vmem>>) semaphore(%arg28 : memref<!tpu.dma_semaphore, #tpu.memory_space<semaphore_mem>>)
        } else {
        }
        %mul3A_262 = arith.constant 4 : i32
        %mul3A_263 = arith.muli %mul3A_262, %scan3A_200 : i32
        %add3A_264 = arith.constant 2 : i32
        %add3A_265 = arith.addi %mul3A_263, %add3A_264 : i32
        %add3A_266 = arith.constant 1 : i32
        %add3A_267 = arith.addi %add3A_265, %add3A_266 : i32
        %lt3A_268 = arith.constant 32 : i32
        %lt3A_269 = arith.cmpi slt, %add3A_267, %lt3A_268 : i32
        %convert_element_type3A_270 = arith.extui %lt3A_269 : i1 to i32
        %cond3A_271 = arith.constant 0 : i32
        %cond3A_272 = arith.cmpi ne, %convert_element_type3A_270, %cond3A_271 : i32
        scf.if %cond3A_272 {
          %dma_wait3A_322 = arith.constant 0 : i32
          %dma_wait3A_323 = arith.constant 0 : i32
          %dma_wait3A_324 = tpu.memref_slice %arg3[%dma_wait3A_322, %dma_wait3A_323] : memref<16384x160xbf16, #tpu.memory_space<hbm>> -> memref<128x160xbf16, #tpu.memory_space<hbm>>
          %dma_wait3A_325 = arith.constant 0 : i32
          %dma_wait3A_326 = arith.constant 0 : i32
          %dma_wait3A_327 = tpu.memref_slice %arg3[%dma_wait3A_325, %dma_wait3A_326] : memref<16384x160xbf16, #tpu.memory_space<hbm>> -> memref<128x160xbf16, #tpu.memory_space<hbm>>
          tpu.wait_dma2 semaphore(%arg28 : memref<!tpu.dma_semaphore, #tpu.memory_space<semaphore_mem>>) src(%dma_wait3A_327 : memref<128x160xbf16, #tpu.memory_space<hbm>>) dst(%arg23 : memref<128x160xbf16, #tpu.memory_space<vmem>>)
          %add3A_328 = arith.constant 1 : i32
          %add3A_329 = arith.addi %add3A_265, %add3A_328 : i32
          %mul3A_330 = arith.constant 128 : i32
          %mul3A_331 = arith.muli %add3A_329, %mul3A_330 : i32
          %dma_start3A_332 = tpu.memref_slice %arg15[%mul3A_331] : memref<4096xi32, #tpu.memory_space<vmem>> -> memref<128xi32, #tpu.memory_space<vmem>>
          %dma_start3A_333 = arith.constant 0 : i32
          %dma_start3A_334 = arith.constant 0 : i32
          %dma_start3A_335 = tpu.memref_slice %arg4[%dma_start3A_333, %dma_start3A_334] : memref<16384x160xbf16, #tpu.memory_space<hbm>> -> memref<16384x160xbf16, #tpu.memory_space<hbm>>
          tpu.enqueue_indirect_dma source(%dma_start3A_335 : memref<16384x160xbf16, #tpu.memory_space<hbm>>) target(%arg23 : memref<128x160xbf16, #tpu.memory_space<vmem>>) offsets(%dma_start3A_332 : memref<128xi32, #tpu.memory_space<vmem>>) semaphore(%arg32 : memref<!tpu.dma_semaphore, #tpu.memory_space<semaphore_mem>>) {add = true}
        } else {
        }
        %dma_wait3A_273 = arith.constant 0 : i32
        %dma_wait3A_274 = arith.constant 0 : i32
        %dma_wait3A_275 = tpu.memref_slice %arg3[%dma_wait3A_273, %dma_wait3A_274] : memref<16384x160xbf16, #tpu.memory_space<hbm>> -> memref<128x160xbf16, #tpu.memory_space<hbm>>
        %dma_wait3A_276 = arith.constant 0 : i32
        %dma_wait3A_277 = arith.constant 0 : i32
        %dma_wait3A_278 = tpu.memref_slice %arg3[%dma_wait3A_276, %dma_wait3A_277] : memref<16384x160xbf16, #tpu.memory_space<hbm>> -> memref<128x160xbf16, #tpu.memory_space<hbm>>
        tpu.wait_dma2 semaphore(%arg31 : memref<!tpu.dma_semaphore, #tpu.memory_space<semaphore_mem>>) src(%dma_wait3A_278 : memref<128x160xbf16, #tpu.memory_space<hbm>>) dst(%arg22 : memref<128x160xbf16, #tpu.memory_space<vmem>>)
        %scan3A_279 = arith.constant 0 : i32
        %scan3A_280 = arith.constant 64 : i32
        %scan3A_281 = arith.addi %scan3A_279, %scan3A_280 : i32
        %scan3A_282 = arith.constant 2 : i32
        %scan3A_283:4 = scf.for %scan3A_322 = %scan3A_279 to %scan3A_281 step %scan3A_282 iter_args(%scan3A_323 = %scan3A_253#0, %scan3A_324 = %scan3A_253#1, %scan3A_325 = %scan3A_253#2, %scan3A_326 = %scan3A_253#3) -> (vector<16xf32>, vector<16xf32>, vector<16xf32>, vector<16xf32>)  : i32 {
          %mul3A_327 = arith.constant 2 : i32
          %mul3A_328 = arith.muli %scan3A_322, %mul3A_327 : i32
          %add3A_329 = arith.constant 0 : i32
          %add3A_330 = arith.addi %mul3A_328, %add3A_329 : i32
          %get3A = arith.index_cast %add3A_330 : i32 to index
          %get3A_331 = arith.constant 0 : index
          %get3A_332 = tpu.vector_load %arg22[%get3A, %get3A_331] {strides = array<i32>} : memref<128x160xbf16, #tpu.memory_space<vmem>>, vector<32xbf16>,
          %add3A_333 = arith.constant 0 : i32
          %add3A_334 = arith.addi %mul3A_328, %add3A_333 : i32
          %get3A_335 = arith.index_cast %add3A_334 : i32 to index
          %get3A_336 = arith.constant 32 : index
          %get3A_337 = tpu.vector_load %arg22[%get3A_335, %get3A_336] {strides = array<i32>} : memref<128x160xbf16, #tpu.memory_space<vmem>>, vector<32xbf16>,
          %add3A_338 = arith.constant 0 : i32
          %add3A_339 = arith.addi %mul3A_328, %add3A_338 : i32
          %get3A_340 = arith.index_cast %add3A_339 : i32 to index
          %get3A_341 = arith.constant 64 : index
          %get3A_342 = tpu.vector_load %arg22[%get3A_340, %get3A_341] {strides = array<i32>} : memref<128x160xbf16, #tpu.memory_space<vmem>>, vector<32xbf16>,
          %add3A_343 = arith.constant 0 : i32
          %add3A_344 = arith.addi %mul3A_328, %add3A_343 : i32
          %get3A_345 = arith.index_cast %add3A_344 : i32 to index
          %get3A_346 = arith.constant 96 : index
          %get3A_347 = tpu.vector_load %arg22[%get3A_345, %get3A_346] {strides = array<i32>} : memref<128x160xbf16, #tpu.memory_space<vmem>>, vector<32xbf16>,
          %add3A_348 = arith.constant 0 : i32
          %add3A_349 = arith.addi %mul3A_328, %add3A_348 : i32
          %get3A_350 = arith.index_cast %add3A_349 : i32 to index
          %get3A_351 = arith.constant 128 : index
          %get3A_352 = tpu.vector_load %arg22[%get3A_350, %get3A_351] {strides = array<i32>} : memref<128x160xbf16, #tpu.memory_space<vmem>>, vector<32xbf16>,
          %add3A_353 = arith.constant 1 : i32
          %add3A_354 = arith.addi %mul3A_328, %add3A_353 : i32
          %get3A_355 = arith.index_cast %add3A_354 : i32 to index
          %get3A_356 = arith.constant 0 : index
          %get3A_357 = tpu.vector_load %arg22[%get3A_355, %get3A_356] {strides = array<i32>} : memref<128x160xbf16, #tpu.memory_space<vmem>>, vector<32xbf16>,
          %add3A_358 = arith.constant 1 : i32
          %add3A_359 = arith.addi %mul3A_328, %add3A_358 : i32
          %get3A_360 = arith.index_cast %add3A_359 : i32 to index
          %get3A_361 = arith.constant 32 : index
          %get3A_362 = tpu.vector_load %arg22[%get3A_360, %get3A_361] {strides = array<i32>} : memref<128x160xbf16, #tpu.memory_space<vmem>>, vector<32xbf16>,
          %add3A_363 = arith.constant 1 : i32
          %add3A_364 = arith.addi %mul3A_328, %add3A_363 : i32
          %get3A_365 = arith.index_cast %add3A_364 : i32 to index
          %get3A_366 = arith.constant 64 : index
          %get3A_367 = tpu.vector_load %arg22[%get3A_365, %get3A_366] {strides = array<i32>} : memref<128x160xbf16, #tpu.memory_space<vmem>>, vector<32xbf16>,
          %add3A_368 = arith.constant 1 : i32
          %add3A_369 = arith.addi %mul3A_328, %add3A_368 : i32
          %get3A_370 = arith.index_cast %add3A_369 : i32 to index
          %get3A_371 = arith.constant 96 : index
          %get3A_372 = tpu.vector_load %arg22[%get3A_370, %get3A_371] {strides = array<i32>} : memref<128x160xbf16, #tpu.memory_space<vmem>>, vector<32xbf16>,
          %add3A_373 = arith.constant 1 : i32
          %add3A_374 = arith.addi %mul3A_328, %add3A_373 : i32
          %get3A_375 = arith.index_cast %add3A_374 : i32 to index
          %get3A_376 = arith.constant 128 : index
          %get3A_377 = tpu.vector_load %arg22[%get3A_375, %get3A_376] {strides = array<i32>} : memref<128x160xbf16, #tpu.memory_space<vmem>>, vector<32xbf16>,
          %abs3A = math.absf %get3A_332 : vector<32xbf16>
          %abs3A_378 = math.absf %get3A_337 : vector<32xbf16>
          %abs3A_379 = math.absf %get3A_342 : vector<32xbf16>
          %abs3A_380 = math.absf %get3A_347 : vector<32xbf16>
          %abs3A_381 = math.absf %get3A_352 : vector<32xbf16>
          %abs3A_382 = math.absf %get3A_357 : vector<32xbf16>
          %abs3A_383 = math.absf %get3A_362 : vector<32xbf16>
          %abs3A_384 = math.absf %get3A_367 : vector<32xbf16>
          %abs3A_385 = math.absf %get3A_372 : vector<32xbf16>
          %abs3A_386 = math.absf %get3A_377 : vector<32xbf16>
          %add3A_387 = arith.addf %abs3A, %abs3A_378 : vector<32xbf16>
          %add3A_388 = arith.addf %abs3A_379, %abs3A_380 : vector<32xbf16>
          %add3A_389 = arith.addf %add3A_387, %add3A_388 : vector<32xbf16>
          %add3A_390 = arith.addf %add3A_389, %abs3A_381 : vector<32xbf16>
          %add3A_391 = arith.addf %abs3A_382, %abs3A_383 : vector<32xbf16>
          %add3A_392 = arith.addf %abs3A_384, %abs3A_385 : vector<32xbf16>
          %add3A_393 = arith.addf %add3A_391, %add3A_392 : vector<32xbf16>
          %add3A_394 = arith.addf %add3A_393, %abs3A_386 : vector<32xbf16>
          %unpack3A = tpu.unpack_subelements %add3A_390, 0 {pack_format = #tpu.pack_format<interleaved>} : vector<32xbf16> -> vector<16xf32>
          %unpack3A_395 = tpu.unpack_subelements %add3A_390, 1 {pack_format = #tpu.pack_format<interleaved>} : vector<32xbf16> -> vector<16xf32>
          %unpack3A_396 = tpu.unpack_subelements %add3A_394, 0 {pack_format = #tpu.pack_format<interleaved>} : vector<32xbf16> -> vector<16xf32>
          %unpack3A_397 = tpu.unpack_subelements %add3A_394, 1 {pack_format = #tpu.pack_format<interleaved>} : vector<32xbf16> -> vector<16xf32>
          %add3A_398 = arith.addf %scan3A_323, %unpack3A : vector<16xf32>
          %add3A_399 = arith.addf %scan3A_324, %unpack3A_395 : vector<16xf32>
          %add3A_400 = arith.addf %scan3A_325, %unpack3A_396 : vector<16xf32>
          %add3A_401 = arith.addf %scan3A_326, %unpack3A_397 : vector<16xf32>
          %scan3A_402 = arith.constant 1 : i32
          %scan3A_403 = arith.addi %scan3A_322, %scan3A_402 : i32
          %mul3A_404 = arith.constant 2 : i32
          %mul3A_405 = arith.muli %scan3A_403, %mul3A_404 : i32
          %add3A_406 = arith.constant 0 : i32
          %add3A_407 = arith.addi %mul3A_405, %add3A_406 : i32
          %get3A_408 = arith.index_cast %add3A_407 : i32 to index
          %get3A_409 = arith.constant 0 : index
          %get3A_410 = tpu.vector_load %arg22[%get3A_408, %get3A_409] {strides = array<i32>} : memref<128x160xbf16, #tpu.memory_space<vmem>>, vector<32xbf16>,
          %add3A_411 = arith.constant 0 : i32
          %add3A_412 = arith.addi %mul3A_405, %add3A_411 : i32
          %get3A_413 = arith.index_cast %add3A_412 : i32 to index
          %get3A_414 = arith.constant 32 : index
          %get3A_415 = tpu.vector_load %arg22[%get3A_413, %get3A_414] {strides = array<i32>} : memref<128x160xbf16, #tpu.memory_space<vmem>>, vector<32xbf16>,
          %add3A_416 = arith.constant 0 : i32
          %add3A_417 = arith.addi %mul3A_405, %add3A_416 : i32
          %get3A_418 = arith.index_cast %add3A_417 : i32 to index
          %get3A_419 = arith.constant 64 : index
          %get3A_420 = tpu.vector_load %arg22[%get3A_418, %get3A_419] {strides = array<i32>} : memref<128x160xbf16, #tpu.memory_space<vmem>>, vector<32xbf16>,
          %add3A_421 = arith.constant 0 : i32
          %add3A_422 = arith.addi %mul3A_405, %add3A_421 : i32
          %get3A_423 = arith.index_cast %add3A_422 : i32 to index
          %get3A_424 = arith.constant 96 : index
          %get3A_425 = tpu.vector_load %arg22[%get3A_423, %get3A_424] {strides = array<i32>} : memref<128x160xbf16, #tpu.memory_space<vmem>>, vector<32xbf16>,
          %add3A_426 = arith.constant 0 : i32
          %add3A_427 = arith.addi %mul3A_405, %add3A_426 : i32
          %get3A_428 = arith.index_cast %add3A_427 : i32 to index
          %get3A_429 = arith.constant 128 : index
          %get3A_430 = tpu.vector_load %arg22[%get3A_428, %get3A_429] {strides = array<i32>} : memref<128x160xbf16, #tpu.memory_space<vmem>>, vector<32xbf16>,
          %add3A_431 = arith.constant 1 : i32
          %add3A_432 = arith.addi %mul3A_405, %add3A_431 : i32
          %get3A_433 = arith.index_cast %add3A_432 : i32 to index
          %get3A_434 = arith.constant 0 : index
          %get3A_435 = tpu.vector_load %arg22[%get3A_433, %get3A_434] {strides = array<i32>} : memref<128x160xbf16, #tpu.memory_space<vmem>>, vector<32xbf16>,
          %add3A_436 = arith.constant 1 : i32
          %add3A_437 = arith.addi %mul3A_405, %add3A_436 : i32
          %get3A_438 = arith.index_cast %add3A_437 : i32 to index
          %get3A_439 = arith.constant 32 : index
          %get3A_440 = tpu.vector_load %arg22[%get3A_438, %get3A_439] {strides = array<i32>} : memref<128x160xbf16, #tpu.memory_space<vmem>>, vector<32xbf16>,
          %add3A_441 = arith.constant 1 : i32
          %add3A_442 = arith.addi %mul3A_405, %add3A_441 : i32
          %get3A_443 = arith.index_cast %add3A_442 : i32 to index
          %get3A_444 = arith.constant 64 : index
          %get3A_445 = tpu.vector_load %arg22[%get3A_443, %get3A_444] {strides = array<i32>} : memref<128x160xbf16, #tpu.memory_space<vmem>>, vector<32xbf16>,
          %add3A_446 = arith.constant 1 : i32
          %add3A_447 = arith.addi %mul3A_405, %add3A_446 : i32
          %get3A_448 = arith.index_cast %add3A_447 : i32 to index
          %get3A_449 = arith.constant 96 : index
          %get3A_450 = tpu.vector_load %arg22[%get3A_448, %get3A_449] {strides = array<i32>} : memref<128x160xbf16, #tpu.memory_space<vmem>>, vector<32xbf16>,
          %add3A_451 = arith.constant 1 : i32
          %add3A_452 = arith.addi %mul3A_405, %add3A_451 : i32
          %get3A_453 = arith.index_cast %add3A_452 : i32 to index
          %get3A_454 = arith.constant 128 : index
          %get3A_455 = tpu.vector_load %arg22[%get3A_453, %get3A_454] {strides = array<i32>} : memref<128x160xbf16, #tpu.memory_space<vmem>>, vector<32xbf16>,
          %abs3A_456 = math.absf %get3A_410 : vector<32xbf16>
          %abs3A_457 = math.absf %get3A_415 : vector<32xbf16>
          %abs3A_458 = math.absf %get3A_420 : vector<32xbf16>
          %abs3A_459 = math.absf %get3A_425 : vector<32xbf16>
          %abs3A_460 = math.absf %get3A_430 : vector<32xbf16>
          %abs3A_461 = math.absf %get3A_435 : vector<32xbf16>
          %abs3A_462 = math.absf %get3A_440 : vector<32xbf16>
          %abs3A_463 = math.absf %get3A_445 : vector<32xbf16>
          %abs3A_464 = math.absf %get3A_450 : vector<32xbf16>
          %abs3A_465 = math.absf %get3A_455 : vector<32xbf16>
          %add3A_466 = arith.addf %abs3A_456, %abs3A_457 : vector<32xbf16>
          %add3A_467 = arith.addf %abs3A_458, %abs3A_459 : vector<32xbf16>
          %add3A_468 = arith.addf %add3A_466, %add3A_467 : vector<32xbf16>
          %add3A_469 = arith.addf %add3A_468, %abs3A_460 : vector<32xbf16>
          %add3A_470 = arith.addf %abs3A_461, %abs3A_462 : vector<32xbf16>
          %add3A_471 = arith.addf %abs3A_463, %abs3A_464 : vector<32xbf16>
          %add3A_472 = arith.addf %add3A_470, %add3A_471 : vector<32xbf16>
          %add3A_473 = arith.addf %add3A_472, %abs3A_465 : vector<32xbf16>
          %unpack3A_474 = tpu.unpack_subelements %add3A_469, 0 {pack_format = #tpu.pack_format<interleaved>} : vector<32xbf16> -> vector<16xf32>
          %unpack3A_475 = tpu.unpack_subelements %add3A_469, 1 {pack_format = #tpu.pack_format<interleaved>} : vector<32xbf16> -> vector<16xf32>
          %unpack3A_476 = tpu.unpack_subelements %add3A_473, 0 {pack_format = #tpu.pack_format<interleaved>} : vector<32xbf16> -> vector<16xf32>
          %unpack3A_477 = tpu.unpack_subelements %add3A_473, 1 {pack_format = #tpu.pack_format<interleaved>} : vector<32xbf16> -> vector<16xf32>
          %add3A_478 = arith.addf %add3A_398, %unpack3A_474 : vector<16xf32>
          %add3A_479 = arith.addf %add3A_399, %unpack3A_475 : vector<16xf32>
          %add3A_480 = arith.addf %add3A_400, %unpack3A_476 : vector<16xf32>
          %add3A_481 = arith.addf %add3A_401, %unpack3A_477 : vector<16xf32>
          scf.yield %add3A_478, %add3A_479, %add3A_480, %add3A_481 : vector<16xf32>, vector<16xf32>, vector<16xf32>, vector<16xf32>
        }
        %scan3A_284 = arith.constant 64 : i32
        %add3A_285 = arith.constant 2 : i32
        %add3A_286 = arith.addi %add3A_265, %add3A_285 : i32
        %lt3A_287 = arith.constant 32 : i32
        %lt3A_288 = arith.cmpi slt, %add3A_286, %lt3A_287 : i32
        %convert_element_type3A_289 = arith.extui %lt3A_288 : i1 to i32
        %cond3A_290 = arith.constant 0 : i32
        %cond3A_291 = arith.cmpi ne, %convert_element_type3A_289, %cond3A_290 : i32
        scf.if %cond3A_291 {
          %add3A_322 = arith.constant 2 : i32
          %add3A_323 = arith.addi %add3A_265, %add3A_322 : i32
          %mul3A_324 = arith.constant 128 : i32
          %mul3A_325 = arith.muli %add3A_323, %mul3A_324 : i32
          %dma_start3A_326 = tpu.memref_slice %arg14[%mul3A_325] : memref<4096xi32, #tpu.memory_space<vmem>> -> memref<128xi32, #tpu.memory_space<vmem>>
          %dma_start3A_327 = arith.constant 0 : i32
          %dma_start3A_328 = arith.constant 0 : i32
          %dma_start3A_329 = tpu.memref_slice %arg3[%dma_start3A_327, %dma_start3A_328] : memref<16384x160xbf16, #tpu.memory_space<hbm>> -> memref<16384x160xbf16, #tpu.memory_space<hbm>>
          tpu.enqueue_indirect_dma source(%dma_start3A_329 : memref<16384x160xbf16, #tpu.memory_space<hbm>>) target(%arg20 : memref<128x160xbf16, #tpu.memory_space<vmem>>) offsets(%dma_start3A_326 : memref<128xi32, #tpu.memory_space<vmem>>) semaphore(%arg25 : memref<!tpu.dma_semaphore, #tpu.memory_space<semaphore_mem>>)
        } else {
        }
        %mul3A_292 = arith.constant 4 : i32
        %mul3A_293 = arith.muli %mul3A_292, %scan3A_200 : i32
        %add3A_294 = arith.constant 3 : i32
        %add3A_295 = arith.addi %mul3A_293, %add3A_294 : i32
        %add3A_296 = arith.constant 1 : i32
        %add3A_297 = arith.addi %add3A_295, %add3A_296 : i32
        %lt3A_298 = arith.constant 32 : i32
        %lt3A_299 = arith.cmpi slt, %add3A_297, %lt3A_298 : i32
        %convert_element_type3A_300 = arith.extui %lt3A_299 : i1 to i32
        %cond3A_301 = arith.constant 0 : i32
        %cond3A_302 = arith.cmpi ne, %convert_element_type3A_300, %cond3A_301 : i32
        scf.if %cond3A_302 {
          %dma_wait3A_322 = arith.constant 0 : i32
          %dma_wait3A_323 = arith.constant 0 : i32
          %dma_wait3A_324 = tpu.memref_slice %arg3[%dma_wait3A_322, %dma_wait3A_323] : memref<16384x160xbf16, #tpu.memory_space<hbm>> -> memref<128x160xbf16, #tpu.memory_space<hbm>>
          %dma_wait3A_325 = arith.constant 0 : i32
          %dma_wait3A_326 = arith.constant 0 : i32
          %dma_wait3A_327 = tpu.memref_slice %arg3[%dma_wait3A_325, %dma_wait3A_326] : memref<16384x160xbf16, #tpu.memory_space<hbm>> -> memref<128x160xbf16, #tpu.memory_space<hbm>>
          tpu.wait_dma2 semaphore(%arg25 : memref<!tpu.dma_semaphore, #tpu.memory_space<semaphore_mem>>) src(%dma_wait3A_327 : memref<128x160xbf16, #tpu.memory_space<hbm>>) dst(%arg20 : memref<128x160xbf16, #tpu.memory_space<vmem>>)
          %add3A_328 = arith.constant 1 : i32
          %add3A_329 = arith.addi %add3A_295, %add3A_328 : i32
          %mul3A_330 = arith.constant 128 : i32
          %mul3A_331 = arith.muli %add3A_329, %mul3A_330 : i32
          %dma_start3A_332 = tpu.memref_slice %arg15[%mul3A_331] : memref<4096xi32, #tpu.memory_space<vmem>> -> memref<128xi32, #tpu.memory_space<vmem>>
          %dma_start3A_333 = arith.constant 0 : i32
          %dma_start3A_334 = arith.constant 0 : i32
          %dma_start3A_335 = tpu.memref_slice %arg4[%dma_start3A_333, %dma_start3A_334] : memref<16384x160xbf16, #tpu.memory_space<hbm>> -> memref<16384x160xbf16, #tpu.memory_space<hbm>>
          tpu.enqueue_indirect_dma source(%dma_start3A_335 : memref<16384x160xbf16, #tpu.memory_space<hbm>>) target(%arg20 : memref<128x160xbf16, #tpu.memory_space<vmem>>) offsets(%dma_start3A_332 : memref<128xi32, #tpu.memory_space<vmem>>) semaphore(%arg29 : memref<!tpu.dma_semaphore, #tpu.memory_space<semaphore_mem>>) {add = true}
        } else {
        }
        %dma_wait3A_303 = arith.constant 0 : i32
        %dma_wait3A_304 = arith.constant 0 : i32
        %dma_wait3A_305 = tpu.memref_slice %arg3[%dma_wait3A_303, %dma_wait3A_304] : memref<16384x160xbf16, #tpu.memory_space<hbm>> -> memref<128x160xbf16, #tpu.memory_space<hbm>>
        %dma_wait3A_306 = arith.constant 0 : i32
        %dma_wait3A_307 = arith.constant 0 : i32
        %dma_wait3A_308 = tpu.memref_slice %arg3[%dma_wait3A_306, %dma_wait3A_307] : memref<16384x160xbf16, #tpu.memory_space<hbm>> -> memref<128x160xbf16, #tpu.memory_space<hbm>>
        tpu.wait_dma2 semaphore(%arg32 : memref<!tpu.dma_semaphore, #tpu.memory_space<semaphore_mem>>) src(%dma_wait3A_308 : memref<128x160xbf16, #tpu.memory_space<hbm>>) dst(%arg23 : memref<128x160xbf16, #tpu.memory_space<vmem>>)
        %scan3A_309 = arith.constant 0 : i32
        %scan3A_310 = arith.constant 64 : i32
        %scan3A_311 = arith.addi %scan3A_309, %scan3A_310 : i32
        %scan3A_312 = arith.constant 2 : i32
        %scan3A_313:4 = scf.for %scan3A_322 = %scan3A_309 to %scan3A_311 step %scan3A_312 iter_args(%scan3A_323 = %scan3A_283#0, %scan3A_324 = %scan3A_283#1, %scan3A_325 = %scan3A_283#2, %scan3A_326 = %scan3A_283#3) -> (vector<16xf32>, vector<16xf32>, vector<16xf32>, vector<16xf32>)  : i32 {
          %mul3A_327 = arith.constant 2 : i32
          %mul3A_328 = arith.muli %scan3A_322, %mul3A_327 : i32
          %add3A_329 = arith.constant 0 : i32
          %add3A_330 = arith.addi %mul3A_328, %add3A_329 : i32
          %get3A = arith.index_cast %add3A_330 : i32 to index
          %get3A_331 = arith.constant 0 : index
          %get3A_332 = tpu.vector_load %arg23[%get3A, %get3A_331] {strides = array<i32>} : memref<128x160xbf16, #tpu.memory_space<vmem>>, vector<32xbf16>,
          %add3A_333 = arith.constant 0 : i32
          %add3A_334 = arith.addi %mul3A_328, %add3A_333 : i32
          %get3A_335 = arith.index_cast %add3A_334 : i32 to index
          %get3A_336 = arith.constant 32 : index
          %get3A_337 = tpu.vector_load %arg23[%get3A_335, %get3A_336] {strides = array<i32>} : memref<128x160xbf16, #tpu.memory_space<vmem>>, vector<32xbf16>,
          %add3A_338 = arith.constant 0 : i32
          %add3A_339 = arith.addi %mul3A_328, %add3A_338 : i32
          %get3A_340 = arith.index_cast %add3A_339 : i32 to index
          %get3A_341 = arith.constant 64 : index
          %get3A_342 = tpu.vector_load %arg23[%get3A_340, %get3A_341] {strides = array<i32>} : memref<128x160xbf16, #tpu.memory_space<vmem>>, vector<32xbf16>,
          %add3A_343 = arith.constant 0 : i32
          %add3A_344 = arith.addi %mul3A_328, %add3A_343 : i32
          %get3A_345 = arith.index_cast %add3A_344 : i32 to index
          %get3A_346 = arith.constant 96 : index
          %get3A_347 = tpu.vector_load %arg23[%get3A_345, %get3A_346] {strides = array<i32>} : memref<128x160xbf16, #tpu.memory_space<vmem>>, vector<32xbf16>,
          %add3A_348 = arith.constant 0 : i32
          %add3A_349 = arith.addi %mul3A_328, %add3A_348 : i32
          %get3A_350 = arith.index_cast %add3A_349 : i32 to index
          %get3A_351 = arith.constant 128 : index
          %get3A_352 = tpu.vector_load %arg23[%get3A_350, %get3A_351] {strides = array<i32>} : memref<128x160xbf16, #tpu.memory_space<vmem>>, vector<32xbf16>,
          %add3A_353 = arith.constant 1 : i32
          %add3A_354 = arith.addi %mul3A_328, %add3A_353 : i32
          %get3A_355 = arith.index_cast %add3A_354 : i32 to index
          %get3A_356 = arith.constant 0 : index
          %get3A_357 = tpu.vector_load %arg23[%get3A_355, %get3A_356] {strides = array<i32>} : memref<128x160xbf16, #tpu.memory_space<vmem>>, vector<32xbf16>,
          %add3A_358 = arith.constant 1 : i32
          %add3A_359 = arith.addi %mul3A_328, %add3A_358 : i32
          %get3A_360 = arith.index_cast %add3A_359 : i32 to index
          %get3A_361 = arith.constant 32 : index
          %get3A_362 = tpu.vector_load %arg23[%get3A_360, %get3A_361] {strides = array<i32>} : memref<128x160xbf16, #tpu.memory_space<vmem>>, vector<32xbf16>,
          %add3A_363 = arith.constant 1 : i32
          %add3A_364 = arith.addi %mul3A_328, %add3A_363 : i32
          %get3A_365 = arith.index_cast %add3A_364 : i32 to index
          %get3A_366 = arith.constant 64 : index
          %get3A_367 = tpu.vector_load %arg23[%get3A_365, %get3A_366] {strides = array<i32>} : memref<128x160xbf16, #tpu.memory_space<vmem>>, vector<32xbf16>,
          %add3A_368 = arith.constant 1 : i32
          %add3A_369 = arith.addi %mul3A_328, %add3A_368 : i32
          %get3A_370 = arith.index_cast %add3A_369 : i32 to index
          %get3A_371 = arith.constant 96 : index
          %get3A_372 = tpu.vector_load %arg23[%get3A_370, %get3A_371] {strides = array<i32>} : memref<128x160xbf16, #tpu.memory_space<vmem>>, vector<32xbf16>,
          %add3A_373 = arith.constant 1 : i32
          %add3A_374 = arith.addi %mul3A_328, %add3A_373 : i32
          %get3A_375 = arith.index_cast %add3A_374 : i32 to index
          %get3A_376 = arith.constant 128 : index
          %get3A_377 = tpu.vector_load %arg23[%get3A_375, %get3A_376] {strides = array<i32>} : memref<128x160xbf16, #tpu.memory_space<vmem>>, vector<32xbf16>,
          %abs3A = math.absf %get3A_332 : vector<32xbf16>
          %abs3A_378 = math.absf %get3A_337 : vector<32xbf16>
          %abs3A_379 = math.absf %get3A_342 : vector<32xbf16>
          %abs3A_380 = math.absf %get3A_347 : vector<32xbf16>
          %abs3A_381 = math.absf %get3A_352 : vector<32xbf16>
          %abs3A_382 = math.absf %get3A_357 : vector<32xbf16>
          %abs3A_383 = math.absf %get3A_362 : vector<32xbf16>
          %abs3A_384 = math.absf %get3A_367 : vector<32xbf16>
          %abs3A_385 = math.absf %get3A_372 : vector<32xbf16>
          %abs3A_386 = math.absf %get3A_377 : vector<32xbf16>
          %add3A_387 = arith.addf %abs3A, %abs3A_378 : vector<32xbf16>
          %add3A_388 = arith.addf %abs3A_379, %abs3A_380 : vector<32xbf16>
          %add3A_389 = arith.addf %add3A_387, %add3A_388 : vector<32xbf16>
          %add3A_390 = arith.addf %add3A_389, %abs3A_381 : vector<32xbf16>
          %add3A_391 = arith.addf %abs3A_382, %abs3A_383 : vector<32xbf16>
          %add3A_392 = arith.addf %abs3A_384, %abs3A_385 : vector<32xbf16>
          %add3A_393 = arith.addf %add3A_391, %add3A_392 : vector<32xbf16>
          %add3A_394 = arith.addf %add3A_393, %abs3A_386 : vector<32xbf16>
          %unpack3A = tpu.unpack_subelements %add3A_390, 0 {pack_format = #tpu.pack_format<interleaved>} : vector<32xbf16> -> vector<16xf32>
          %unpack3A_395 = tpu.unpack_subelements %add3A_390, 1 {pack_format = #tpu.pack_format<interleaved>} : vector<32xbf16> -> vector<16xf32>
          %unpack3A_396 = tpu.unpack_subelements %add3A_394, 0 {pack_format = #tpu.pack_format<interleaved>} : vector<32xbf16> -> vector<16xf32>
          %unpack3A_397 = tpu.unpack_subelements %add3A_394, 1 {pack_format = #tpu.pack_format<interleaved>} : vector<32xbf16> -> vector<16xf32>
          %add3A_398 = arith.addf %scan3A_323, %unpack3A : vector<16xf32>
          %add3A_399 = arith.addf %scan3A_324, %unpack3A_395 : vector<16xf32>
          %add3A_400 = arith.addf %scan3A_325, %unpack3A_396 : vector<16xf32>
          %add3A_401 = arith.addf %scan3A_326, %unpack3A_397 : vector<16xf32>
          %scan3A_402 = arith.constant 1 : i32
          %scan3A_403 = arith.addi %scan3A_322, %scan3A_402 : i32
          %mul3A_404 = arith.constant 2 : i32
          %mul3A_405 = arith.muli %scan3A_403, %mul3A_404 : i32
          %add3A_406 = arith.constant 0 : i32
          %add3A_407 = arith.addi %mul3A_405, %add3A_406 : i32
          %get3A_408 = arith.index_cast %add3A_407 : i32 to index
          %get3A_409 = arith.constant 0 : index
          %get3A_410 = tpu.vector_load %arg23[%get3A_408, %get3A_409] {strides = array<i32>} : memref<128x160xbf16, #tpu.memory_space<vmem>>, vector<32xbf16>,
          %add3A_411 = arith.constant 0 : i32
          %add3A_412 = arith.addi %mul3A_405, %add3A_411 : i32
          %get3A_413 = arith.index_cast %add3A_412 : i32 to index
          %get3A_414 = arith.constant 32 : index
          %get3A_415 = tpu.vector_load %arg23[%get3A_413, %get3A_414] {strides = array<i32>} : memref<128x160xbf16, #tpu.memory_space<vmem>>, vector<32xbf16>,
          %add3A_416 = arith.constant 0 : i32
          %add3A_417 = arith.addi %mul3A_405, %add3A_416 : i32
          %get3A_418 = arith.index_cast %add3A_417 : i32 to index
          %get3A_419 = arith.constant 64 : index
          %get3A_420 = tpu.vector_load %arg23[%get3A_418, %get3A_419] {strides = array<i32>} : memref<128x160xbf16, #tpu.memory_space<vmem>>, vector<32xbf16>,
          %add3A_421 = arith.constant 0 : i32
          %add3A_422 = arith.addi %mul3A_405, %add3A_421 : i32
          %get3A_423 = arith.index_cast %add3A_422 : i32 to index
          %get3A_424 = arith.constant 96 : index
          %get3A_425 = tpu.vector_load %arg23[%get3A_423, %get3A_424] {strides = array<i32>} : memref<128x160xbf16, #tpu.memory_space<vmem>>, vector<32xbf16>,
          %add3A_426 = arith.constant 0 : i32
          %add3A_427 = arith.addi %mul3A_405, %add3A_426 : i32
          %get3A_428 = arith.index_cast %add3A_427 : i32 to index
          %get3A_429 = arith.constant 128 : index
          %get3A_430 = tpu.vector_load %arg23[%get3A_428, %get3A_429] {strides = array<i32>} : memref<128x160xbf16, #tpu.memory_space<vmem>>, vector<32xbf16>,
          %add3A_431 = arith.constant 1 : i32
          %add3A_432 = arith.addi %mul3A_405, %add3A_431 : i32
          %get3A_433 = arith.index_cast %add3A_432 : i32 to index
          %get3A_434 = arith.constant 0 : index
          %get3A_435 = tpu.vector_load %arg23[%get3A_433, %get3A_434] {strides = array<i32>} : memref<128x160xbf16, #tpu.memory_space<vmem>>, vector<32xbf16>,
          %add3A_436 = arith.constant 1 : i32
          %add3A_437 = arith.addi %mul3A_405, %add3A_436 : i32
          %get3A_438 = arith.index_cast %add3A_437 : i32 to index
          %get3A_439 = arith.constant 32 : index
          %get3A_440 = tpu.vector_load %arg23[%get3A_438, %get3A_439] {strides = array<i32>} : memref<128x160xbf16, #tpu.memory_space<vmem>>, vector<32xbf16>,
          %add3A_441 = arith.constant 1 : i32
          %add3A_442 = arith.addi %mul3A_405, %add3A_441 : i32
          %get3A_443 = arith.index_cast %add3A_442 : i32 to index
          %get3A_444 = arith.constant 64 : index
          %get3A_445 = tpu.vector_load %arg23[%get3A_443, %get3A_444] {strides = array<i32>} : memref<128x160xbf16, #tpu.memory_space<vmem>>, vector<32xbf16>,
          %add3A_446 = arith.constant 1 : i32
          %add3A_447 = arith.addi %mul3A_405, %add3A_446 : i32
          %get3A_448 = arith.index_cast %add3A_447 : i32 to index
          %get3A_449 = arith.constant 96 : index
          %get3A_450 = tpu.vector_load %arg23[%get3A_448, %get3A_449] {strides = array<i32>} : memref<128x160xbf16, #tpu.memory_space<vmem>>, vector<32xbf16>,
          %add3A_451 = arith.constant 1 : i32
          %add3A_452 = arith.addi %mul3A_405, %add3A_451 : i32
          %get3A_453 = arith.index_cast %add3A_452 : i32 to index
          %get3A_454 = arith.constant 128 : index
          %get3A_455 = tpu.vector_load %arg23[%get3A_453, %get3A_454] {strides = array<i32>} : memref<128x160xbf16, #tpu.memory_space<vmem>>, vector<32xbf16>,
          %abs3A_456 = math.absf %get3A_410 : vector<32xbf16>
          %abs3A_457 = math.absf %get3A_415 : vector<32xbf16>
          %abs3A_458 = math.absf %get3A_420 : vector<32xbf16>
          %abs3A_459 = math.absf %get3A_425 : vector<32xbf16>
          %abs3A_460 = math.absf %get3A_430 : vector<32xbf16>
          %abs3A_461 = math.absf %get3A_435 : vector<32xbf16>
          %abs3A_462 = math.absf %get3A_440 : vector<32xbf16>
          %abs3A_463 = math.absf %get3A_445 : vector<32xbf16>
          %abs3A_464 = math.absf %get3A_450 : vector<32xbf16>
          %abs3A_465 = math.absf %get3A_455 : vector<32xbf16>
          %add3A_466 = arith.addf %abs3A_456, %abs3A_457 : vector<32xbf16>
          %add3A_467 = arith.addf %abs3A_458, %abs3A_459 : vector<32xbf16>
          %add3A_468 = arith.addf %add3A_466, %add3A_467 : vector<32xbf16>
          %add3A_469 = arith.addf %add3A_468, %abs3A_460 : vector<32xbf16>
          %add3A_470 = arith.addf %abs3A_461, %abs3A_462 : vector<32xbf16>
          %add3A_471 = arith.addf %abs3A_463, %abs3A_464 : vector<32xbf16>
          %add3A_472 = arith.addf %add3A_470, %add3A_471 : vector<32xbf16>
          %add3A_473 = arith.addf %add3A_472, %abs3A_465 : vector<32xbf16>
          %unpack3A_474 = tpu.unpack_subelements %add3A_469, 0 {pack_format = #tpu.pack_format<interleaved>} : vector<32xbf16> -> vector<16xf32>
          %unpack3A_475 = tpu.unpack_subelements %add3A_469, 1 {pack_format = #tpu.pack_format<interleaved>} : vector<32xbf16> -> vector<16xf32>
          %unpack3A_476 = tpu.unpack_subelements %add3A_473, 0 {pack_format = #tpu.pack_format<interleaved>} : vector<32xbf16> -> vector<16xf32>
          %unpack3A_477 = tpu.unpack_subelements %add3A_473, 1 {pack_format = #tpu.pack_format<interleaved>} : vector<32xbf16> -> vector<16xf32>
          %add3A_478 = arith.addf %add3A_398, %unpack3A_474 : vector<16xf32>
          %add3A_479 = arith.addf %add3A_399, %unpack3A_475 : vector<16xf32>
          %add3A_480 = arith.addf %add3A_400, %unpack3A_476 : vector<16xf32>
          %add3A_481 = arith.addf %add3A_401, %unpack3A_477 : vector<16xf32>
          scf.yield %add3A_478, %add3A_479, %add3A_480, %add3A_481 : vector<16xf32>, vector<16xf32>, vector<16xf32>, vector<16xf32>
        }
        %scan3A_314 = arith.constant 64 : i32
        %add3A_315 = arith.constant 2 : i32
        %add3A_316 = arith.addi %add3A_295, %add3A_315 : i32
        %lt3A_317 = arith.constant 32 : i32
        %lt3A_318 = arith.cmpi slt, %add3A_316, %lt3A_317 : i32
        %convert_element_type3A_319 = arith.extui %lt3A_318 : i1 to i32
        %cond3A_320 = arith.constant 0 : i32
        %cond3A_321 = arith.cmpi ne, %convert_element_type3A_319, %cond3A_320 : i32
        scf.if %cond3A_321 {
          %add3A_322 = arith.constant 2 : i32
          %add3A_323 = arith.addi %add3A_295, %add3A_322 : i32
          %mul3A_324 = arith.constant 128 : i32
          %mul3A_325 = arith.muli %add3A_323, %mul3A_324 : i32
          %dma_start3A_326 = tpu.memref_slice %arg14[%mul3A_325] : memref<4096xi32, #tpu.memory_space<vmem>> -> memref<128xi32, #tpu.memory_space<vmem>>
          %dma_start3A_327 = arith.constant 0 : i32
          %dma_start3A_328 = arith.constant 0 : i32
          %dma_start3A_329 = tpu.memref_slice %arg3[%dma_start3A_327, %dma_start3A_328] : memref<16384x160xbf16, #tpu.memory_space<hbm>> -> memref<16384x160xbf16, #tpu.memory_space<hbm>>
          tpu.enqueue_indirect_dma source(%dma_start3A_329 : memref<16384x160xbf16, #tpu.memory_space<hbm>>) target(%arg21 : memref<128x160xbf16, #tpu.memory_space<vmem>>) offsets(%dma_start3A_326 : memref<128xi32, #tpu.memory_space<vmem>>) semaphore(%arg26 : memref<!tpu.dma_semaphore, #tpu.memory_space<semaphore_mem>>)
        } else {
        }
        scf.yield %scan3A_313#0, %scan3A_313#1, %scan3A_313#2, %scan3A_313#3 : vector<16xf32>, vector<16xf32>, vector<16xf32>, vector<16xf32>
      }
      %scan3A_193 = arith.constant 8 : i32
      %add3A_194 = arith.addf %scan3A_192#0, %scan3A_192#1 : vector<16xf32>
      %add3A_195 = arith.addf %scan3A_192#2, %scan3A_192#3 : vector<16xf32>
      %add3A_196 = arith.addf %add3A_194, %add3A_195 : vector<16xf32>
      %mul3A_197 = arith.constant 16 : i32
      %mul3A_198 = arith.muli %scan3A_16, %mul3A_197 : i32
      %swap3A = arith.index_cast %mul3A_198 : i32 to index
      %swap3A_199 = tpu.vector_load %arg24[%swap3A] {strides = array<i32>} : memref<512xf32, #tpu.memory_space<vmem>>, vector<16xf32>,
      tpu.vector_store %arg24[%swap3A], %add3A_196 {strides = array<i32>} : memref<512xf32, #tpu.memory_space<vmem>>, vector<16xf32>,
    }
    %scan3A_11 = arith.constant 32 : i32
    %mul3A_12 = arith.constant 32 : i32
    %mul3A_13 = arith.muli %add3A, %mul3A_12 : i32
    %mul3A_14 = arith.constant 16 : i32
    %mul3A_15 = arith.muli %mul3A_13, %mul3A_14 : i32
    "tpu.region"() ({
      %run_scoped3A = tpu.sem_alloc : memref<!tpu.dma_semaphore, #tpu.memory_space<semaphore_mem>>
      %dma_start3A = tpu.memref_slice %arg5[%mul3A_15] : memref<16384xf32, #tpu.memory_space<hbm>> -> memref<512xf32, #tpu.memory_space<hbm>>
      %dma_start3A_16 = tpu.memref_slice %arg5[%mul3A_15] : memref<16384xf32, #tpu.memory_space<hbm>> -> memref<512xf32, #tpu.memory_space<hbm>>
      tpu.enqueue_dma source(%arg24 : memref<512xf32, #tpu.memory_space<vmem>>) target(%dma_start3A_16 : memref<512xf32, #tpu.memory_space<hbm>>) target_semaphore(%run_scoped3A : memref<!tpu.dma_semaphore, #tpu.memory_space<semaphore_mem>>)
      %dma_wait3A = tpu.memref_slice %arg5[%mul3A_15] : memref<16384xf32, #tpu.memory_space<hbm>> -> memref<512xf32, #tpu.memory_space<hbm>>
      %dma_wait3A_17 = tpu.memref_slice %arg5[%mul3A_15] : memref<16384xf32, #tpu.memory_space<hbm>> -> memref<512xf32, #tpu.memory_space<hbm>>
      tpu.wait_dma2 semaphore(%run_scoped3A : memref<!tpu.dma_semaphore, #tpu.memory_space<semaphore_mem>>) src(%arg24 : memref<512xf32, #tpu.memory_space<vmem>>) dst(%dma_wait3A_17 : memref<512xf32, #tpu.memory_space<hbm>>)
      tpu.yield
    }) : () -> ()
    return
  }
}

module attributes {stable_mosaic.version = 14 : i64} {
  func.func @_proj_tc_kernel(%arg0: i32, %arg1: memref<256x147xf32, #tpu.memory_space<vmem>>, %arg2: memref<1x147x4096xf32, #tpu.memory_space<vmem>>, %arg3: memref<1x256x4096xi32, #tpu.memory_space<vmem>>) attributes {dimension_semantics = [#tpu.dimension_semantics<arbitrary>], iteration_bounds = array<i64: 8>, scalar_prefetch = 0 : i64, scratch_operands = 0 : i64, tpu.core_type = #tpu.core_type<tc>, window_params = [{pipeline_mode = #tpu.pipeline_mode<synchronous>, transform_indices = @transform_0, window_bounds = array<i64: 256, 147>}, {transform_indices = @transform_1, window_bounds = array<i64: 1, 147, 4096>}, {transform_indices = @transform_2, window_bounds = array<i64: 1, 256, 4096>}]} {
    %get3A = arith.constant 0 : index
    %get3A_0 = arith.constant 0 : index
    %get3A_1 = vector.load %arg1[%get3A, %get3A_0] : memref<256x147xf32, #tpu.memory_space<vmem>>, vector<256x147xf32>
    %reduce_sum3A = arith.constant dense<0.000000e+00> : vector<256xf32>
    %reduce_sum3A_2 = vector.multi_reduction <add>, %get3A_1, %reduce_sum3A [1] : vector<256x147xf32> to vector<256xf32>
    %broadcast_in_dim3A = vector.shape_cast %reduce_sum3A_2 : vector<256xf32> to vector<256x1xf32>
    %div3A = arith.constant 1.470000e+02 : f32
    %div3A_3 = vector.broadcast %div3A : f32 to vector<256x1xf32>
    %div3A_4 = arith.divf %broadcast_in_dim3A, %div3A_3 : vector<256x1xf32>
    %sub3A = vector.broadcast %div3A_4 : vector<256x1xf32> to vector<256x147xf32>
    %sub3A_5 = arith.subf %get3A_1, %sub3A : vector<256x147xf32>
    %integer_pow3A = arith.mulf %sub3A_5, %sub3A_5 : vector<256x147xf32>
    %reduce_sum3A_6 = arith.constant dense<0.000000e+00> : vector<256xf32>
    %reduce_sum3A_7 = vector.multi_reduction <add>, %integer_pow3A, %reduce_sum3A_6 [1] : vector<256x147xf32> to vector<256xf32>
    %broadcast_in_dim3A_8 = vector.shape_cast %reduce_sum3A_7 : vector<256xf32> to vector<256x1xf32>
    %mul3A = arith.constant 0.00684931502 : f32
    %mul3A_9 = vector.broadcast %mul3A : f32 to vector<256x1xf32>
    %mul3A_10 = arith.mulf %broadcast_in_dim3A_8, %mul3A_9 : vector<256x1xf32>
    %rsqrt3A = math.rsqrt %mul3A_10 : vector<256x1xf32>
    %mul3A_11 = vector.broadcast %rsqrt3A : vector<256x1xf32> to vector<256x147xf32>
    %mul3A_12 = arith.mulf %get3A_1, %mul3A_11 : vector<256x147xf32>
    %get3A_13 = arith.constant 0 : index
    %get3A_14 = arith.constant 0 : index
    %get3A_15 = arith.constant 0 : index
    %get3A_16 = vector.load %arg2[%get3A_13, %get3A_14, %get3A_15] : memref<1x147x4096xf32, #tpu.memory_space<vmem>>, vector<1x147x4096xf32>
    %get3A_17 = vector.shape_cast %get3A_16 : vector<1x147x4096xf32> to vector<147x4096xf32>
    %dot_general3A = arith.constant dense<0.000000e+00> : vector<256x4096xf32>
    %dot_general3A_18 = tpu.matmul %mul3A_12, %get3A_17, %dot_general3A {dimension_numbers = #tpu.dot_dimension_numbers<[1], [0], [0], [1], [0, 0, 1, 1], [], []>, transpose_lhs_hint = false} : vector<256x147xf32>, vector<147x4096xf32>, vector<256x4096xf32> -> vector<256x4096xf32>
    %bitcast_convert_type3A = tpu.bitcast %dot_general3A_18 : vector<256x4096xf32> -> vector<256x4096xi32>
    %lt3A = arith.constant 0.000000e+00 : f32
    %lt3A_19 = vector.broadcast %lt3A : f32 to vector<256x4096xf32>
    %lt3A_20 = arith.cmpf olt, %dot_general3A_18, %lt3A_19 : vector<256x4096xf32>
    %not3A = arith.constant dense<-1> : vector<256x4096xi32>
    %not3A_21 = arith.xori %bitcast_convert_type3A, %not3A : vector<256x4096xi32>
    %or3A = arith.constant -2147483648 : i32
    %or3A_22 = vector.broadcast %or3A : i32 to vector<256x4096xi32>
    %or3A_23 = arith.ori %bitcast_convert_type3A, %or3A_22 : vector<256x4096xi32>
    %select_n3A = arith.select %lt3A_20, %not3A_21, %or3A_23 : vector<256x4096xi1>, vector<256x4096xi32>
    %iota3A = tpu.iota {dimensions = array<i32: 1>} : vector<256x4096xi32>
    %shift_right_logical3A = arith.constant 8 : i32
    %shift_right_logical3A_24 = vector.broadcast %shift_right_logical3A : i32 to vector<256x4096xi32>
    %shift_right_logical3A_25 = arith.shrui %select_n3A, %shift_right_logical3A_24 : vector<256x4096xi32>
    %ge3A = arith.constant 3721 : i32
    %ge3A_26 = vector.broadcast %ge3A : i32 to vector<256x4096xi32>
    %ge3A_27 = arith.cmpi sge, %iota3A, %ge3A_26 : vector<256x4096xi32>
    %jit3A = arith.constant 16777215 : i32
    %broadcast_in_dim3A_28 = vector.broadcast %jit3A : i32 to vector<256x4096xi32>
    %select_n3A_29 = arith.select %ge3A_27, %broadcast_in_dim3A_28, %shift_right_logical3A_25 : vector<256x4096xi1>, vector<256x4096xi32>
    %swap3A = arith.constant 0 : index
    %swap3A_30 = arith.constant 0 : index
    %swap3A_31 = arith.constant 0 : index
    %swap3A_32 = vector.load %arg3[%swap3A, %swap3A_30, %swap3A_31] : memref<1x256x4096xi32, #tpu.memory_space<vmem>>, vector<1x256x4096xi32>
    %swap3A_33 = vector.shape_cast %swap3A_32 : vector<1x256x4096xi32> to vector<256x4096xi32>
    %swap3A_34 = vector.shape_cast %select_n3A_29 : vector<256x4096xi32> to vector<1x256x4096xi32>
    tpu.vector_store %arg3[%swap3A, %swap3A_30, %swap3A_31], %swap3A_34 {strides = array<i32>} : memref<1x256x4096xi32, #tpu.memory_space<vmem>>, vector<1x256x4096xi32>,
    return
  }
  func.func @transform_0(%arg0: i32) -> (i32, i32) {
    %c0_i32 = arith.constant 0 : i32
    %c0_i32_0 = arith.constant 0 : i32
    %c0_i32_1 = arith.constant 0 : i32
    return %c0_i32, %c0_i32_0 : i32, i32
  }
  func.func @transform_1(%arg0: i32) -> (i32, i32, i32) {
    %c0_i32 = arith.constant 0 : i32
    %c0_i32_0 = arith.constant 0 : i32
    %c0_i32_1 = arith.constant 0 : i32
    return %arg0, %c0_i32, %c0_i32_0 : i32, i32, i32
  }
  func.func @transform_2(%arg0: i32) -> (i32, i32, i32) {
    %c0_i32 = arith.constant 0 : i32
    %c0_i32_0 = arith.constant 0 : i32
    %c0_i32_1 = arith.constant 0 : i32
    return %arg0, %c0_i32, %c0_i32_0 : i32, i32, i32
  }
}

</mosaic_0001>

<sc_bundles>
// kernel: kernel.4.cloned.1.call-start
scs
__scs_entry_jumppad:
0x0: {  	(pc) =	sbr.rel $0x88, $3  }
0x1: {  	(tag) =	ssettag $0x0;
	lr =	simm.s32 $0x1  }
0x2: {  	[smem:$0x3F9E] =	sst lr;
	_ =	strace $0xD0000000  }
0x3: {  	_ = 	snop  }
0x4: {  	_ = 	snop  }
0x5: {  	_ = 	snop  }
0x6: {  	_ = 	snop  }
0x7: {  	_ = 	snop  }
__scs_overlays_trampoline_lowered:
0x8: {  	[smem:$0x3FAD] =	sst s0  }
0x9: {  	[smem:$0x3FAE] =	sst s1  }
0xa: {  	[smem:$0x3FAF] =	sst s2  }
0xb: {  	[smem:$0x3FB0] =	sst s3  }
0xc: {  	[smem:$0x3FB1] =	sst s4  }
0xd: {  	[smem:$0x3FB2] =	sst s5  }
0xe: {  	[smem:$0x3FB3] =	sst s6  }
0xf: {  	[smem:$0x3FB4] =	sst s7  }
0x10: {  	[smem:$0x3FB5] =	sst s8  }
0x11: {  	[smem:$0x3FB6] =	sst s9;
	s0 =	simm.s32 @!p0 $0x0  }
0x12: {  	s1 =	sld [smem:$0x3F9C];
	s0 =	simm.s32 @p0 $0x1  }
0x13: {  	[smem:$0x3FB7] =	sst s0;
	s0 =	simm.s32 @!p1 $0x0  }
0x14: {  	s2 =	sld [smem:$0x3F9B];
	s0 =	simm.s32 @p1 $0x1  }
0x15: {  	[smem:$0x3FB8] =	sst s0;
	s0 =	simm.s32 @!p2 $0x0  }
0x16: {  	s3 =	sld [smem:$0x3FDB];
	s0 =	simm.s32 @p2 $0x1  }
0x17: {  	s4 =	simm.s32 $0x1BF5;
	[smem:$0x3FBA] =	sst s0  }
0x18: {  	s0 =	sld [smem:$0x3F9D];
	_ =	swait.ge [sflag:s4], $0x0  }
0x19: {  	s7 =	sld [smem:$0x3F9E]  }
0x1a: {  	s8 =	sadd.s32 $0xFFFFE003, lr  }
0x1b: {  	s9 =	sadd.s32 $0xFFFFFEF7, lr;
	s5 =	simm.s32 $0xFFFFFFFF;
	p2 =	slt.u32 s8, $0xFFFFF086  }
0x1c: {  	p1 =	slt.u32 s9, $0xF7A;
	s5 =	simm.s32 @!p2 $0x0  }
0x1d: {  	s5 =	simm.s32 @p1 $0x1;
	p0 =	seq.s32 s7, s2  }
0x1e: {  	s7 =	smul.u32 @!p0 $0xF7A, s2;
	p2 =	seq.s32 @!p0 s5, $0x0  }
0x1f: {  	s9 =	smul.u32 $0xF7A, s1;
	s8 =	simm.s32 @!p0 $0x1BF5;
	p2 =	por !p2, p0  }
0x20: {  	[sflag:s8] =	ssyncset.s32 @!p0 $0xFFFFF086;
	s6 =	sadd.s32 @!p0 s3, s7;
	s7 =	simm.s32 @!p0 $0x108  }
0x21: {  	s3 =	sadd.s32 s3, s9;
	s6 =	sadd.s32 @!p0 $0x88, s6;
	s7 =	simm.s32 @p2 $0x1082  }
0x22: {  	[simem:s7], [sflag:s8] =	dma.local @!p0 [hbm:s6], $0xF7A  }
0x23: {  	s9 =	sor.u32 $0xD0000000, s2;
	s6 =	simm.s32 $0x108;
	_ =	swait.ge @!p0 [sflag:s8], $0x0  }
0x24: {  	s3 =	sadd.s32 $0x88, s3;
	s6 =	simm.s32 @!p1 $0x1082;
	[sflag:s4] =	ssyncset.s32 $0xFFFFF086  }
0x25: {  	[simem:s6], [sflag:s4] =	dma.local [hbm:s3], $0xF7A  }
0x26: {  	[smem:$0x3F9E] =	sst s1;
	(tag) =	ssettag s2;
	_ =	strace s9  }
0x27: {  	s1 =	sld [smem:$0x3FAE]  }
0x28: {  	s2 =	sld [smem:$0x3FAF]  }
0x29: {  	s4 =	sld [smem:$0x3FB1]  }
0x2a: {  	p0 =	seq.s32 s5, $0x0;
	s5 =	sld [smem:$0x3FB2]  }
0x2b: {  	s6 =	sld [smem:$0x3FB3]  }
0x2c: {  	s7 =	sld [smem:$0x3FB4]  }
0x2d: {  	s3 =	simm.s32 $0x108;
	s8 =	sld [smem:$0x3FB5]  }
0x2e: {  	s3 =	simm.s32 @!p0 $0x1082;
	s9 =	sld [smem:$0x3FB6]  }
0x2f: {  	lr =	sadd.s32 s0, s3;
	s0 =	sld [smem:$0x3FAD]  }
0x30: {  	s3 =	sld [smem:$0x3FB0]  }
0x31: {  	[smem:$0x3FB9] =	sst s10  }
0x32: {  	s10 =	sld [smem:$0x3FB7];
	_ =	sdelay $0x3  }
0x33: {  	p0 =	seq.s32 s10, $0x1;
	s10 =	sld [smem:$0x3FB9];
	_ =	sdelay $0x3  }
0x34: {  	[smem:$0x3FB9] =	sst s10  }
0x35: {  	s10 =	sld [smem:$0x3FB8];
	_ =	sdelay $0x3  }
0x36: {  	p1 =	seq.s32 s10, $0x1;
	s10 =	sld [smem:$0x3FB9];
	_ =	sdelay $0x3  }
0x37: {  	[smem:$0x3FB9] =	sst s10  }
0x38: {  	s10 =	sld [smem:$0x3FBA]  }
0x39: {  	_ = 	snop;
	(pc) =	sbr.ind lr, $3  }
0x3a: {  	_ = 	snop  }
0x3b: {  	_ = 	snop  }
0x3c: {  	p2 =	seq.s32 s10, $0x1;
	s10 =	sld [smem:$0x3FB9]  }
0x3d: {  	_ =	shalt  }
0x3e: {  	_ =	shalt  }
0x3f: {  	_ =	shalt  }
0x40: {  	_ =	shalt  }
0x41: {  	_ =	shalt  }
0x42: {  	_ =	shalt  }
0x43: {  	_ =	shalt  }
0x44: {  	_ =	shalt  }
0x45: {  	_ =	shalt  }
0x46: {  	_ =	shalt  }
0x47: {  	_ =	shalt  }
0x48: {  	_ =	shalt  }
0x49: {  	_ =	shalt  }
0x4a: {  	_ =	shalt  }
0x4b: {  	_ =	shalt  }
0x4c: {  	_ =	shalt  }
0x4d: {  	_ =	shalt  }
0x4e: {  	_ =	shalt  }
0x4f: {  	_ =	shalt  }
0x50: {  	_ =	shalt  }
0x51: {  	_ =	shalt  }
0x52: {  	_ =	shalt  }
0x53: {  	_ =	shalt  }
0x54: {  	_ =	shalt  }
0x55: {  	_ =	shalt  }
0x56: {  	_ =	shalt  }
0x57: {  	_ =	shalt  }
0x58: {  	_ =	shalt  }
0x59: {  	_ =	shalt  }
0x5a: {  	_ =	shalt  }
0x5b: {  	_ =	shalt  }
0x5c: {  	_ =	shalt  }
0x5d: {  	_ =	shalt  }
0x5e: {  	_ =	shalt  }
0x5f: {  	_ =	shalt  }
0x60: {  	_ =	shalt  }
0x61: {  	_ =	shalt  }
0x62: {  	_ =	shalt  }
0x63: {  	_ =	shalt  }
0x64: {  	_ =	shalt  }
0x65: {  	_ =	shalt  }
0x66: {  	_ =	shalt  }
0x67: {  	_ =	shalt  }
0x68: {  	_ =	shalt  }
0x69: {  	_ =	shalt  }
0x6a: {  	_ =	shalt  }
0x6b: {  	_ =	shalt  }
0x6c: {  	_ =	shalt  }
0x6d: {  	_ =	shalt  }
0x6e: {  	_ =	shalt  }
0x6f: {  	_ =	shalt  }
0x70: {  	_ =	shalt  }
0x71: {  	_ =	shalt  }
0x72: {  	_ =	shalt  }
0x73: {  	_ =	shalt  }
0x74: {  	_ =	shalt  }
0x75: {  	_ =	shalt  }
0x76: {  	_ =	shalt  }
0x77: {  	_ =	shalt  }
0x78: {  	_ =	shalt  }
0x79: {  	_ =	shalt  }
0x7a: {  	_ =	shalt  }
0x7b: {  	_ =	shalt  }
0x7c: {  	_ =	shalt  }
0x7d: {  	_ =	shalt  }
0x7e: {  	_ =	shalt  }
0x7f: {  	_ =	shalt  }
0x80: {  	_ =	shalt  }
0x81: {  	_ =	shalt  }
0x82: {  	_ =	shalt  }
0x83: {  	_ =	shalt  }
0x84: {  	_ =	shalt  }
0x85: {  	_ =	shalt  }
0x86: {  	_ =	shalt  }
0x87: {  	_ =	shalt  }
.Lfunc_end0:
.L_simem_size_0:
called_computation.1_lowered:
.L_overlay_start_0:
0x88: {  	s2 =	sld [smem:$0x3FD9]  }
0x89: {  	s3 =	sld [smem:$0x3FFE];
	_ =	sdelay $0x1  }
0x8a: {  	s1 =	srdreg.scid  }
0x8b: {  	s0 =	sand.u32 $0x1, s1  }
0x8c: {  	s16 =	sshll.u32 s0, $0xA;
	s2 =	sadd.s32 s3, s2  }
0x8d: {  	s2 =	sadd.s32 s2, s16  }
0x8e: {  	[smem:$0x3FC5] =	sst s2  }
0x8f: {  	_ = 	snop  }
0x90: {  	(tm) =	ssettm $0x1  }
0x91: {  	s17 =	sld [smem:$0x3FFB];
	_ =	sdelay $0x3  }
0x92: {  	_ =	strace s17  }
0x93: {  	s2 =	sld [smem:$0x3FFC];
	_ =	sdelay $0x3  }
0x94: {  	_ =	strace s2  }
0x95: {  	s2 =	sld [smem:$0x3FFD];
	_ =	sdelay $0x3  }
0x96: {  	_ =	strace s2  }
0x97: {  	_ =	strace $0x8FFFFFFF  }
0x98: {  	s18 =	sld [smem:$0x3FDB];
	_ =	sdelay $0x1  }
0x99: {  	s19 =	simm.s32 $_scs_section_size  }
0x9a: {  	s4 =	simm.s32 $_size__tile_overlayer_lowered;
	s5 =	simm.s32 $_tile_overlayer_lowered  }
0x9b: {  	s22 =	simm.s32 $0x1BFF;
	s21 =	sshll.u32 s5, $0x1;
	s2 =	sadd.s32 s19, s18  }
0x9c: {  	s6 =	simm.s32 $0x0;
	s20 =	sshll.u32 s4, $0x1;
	s4 =	sadd.s32 s21, s2  }
0x9d: {  	[timem:s6], [sflag:s22] =	dma.local [hbm:s4], s20  }
0x9e: {  	_ =	swait.ge [sflag:s22], s20  }
0x9f: {  	s3 =	ssub.s32 $0x0, s20;
	[sflag:s22] =	ssyncset.done $0x0  }
0xa0: {  	[sflag:s22] =	ssyncadd.s32 s3;
	_ =	sdelay $0x1  }
0xa1: {  	s23 =	simm.s32 $0x1B8B  }
0xa2: {  	_ =	swait.ge [sflag:s23], $0x1  }
0xa3: {  	[sflag:s23] =	ssyncset.done $0x0  }
0xa4: {  	s25 =	simm.s32 $0x1B8E;
	s24 =	sld [smem:$0x3FFE];
	[sflag:s23] =	ssyncadd.s32 $0xFFFFFFFF  }
0xa5: {  	s26 =	simm.s32 $execute0_lowered;
	[smem:$0x3FD2] =	sst s25  }
0xa6: {  	s4 =	sshll.u32 s26, $0x1;
	_ =	strace $0x80000049;
	[dreg:$0x1] =	wrdreg $0xFFFFFFFF  }
0xa7: {  	s28 =	simm.s32 $_size_execute0_lowered;
	s2 =	sadd.s32 s2, s4;
	[dreg:$0x0] =	wrdreg $0x0  }
0xa8: {  	s4 =	sshll.u32 s28, $0x1;
	[dreg:$0x2] =	wrdreg s2  }
0xa9: {  	[dreg:$0x3] =	wrdreg s4  }
0xaa: {  	[dreg:$0x4] =	wrdreg $0xC0  }
0xab: {  	_ =	task [dreg:s6], $0x5FFFF  }
0xac: {  	[dreg:$0x1] =	wrdreg $0xFFFFFFFF  }
0xad: {  	[dreg:$0x0] =	wrdreg $0x60  }
0xae: {  	[dreg:$0x2] =	wrdreg s24  }
0xaf: {  	[dreg:$0x3] =	wrdreg $0x9  }
0xb0: {  	_ =	task.clear_ibuf [dreg:s6], $0x4FFFF;
	_ =	strace $0x90000049  }
0xb1: {  	s29 =	simm.s32 $0x9;
	_ =	strace $0x8000004B  }
0xb2: {  	_ =	swait.ge [sflag:s29], $0x1  }
0xb3: {  	[sflag:s29] =	ssyncadd.s32 $0xFFFFFFFF  }
0xb4: {  	_ =	strace $0x9000004B  }
0xb5: {  	_ =	sfence  }
0xb6: {  	s30 =	sld [smem:$0x0];
	_ =	sdelay $0x2  }
0xb7: {  	s31 =	sshll.u32 s1, $0xD;
	s1 =	sshrl.u32 s1, $0x2  }
0xb8: {  	s3 =	sand.u32 $0x4000, s31;
	s1 =	sadd.s32 s1, s30  }
0xb9: {  	s0 =	sor.u32 s3, s0;
	s1 =	sshll.u32 s1, $0x11  }
0xba: {  	s0 =	sor.u32 s1, s0  }
0xbb: {  	s0 =	sadd.s32 $0x8F2B, s0  }
0xbc: {  	[sflag:s0] =	ssyncadd.remote.s32 $0x1  }
0xbd: {  	_ =	sfence.sel $0xFFFF  }
0xbe: {  	[dreg:$0x0] =	wrdreg $0xFFFFFFFF;
	(pc) =	sbr.abs _section_cstart, $3  }
0xbf: {  	[dreg:$0x1] =	wrdreg $0xFFFFFFFF  }
0xc0: {  	_ =	task.clear_ibuf [dreg:s6], $0x2FFFF;
	_ =	strace $0x9FFFFFFF  }
0xc1: {  	(tm) =	ssettm $0x7FFFFFFF  }
tec
execute0_lowered:
.L_overlay_start_1:
0x0: {  	(tag) =	ssettag $0x1  }
0x1: {  	s0 =	rddreg [dreg:$0x0];
	s2 =	simm.s32 $0x0  }
0x2: {  	s1 =	srdreg.scid;
	s7 =	stileid.u32;
	s12 =	simm.s32 $0x4000  }
0x3: {  	s13 =	simm.s32 $0xA000;
	s14 =	simm.s32 $0xB000;
	s15 =	simm.s32 $0x1000  }
0x4: {  	s16 =	simm.s32 $0x5000;
	s17 =	simm.s32 $0x3000;
	s18 =	simm.s32 $0x7000  }
0x5: {  	s19 =	simm.s32 $0x2000;
	s20 =	simm.s32 $0x6000;
	s21 =	simm.s32 $0x8000  }
0x6: {  	s29 =	simm.s32 $0x2;
	s30 =	simm.s32 $0x5;
	s31 =	simm.s32 $0x11000  }
0x7: {  	s9 =	simm.s32 $0x13800;
	s10 =	simm.s32 $0x4;
	[smem:$0x7FF] =	sst s2  }
0x8: {  	s1 =	sand.u32 $0x1, s1;
	s3 =	sshll.u32 s7, $0x1;
	s4 =	sadd.s32 $0x177E00, s0  }
0x9: {  	s5 =	sadd.s32 $0x29800, s0;
	s22 =	sshrl.u32 s7, $0x2;
	_ =	strace $0x8000004A  }
0xa: {  	[dreg:$0x2] =	wrdreg s4;
	s3 =	sor.u32 s1, s3;
	s4 =	sadd.s32 $0x1800, s0  }
0xb: {  	s1 =	ssub.s32 $0x2, s1;
	s8 =	sshll.u32 s22, $0x8;
	s24 =	sshll.u32 s22, $0x9  }
0xc: {  	v0 =	vlaneseq.u32;
	s25 =	sshll.u32 s22, $0xC;
	s26 =	sshll.u32 s22, $0x15;
	s22 =	simm.s32 $0x9000  }
0xd: {  	v1 =	vmul.u32 $0x100, v0;
	s6 =	sshll.u32 s3, $0x6;
	s23 =	sshrl.u32 s1, $0x1;
	s3 =	sshll.u32 s3, $0x5  }
0xe: {  	[dreg:$0x5] =	wrdreg s26;
	v2 =	vmov s25;
	s0 =	sadd.s32 s6, s0;
	s1 =	ssub.s32 s1, s23  }
.Ltmp0:
0xf: {  	v3 =	vor.u32 $0x1, v1;
	v4 =	vor.u32 $0x2, v1;
	v5 =	vor.u32 $0x3, v1;
	s3 =	ssub.s32 s3, s8;
	s23 =	simm.s32 $0x80;
	(pc) =	sbr.rel .LBB2_1-.Ltmp0, $4  }
0x10: {  	v3 =	vor.u32 s25, v3;
	v4 =	vor.u32 s25, v4;
	v5 =	vor.u32 s25, v5;
	s25 =	simm.s32 $0x7;
	[dreg:$0x3] =	wrdreg s3;
	s3 =	sor.u32 $0x100, s24  }
0x11: {  	s6 =	simm.s32 $0x8;
	s0 =	sadd.s32 $0x51800, s0;
	[dreg:$0x4] =	wrdreg s3  }
0x12: {  	s8 =	simm.s32 $0x0;
	s28 =	smax.u32 s1, $0x1;
	[dreg:$0x6] =	wrdreg s0  }
0x13: {  	v6 =	vimm.s32 $0x0;
	v8 =	vimm.s32 $0x1;
	v7 =	vor.u32 $0xFF8, v0;
	s1 =	simm.s32 $0x6;
	[dreg:$0x7] =	wrdreg s28;
	s0 =	simm.s32 $0x3  }
.LBB2_50:
0x14: {  	s3 =	rddreg [dreg:$0x6];
	s7 =	simm.s32 $0x16000;
	s26 =	simm.s32 $0x9  }
0x15: {  	[hbm4b:s3+s2] =	stream.linear.scatter [tilespmem:s7], [sflag:$0x9], $0x200, $0x38;
	[tilespmem:$0x16200] =	vst v63  }
0x16: {  	_ =	swait.ge [sflag:s26], $0x200  }
0x17: {  	s8 =	rddreg [dreg:$0x8]  }
0x18: {  	s28 =	rddreg [dreg:$0x7];
	s8 =	sadd.s32 $0x1, s8  }
0x19: {  	p0 =	sne.s32 s8, s28  }
.Ltmp1:
0x1a: {  	_ = 	snop;
	(pc) =	sbr.rel @!p0 .LBB2_51-.Ltmp1, $3  }
0x1b: {  	_ =	sdelay $0x1  }
0x1c: {  	[sflag:s26] =	ssyncset.done $0x0  }
0x1d: {  	[sflag:s26] =	ssyncadd.s32 $0xFFFFFE00  }
.LBB2_1:
.Ltmp2:
0x1e: {  	(pc) =	sbr.rel .LBB2_2-.Ltmp2, $2  }
0x1f: {  	_ =	sdelay $0x2  }
0x20: {  	[dreg:$0x8] =	wrdreg s8;
	s7 =	simm.s32 $0x0  }
.LBB2_49:
0x21: {  	s7 =	rddreg [dreg:$0x9]  }
0x22: {  	s3 =	sshll.u32 s7, $0x4;
	s7 =	sadd.s32 $0x1, s7  }
0x23: {  	p0 =	sne.s32 s7, $0x20  }
.Ltmp3:
0x24: {  	v11 =	vadd.f32 v11, v12;
	v9 =	vadd.f32 v9, v10;
	(pc) =	sbr.rel @!p0 .LBB2_50-.Ltmp3, $4  }
0x25: {  	_ = 	snop  }
0x26: {  	v9 =	vadd.f32 v9, v11  }
0x27: {  	s3 =	sand.u32 $0x3FFFFFF0, s3  }
0x28: {  	[tilespmem:s3+$0x16000] =	vst v9  }
.LBB2_2:
0x29: {  	s3 =	rddreg [dreg:$0x3]  }
0x2a: {  	[dreg:$0x9] =	wrdreg s7;
	s3 =	sadd.s32 s7, s3  }
0x2b: {  	s8 =	rddreg [dreg:$0x5];
	s7 =	sshll.u32 s3, $0xC  }
0x2c: {  	s11 =	rddreg [dreg:$0x4];
	s7 =	sadd.s32 s8, s7  }
0x2d: {  	s24 =	rddreg [dreg:$0x2];
	s7 =	sshrl.u32 s7, $0x3  }
0x2e: {  	s26 =	simm.s32 $0x9;
	s3 =	sadd.s32 s3, s11;
	s7 =	sadd.s32 s24, s7  }
0x2f: {  	[tilespmem:s2], [sflag:$0x9] =	stream.linear.gather [hbm4b:s7+s2], $0x1000, $0x38;
	[tilespmem:$0x16200] =	vst v63  }
0x30: {  	s3 =	sshll.u32 s3, $0x9;
	_ =	swait.ge [sflag:s26], $0x1000  }
0x31: {  	s3 =	sand.u32 $0x1FFFFE00, s3;
	[sflag:s26] =	ssyncset.done $0x0  }
0x32: {  	s3 =	sadd.s32 s24, s3;
	[sflag:s26] =	ssyncadd.s32 $0xFFFFF000  }
0x33: {  	[tilespmem:s12], [sflag:$0x9] =	stream.linear.gather [hbm4b:s3+s2], $0x1000, $0x38;
	[tilespmem:$0x16200] =	vst v63  }
0x34: {  	_ =	swait.ge [sflag:s26], $0x1000  }
0x35: {  	[sflag:s26] =	ssyncset.done $0x0  }
0x36: {  	s28 =	simm.s32 $0xA020;
	[sflag:s26] =	ssyncadd.s32 $0xFFFFF000  }
0x37: {  	s3 =	simm.s32 $0xB020;
	[tilespmem:s28+$0xFFFFFFE0] =	vst v6  }
0x38: {  	[tilespmem:s3+$0xFFFFFFE0] =	vst v6  }
0x39: {  	[tilespmem:s28+$0xFFFFFFF0] =	vst v6  }
0x3a: {  	[tilespmem:s3+$0xFFFFFFF0] =	vst v6  }
0x3b: {  	[tilespmem:s28+$0x0] =	vst v6  }
0x3c: {  	[tilespmem:s3+$0x0] =	vst v6  }
0x3d: {  	[tilespmem:s28+$0x10] =	vst v6  }
0x3e: {  	s11 =	simm.s32 $0xA060;
	s8 =	simm.s32 $0x0;
	[tilespmem:s3+$0x10] =	vst v6  }
.LBB2_3:
0x3f: {  	[tilespmem:s11+$0xFFFFFFE0] =	vst v6;
	s3 =	sadd.s32 $0x40, s3  }
0x40: {  	s8 =	sadd.s32 $0x4, s8;
	[tilespmem:s3+$0xFFFFFFE0] =	vst v6  }
0x41: {  	p0 =	slt.u32 s8, $0xFC;
	[tilespmem:s11+$0xFFFFFFF0] =	vst v6  }
.Ltmp4:
0x42: {  	[tilespmem:s3+$0xFFFFFFF0] =	vst v6;
	(pc) =	sbr.rel @p0 .LBB2_3-.Ltmp4, $4  }
0x43: {  	[tilespmem:s11+$0x0] =	vst v6  }
0x44: {  	[tilespmem:s3+$0x0] =	vst v6  }
0x45: {  	[tilespmem:s11+$0x10] =	vst v6  }
0x46: {  	s7 =	simm.s32 $0x7;
	s11 =	sadd.s32 $0x40, s11;
	[tilespmem:s3+$0x10] =	vst v6  }
0x47: {  	s3 =	simm.s32 $0x6  }
0x48: {  	s28 =	simm.s32 $0x1;
	v13 =	vor.u32 s3, v1  }
0x49: {  	s8 =	simm.s32 $0x0;
	v9 =	vor.u32 s28, v1  }
0x4a: {  	v10 =	vor.u32 s8, v1  }
0x4b: {  	s11 =	simm.s32 $0x2  }
0x4c: {  	v11 =	vor.u32 s11, v1  }
0x4d: {  	s24 =	simm.s32 $0x3;
	v12 =	vld.idx.msk [tilespmem:v13+s2+$0x0], $0xffff  }
0x4e: {  	s26 =	simm.s32 $0x4;
	v15 =	vor.u32 s24, v1;
	v14 =	vld.idx.msk [tilespmem:v9+s12+$0x0], $0xffff  }
0x4f: {  	v18 =	vor.u32 s26, v1;
	v16 =	vld.idx.msk [tilespmem:v10+s12+$0x0], $0xffff  }
0x50: {  	v10 =	vld.idx.msk [tilespmem:v10+s2+$0x0], $0xffff  }
0x51: {  	v17 =	vld.idx.msk [tilespmem:v11+s2+$0x0], $0xffff  }
0x52: {  	v11 =	vld.idx.msk [tilespmem:v11+s12+$0x0], $0xffff  }
0x53: {  	v21 =	vld.idx.msk [tilespmem:v15+s2+$0x0], $0xffff  }
0x54: {  	v23 =	vld.idx.msk [tilespmem:v18+s2+$0x0], $0xffff  }
0x55: {  	s28 =	simm.s32 $0x5  }
0x56: {  	v20 =	vor.u32 s28, v1;
	v19 =	vld.idx.msk [tilespmem:v9+s2+$0x0], $0xffff;
	v9 =	vshll.u32 v12, $0x4  }
0x57: {  	v12 =	vshll.u32 v14, $0x4;
	v14 =	vld.idx.msk [tilespmem:v15+s12+$0x0], $0xffff;
	v15 =	vor.u32 s7, v1;
	v16 =	vshll.u32 v16, $0x4  }
0x58: {  	v10 =	vshll.u32 v10, $0x4;
	v11 =	vshll.u32 v11, $0x4;
	v21 =	vshll.u32 v21, $0x4  }
0x59: {  	v24 =	vld.idx.msk [tilespmem:v18+s12+$0x0], $0xffff;
	v23 =	vshll.u32 v23, $0x4;
	v22 =	vor.u32 v0, v12;
	v10 =	vor.u32 v0, v10  }
0x5a: {  	v13 =	vld.idx.msk [tilespmem:v13+s12+$0x0], $0xffff;
	v16 =	vor.u32 v0, v16;
	v12 =	vshll.u32 v17, $0x4;
	v17 =	vand.u32 v7, v10  }
0x5b: {  	v25 =	vld.idx.msk [tilespmem:v20+s2+$0x0], $0xffff;
	v9 =	vor.u32 v0, v9;
	v10 =	vshll.u32 v19, $0x4;
	v19 =	vand.u32 v7, v16  }
0x5c: {  	v21 =	vor.u32 v0, v21;
	v18 =	vor.u32 v0, v12;
	v12 =	vld.idx.msk [tilespmem:v20+s12+$0x0], $0xffff;
	v16 =	vor.u32 v0, v10  }
0x5d: {  	v20 =	vor.u32 v0, v11;
	v16 =	vand.u32 v7, v16;
	v10 =	vld.idx.msk [tilespmem:v15+s12+$0x0], $0xffff;
	v14 =	vshll.u32 v14, $0x4  }
0x5e: {  	v18 =	vand.u32 v7, v18;
	v11 =	vld.idx.msk [tilespmem:v15+s2+$0x0], $0xffff;
	v15 =	vand.u32 v7, v22;
	v14 =	vor.u32 v0, v14  }
0x5f: {  	v22 =	vshll.u32 v24, $0x4;
	[tilespmem:v17+s13+$0x0] =	vst.idx.add.s32.msk $0xffff, v8;
	v17 =	vand.u32 v7, v20;
	v14 =	vand.u32 v7, v14  }
0x60: {  	s8 =	simm.s32 $0xF;
	v20 =	vshll.u32 v25, $0x4;
	[tilespmem:v19+s14+$0x0] =	vst.idx.add.s32.msk $0xffff, v8;
	v19 =	vand.u32 v7, v21;
	v21 =	vor.u32 v0, v23  }
.LBB2_5:
0x61: {  	s11 =	sadd.s32 $0xFFFFFFF9, s8  }
0x62: {  	s24 =	sadd.s32 $0xFFFFFFFF, s8;
	[tilespmem:v16+s13+$0x0] =	vst.idx.add.s32.msk $0xffff, v8;
	v16 =	vor.u32 v0, v22;
	v9 =	vand.u32 v7, v9;
	s7 =	smov.u32 s8;
	s3 =	sadd.s32 $0x8, s8  }
0x63: {  	p0 =	sne.s32 s8, $0xFF;
	v22 =	vor.u32 s11, v1;
	v23 =	vor.u32 s24, v1;
	[tilespmem:v15+s14+$0x0] =	vst.idx.add.s32.msk $0xffff, v8;
	v15 =	vand.u32 v7, v21  }
0x64: {  	v12 =	vshll.u32 v12, $0x4;
	s8 =	sadd.s32 $0xFFFFFFFA, s7;
	v16 =	vand.u32 v7, v16;
	[tilespmem:v18+s13+$0x0] =	vst.idx.add.s32.msk $0xffff, v8;
	v18 =	vor.u32 v0, v20  }
0x65: {  	v12 =	vor.u32 v0, v12;
	v20 =	vor.u32 s8, v1;
	[tilespmem:v17+s14+$0x0] =	vst.idx.add.s32.msk $0xffff, v8;
	v17 =	vand.u32 v7, v18  }
0x66: {  	v11 =	vshll.u32 v11, $0x4;
	s8 =	sadd.s32 $0xFFFFFFFB, s7;
	v12 =	vand.u32 v7, v12;
	v13 =	vshll.u32 v13, $0x4;
	[tilespmem:v19+s13+$0x0] =	vst.idx.add.s32.msk $0xffff, v8  }
0x67: {  	v11 =	vor.u32 v0, v11;
	v18 =	vor.u32 s8, v1;
	v13 =	vor.u32 v0, v13;
	[tilespmem:v14+s14+$0x0] =	vst.idx.add.s32.msk $0xffff, v8  }
0x68: {  	v10 =	vshll.u32 v10, $0x4;
	s8 =	sadd.s32 $0xFFFFFFFC, s7;
	v13 =	vand.u32 v7, v13;
	[tilespmem:v15+s13+$0x0] =	vst.idx.add.s32.msk $0xffff, v8  }
0x69: {  	v10 =	vor.u32 v0, v10;
	v11 =	vand.u32 v7, v11;
	v14 =	vor.u32 s8, v1;
	[tilespmem:v16+s14+$0x0] =	vst.idx.add.s32.msk $0xffff, v8  }
0x6a: {  	v10 =	vand.u32 v7, v10;
	[tilespmem:v17+s13+$0x0] =	vst.idx.add.s32.msk $0xffff, v8  }
0x6b: {  	[tilespmem:v12+s14+$0x0] =	vst.idx.add.s32.msk $0xffff, v8  }
0x6c: {  	[tilespmem:v9+s13+$0x0] =	vst.idx.add.s32.msk $0xffff, v8  }
0x6d: {  	[tilespmem:v13+s14+$0x0] =	vst.idx.add.s32.msk $0xffff, v8  }
0x6e: {  	[tilespmem:v11+s13+$0x0] =	vst.idx.add.s32.msk $0xffff, v8  }
0x6f: {  	[tilespmem:v10+s14+$0x0] =	vst.idx.add.s32.msk $0xffff, v8  }
0x70: {  	v9 =	vld.idx.msk [tilespmem:v23+s2+$0x0], $0xffff  }
0x71: {  	v10 =	vld.idx.msk [tilespmem:v20+s12+$0x0], $0xffff  }
0x72: {  	v11 =	vld.idx.msk [tilespmem:v22+s12+$0x0], $0xffff  }
0x73: {  	s8 =	sadd.s32 $0xFFFFFFFD, s7;
	v12 =	vld.idx.msk [tilespmem:v22+s2+$0x0], $0xffff  }
0x74: {  	v15 =	vor.u32 s8, v1;
	v13 =	vld.idx.msk [tilespmem:v18+s2+$0x0], $0xffff  }
0x75: {  	s8 =	sadd.s32 $0xFFFFFFFE, s7;
	v16 =	vld.idx.msk [tilespmem:v20+s2+$0x0], $0xffff  }
0x76: {  	v9 =	vshll.u32 v9, $0x4;
	v17 =	vld.idx.msk [tilespmem:v18+s12+$0x0], $0xffff;
	v18 =	vor.u32 s8, v1  }
0x77: {  	v10 =	vshll.u32 v10, $0x4;
	v9 =	vor.u32 v0, v9;
	v19 =	vld.idx.msk [tilespmem:v14+s2+$0x0], $0xffff  }
0x78: {  	v20 =	vor.u32 s7, v1;
	v11 =	vshll.u32 v11, $0x4;
	v21 =	vor.u32 v0, v10;
	v14 =	vld.idx.msk [tilespmem:v14+s12+$0x0], $0xffff  }
0x79: {  	v10 =	vshll.u32 v12, $0x4;
	v11 =	vor.u32 v0, v11;
	v22 =	vld.idx.msk [tilespmem:v15+s2+$0x0], $0xffff  }
0x7a: {  	v10 =	vor.u32 v0, v10;
	v12 =	vshll.u32 v13, $0x4;
	v24 =	vld.idx.msk [tilespmem:v15+s12+$0x0], $0xffff  }
0x7b: {  	v26 =	vand.u32 v7, v10;
	v10 =	vshll.u32 v16, $0x4;
	v27 =	vor.u32 v0, v12;
	v25 =	vld.idx.msk [tilespmem:v18+s2+$0x0], $0xffff  }
0x7c: {  	v28 =	vand.u32 v7, v11;
	v11 =	vor.u32 v0, v10;
	v13 =	vshll.u32 v17, $0x4;
	v12 =	vld.idx.msk [tilespmem:v18+s12+$0x0], $0xffff  }
.Ltmp5:
0x7d: {  	v16 =	vand.u32 v7, v11;
	v17 =	vor.u32 v0, v13;
	v13 =	vshll.u32 v19, $0x4;
	v10 =	vld.idx.msk [tilespmem:v20+s12+$0x0], $0xffff;
	(pc) =	sbr.rel @p0 .LBB2_5-.Ltmp5, $4  }
0x7e: {  	v15 =	vand.u32 v7, v21;
	v19 =	vor.u32 v0, v13;
	v14 =	vshll.u32 v14, $0x4;
	v11 =	vld.idx.msk [tilespmem:v20+s2+$0x0], $0xffff  }
0x7f: {  	v18 =	vand.u32 v7, v27;
	v14 =	vor.u32 v0, v14;
	v20 =	vshll.u32 v22, $0x4;
	v13 =	vld.idx.msk [tilespmem:v23+s12+$0x0], $0xffff  }
0x80: {  	v17 =	vand.u32 v7, v17;
	v14 =	vand.u32 v7, v14;
	v22 =	vshll.u32 v24, $0x4;
	[tilespmem:v26+s13+$0x0] =	vst.idx.add.s32.msk $0xffff, v8  }
0x81: {  	s8 =	smov.u32 s3;
	v19 =	vand.u32 v7, v19;
	v21 =	vor.u32 v0, v20;
	v20 =	vshll.u32 v25, $0x4;
	[tilespmem:v28+s14+$0x0] =	vst.idx.add.s32.msk $0xffff, v8  }
0x82: {  	_ =	sdelay $0x3  }
0x83: {  	[tilespmem:v16+s13+$0x0] =	vst.idx.add.s32.msk $0xffff, v8  }
0x84: {  	v61 =	vor.u32 v0, v22;
	[tilespmem:v15+s14+$0x0] =	vst.idx.add.s32.msk $0xffff, v8;
	v15 =	vand.u32 v7, v21  }
0x85: {  	v62 =	vor.u32 v0, v20;
	v12 =	vshll.u32 v12, $0x4;
	v16 =	vand.u32 v7, v61;
	[tilespmem:v18+s13+$0x0] =	vst.idx.add.s32.msk $0xffff, v8  }
0x86: {  	v63 =	vand.u32 v7, v62;
	v12 =	vor.u32 v0, v12;
	[tilespmem:v17+s14+$0x0] =	vst.idx.add.s32.msk $0xffff, v8  }
0x87: {  	v12 =	vand.u32 v7, v12;
	v13 =	vshll.u32 v13, $0x4;
	[tilespmem:v19+s13+$0x0] =	vst.idx.add.s32.msk $0xffff, v8  }
0x88: {  	v9 =	vand.u32 v7, v9;
	v11 =	vshll.u32 v11, $0x4;
	v13 =	vor.u32 v0, v13;
	[tilespmem:v14+s14+$0x0] =	vst.idx.add.s32.msk $0xffff, v8  }
0x89: {  	v10 =	vshll.u32 v10, $0x4;
	v11 =	vor.u32 v0, v11;
	v13 =	vand.u32 v7, v13;
	[tilespmem:v15+s13+$0x0] =	vst.idx.add.s32.msk $0xffff, v8  }
0x8a: {  	v10 =	vor.u32 v0, v10;
	v11 =	vand.u32 v7, v11;
	[tilespmem:v16+s14+$0x0] =	vst.idx.add.s32.msk $0xffff, v8  }
0x8b: {  	v10 =	vand.u32 v7, v10;
	[tilespmem:v63+s13+$0x0] =	vst.idx.add.s32.msk $0xffff, v8  }
0x8c: {  	[tilespmem:v12+s14+$0x0] =	vst.idx.add.s32.msk $0xffff, v8  }
0x8d: {  	[tilespmem:v9+s13+$0x0] =	vst.idx.add.s32.msk $0xffff, v8  }
0x8e: {  	[tilespmem:v13+s14+$0x0] =	vst.idx.add.s32.msk $0xffff, v8  }
0x8f: {  	[tilespmem:v11+s13+$0x0] =	vst.idx.add.s32.msk $0xffff, v8  }
0x90: {  	s3 =	simm.s32 $0xA020;
	[tilespmem:v10+s14+$0x0] =	vst.idx.add.s32.msk $0xffff, v8  }
0x91: {  	v9 =	vld [tilespmem:s3+$0xFFFFFFE0]  }
0x92: {  	s7 =	simm.s32 $0xB020  }
0x93: {  	v10 =	vld [tilespmem:s7+$0xFFFFFFE0]  }
0x94: {  	v11 =	vld [tilespmem:s3+$0xFFFFFFF0]  }
0x95: {  	v12 =	vld [tilespmem:s7+$0xFFFFFFF0]  }
0x96: {  	v13 =	vld [tilespmem:s3+$0x0];
	(xrf0) =	vadd.scan.msk.s32 $0xffff, v9  }
0x97: {  	v14 =	vld [tilespmem:s7+$0x0]  }
0x98: {  	v9 =	vld [tilespmem:s3+$0x10];
	(xrf0) =	vadd.scan.msk.s32 $0xffff, v10  }
0x99: {  	s24 =	simm.s32 $0xA060;
	v10 =	vld [tilespmem:s7+$0x10];
	(xrf0) =	vadd.scan.msk.s32 $0xffff, v11  }
0x9a: {  	s26 =	simm.s32 $0xB060;
	v11 =	vld [tilespmem:s24+$0xFFFFFFE0];
	(xrf0) =	vadd.scan.msk.s32 $0xffff, v12  }
0x9b: {  	v12 =	vld [tilespmem:s26+$0xFFFFFFE0];
	(xrf0) =	vadd.scan.msk.s32 $0xffff, v13  }
0x9c: {  	v13 =	vld [tilespmem:s24+$0xFFFFFFF0];
	(xrf0) =	vadd.scan.msk.s32 $0xffff, v14;
	v14, _, _ =	vpop (xrf0)  }
0x9d: {  	(xrf0) =	vadd.scan.msk.s32 $0xffff, v9;
	v9 =	vld [tilespmem:s26+$0xFFFFFFF0];
	(v2sf) =	vpush v14, $0xF  }
0x9e: {  	v14, _, _ =	vpop (xrf0);
	(xrf0) =	vadd.scan.msk.s32 $0xffff, v10;
	v10 =	vld [tilespmem:s24+$0x0]  }
0x9f: {  	v15 =	vld [tilespmem:s26+$0x0];
	(v2sf) =	vpush v14, $0xF;
	v14, _, _ =	vpop (xrf0);
	(xrf0) =	vadd.scan.msk.s32 $0xffff, v11  }
0xa0: {  	(v2sf) =	vpush v14, $0xF;
	v11, _, _ =	vpop (xrf0);
	v14 =	vld [tilespmem:s24+$0x10];
	(xrf0) =	vadd.scan.msk.s32 $0xffff, v12  }
0xa1: {  	v12 =	vld [tilespmem:s26+$0x10];
	(v2sf) =	vpush v11, $0xF;
	v11, _, _ =	vpop (xrf0);
	(xrf0) =	vadd.scan.msk.s32 $0xffff, v13  }
0xa2: {  	s8 =	simm.s32 $0xA0A0;
	(v2sf) =	vpush v11, $0xF;
	v11, _, _ =	vpop (xrf0);
	(xrf0) =	vadd.scan.msk.s32 $0xffff, v9  }
0xa3: {  	s11 =	simm.s32 $0xB0A0;
	(v2sf) =	vpush v11, $0xF;
	v9, _, _ =	vpop (xrf0);
	v11 =	vld [tilespmem:s8+$0xFFFFFFE0];
	(xrf0) =	vadd.scan.msk.s32 $0xffff, v10  }
0xa4: {  	v10 =	vld [tilespmem:s11+$0xFFFFFFE0];
	(v2sf) =	vpush v9, $0xF;
	v9, _, _ =	vpop (xrf0);
	(xrf0) =	vadd.scan.msk.s32 $0xffff, v15  }
0xa5: {  	(v2sf) =	vpush v9, $0xF;
	v9 =	vld [tilespmem:s8+$0xFFFFFFF0];
	v13, _, _ =	vpop (xrf0);
	(xrf0) =	vadd.scan.msk.s32 $0xffff, v14  }
0xa6: {  	v14 =	vld [tilespmem:s11+$0xFFFFFFF0];
	(v2sf) =	vpush v13, $0xF;
	v13, _, _ =	vpop (xrf0);
	(xrf0) =	vadd.scan.msk.s32 $0xffff, v12  }
0xa7: {  	v12 =	vld [tilespmem:s8+$0x0];
	(v2sf) =	vpush v13, $0xF;
	v13, _, _ =	vpop (xrf0)  }
0xa8: {  	v15 =	vld [tilespmem:s11+$0x0];
	(xrf0) =	vadd.scan.msk.s32 $0xffff, v11;
	(v2sf) =	vpush v13, $0xF;
	v11, _, _ =	vpop (xrf0)  }
0xa9: {  	(xrf0) =	vadd.scan.msk.s32 $0xffff, v10;
	(v2sf) =	vpush v11, $0xF;
	v10, _, _ =	vpop (xrf0)  }
0xaa: {  	s3 =	simm.s32 $0xA0E0;
	v11 =	vld [tilespmem:s8+$0x10];
	(xrf0) =	vadd.scan.msk.s32 $0xffff, v9;
	(v2sf) =	vpush v10, $0xF;
	v9, _, _ =	vpop (xrf0)  }
0xab: {  	v13 =	vld [tilespmem:s3+$0xFFFFFFE0];
	(xrf0) =	vadd.scan.msk.s32 $0xffff, v14;
	(v2sf) =	vpush v9, $0xF;
	v9, _, _ =	vpop (xrf0)  }
0xac: {  	s8 =	simm.s32 $0xB0E0;
	v10 =	vld [tilespmem:s11+$0x10];
	(xrf0) =	vadd.scan.msk.s32 $0xffff, v12;
	(v2sf) =	vpush v9, $0xF;
	v9, _, _ =	vpop (xrf0);
	s24 =	spop (v2sf)  }
0xad: {  	v14 =	vld [tilespmem:s8+$0xFFFFFFE0];
	(xrf0) =	vadd.scan.msk.s32 $0xffff, v15;
	(v2sf) =	vpush v9, $0xF;
	[smem:$0x0] =	sst s24  }
0xae: {  	s7 =	spop (v2sf)  }
0xaf: {  	v15 =	vld [tilespmem:s3+$0xFFFFFFF0];
	v12, _, _ =	vpop (xrf0);
	(xrf0) =	vadd.scan.msk.s32 $0xffff, v11;
	[smem:$0x100] =	sst s7  }
0xb0: {  	s7 =	spop (v2sf)  }
0xb1: {  	v9 =	vld [tilespmem:s8+$0xFFFFFFF0];
	(v2sf) =	vpush v12, $0xF;
	v11, _, _ =	vpop (xrf0);
	(xrf0) =	vadd.scan.msk.s32 $0xffff, v10;
	[smem:$0x1] =	sst s7  }
0xb2: {  	s7 =	spop (v2sf)  }
0xb3: {  	v10 =	vld [tilespmem:s3+$0x0];
	(v2sf) =	vpush v11, $0xF;
	v12, _, _ =	vpop (xrf0);
	[smem:$0x101] =	sst s7  }
0xb4: {  	(xrf0) =	vadd.scan.msk.s32 $0xffff, v13;
	(v2sf) =	vpush v12, $0xF;
	v13, _, _ =	vpop (xrf0)  }
0xb5: {  	s26 =	simm.s32 $0x2;
	s11 =	spop (v2sf);
	(xrf0) =	vadd.scan.msk.s32 $0xffff, v14;
	(v2sf) =	vpush v13, $0xF;
	v14, _, _ =	vpop (xrf0)  }
0xb6: {  	[smem:s26] =	sst s11;
	s11 =	spop (v2sf);
	(v2sf) =	vpush v14, $0xF  }
0xb7: {  	_ = 	snop  }
0xb8: {  	s24 =	simm.s32 $0x102;
	v11 =	vld [tilespmem:s8+$0x0]  }
0xb9: {  	v12 =	vld [tilespmem:s3+$0x10];
	[smem:s24] =	sst s11;
	s26 =	spop (v2sf)  }
0xba: {  	s28 =	simm.s32 $0xC;
	v13 =	vld [tilespmem:s8+$0x10];
	(xrf0) =	vadd.scan.msk.s32 $0xffff, v15;
	v14, _, _ =	vpop (xrf0);
	[smem:$0x3] =	sst s26  }
0xbb: {  	s7 =	simm.s32 $0x106;
	s11 =	simm.s32 $0x6;
	s26 =	spop (v2sf)  }
.LBB2_7:
0xbc: {  	s28 =	sadd.s32 $0x4, s28;
	s3 =	sadd.s32 $0x40, s3;
	(xrf0) =	vadd.scan.msk.s32 $0xffff, v9;
	(v2sf) =	vpush v14, $0xF;
	v9, _, _ =	vpop (xrf0);
	[smem:s24+$0x1] =	sst s26  }
0xbd: {  	s8 =	sadd.s32 $0x40, s8;
	v14 =	vld [tilespmem:s3+$0xFFFFFFE0];
	p0 =	slt.u32 s28, $0xFC;
	(xrf0) =	vadd.scan.msk.s32 $0xffff, v10;
	(v2sf) =	vpush v9, $0xF;
	v9, _, _ =	vpop (xrf0);
	s24 =	spop (v2sf)  }
0xbe: {  	v15 =	vld [tilespmem:s8+$0xFFFFFFE0];
	(xrf0) =	vadd.scan.msk.s32 $0xffff, v11;
	(v2sf) =	vpush v9, $0xF;
	[smem:s11+$0xFFFFFFFE] =	sst s24;
	s26 =	spop (v2sf);
	s24 =	smov.u32 s7  }
0xbf: {  	v16 =	vld [tilespmem:s3+$0xFFFFFFF0];
	v10, _, _ =	vpop (xrf0);
	(xrf0) =	vadd.scan.msk.s32 $0xffff, v12;
	[smem:s7+$0xFFFFFFFE] =	sst s26;
	s26 =	spop (v2sf)  }
0xc0: {  	[smem:s11+$0xFFFFFFFF] =	sst s26  }
.Ltmp6:
0xc1: {  	v9 =	vld [tilespmem:s8+$0xFFFFFFF0];
	(v2sf) =	vpush v10, $0xF;
	v11, _, _ =	vpop (xrf0);
	(xrf0) =	vadd.scan.msk.s32 $0xffff, v13;
	s26 =	spop (v2sf);
	(pc) =	sbr.rel @p0 .LBB2_7-.Ltmp6, $4  }
0xc2: {  	v10 =	vld [tilespmem:s3+$0x0];
	(v2sf) =	vpush v11, $0xF;
	v12, _, _ =	vpop (xrf0);
	[smem:s7+$0xFFFFFFFF] =	sst s26;
	s26 =	spop (v2sf)  }
0xc3: {  	v11 =	vld [tilespmem:s8+$0x0];
	(xrf0) =	vadd.scan.msk.s32 $0xffff, v14;
	(v2sf) =	vpush v12, $0xF;
	v13, _, _ =	vpop (xrf0);
	[smem:s11] =	sst s26;
	s26 =	spop (v2sf)  }
0xc4: {  	s7 =	sadd.s32 $0x4, s7;
	v12 =	vld [tilespmem:s3+$0x10];
	(xrf0) =	vadd.scan.msk.s32 $0xffff, v15;
	(v2sf) =	vpush v13, $0xF;
	v14, _, _ =	vpop (xrf0);
	[smem:s24] =	sst s26;
	s26 =	spop (v2sf)  }
0xc5: {  	v13 =	vld [tilespmem:s8+$0x10];
	(xrf0) =	vadd.scan.msk.s32 $0xffff, v16;
	(v2sf) =	vpush v14, $0xF;
	v14, _, _ =	vpop (xrf0);
	[smem:s11+$0x1] =	sst s26;
	s11 =	sadd.s32 $0x4, s11;
	s26 =	spop (v2sf)  }
0xc6: {  	(xrf0) =	vadd.scan.msk.s32 $0xffff, v9  }
0xc7: {  	(v2sf) =	vpush v14, $0xF;
	v9, _, _ =	vpop (xrf0);
	(xrf0) =	vadd.scan.msk.s32 $0xffff, v10  }
0xc8: {  	(v2sf) =	vpush v9, $0xF;
	v9, _, _ =	vpop (xrf0);
	(xrf0) =	vadd.scan.msk.s32 $0xffff, v11  }
0xc9: {  	[smem:s24+$0x1] =	sst s26;
	s3 =	spop (v2sf);
	(v2sf) =	vpush v9, $0xF;
	v9, _, _ =	vpop (xrf0);
	(xrf0) =	vadd.scan.msk.s32 $0xffff, v12  }
0xca: {  	[smem:s11+$0xFFFFFFFE] =	sst s3;
	s24 =	spop (v2sf);
	(v2sf) =	vpush v9, $0xF;
	v9, _, _ =	vpop (xrf0)  }
0xcb: {  	[smem:s7+$0xFFFFFFFE] =	sst s24;
	s26 =	spop (v2sf);
	(xrf0) =	vadd.scan.msk.s32 $0xffff, v13;
	(v2sf) =	vpush v9, $0xF;
	v9, _, _ =	vpop (xrf0)  }
0xcc: {  	[smem:s11+$0xFFFFFFFF] =	sst s26;
	s28 =	spop (v2sf);
	(v2sf) =	vpush v9, $0xF;
	v9, _, _ =	vpop (xrf0)  }
0xcd: {  	[smem:s7+$0xFFFFFFFF] =	sst s28;
	s8 =	spop (v2sf);
	(v2sf) =	vpush v9, $0xF;
	v9, _, _ =	vpop (xrf0)  }
0xce: {  	[smem:s11] =	sst s8;
	s24 =	spop (v2sf);
	(v2sf) =	vpush v9, $0xF;
	v9, _, _ =	vpop (xrf0)  }
0xcf: {  	[smem:s7] =	sst s24;
	s26 =	spop (v2sf);
	(v2sf) =	vpush v9, $0xF;
	v9, _, _ =	vpop (xrf0)  }
0xd0: {  	[smem:s11+$0x1] =	sst s26;
	s28 =	spop (v2sf);
	(v2sf) =	vpush v9, $0xF  }
0xd1: {  	s8 =	sadd.s32 $0x4, s11;
	[smem:s7+$0x1] =	sst s28;
	v9, _, _ =	vpop (xrf0);
	s11 =	spop (v2sf)  }
0xd2: {  	s7 =	sadd.s32 $0x4, s7;
	(v2sf) =	vpush v9, $0xF;
	[smem:s8+$0xFFFFFFFE] =	sst s11;
	s24 =	spop (v2sf)  }
0xd3: {  	[smem:s7+$0xFFFFFFFE] =	sst s24;
	s26 =	spop (v2sf)  }
0xd4: {  	[smem:s8+$0xFFFFFFFF] =	sst s26;
	s28 =	spop (v2sf)  }
0xd5: {  	[smem:s7+$0xFFFFFFFF] =	sst s28;
	s11 =	spop (v2sf)  }
0xd6: {  	[smem:s8] =	sst s11;
	s24 =	spop (v2sf)  }
0xd7: {  	[smem:s7] =	sst s24;
	s26 =	spop (v2sf)  }
0xd8: {  	[smem:s8+$0x1] =	sst s26;
	s28 =	spop (v2sf)  }
0xd9: {  	s8 =	sadd.s32 $0x4, s8;
	[smem:s7+$0x1] =	sst s28;
	s11 =	spop (v2sf)  }
0xda: {  	s7 =	sadd.s32 $0x4, s7;
	[smem:s8+$0xFFFFFFFE] =	sst s11;
	s24 =	spop (v2sf)  }
0xdb: {  	[smem:s7+$0xFFFFFFFE] =	sst s24;
	s26 =	spop (v2sf)  }
0xdc: {  	[smem:s8+$0xFFFFFFFF] =	sst s26;
	s28 =	spop (v2sf)  }
0xdd: {  	[smem:s7+$0xFFFFFFFF] =	sst s28;
	s11 =	spop (v2sf)  }
0xde: {  	[smem:s8] =	sst s11;
	s24 =	spop (v2sf)  }
0xdf: {  	[smem:s7] =	sst s24;
	s26 =	spop (v2sf)  }
0xe0: {  	p0 =	por $0x1, $0x1;
	[smem:s8+$0x1] =	sst s26  }
.Ltmp7:
0xe1: {  	s28 =	spop (v2sf);
	(pc) =	sbr.rel @!p0 .LBB2_10-.Ltmp7, $4  }
0xe2: {  	[smem:s7+$0x1] =	sst s28  }
0xe3: {  	s24 =	sld [smem:$0x0]  }
0xe4: {  	s3 =	simm.s32 $0x0;
	s7 =	simm.s32 $0x0;
	s26 =	sld [smem:$0x100]  }
0xe5: {  	s11 =	simm.s32 $0x0;
	s8 =	simm.s32 $0x4;
	[smem:s7] =	sst s3  }
.LBB2_9:
0xe6: {  	p0 =	sne.s32 s8, $0x3FC  }
0xe7: {  	[smem:s7+$0x100] =	sst s3;
	s11 =	sadd.s32 s11, s24;
	s7 =	smov.u32 s8  }
.Ltmp8:
0xe8: {  	s8 =	sadd.s32 $0x4, s8;
	s3 =	sadd.s32 s3, s26;
	(pc) =	sbr.rel @p0 .LBB2_9-.Ltmp8, $4  }
0xe9: {  	s7 =	sshra.s32 s7, $0x2  }
0xea: {  	s24 =	sld [smem:s7+$0x0]  }
0xeb: {  	s26 =	sld [smem:s7+$0x100]  }
0xec: {  	[smem:s7] =	sst s11  }
.LBB2_10:
0xed: {  	s24 =	simm.s32 $0xA020  }
0xee: {  	s8 =	simm.s32 $0xB020;
	v9 =	vld [tilespmem:s24+$0xFFFFFFE0]  }
0xef: {  	v10 =	vld [tilespmem:s8+$0xFFFFFFE0];
	_ =	sdelay $0x3  }
0xf0: {  	(xrf0) =	vadd.scan.msk.s32 $0xffff, v9  }
0xf1: {  	(xrf0) =	vadd.scan.msk.s32 $0xffff, v10;
	_ =	sdelay $0x2  }
0xf2: {  	[smem:s7+$0x100] =	sst s3  }
0xf3: {  	s3 =	sld [smem:$0x0]  }
0xf4: {  	s11 =	sld [smem:$0x100];
	v11, _, _ =	vpop (xrf0)  }
0xf5: {  	v9 =	vsub.s32 v11, v9;
	v11, _, _ =	vpop (xrf0)  }
0xf6: {  	v9 =	vadd.s32 s3, v9;
	v10 =	vsub.s32 v11, v10  }
0xf7: {  	[tilespmem:s24+$0xFFFFFFE0] =	vst v9;
	v9 =	vadd.s32 s11, v10  }
0xf8: {  	[tilespmem:s8+$0xFFFFFFE0] =	vst v9  }
0xf9: {  	v9 =	vld [tilespmem:s24+$0xFFFFFFF0]  }
0xfa: {  	v10 =	vld [tilespmem:s8+$0xFFFFFFF0];
	_ =	sdelay $0x3  }
0xfb: {  	(xrf0) =	vadd.scan.msk.s32 $0xffff, v9  }
0xfc: {  	(xrf0) =	vadd.scan.msk.s32 $0xffff, v10;
	_ =	sdelay $0x3  }
0xfd: {  	s26 =	sld [smem:$0x1]  }
0xfe: {  	s28 =	sld [smem:$0x101];
	v11, _, _ =	vpop (xrf0)  }
0xff: {  	v9 =	vsub.s32 v11, v9;
	v11, _, _ =	vpop (xrf0)  }
0x100: {  	v9 =	vadd.s32 s26, v9;
	v10 =	vsub.s32 v11, v10  }
0x101: {  	[tilespmem:s24+$0xFFFFFFF0] =	vst v9;
	v9 =	vadd.s32 s28, v10  }
0x102: {  	[tilespmem:s8+$0xFFFFFFF0] =	vst v9  }
0x103: {  	v9 =	vld [tilespmem:s24+$0x0]  }
0x104: {  	v10 =	vld [tilespmem:s8+$0x0];
	_ =	sdelay $0x3  }
0x105: {  	(xrf0) =	vadd.scan.msk.s32 $0xffff, v9  }
0x106: {  	(xrf0) =	vadd.scan.msk.s32 $0xffff, v10;
	_ =	sdelay $0x3  }
0x107: {  	s7 =	sld [smem:$0x2]  }
0x108: {  	s11 =	sld [smem:$0x102];
	v11, _, _ =	vpop (xrf0)  }
0x109: {  	v9 =	vsub.s32 v11, v9;
	v11, _, _ =	vpop (xrf0)  }
0x10a: {  	v9 =	vadd.s32 s7, v9;
	v10 =	vsub.s32 v11, v10  }
0x10b: {  	[tilespmem:s24+$0x0] =	vst v9;
	v9 =	vadd.s32 s11, v10  }
0x10c: {  	[tilespmem:s8+$0x0] =	vst v9;
	v9 =	vld [tilespmem:s8+$0x10]  }
0x10d: {  	v10 =	vld [tilespmem:s24+$0x10];
	_ =	sdelay $0x3  }
0x10e: {  	(xrf0) =	vadd.scan.msk.s32 $0xffff, v9  }
0x10f: {  	(xrf0) =	vadd.scan.msk.s32 $0xffff, v10;
	_ =	sdelay $0x4  }
0x110: {  	s26 =	sld [smem:$0x3];
	v11, _, _ =	vpop (xrf0)  }
0x111: {  	s28 =	sld [smem:$0x103];
	v12, _, _ =	vpop (xrf0)  }
0x112: {  	v10 =	vsub.s32 v12, v10  }
0x113: {  	v9 =	vsub.s32 v11, v9;
	v10 =	vadd.s32 s26, v10  }
0x114: {  	s3 =	simm.s32 $0x0;
	s7 =	simm.s32 $0x106;
	s11 =	simm.s32 $0x6;
	[tilespmem:s24+$0x10] =	vst v10;
	v9 =	vadd.s32 s28, v9  }
.LBB2_11:
0x115: {  	s3 =	sadd.s32 $0x4, s3;
	[tilespmem:s8+$0x10] =	vst v9;
	s8 =	sadd.s32 $0x40, s8;
	s24 =	sadd.s32 $0x40, s24  }
0x116: {  	v9 =	vld [tilespmem:s24+$0xFFFFFFE0];
	p0 =	slt.u32 s3, $0xFC  }
0x117: {  	v10 =	vld [tilespmem:s8+$0xFFFFFFE0];
	_ =	sdelay $0x3  }
0x118: {  	(xrf0) =	vadd.scan.msk.s32 $0xffff, v9  }
0x119: {  	(xrf0) =	vadd.scan.msk.s32 $0xffff, v10;
	_ =	sdelay $0x3  }
0x11a: {  	s26 =	sld [smem:s11+$0xFFFFFFFE]  }
0x11b: {  	s28 =	sld [smem:s7+$0xFFFFFFFE];
	v11, _, _ =	vpop (xrf0)  }
0x11c: {  	v9 =	vsub.s32 v11, v9;
	v11, _, _ =	vpop (xrf0)  }
0x11d: {  	v9 =	vadd.s32 s26, v9;
	v10 =	vsub.s32 v11, v10  }
0x11e: {  	[tilespmem:s24+$0xFFFFFFE0] =	vst v9;
	v9 =	vadd.s32 s28, v10  }
0x11f: {  	[tilespmem:s8+$0xFFFFFFE0] =	vst v9  }
0x120: {  	v9 =	vld [tilespmem:s24+$0xFFFFFFF0]  }
0x121: {  	v10 =	vld [tilespmem:s8+$0xFFFFFFF0];
	_ =	sdelay $0x3  }
0x122: {  	(xrf0) =	vadd.scan.msk.s32 $0xffff, v9  }
0x123: {  	(xrf0) =	vadd.scan.msk.s32 $0xffff, v10;
	_ =	sdelay $0x3  }
0x124: {  	s26 =	sld [smem:s11+$0xFFFFFFFF]  }
0x125: {  	s28 =	sld [smem:s7+$0xFFFFFFFF];
	v11, _, _ =	vpop (xrf0)  }
0x126: {  	v9 =	vsub.s32 v11, v9;
	v11, _, _ =	vpop (xrf0)  }
0x127: {  	v9 =	vadd.s32 s26, v9;
	v10 =	vsub.s32 v11, v10  }
0x128: {  	[tilespmem:s24+$0xFFFFFFF0] =	vst v9;
	v9 =	vadd.s32 s28, v10  }
0x129: {  	[tilespmem:s8+$0xFFFFFFF0] =	vst v9  }
0x12a: {  	v9 =	vld [tilespmem:s24+$0x0]  }
0x12b: {  	v10 =	vld [tilespmem:s8+$0x0];
	_ =	sdelay $0x3  }
0x12c: {  	(xrf0) =	vadd.scan.msk.s32 $0xffff, v9  }
0x12d: {  	(xrf0) =	vadd.scan.msk.s32 $0xffff, v10;
	_ =	sdelay $0x3  }
0x12e: {  	s26 =	sld [smem:s11+$0x0]  }
0x12f: {  	s28 =	sld [smem:s7+$0x0];
	v11, _, _ =	vpop (xrf0)  }
0x130: {  	v9 =	vsub.s32 v11, v9;
	v11, _, _ =	vpop (xrf0)  }
0x131: {  	v9 =	vadd.s32 s26, v9;
	v10 =	vsub.s32 v11, v10  }
0x132: {  	[tilespmem:s24+$0x0] =	vst v9;
	v9 =	vadd.s32 s28, v10  }
0x133: {  	[tilespmem:s8+$0x0] =	vst v9;
	v9 =	vld [tilespmem:s8+$0x10]  }
0x134: {  	v10 =	vld [tilespmem:s24+$0x10];
	_ =	sdelay $0x3  }
0x135: {  	(xrf0) =	vadd.scan.msk.s32 $0xffff, v9  }
0x136: {  	(xrf0) =	vadd.scan.msk.s32 $0xffff, v10;
	_ =	sdelay $0x4  }
.Ltmp9:
0x137: {  	s26 =	sld [smem:s11+$0x1];
	v11, _, _ =	vpop (xrf0);
	(pc) =	sbr.rel @p0 .LBB2_11-.Ltmp9, $4  }
0x138: {  	v9 =	vsub.s32 v11, v9;
	s28 =	sld [smem:s7+$0x1];
	v11, _, _ =	vpop (xrf0)  }
0x139: {  	v10 =	vsub.s32 v11, v10  }
0x13a: {  	v10 =	vadd.s32 s26, v10  }
0x13b: {  	s11 =	sadd.s32 $0x4, s11;
	s7 =	sadd.s32 $0x4, s7;
	[tilespmem:s24+$0x10] =	vst v10;
	v9 =	vadd.s32 s28, v9;
	s28 =	simm.s32 $0x0  }
0x13c: {  	[tilespmem:s8+$0x10] =	vst v9  }
.LBB2_13:
0x13d: {  	v9 =	vor.u32 s28, v1  }
0x13e: {  	s3 =	sadd.s32 $0x1, s28  }
0x13f: {  	v10 =	vor.u32 s3, v1  }
0x140: {  	s24 =	sadd.s32 $0x2, s28  }
0x141: {  	v11 =	vor.u32 s24, v1  }
0x142: {  	s26 =	sadd.s32 $0x3, s28;
	v12 =	vld.idx.msk [tilespmem:v9+s2+$0x0], $0xffff  }
0x143: {  	v14 =	vor.u32 s26, v1;
	v15 =	vld.idx.msk [tilespmem:v9+s12+$0x0], $0xffff  }
0x144: {  	v13 =	vld.idx.msk [tilespmem:v10+s2+$0x0], $0xffff  }
0x145: {  	v10 =	vld.idx.msk [tilespmem:v10+s12+$0x0], $0xffff  }
0x146: {  	v16 =	vld.idx.msk [tilespmem:v11+s2+$0x0], $0xffff  }
0x147: {  	v11 =	vld.idx.msk [tilespmem:v11+s12+$0x0], $0xffff  }
0x148: {  	v17 =	vld.idx.msk [tilespmem:v14+s2+$0x0], $0xffff  }
0x149: {  	v14 =	vld.idx.msk [tilespmem:v14+s12+$0x0], $0xffff;
	_ =	sdelay $0x1  }
0x14a: {  	v9 =	vor.u32 v2, v9;
	v20 =	vshll.u32 v12, $0x4  }
0x14b: {  	v24 =	vshll.u32 v15, $0x4;
	v18 =	vshll.u32 v13, $0x4;
	v19 =	vshll.u32 v10, $0x4  }
0x14c: {  	v20 =	vand.u32 $0xFF0, v20;
	v22 =	vshll.u32 v16, $0x4;
	v25 =	vshll.u32 v11, $0x4  }
0x14d: {  	v26 =	vshll.u32 v17, $0x4;
	v24 =	vand.u32 $0xFF0, v24;
	v29 =	vshll.u32 v14, $0x4  }
0x14e: {  	v18 =	vand.u32 $0xFF0, v18;
	v19 =	vand.u32 $0xFF0, v19;
	v22 =	vand.u32 $0xFF0, v22  }
0x14f: {  	v25 =	vand.u32 $0xFF0, v25;
	v26 =	vand.u32 $0xFF0, v26;
	v30 =	vor.u32 v0, v20  }
0x150: {  	v32 =	vor.u32 v0, v24;
	v29 =	vand.u32 $0xFF0, v29;
	v21 =	vor.u32 v0, v18  }
0x151: {  	v23 =	vor.u32 v0, v19;
	v27 =	vor.u32 v0, v22;
	v28 =	vor.u32 v0, v25  }
0x152: {  	vm0 =	veq.s32 v18, v20;
	vm5 =	veq.s32 v19, v24;
	vm6 =	veq.s32 v22, v20  }
0x153: {  	v37 =	vor.u32 v0, v26;
	vm7 =	veq.s32 v25, v24;
	v40 =	vor.u32 v0, v29  }
0x154: {  	vm8 =	veq.s32 v22, v18;
	vm9 =	veq.s32 v25, v19;
	vm10 =	veq.s32 v26, v20;
	v42 =	vld.idx.msk [tilespmem:v30+s13+$0x0], $0xffff  }
0x155: {  	vm11 =	veq.s32 v29, v24;
	vm12 =	veq.s32 v26, v18;
	vm13 =	veq.s32 v29, v19;
	v43 =	vld.idx.msk [tilespmem:v32+s14+$0x0], $0xffff  }
0x156: {  	vm14 =	veq.s32 v26, v22;
	vm15 =	veq.s32 v29, v25;
	v34 =	vsel vm0, $0x1, v6;
	v39 =	vld.idx.msk [tilespmem:v28+s14+$0x0], $0xffff  }
0x157: {  	v35 =	vsel vm5, $0x1, v6;
	v38 =	vsel vm6, $0x1, v6;
	v41 =	vsel vm7, $0x1, v6;
	v36 =	vld.idx.msk [tilespmem:v27+s13+$0x0], $0xffff  }
0x158: {  	v56 =	vsel vm8, $0x1, v6;
	v57 =	vsel vm9, $0x1, v6;
	v59 =	vsel vm10, $0x1, v6  }
0x159: {  	v61 =	vsel vm11, $0x1, v6;
	v44 =	vsel vm13, $0x1, v6;
	v26 =	vsel vm14, $0x1, v6;
	v31 =	vld.idx.msk [tilespmem:v21+s13+$0x0], $0xffff  }
0x15a: {  	v51 =	vsel vm15, $0x1, v6;
	v58 =	vadd.s32 v56, v38;
	v60 =	vadd.s32 v57, v41;
	v33 =	vld.idx.msk [tilespmem:v23+s14+$0x0], $0xffff  }
0x15b: {  	v41 =	vshrl.u32 v42, $0x8;
	v63 =	vadd.s32 v39, v60;
	v39 =	vshll.u32 v42, $0x4  }
0x15c: {  	v62 =	vadd.s32 v36, v58;
	v42 =	vshll.u32 v43, $0x4;
	v19 =	vand.u32 $0xFF0, v39  }
0x15d: {  	v43 =	vshrl.u32 v43, $0x8;
	v36 =	vand.u32 $0xFF0, v42;
	v19 =	vor.u32 v41, v19  }
0x15e: {  	v38 =	vsel vm12, $0x1, v6;
	v31 =	vadd.s32 v34, v31;
	v45 =	vor.u32 v43, v36  }
0x15f: {  	v50 =	vadd.s32 v44, v61;
	v33 =	vadd.s32 v35, v33;
	v46 =	vshll.u32 v31, $0x4  }
0x160: {  	v31 =	vshrl.u32 v31, $0x8;
	v48 =	vshll.u32 v33, $0x4;
	v25 =	vand.u32 $0xFF0, v46  }
0x161: {  	v47 =	vld.idx.msk [tilespmem:v37+s13+$0x0], $0xffff;
	v33 =	vshrl.u32 v33, $0x8;
	v36 =	vand.u32 $0xFF0, v48;
	v25 =	vor.u32 v31, v25  }
0x162: {  	v24 =	vadd.s32 v38, v59;
	v49 =	vld.idx.msk [tilespmem:v40+s14+$0x0], $0xffff;
	v52 =	vor.u32 v33, v36;
	[tilespmem:v19+s15+$0x0] =	vst.idx.msk $0xffff, v12  }
0x163: {  	v53 =	vadd.s32 v51, v50;
	v24 =	vadd.s32 v26, v24;
	v54 =	vshll.u32 v62, $0x4;
	[tilespmem:v45+s16+$0x0] =	vst.idx.msk $0xffff, v15  }
0x164: {  	v18 =	vshrl.u32 v62, $0x8;
	v55 =	vshll.u32 v63, $0x4;
	v15 =	vand.u32 $0xFF0, v54;
	[tilespmem:v19+s17+$0x0] =	vst.idx.msk $0xffff, v9  }
0x165: {  	v56 =	vshrl.u32 v63, $0x8;
	v15 =	vor.u32 v18, v15;
	[tilespmem:v45+s18+$0x0] =	vst.idx.msk $0xffff, v9;
	v9 =	vand.u32 $0xFF0, v55  }
0x166: {  	v57 =	vadd.s32 v47, v24;
	[tilespmem:v25+s15+$0x0] =	vst.idx.msk $0xffff, v13;
	v9 =	vor.u32 v56, v9  }
0x167: {  	v58 =	vor.u32 s28, v3;
	v59 =	vadd.s32 v49, v53;
	[tilespmem:v52+s16+$0x0] =	vst.idx.msk $0xffff, v10;
	v10 =	vshll.u32 v57, $0x4  }
0x168: {  	v60 =	vshll.u32 v59, $0x4;
	v18 =	vshrl.u32 v57, $0x8;
	[tilespmem:v25+s17+$0x0] =	vst.idx.msk $0xffff, v58;
	v10 =	vand.u32 $0xFF0, v10  }
0x169: {  	v62 =	vshrl.u32 v59, $0x8;
	v61 =	vand.u32 $0xFF0, v60;
	[tilespmem:v52+s18+$0x0] =	vst.idx.msk $0xffff, v58;
	v10 =	vor.u32 v18, v10  }
0x16a: {  	v12 =	vor.u32 v62, v61;
	[tilespmem:v15+s15+$0x0] =	vst.idx.msk $0xffff, v16  }
0x16b: {  	v63 =	vor.u32 s28, v4;
	[tilespmem:v9+s16+$0x0] =	vst.idx.msk $0xffff, v11  }
0x16c: {  	[tilespmem:v15+s17+$0x0] =	vst.idx.msk $0xffff, v63  }
0x16d: {  	[tilespmem:v9+s18+$0x0] =	vst.idx.msk $0xffff, v63  }
0x16e: {  	[tilespmem:v10+s15+$0x0] =	vst.idx.msk $0xffff, v17  }
0x16f: {  	v9 =	vor.u32 s28, v5;
	[tilespmem:v12+s16+$0x0] =	vst.idx.msk $0xffff, v14  }
0x170: {  	[tilespmem:v10+s17+$0x0] =	vst.idx.msk $0xffff, v9  }
0x171: {  	[tilespmem:v12+s18+$0x0] =	vst.idx.msk $0xffff, v9  }
0x172: {  	[tilespmem:v30+s13+$0x0] =	vst.idx.add.s32.msk $0xffff, v8  }
0x173: {  	[tilespmem:v32+s14+$0x0] =	vst.idx.add.s32.msk $0xffff, v8  }
0x174: {  	p0 =	sne.s32 s28, $0xFC;
	[tilespmem:v21+s13+$0x0] =	vst.idx.add.s32.msk $0xffff, v8  }
.Ltmp10:
0x175: {  	[tilespmem:v23+s14+$0x0] =	vst.idx.add.s32.msk $0xffff, v8;
	(pc) =	sbr.rel @p0 .LBB2_13-.Ltmp10, $4  }
0x176: {  	[tilespmem:v27+s13+$0x0] =	vst.idx.add.s32.msk $0xffff, v8  }
0x177: {  	[tilespmem:v28+s14+$0x0] =	vst.idx.add.s32.msk $0xffff, v8  }
0x178: {  	[tilespmem:v37+s13+$0x0] =	vst.idx.add.s32.msk $0xffff, v8  }
0x179: {  	s28 =	sadd.s32 $0x4, s28;
	[tilespmem:v40+s14+$0x0] =	vst.idx.add.s32.msk $0xffff, v8  }
0x17a: {  	s7 =	simm.s32 $0xA020  }
0x17b: {  	s3 =	simm.s32 $0xB020;
	[tilespmem:s7+$0xFFFFFFE0] =	vst v6  }
0x17c: {  	[tilespmem:s3+$0xFFFFFFE0] =	vst v6  }
0x17d: {  	[tilespmem:s7+$0xFFFFFFF0] =	vst v6  }
0x17e: {  	[tilespmem:s3+$0xFFFFFFF0] =	vst v6  }
0x17f: {  	[tilespmem:s7+$0x0] =	vst v6  }
0x180: {  	[tilespmem:s3+$0x0] =	vst v6  }
0x181: {  	[tilespmem:s7+$0x10] =	vst v6  }
0x182: {  	s8 =	simm.s32 $0xA060;
	s7 =	simm.s32 $0x0;
	[tilespmem:s3+$0x10] =	vst v6  }
.LBB2_15:
0x183: {  	[tilespmem:s8+$0xFFFFFFE0] =	vst v6;
	s3 =	sadd.s32 $0x40, s3  }
0x184: {  	s7 =	sadd.s32 $0x4, s7;
	[tilespmem:s3+$0xFFFFFFE0] =	vst v6  }
0x185: {  	p0 =	slt.u32 s7, $0xFC;
	[tilespmem:s8+$0xFFFFFFF0] =	vst v6  }
.Ltmp11:
0x186: {  	[tilespmem:s3+$0xFFFFFFF0] =	vst v6;
	(pc) =	sbr.rel @p0 .LBB2_15-.Ltmp11, $4  }
0x187: {  	[tilespmem:s8+$0x0] =	vst v6  }
0x188: {  	[tilespmem:s3+$0x0] =	vst v6  }
0x189: {  	[tilespmem:s8+$0x10] =	vst v6  }
0x18a: {  	s8 =	sadd.s32 $0x40, s8;
	[tilespmem:s3+$0x10] =	vst v6  }
0x18b: {  	s3 =	simm.s32 $0x0  }
0x18c: {  	v9 =	vld [tilespmem:s3+$0x1020]  }
0x18d: {  	v10 =	vld [tilespmem:s3+$0x5010]  }
0x18e: {  	v11 =	vld [tilespmem:s3+$0x1010]  }
0x18f: {  	v12 =	vld [tilespmem:s3+$0x5000]  }
0x190: {  	v13 =	vld [tilespmem:s3+$0x1000]  }
0x191: {  	v14 =	vld [tilespmem:s3+$0x5020]  }
0x192: {  	v15 =	vld [tilespmem:s3+$0x1060]  }
0x193: {  	v16 =	vld [tilespmem:s3+$0x1030]  }
0x194: {  	v17 =	vld [tilespmem:s3+$0x5030]  }
0x195: {  	v18 =	vld [tilespmem:s3+$0x1040];
	v13 =	vshrl.u32 v13, $0x4  }
0x196: {  	v19 =	vld [tilespmem:s3+$0x5040];
	v12 =	vshrl.u32 v12, $0x4;
	v13 =	vand.u32 $0xFF0, v13  }
0x197: {  	v20 =	vld [tilespmem:s3+$0x1050];
	v11 =	vshrl.u32 v11, $0x4;
	v12 =	vand.u32 $0xFF0, v12;
	v13 =	vor.u32 v0, v13  }
0x198: {  	v21 =	vld [tilespmem:s3+$0x5050];
	v10 =	vshrl.u32 v10, $0x4;
	v11 =	vand.u32 $0xFF0, v11;
	v12 =	vor.u32 v0, v12  }
0x199: {  	v22 =	vld [tilespmem:s3+$0x5060];
	v9 =	vshrl.u32 v9, $0x4;
	v10 =	vand.u32 $0xFF0, v10;
	v11 =	vor.u32 v0, v11  }
0x19a: {  	v23 =	vld [tilespmem:s3+$0x5070];
	v14 =	vshrl.u32 v14, $0x4;
	v9 =	vand.u32 $0xFF0, v9;
	v10 =	vor.u32 v0, v10  }
0x19b: {  	v24 =	vld [tilespmem:s3+$0x1070];
	v16 =	vshrl.u32 v16, $0x4;
	v14 =	vand.u32 $0xFF0, v14;
	v9 =	vor.u32 v0, v9  }
0x19c: {  	v17 =	vshrl.u32 v17, $0x4;
	v16 =	vand.u32 $0xFF0, v16;
	v46 =	vor.u32 v0, v14;
	[tilespmem:v13+s13+$0x0] =	vst.idx.add.s32.msk $0xffff, v8  }
0x19d: {  	v48 =	vshrl.u32 v18, $0x4;
	v47 =	vand.u32 $0xFF0, v17;
	v49 =	vor.u32 v0, v16;
	[tilespmem:v12+s14+$0x0] =	vst.idx.add.s32.msk $0xffff, v8  }
0x19e: {  	v51 =	vshrl.u32 v19, $0x4;
	v50 =	vand.u32 $0xFF0, v48;
	[tilespmem:v11+s13+$0x0] =	vst.idx.add.s32.msk $0xffff, v8;
	v11 =	vor.u32 v0, v47  }
0x19f: {  	v52 =	vand.u32 $0xFF0, v51;
	[tilespmem:v10+s14+$0x0] =	vst.idx.add.s32.msk $0xffff, v8;
	v10 =	vor.u32 v0, v50  }
0x1a0: {  	v53 =	vshrl.u32 v20, $0x4;
	[tilespmem:v9+s13+$0x0] =	vst.idx.add.s32.msk $0xffff, v8;
	v9 =	vor.u32 v0, v52  }
0x1a1: {  	v55 =	vshrl.u32 v21, $0x4;
	v54 =	vand.u32 $0xFF0, v53;
	[tilespmem:v46+s14+$0x0] =	vst.idx.add.s32.msk $0xffff, v8  }
0x1a2: {  	v56 =	vshrl.u32 v15, $0x4;
	v57 =	vand.u32 $0xFF0, v55;
	v58 =	vor.u32 v0, v54;
	[tilespmem:v49+s13+$0x0] =	vst.idx.add.s32.msk $0xffff, v8  }
0x1a3: {  	v59 =	vshrl.u32 v22, $0x4;
	v14 =	vand.u32 $0xFF0, v56;
	v60 =	vor.u32 v0, v57;
	[tilespmem:v11+s14+$0x0] =	vst.idx.add.s32.msk $0xffff, v8  }
0x1a4: {  	v62 =	vshrl.u32 v24, $0x4;
	v61 =	vand.u32 $0xFF0, v59;
	v11 =	vor.u32 v0, v14;
	[tilespmem:v10+s13+$0x0] =	vst.idx.add.s32.msk $0xffff, v8  }
0x1a5: {  	v63 =	vand.u32 $0xFF0, v62;
	v10 =	vor.u32 v0, v61;
	[tilespmem:v9+s14+$0x0] =	vst.idx.add.s32.msk $0xffff, v8;
	v9 =	vshrl.u32 v23, $0x4  }
0x1a6: {  	v14 =	vor.u32 v0, v63;
	v9 =	vand.u32 $0xFF0, v9  }
0x1a7: {  	[tilespmem:v58+s13+$0x0] =	vst.idx.add.s32.msk $0xffff, v8;
	v9 =	vor.u32 v0, v9  }
0x1a8: {  	[tilespmem:v60+s14+$0x0] =	vst.idx.add.s32.msk $0xffff, v8  }
0x1a9: {  	[tilespmem:v11+s13+$0x0] =	vst.idx.add.s32.msk $0xffff, v8  }
0x1aa: {  	[tilespmem:v10+s14+$0x0] =	vst.idx.add.s32.msk $0xffff, v8  }
0x1ab: {  	s3 =	simm.s32 $0x200;
	[tilespmem:v14+s13+$0x0] =	vst.idx.add.s32.msk $0xffff, v8  }
.LBB2_17:
0x1ac: {  	s7 =	sshra.s32 s3, $0x2;
	p0 =	sne.s32 s3, $0x3E00;
	s3 =	sadd.s32 $0x200, s3;
	[tilespmem:v9+s14+$0x0] =	vst.idx.add.s32.msk $0xffff, v8  }
0x1ad: {  	v9 =	vld [tilespmem:s7+$0x1020]  }
0x1ae: {  	v10 =	vld [tilespmem:s7+$0x5010]  }
0x1af: {  	v11 =	vld [tilespmem:s7+$0x1010]  }
0x1b0: {  	v12 =	vld [tilespmem:s7+$0x5000]  }
0x1b1: {  	v13 =	vld [tilespmem:s7+$0x1000]  }
0x1b2: {  	v14 =	vld [tilespmem:s7+$0x5020];
	v9 =	vshrl.u32 v9, $0x4  }
0x1b3: {  	v15 =	vld [tilespmem:s7+$0x1060];
	v10 =	vshrl.u32 v10, $0x4;
	v9 =	vand.u32 $0xFF0, v9  }
0x1b4: {  	v16 =	vld [tilespmem:s7+$0x1030];
	v11 =	vshrl.u32 v11, $0x4;
	v10 =	vand.u32 $0xFF0, v10  }
0x1b5: {  	v17 =	vld [tilespmem:s7+$0x5030];
	v12 =	vshrl.u32 v12, $0x4;
	v11 =	vand.u32 $0xFF0, v11  }
0x1b6: {  	v18 =	vld [tilespmem:s7+$0x1040];
	v13 =	vshrl.u32 v13, $0x4;
	v12 =	vand.u32 $0xFF0, v12  }
0x1b7: {  	v19 =	vld [tilespmem:s7+$0x5040];
	v13 =	vand.u32 $0xFF0, v13;
	v14 =	vshrl.u32 v14, $0x4  }
0x1b8: {  	v20 =	vld [tilespmem:s7+$0x1050];
	v13 =	vor.u32 v0, v13;
	v14 =	vand.u32 $0xFF0, v14;
	v15 =	vshrl.u32 v15, $0x4  }
0x1b9: {  	v12 =	vor.u32 v0, v12;
	v21 =	vld [tilespmem:s7+$0x5050];
	v16 =	vshrl.u32 v16, $0x4;
	v15 =	vand.u32 $0xFF0, v15  }
0x1ba: {  	v11 =	vor.u32 v0, v11;
	v22 =	vld [tilespmem:s7+$0x5060];
	v16 =	vand.u32 $0xFF0, v16;
	v17 =	vshrl.u32 v17, $0x4  }
0x1bb: {  	v10 =	vor.u32 v0, v10;
	v23 =	vld [tilespmem:s7+$0x5070];
	v17 =	vand.u32 $0xFF0, v17;
	v18 =	vshrl.u32 v18, $0x4  }
0x1bc: {  	v9 =	vor.u32 v0, v9;
	v24 =	vld [tilespmem:s7+$0x1070];
	v18 =	vand.u32 $0xFF0, v18;
	v19 =	vshrl.u32 v19, $0x4  }
0x1bd: {  	[tilespmem:v13+s13+$0x0] =	vst.idx.add.s32.msk $0xffff, v8;
	v13 =	vor.u32 v0, v14;
	v14 =	vand.u32 $0xFF0, v19;
	v19 =	vshrl.u32 v20, $0x4  }
0x1be: {  	[tilespmem:v12+s14+$0x0] =	vst.idx.add.s32.msk $0xffff, v8;
	v12 =	vor.u32 v0, v16;
	v16 =	vand.u32 $0xFF0, v19;
	v19 =	vshrl.u32 v21, $0x4  }
0x1bf: {  	[tilespmem:v11+s13+$0x0] =	vst.idx.add.s32.msk $0xffff, v8;
	v11 =	vor.u32 v0, v17;
	v17 =	vand.u32 $0xFF0, v19;
	v19 =	vshrl.u32 v22, $0x4  }
0x1c0: {  	[tilespmem:v10+s14+$0x0] =	vst.idx.add.s32.msk $0xffff, v8;
	v10 =	vor.u32 v0, v18;
	v18 =	vand.u32 $0xFF0, v19;
	v19 =	vshrl.u32 v23, $0x4  }
0x1c1: {  	[tilespmem:v9+s13+$0x0] =	vst.idx.add.s32.msk $0xffff, v8;
	v9 =	vor.u32 v0, v14;
	v14 =	vshrl.u32 v24, $0x4;
	v19 =	vand.u32 $0xFF0, v19  }
0x1c2: {  	[tilespmem:v13+s14+$0x0] =	vst.idx.add.s32.msk $0xffff, v8;
	v13 =	vor.u32 v0, v16;
	v14 =	vand.u32 $0xFF0, v14  }
0x1c3: {  	[tilespmem:v12+s13+$0x0] =	vst.idx.add.s32.msk $0xffff, v8;
	v12 =	vor.u32 v0, v17  }
0x1c4: {  	[tilespmem:v11+s14+$0x0] =	vst.idx.add.s32.msk $0xffff, v8;
	v11 =	vor.u32 v0, v15  }
0x1c5: {  	[tilespmem:v10+s13+$0x0] =	vst.idx.add.s32.msk $0xffff, v8;
	v10 =	vor.u32 v0, v18  }
0x1c6: {  	v14 =	vor.u32 v0, v14;
	[tilespmem:v9+s14+$0x0] =	vst.idx.add.s32.msk $0xffff, v8  }
.Ltmp12:
0x1c7: {  	v9 =	vor.u32 v0, v19;
	[tilespmem:v13+s13+$0x0] =	vst.idx.add.s32.msk $0xffff, v8;
	(pc) =	sbr.rel @p0 .LBB2_17-.Ltmp12, $4  }
0x1c8: {  	[tilespmem:v12+s14+$0x0] =	vst.idx.add.s32.msk $0xffff, v8  }
0x1c9: {  	[tilespmem:v11+s13+$0x0] =	vst.idx.add.s32.msk $0xffff, v8  }
0x1ca: {  	[tilespmem:v10+s14+$0x0] =	vst.idx.add.s32.msk $0xffff, v8  }
0x1cb: {  	[tilespmem:v14+s13+$0x0] =	vst.idx.add.s32.msk $0xffff, v8  }
0x1cc: {  	_ =	sdelay $0x3  }
0x1cd: {  	[tilespmem:v9+s14+$0x0] =	vst.idx.add.s32.msk $0xffff, v8;
	s3 =	simm.s32 $0xA020  }
0x1ce: {  	v9 =	vld [tilespmem:s3+$0xFFFFFFE0]  }
0x1cf: {  	s7 =	simm.s32 $0xB020  }
0x1d0: {  	v10 =	vld [tilespmem:s7+$0xFFFFFFE0]  }
0x1d1: {  	v11 =	vld [tilespmem:s3+$0xFFFFFFF0]  }
0x1d2: {  	v12 =	vld [tilespmem:s7+$0xFFFFFFF0]  }
0x1d3: {  	v13 =	vld [tilespmem:s3+$0x0];
	(xrf0) =	vadd.scan.msk.s32 $0xffff, v9  }
0x1d4: {  	v14 =	vld [tilespmem:s7+$0x0]  }
0x1d5: {  	v9 =	vld [tilespmem:s3+$0x10];
	(xrf0) =	vadd.scan.msk.s32 $0xffff, v10  }
0x1d6: {  	s24 =	simm.s32 $0xA060;
	v10 =	vld [tilespmem:s7+$0x10];
	(xrf0) =	vadd.scan.msk.s32 $0xffff, v11  }
0x1d7: {  	s26 =	simm.s32 $0xB060;
	v11 =	vld [tilespmem:s24+$0xFFFFFFE0];
	(xrf0) =	vadd.scan.msk.s32 $0xffff, v12  }
0x1d8: {  	v12 =	vld [tilespmem:s26+$0xFFFFFFE0];
	(xrf0) =	vadd.scan.msk.s32 $0xffff, v13  }
0x1d9: {  	v13 =	vld [tilespmem:s24+$0xFFFFFFF0];
	(xrf0) =	vadd.scan.msk.s32 $0xffff, v14;
	v14, _, _ =	vpop (xrf0)  }
0x1da: {  	(xrf0) =	vadd.scan.msk.s32 $0xffff, v9;
	v9 =	vld [tilespmem:s26+$0xFFFFFFF0];
	(v2sf) =	vpush v14, $0xF  }
0x1db: {  	v14, _, _ =	vpop (xrf0);
	(xrf0) =	vadd.scan.msk.s32 $0xffff, v10;
	v10 =	vld [tilespmem:s24+$0x0]  }
0x1dc: {  	v15 =	vld [tilespmem:s26+$0x0];
	(v2sf) =	vpush v14, $0xF;
	v14, _, _ =	vpop (xrf0);
	(xrf0) =	vadd.scan.msk.s32 $0xffff, v11  }
0x1dd: {  	(v2sf) =	vpush v14, $0xF;
	v11, _, _ =	vpop (xrf0);
	v14 =	vld [tilespmem:s24+$0x10];
	(xrf0) =	vadd.scan.msk.s32 $0xffff, v12  }
0x1de: {  	v12 =	vld [tilespmem:s26+$0x10];
	(v2sf) =	vpush v11, $0xF;
	v11, _, _ =	vpop (xrf0);
	(xrf0) =	vadd.scan.msk.s32 $0xffff, v13  }
0x1df: {  	s8 =	simm.s32 $0xA0A0;
	(v2sf) =	vpush v11, $0xF;
	v11, _, _ =	vpop (xrf0);
	(xrf0) =	vadd.scan.msk.s32 $0xffff, v9  }
0x1e0: {  	s11 =	simm.s32 $0xB0A0;
	(v2sf) =	vpush v11, $0xF;
	v9, _, _ =	vpop (xrf0);
	v11 =	vld [tilespmem:s8+$0xFFFFFFE0];
	(xrf0) =	vadd.scan.msk.s32 $0xffff, v10  }
0x1e1: {  	v10 =	vld [tilespmem:s11+$0xFFFFFFE0];
	(v2sf) =	vpush v9, $0xF;
	v9, _, _ =	vpop (xrf0);
	(xrf0) =	vadd.scan.msk.s32 $0xffff, v15  }
0x1e2: {  	(v2sf) =	vpush v9, $0xF;
	v9 =	vld [tilespmem:s8+$0xFFFFFFF0];
	v13, _, _ =	vpop (xrf0);
	(xrf0) =	vadd.scan.msk.s32 $0xffff, v14  }
0x1e3: {  	v14 =	vld [tilespmem:s11+$0xFFFFFFF0];
	(v2sf) =	vpush v13, $0xF;
	v13, _, _ =	vpop (xrf0);
	(xrf0) =	vadd.scan.msk.s32 $0xffff, v12  }
0x1e4: {  	v12 =	vld [tilespmem:s8+$0x0];
	(v2sf) =	vpush v13, $0xF;
	v13, _, _ =	vpop (xrf0)  }
0x1e5: {  	v15 =	vld [tilespmem:s11+$0x0];
	(xrf0) =	vadd.scan.msk.s32 $0xffff, v11;
	(v2sf) =	vpush v13, $0xF;
	v11, _, _ =	vpop (xrf0)  }
0x1e6: {  	(xrf0) =	vadd.scan.msk.s32 $0xffff, v10;
	(v2sf) =	vpush v11, $0xF;
	v10, _, _ =	vpop (xrf0)  }
0x1e7: {  	s3 =	simm.s32 $0xA0E0;
	v11 =	vld [tilespmem:s8+$0x10];
	(xrf0) =	vadd.scan.msk.s32 $0xffff, v9;
	(v2sf) =	vpush v10, $0xF;
	v9, _, _ =	vpop (xrf0)  }
0x1e8: {  	v13 =	vld [tilespmem:s3+$0xFFFFFFE0];
	(xrf0) =	vadd.scan.msk.s32 $0xffff, v14;
	(v2sf) =	vpush v9, $0xF;
	v9, _, _ =	vpop (xrf0)  }
0x1e9: {  	s8 =	simm.s32 $0xB0E0;
	v10 =	vld [tilespmem:s11+$0x10];
	(xrf0) =	vadd.scan.msk.s32 $0xffff, v12;
	(v2sf) =	vpush v9, $0xF;
	v9, _, _ =	vpop (xrf0);
	s24 =	spop (v2sf)  }
0x1ea: {  	v14 =	vld [tilespmem:s8+$0xFFFFFFE0];
	(xrf0) =	vadd.scan.msk.s32 $0xffff, v15;
	(v2sf) =	vpush v9, $0xF;
	[smem:$0x0] =	sst s24  }
0x1eb: {  	s7 =	spop (v2sf)  }
0x1ec: {  	v15 =	vld [tilespmem:s3+$0xFFFFFFF0];
	v12, _, _ =	vpop (xrf0);
	(xrf0) =	vadd.scan.msk.s32 $0xffff, v11;
	[smem:$0x100] =	sst s7  }
0x1ed: {  	s7 =	spop (v2sf)  }
0x1ee: {  	v9 =	vld [tilespmem:s8+$0xFFFFFFF0];
	(v2sf) =	vpush v12, $0xF;
	v11, _, _ =	vpop (xrf0);
	(xrf0) =	vadd.scan.msk.s32 $0xffff, v10;
	[smem:$0x1] =	sst s7  }
0x1ef: {  	s7 =	spop (v2sf)  }
0x1f0: {  	v10 =	vld [tilespmem:s3+$0x0];
	(v2sf) =	vpush v11, $0xF;
	v12, _, _ =	vpop (xrf0);
	[smem:$0x101] =	sst s7  }
0x1f1: {  	(xrf0) =	vadd.scan.msk.s32 $0xffff, v13;
	(v2sf) =	vpush v12, $0xF;
	v13, _, _ =	vpop (xrf0)  }
0x1f2: {  	s26 =	simm.s32 $0x2;
	s11 =	spop (v2sf);
	(xrf0) =	vadd.scan.msk.s32 $0xffff, v14;
	(v2sf) =	vpush v13, $0xF;
	v14, _, _ =	vpop (xrf0)  }
0x1f3: {  	[smem:s26] =	sst s11;
	s11 =	spop (v2sf);
	(v2sf) =	vpush v14, $0xF  }
0x1f4: {  	_ = 	snop  }
0x1f5: {  	s24 =	simm.s32 $0x102;
	v11 =	vld [tilespmem:s8+$0x0]  }
0x1f6: {  	v12 =	vld [tilespmem:s3+$0x10];
	[smem:s24] =	sst s11;
	s26 =	spop (v2sf)  }
0x1f7: {  	s28 =	simm.s32 $0xC;
	v13 =	vld [tilespmem:s8+$0x10];
	(xrf0) =	vadd.scan.msk.s32 $0xffff, v15;
	v14, _, _ =	vpop (xrf0);
	[smem:$0x3] =	sst s26  }
0x1f8: {  	s7 =	simm.s32 $0x106;
	s11 =	simm.s32 $0x6;
	s26 =	spop (v2sf)  }
.LBB2_19:
0x1f9: {  	s28 =	sadd.s32 $0x4, s28;
	s3 =	sadd.s32 $0x40, s3;
	(xrf0) =	vadd.scan.msk.s32 $0xffff, v9;
	(v2sf) =	vpush v14, $0xF;
	v9, _, _ =	vpop (xrf0);
	[smem:s24+$0x1] =	sst s26  }
0x1fa: {  	s8 =	sadd.s32 $0x40, s8;
	v14 =	vld [tilespmem:s3+$0xFFFFFFE0];
	p0 =	slt.u32 s28, $0xFC;
	(xrf0) =	vadd.scan.msk.s32 $0xffff, v10;
	(v2sf) =	vpush v9, $0xF;
	v9, _, _ =	vpop (xrf0);
	s24 =	spop (v2sf)  }
0x1fb: {  	v15 =	vld [tilespmem:s8+$0xFFFFFFE0];
	(xrf0) =	vadd.scan.msk.s32 $0xffff, v11;
	(v2sf) =	vpush v9, $0xF;
	[smem:s11+$0xFFFFFFFE] =	sst s24;
	s26 =	spop (v2sf);
	s24 =	smov.u32 s7  }
0x1fc: {  	v16 =	vld [tilespmem:s3+$0xFFFFFFF0];
	v10, _, _ =	vpop (xrf0);
	(xrf0) =	vadd.scan.msk.s32 $0xffff, v12;
	[smem:s7+$0xFFFFFFFE] =	sst s26;
	s26 =	spop (v2sf)  }
0x1fd: {  	[smem:s11+$0xFFFFFFFF] =	sst s26  }
.Ltmp13:
0x1fe: {  	v9 =	vld [tilespmem:s8+$0xFFFFFFF0];
	(v2sf) =	vpush v10, $0xF;
	v11, _, _ =	vpop (xrf0);
	(xrf0) =	vadd.scan.msk.s32 $0xffff, v13;
	s26 =	spop (v2sf);
	(pc) =	sbr.rel @p0 .LBB2_19-.Ltmp13, $4  }
0x1ff: {  	v10 =	vld [tilespmem:s3+$0x0];
	(v2sf) =	vpush v11, $0xF;
	v12, _, _ =	vpop (xrf0);
	[smem:s7+$0xFFFFFFFF] =	sst s26;
	s26 =	spop (v2sf)  }
0x200: {  	v11 =	vld [tilespmem:s8+$0x0];
	(xrf0) =	vadd.scan.msk.s32 $0xffff, v14;
	(v2sf) =	vpush v12, $0xF;
	v13, _, _ =	vpop (xrf0);
	[smem:s11] =	sst s26;
	s26 =	spop (v2sf)  }
0x201: {  	s7 =	sadd.s32 $0x4, s7;
	v12 =	vld [tilespmem:s3+$0x10];
	(xrf0) =	vadd.scan.msk.s32 $0xffff, v15;
	(v2sf) =	vpush v13, $0xF;
	v14, _, _ =	vpop (xrf0);
	[smem:s24] =	sst s26;
	s26 =	spop (v2sf)  }
0x202: {  	v13 =	vld [tilespmem:s8+$0x10];
	(xrf0) =	vadd.scan.msk.s32 $0xffff, v16;
	(v2sf) =	vpush v14, $0xF;
	v14, _, _ =	vpop (xrf0);
	[smem:s11+$0x1] =	sst s26;
	s11 =	sadd.s32 $0x4, s11;
	s26 =	spop (v2sf)  }
0x203: {  	(xrf0) =	vadd.scan.msk.s32 $0xffff, v9  }
0x204: {  	(v2sf) =	vpush v14, $0xF;
	v9, _, _ =	vpop (xrf0);
	(xrf0) =	vadd.scan.msk.s32 $0xffff, v10  }
0x205: {  	(v2sf) =	vpush v9, $0xF;
	v9, _, _ =	vpop (xrf0);
	(xrf0) =	vadd.scan.msk.s32 $0xffff, v11  }
0x206: {  	[smem:s24+$0x1] =	sst s26;
	s3 =	spop (v2sf);
	(v2sf) =	vpush v9, $0xF;
	v9, _, _ =	vpop (xrf0);
	(xrf0) =	vadd.scan.msk.s32 $0xffff, v12  }
0x207: {  	[smem:s11+$0xFFFFFFFE] =	sst s3;
	s24 =	spop (v2sf);
	(v2sf) =	vpush v9, $0xF;
	v9, _, _ =	vpop (xrf0)  }
0x208: {  	[smem:s7+$0xFFFFFFFE] =	sst s24;
	s26 =	spop (v2sf);
	(xrf0) =	vadd.scan.msk.s32 $0xffff, v13;
	(v2sf) =	vpush v9, $0xF;
	v9, _, _ =	vpop (xrf0)  }
0x209: {  	[smem:s11+$0xFFFFFFFF] =	sst s26;
	s28 =	spop (v2sf);
	(v2sf) =	vpush v9, $0xF;
	v9, _, _ =	vpop (xrf0)  }
0x20a: {  	[smem:s7+$0xFFFFFFFF] =	sst s28;
	s8 =	spop (v2sf);
	(v2sf) =	vpush v9, $0xF;
	v9, _, _ =	vpop (xrf0)  }
0x20b: {  	[smem:s11] =	sst s8;
	s24 =	spop (v2sf);
	(v2sf) =	vpush v9, $0xF;
	v9, _, _ =	vpop (xrf0)  }
0x20c: {  	[smem:s7] =	sst s24;
	s26 =	spop (v2sf);
	(v2sf) =	vpush v9, $0xF;
	v9, _, _ =	vpop (xrf0)  }
0x20d: {  	[smem:s11+$0x1] =	sst s26;
	s28 =	spop (v2sf);
	(v2sf) =	vpush v9, $0xF  }
0x20e: {  	s8 =	sadd.s32 $0x4, s11;
	[smem:s7+$0x1] =	sst s28;
	v9, _, _ =	vpop (xrf0);
	s11 =	spop (v2sf)  }
0x20f: {  	s7 =	sadd.s32 $0x4, s7;
	(v2sf) =	vpush v9, $0xF;
	[smem:s8+$0xFFFFFFFE] =	sst s11;
	s24 =	spop (v2sf)  }
0x210: {  	[smem:s7+$0xFFFFFFFE] =	sst s24;
	s26 =	spop (v2sf)  }
0x211: {  	[smem:s8+$0xFFFFFFFF] =	sst s26;
	s28 =	spop (v2sf)  }
0x212: {  	[smem:s7+$0xFFFFFFFF] =	sst s28;
	s11 =	spop (v2sf)  }
0x213: {  	[smem:s8] =	sst s11;
	s24 =	spop (v2sf)  }
0x214: {  	[smem:s7] =	sst s24;
	s26 =	spop (v2sf)  }
0x215: {  	[smem:s8+$0x1] =	sst s26;
	s28 =	spop (v2sf)  }
0x216: {  	s8 =	sadd.s32 $0x4, s8;
	[smem:s7+$0x1] =	sst s28;
	s11 =	spop (v2sf)  }
0x217: {  	s7 =	sadd.s32 $0x4, s7;
	[smem:s8+$0xFFFFFFFE] =	sst s11;
	s24 =	spop (v2sf)  }
0x218: {  	[smem:s7+$0xFFFFFFFE] =	sst s24;
	s26 =	spop (v2sf)  }
0x219: {  	[smem:s8+$0xFFFFFFFF] =	sst s26;
	s28 =	spop (v2sf)  }
0x21a: {  	[smem:s7+$0xFFFFFFFF] =	sst s28;
	s11 =	spop (v2sf)  }
0x21b: {  	[smem:s8] =	sst s11;
	s24 =	spop (v2sf)  }
0x21c: {  	[smem:s7] =	sst s24;
	s26 =	spop (v2sf)  }
0x21d: {  	p0 =	por $0x1, $0x1;
	[smem:s8+$0x1] =	sst s26  }
.Ltmp14:
0x21e: {  	s28 =	spop (v2sf);
	(pc) =	sbr.rel @!p0 .LBB2_22-.Ltmp14, $4  }
0x21f: {  	[smem:s7+$0x1] =	sst s28  }
0x220: {  	s24 =	sld [smem:$0x0]  }
0x221: {  	s3 =	simm.s32 $0x0;
	s7 =	simm.s32 $0x0;
	s26 =	sld [smem:$0x100]  }
0x222: {  	s11 =	simm.s32 $0x0;
	s8 =	simm.s32 $0x4;
	[smem:s7] =	sst s3  }
.LBB2_21:
0x223: {  	p0 =	sne.s32 s8, $0x3FC  }
0x224: {  	[smem:s7+$0x100] =	sst s3;
	s11 =	sadd.s32 s11, s24;
	s7 =	smov.u32 s8  }
.Ltmp15:
0x225: {  	s8 =	sadd.s32 $0x4, s8;
	s3 =	sadd.s32 s3, s26;
	(pc) =	sbr.rel @p0 .LBB2_21-.Ltmp15, $4  }
0x226: {  	s7 =	sshra.s32 s7, $0x2  }
0x227: {  	s24 =	sld [smem:s7+$0x0]  }
0x228: {  	s26 =	sld [smem:s7+$0x100]  }
0x229: {  	[smem:s7] =	sst s11  }
.LBB2_22:
0x22a: {  	s24 =	simm.s32 $0xA020  }
0x22b: {  	s8 =	simm.s32 $0xB020;
	v9 =	vld [tilespmem:s24+$0xFFFFFFE0]  }
0x22c: {  	v10 =	vld [tilespmem:s8+$0xFFFFFFE0];
	_ =	sdelay $0x3  }
0x22d: {  	(xrf0) =	vadd.scan.msk.s32 $0xffff, v9  }
0x22e: {  	(xrf0) =	vadd.scan.msk.s32 $0xffff, v10;
	_ =	sdelay $0x2  }
0x22f: {  	[smem:s7+$0x100] =	sst s3  }
0x230: {  	s3 =	sld [smem:$0x0]  }
0x231: {  	s11 =	sld [smem:$0x100];
	v11, _, _ =	vpop (xrf0)  }
0x232: {  	v9 =	vsub.s32 v11, v9;
	v11, _, _ =	vpop (xrf0)  }
0x233: {  	v9 =	vadd.s32 s3, v9;
	v10 =	vsub.s32 v11, v10  }
0x234: {  	[tilespmem:s24+$0xFFFFFFE0] =	vst v9;
	v9 =	vadd.s32 s11, v10  }
0x235: {  	[tilespmem:s8+$0xFFFFFFE0] =	vst v9  }
0x236: {  	v9 =	vld [tilespmem:s24+$0xFFFFFFF0]  }
0x237: {  	v10 =	vld [tilespmem:s8+$0xFFFFFFF0];
	_ =	sdelay $0x3  }
0x238: {  	(xrf0) =	vadd.scan.msk.s32 $0xffff, v9  }
0x239: {  	(xrf0) =	vadd.scan.msk.s32 $0xffff, v10;
	_ =	sdelay $0x3  }
0x23a: {  	s26 =	sld [smem:$0x1]  }
0x23b: {  	s28 =	sld [smem:$0x101];
	v11, _, _ =	vpop (xrf0)  }
0x23c: {  	v9 =	vsub.s32 v11, v9;
	v11, _, _ =	vpop (xrf0)  }
0x23d: {  	v9 =	vadd.s32 s26, v9;
	v10 =	vsub.s32 v11, v10  }
0x23e: {  	[tilespmem:s24+$0xFFFFFFF0] =	vst v9;
	v9 =	vadd.s32 s28, v10  }
0x23f: {  	[tilespmem:s8+$0xFFFFFFF0] =	vst v9  }
0x240: {  	v9 =	vld [tilespmem:s24+$0x0]  }
0x241: {  	v10 =	vld [tilespmem:s8+$0x0];
	_ =	sdelay $0x3  }
0x242: {  	(xrf0) =	vadd.scan.msk.s32 $0xffff, v9  }
0x243: {  	(xrf0) =	vadd.scan.msk.s32 $0xffff, v10;
	_ =	sdelay $0x3  }
0x244: {  	s7 =	sld [smem:$0x2]  }
0x245: {  	s11 =	sld [smem:$0x102];
	v11, _, _ =	vpop (xrf0)  }
0x246: {  	v9 =	vsub.s32 v11, v9;
	v11, _, _ =	vpop (xrf0)  }
0x247: {  	v9 =	vadd.s32 s7, v9;
	v10 =	vsub.s32 v11, v10  }
0x248: {  	[tilespmem:s24+$0x0] =	vst v9;
	v9 =	vadd.s32 s11, v10  }
0x249: {  	[tilespmem:s8+$0x0] =	vst v9;
	v9 =	vld [tilespmem:s8+$0x10]  }
0x24a: {  	v10 =	vld [tilespmem:s24+$0x10];
	_ =	sdelay $0x3  }
0x24b: {  	(xrf0) =	vadd.scan.msk.s32 $0xffff, v9  }
0x24c: {  	(xrf0) =	vadd.scan.msk.s32 $0xffff, v10;
	_ =	sdelay $0x4  }
0x24d: {  	s26 =	sld [smem:$0x3];
	v11, _, _ =	vpop (xrf0)  }
0x24e: {  	s28 =	sld [smem:$0x103];
	v12, _, _ =	vpop (xrf0)  }
0x24f: {  	v10 =	vsub.s32 v12, v10  }
0x250: {  	v9 =	vsub.s32 v11, v9;
	v10 =	vadd.s32 s26, v10  }
0x251: {  	s3 =	simm.s32 $0x0;
	s7 =	simm.s32 $0x6;
	s11 =	simm.s32 $0x106;
	[tilespmem:s24+$0x10] =	vst v10;
	v9 =	vadd.s32 s28, v9  }
.LBB2_23:
0x252: {  	s3 =	sadd.s32 $0x4, s3;
	[tilespmem:s8+$0x10] =	vst v9;
	s8 =	sadd.s32 $0x40, s8;
	s24 =	sadd.s32 $0x40, s24  }
0x253: {  	v9 =	vld [tilespmem:s24+$0xFFFFFFE0];
	p0 =	slt.u32 s3, $0xFC  }
0x254: {  	v10 =	vld [tilespmem:s8+$0xFFFFFFE0];
	_ =	sdelay $0x3  }
0x255: {  	(xrf0) =	vadd.scan.msk.s32 $0xffff, v9  }
0x256: {  	(xrf0) =	vadd.scan.msk.s32 $0xffff, v10;
	_ =	sdelay $0x3  }
0x257: {  	s26 =	sld [smem:s7+$0xFFFFFFFE]  }
0x258: {  	s28 =	sld [smem:s11+$0xFFFFFFFE];
	v11, _, _ =	vpop (xrf0)  }
0x259: {  	v9 =	vsub.s32 v11, v9;
	v11, _, _ =	vpop (xrf0)  }
0x25a: {  	v9 =	vadd.s32 s26, v9;
	v10 =	vsub.s32 v11, v10  }
0x25b: {  	[tilespmem:s24+$0xFFFFFFE0] =	vst v9;
	v9 =	vadd.s32 s28, v10  }
0x25c: {  	[tilespmem:s8+$0xFFFFFFE0] =	vst v9  }
0x25d: {  	v9 =	vld [tilespmem:s24+$0xFFFFFFF0]  }
0x25e: {  	v10 =	vld [tilespmem:s8+$0xFFFFFFF0];
	_ =	sdelay $0x3  }
0x25f: {  	(xrf0) =	vadd.scan.msk.s32 $0xffff, v9  }
0x260: {  	(xrf0) =	vadd.scan.msk.s32 $0xffff, v10;
	_ =	sdelay $0x3  }
0x261: {  	s26 =	sld [smem:s7+$0xFFFFFFFF]  }
0x262: {  	s28 =	sld [smem:s11+$0xFFFFFFFF];
	v11, _, _ =	vpop (xrf0)  }
0x263: {  	v9 =	vsub.s32 v11, v9;
	v11, _, _ =	vpop (xrf0)  }
0x264: {  	v9 =	vadd.s32 s26, v9;
	v10 =	vsub.s32 v11, v10  }
0x265: {  	[tilespmem:s24+$0xFFFFFFF0] =	vst v9;
	v9 =	vadd.s32 s28, v10  }
0x266: {  	[tilespmem:s8+$0xFFFFFFF0] =	vst v9  }
0x267: {  	v9 =	vld [tilespmem:s24+$0x0]  }
0x268: {  	v10 =	vld [tilespmem:s8+$0x0];
	_ =	sdelay $0x3  }
0x269: {  	(xrf0) =	vadd.scan.msk.s32 $0xffff, v9  }
0x26a: {  	(xrf0) =	vadd.scan.msk.s32 $0xffff, v10;
	_ =	sdelay $0x3  }
0x26b: {  	s26 =	sld [smem:s7+$0x0]  }
0x26c: {  	s28 =	sld [smem:s11+$0x0];
	v11, _, _ =	vpop (xrf0)  }
0x26d: {  	v9 =	vsub.s32 v11, v9;
	v11, _, _ =	vpop (xrf0)  }
0x26e: {  	v9 =	vadd.s32 s26, v9;
	v10 =	vsub.s32 v11, v10  }
0x26f: {  	[tilespmem:s24+$0x0] =	vst v9;
	v9 =	vadd.s32 s28, v10  }
0x270: {  	[tilespmem:s8+$0x0] =	vst v9;
	v9 =	vld [tilespmem:s8+$0x10]  }
0x271: {  	v10 =	vld [tilespmem:s24+$0x10];
	_ =	sdelay $0x3  }
0x272: {  	(xrf0) =	vadd.scan.msk.s32 $0xffff, v9  }
0x273: {  	(xrf0) =	vadd.scan.msk.s32 $0xffff, v10;
	_ =	sdelay $0x4  }
.Ltmp16:
0x274: {  	s26 =	sld [smem:s7+$0x1];
	v11, _, _ =	vpop (xrf0);
	(pc) =	sbr.rel @p0 .LBB2_23-.Ltmp16, $4  }
0x275: {  	v9 =	vsub.s32 v11, v9;
	s28 =	sld [smem:s11+$0x1];
	v11, _, _ =	vpop (xrf0)  }
0x276: {  	v10 =	vsub.s32 v11, v10  }
0x277: {  	v10 =	vadd.s32 s26, v10  }
0x278: {  	s7 =	sadd.s32 $0x4, s7;
	s11 =	sadd.s32 $0x4, s11;
	[tilespmem:s24+$0x10] =	vst v10;
	v9 =	vadd.s32 s28, v9  }
0x279: {  	[tilespmem:s8+$0x10] =	vst v9;
	s3 =	simm.s32 $0x0  }
0x27a: {  	v24 =	vld [tilespmem:s3+$0x1000]  }
0x27b: {  	v28 =	vld [tilespmem:s3+$0x5000]  }
0x27c: {  	v29 =	vld [tilespmem:s3+$0x5010]  }
0x27d: {  	v11 =	vld [tilespmem:s3+$0x5020]  }
0x27e: {  	v9 =	vld [tilespmem:s3+$0x5030]  }
0x27f: {  	v14 =	vld [tilespmem:s3+$0x1020]  }
0x280: {  	v25 =	vld [tilespmem:s3+$0x1010];
	_ =	sdelay $0x2  }
0x281: {  	v15 =	vld [tilespmem:s3+$0x1030];
	v10 =	vshrl.u32 v24, $0x4;
	v12 =	vshrl.u32 v28, $0x4;
	v13 =	vshrl.u32 v29, $0x4  }
0x282: {  	v16 =	vshrl.u32 v11, $0x4;
	v18 =	vshrl.u32 v9, $0x4;
	v19 =	vshrl.u32 v14, $0x4  }
0x283: {  	v23 =	vand.u32 $0xFF0, v10;
	v10 =	vshrl.u32 v25, $0x4;
	v20 =	vand.u32 $0xFF0, v12  }
0x284: {  	v22 =	vand.u32 $0xFF0, v13;
	v30 =	vand.u32 $0xFF0, v16;
	v31 =	vand.u32 $0xFF0, v18  }
0x285: {  	v33 =	vand.u32 $0xFF0, v19;
	v27 =	vand.u32 $0xFF0, v10;
	v10 =	vor.u32 v0, v23  }
0x286: {  	v19 =	vshrl.u32 v15, $0x4;
	v12 =	vor.u32 v0, v20;
	vm11 =	veq.s32 v22, v20  }
0x287: {  	v17 =	vor.u32 v0, v22;
	v16 =	vor.u32 v0, v30;
	vm1 =	veq.s32 v30, v20  }
0x288: {  	vm4 =	veq.s32 v30, v22;
	vm5 =	veq.s32 v33, v23;
	v18 =	vor.u32 v0, v33  }
0x289: {  	v21 =	vld [tilespmem:s3+$0x7030];
	v37 =	vand.u32 $0xFF0, v19;
	v19 =	vor.u32 v0, v31;
	v13 =	vor.u32 v0, v27  }
0x28a: {  	vm2 =	veq.s32 v31, v20;
	vm13 =	veq.s32 v31, v22;
	vm14 =	veq.s32 v31, v30;
	v32 =	vld.idx.msk [tilespmem:v10+s13+$0x0], $0xffff  }
0x28b: {  	vm0 =	veq.s32 v27, v23;
	v35 =	vsel vm1, $0x1, v6;
	vm12 =	veq.s32 v33, v27;
	v34 =	vld.idx.msk [tilespmem:v12+s14+$0x0], $0xffff  }
0x28c: {  	v36 =	vsel vm11, $0x1, v6;
	v20 =	vor.u32 v0, v37;
	vm3 =	veq.s32 v37, v33;
	v39 =	vld.idx.msk [tilespmem:v17+s14+$0x0], $0xffff  }
0x28d: {  	vm6 =	veq.s32 v37, v23;
	v30 =	vsel vm5, $0x1, v6;
	v43 =	vsel vm4, $0x1, v6;
	v41 =	vld.idx.msk [tilespmem:v18+s13+$0x0], $0xffff  }
0x28e: {  	vm15 =	veq.s32 v37, v27;
	v59 =	vsel vm2, $0x1, v6;
	v26 =	vsel vm0, $0x1, v6;
	v38 =	vld.idx.msk [tilespmem:v13+s13+$0x0], $0xffff  }
0x28f: {  	v55 =	vld [tilespmem:s3+$0x7010];
	v51 =	vsel vm12, $0x1, v6;
	v31 =	vsel vm6, $0x1, v6;
	v45 =	vsel vm3, $0x1, v6  }
0x290: {  	v58 =	vld [tilespmem:s3+$0x3000];
	v35 =	vadd.s32 v43, v35;
	v30 =	vadd.s32 v51, v30;
	v40 =	vshll.u32 v32, $0x4  }
0x291: {  	v46 =	vld [tilespmem:s3+$0x7000];
	v32 =	vshrl.u32 v32, $0x8;
	v52 =	vshll.u32 v34, $0x4;
	v34 =	vshrl.u32 v34, $0x8  }
0x292: {  	v61 =	vld [tilespmem:s3+$0x3010];
	v53 =	vadd.s32 v36, v39;
	v30 =	vadd.s32 v41, v30;
	v40 =	vand.u32 $0xFF0, v40  }
0x293: {  	v42 =	vld.idx.msk [tilespmem:v16+s14+$0x0], $0xffff;
	v33 =	vand.u32 $0xFF0, v52;
	v38 =	vadd.s32 v26, v38;
	v32 =	vor.u32 v32, v40  }
0x294: {  	v22 =	vld [tilespmem:s3+$0x3030];
	v56 =	vshll.u32 v53, $0x4;
	v60 =	vshll.u32 v30, $0x4;
	v33 =	vor.u32 v34, v33  }
0x295: {  	v23 =	vld [tilespmem:s3+$0x7020];
	v30 =	vshrl.u32 v30, $0x8;
	v54 =	vshll.u32 v38, $0x4;
	v38 =	vshrl.u32 v38, $0x8  }
0x296: {  	v57 =	vld.idx.msk [tilespmem:v19+s14+$0x0], $0xffff;
	v36 =	vand.u32 $0xFF0, v56;
	v34 =	vshrl.u32 v53, $0x8;
	v27 =	vand.u32 $0xFF0, v54  }
0x297: {  	v44 =	vld.idx.msk [tilespmem:v20+s13+$0x0], $0xffff;
	v34 =	vor.u32 v34, v36;
	v38 =	vor.u32 v38, v27;
	v27 =	vand.u32 $0xFF0, v60  }
0x298: {  	v62 =	vsel vm15, $0x1, v6;
	v26 =	vld [tilespmem:s3+$0x3020];
	v27 =	vor.u32 v30, v27;
	v30 =	vadd.s32 v42, v35;
	[tilespmem:v32+s2+$0x0] =	vst.idx.msk $0xffff, v24  }
0x299: {  	v63 =	vshll.u32 v30, $0x4;
	v30 =	vshrl.u32 v30, $0x8;
	v24 =	vsel vm13, $0x1, v6;
	[tilespmem:v33+s12+$0x0] =	vst.idx.msk $0xffff, v28  }
0x29a: {  	v28 =	vadd.s32 v62, v31;
	v31 =	vsel vm14, $0x1, v6;
	v24 =	vadd.s32 v24, v59;
	[tilespmem:v32+s19+$0x0] =	vst.idx.msk $0xffff, v58  }
0x29b: {  	v28 =	vadd.s32 v45, v28;
	v31 =	vadd.s32 v31, v24;
	v24 =	vand.u32 $0xFF0, v63;
	[tilespmem:v33+s20+$0x0] =	vst.idx.msk $0xffff, v46  }
0x29c: {  	v28 =	vadd.s32 v44, v28;
	v24 =	vor.u32 v30, v24;
	[tilespmem:v38+s2+$0x0] =	vst.idx.msk $0xffff, v25  }
0x29d: {  	v25 =	vadd.s32 v57, v31;
	[tilespmem:v34+s12+$0x0] =	vst.idx.msk $0xffff, v29;
	v29 =	vshll.u32 v28, $0x4  }
0x29e: {  	v31 =	vshrl.u32 v28, $0x8;
	v28 =	vshll.u32 v25, $0x4;
	[tilespmem:v38+s19+$0x0] =	vst.idx.msk $0xffff, v61;
	v30 =	vand.u32 $0xFF0, v29  }
0x29f: {  	s8 =	simm.s32 $0x100;
	v28 =	vand.u32 $0xFF0, v28;
	v29 =	vshrl.u32 v25, $0x8;
	[tilespmem:v34+s20+$0x0] =	vst.idx.msk $0xffff, v55;
	v25 =	vor.u32 v31, v30  }
.LBB2_25:
0x2a0: {  	p0 =	sne.s32 s8, $0x3F00;
	[tilespmem:v27+s2+$0x0] =	vst.idx.msk $0xffff, v14;
	v14 =	vor.u32 v29, v28;
	s3 =	smov.u32 s8;
	s8 =	sadd.s32 $0x100, s8  }
0x2a1: {  	[tilespmem:v24+s12+$0x0] =	vst.idx.msk $0xffff, v11  }
0x2a2: {  	[tilespmem:v27+s19+$0x0] =	vst.idx.msk $0xffff, v26  }
0x2a3: {  	[tilespmem:v24+s20+$0x0] =	vst.idx.msk $0xffff, v23  }
0x2a4: {  	s24 =	sshra.s32 s3, $0x2;
	[tilespmem:v25+s2+$0x0] =	vst.idx.msk $0xffff, v15  }
0x2a5: {  	[tilespmem:v14+s12+$0x0] =	vst.idx.msk $0xffff, v9  }
0x2a6: {  	[tilespmem:v25+s19+$0x0] =	vst.idx.msk $0xffff, v22  }
0x2a7: {  	[tilespmem:v14+s20+$0x0] =	vst.idx.msk $0xffff, v21  }
0x2a8: {  	[tilespmem:v10+s13+$0x0] =	vst.idx.add.s32.msk $0xffff, v8  }
0x2a9: {  	[tilespmem:v12+s14+$0x0] =	vst.idx.add.s32.msk $0xffff, v8  }
0x2aa: {  	[tilespmem:v13+s13+$0x0] =	vst.idx.add.s32.msk $0xffff, v8  }
0x2ab: {  	[tilespmem:v17+s14+$0x0] =	vst.idx.add.s32.msk $0xffff, v8  }
0x2ac: {  	[tilespmem:v18+s13+$0x0] =	vst.idx.add.s32.msk $0xffff, v8  }
0x2ad: {  	[tilespmem:v16+s14+$0x0] =	vst.idx.add.s32.msk $0xffff, v8  }
0x2ae: {  	[tilespmem:v20+s13+$0x0] =	vst.idx.add.s32.msk $0xffff, v8  }
0x2af: {  	[tilespmem:v19+s14+$0x0] =	vst.idx.add.s32.msk $0xffff, v8  }
0x2b0: {  	v27 =	vld [tilespmem:s24+$0x1000]  }
0x2b1: {  	v24 =	vld [tilespmem:s24+$0x1010]  }
0x2b2: {  	v28 =	vld [tilespmem:s24+$0x5000]  }
0x2b3: {  	v25 =	vld [tilespmem:s24+$0x5010]  }
0x2b4: {  	v9 =	vld [tilespmem:s24+$0x5030]  }
0x2b5: {  	v11 =	vld [tilespmem:s24+$0x5020];
	v10 =	vshrl.u32 v27, $0x4  }
0x2b6: {  	v23 =	vand.u32 $0xFF0, v10;
	v10 =	vshrl.u32 v24, $0x4  }
0x2b7: {  	v14 =	vld [tilespmem:s24+$0x1020];
	v12 =	vshrl.u32 v28, $0x4;
	v29 =	vand.u32 $0xFF0, v10;
	v10 =	vor.u32 v0, v23  }
0x2b8: {  	v20 =	vand.u32 $0xFF0, v12;
	v12 =	vshrl.u32 v25, $0x4;
	vm0 =	veq.s32 v29, v23  }
0x2b9: {  	v15 =	vld [tilespmem:s24+$0x1030];
	v22 =	vand.u32 $0xFF0, v12;
	v12 =	vor.u32 v0, v20;
	v26 =	vsel vm0, $0x1, v6  }
0x2ba: {  	v16 =	vshrl.u32 v9, $0x4;
	v13 =	vshrl.u32 v11, $0x4;
	vm0 =	veq.s32 v22, v20  }
0x2bb: {  	v31 =	vand.u32 $0xFF0, v16;
	v30 =	vand.u32 $0xFF0, v13;
	v13 =	vor.u32 v0, v29  }
0x2bc: {  	v17 =	vor.u32 v0, v22;
	v18 =	vshrl.u32 v14, $0x4;
	v32 =	vld.idx.msk [tilespmem:v10+s13+$0x0], $0xffff;
	v16 =	vor.u32 v0, v30  }
0x2bd: {  	vm1 =	veq.s32 v30, v20;
	vm4 =	veq.s32 v30, v22;
	v33 =	vand.u32 $0xFF0, v18  }
0x2be: {  	v35 =	vsel vm1, $0x1, v6;
	v34 =	vld.idx.msk [tilespmem:v12+s14+$0x0], $0xffff;
	vm5 =	veq.s32 v33, v23;
	vm1 =	veq.s32 v33, v29  }
0x2bf: {  	v36 =	vsel vm0, $0x1, v6;
	v19 =	vshrl.u32 v15, $0x4;
	v18 =	vor.u32 v0, v33;
	v21 =	vld [tilespmem:s24+$0x7030]  }
0x2c0: {  	vm2 =	veq.s32 v31, v20;
	v37 =	vand.u32 $0xFF0, v19;
	v19 =	vor.u32 v0, v31;
	v38 =	vld.idx.msk [tilespmem:v13+s13+$0x0], $0xffff  }
0x2c1: {  	vm0 =	veq.s32 v31, v22;
	v20 =	vor.u32 v0, v37;
	vm3 =	veq.s32 v37, v33;
	v39 =	vld.idx.msk [tilespmem:v17+s14+$0x0], $0xffff  }
0x2c2: {  	v33 =	vsel vm1, $0x1, v6;
	vm6 =	veq.s32 v37, v23;
	vm1 =	veq.s32 v31, v30;
	v22 =	vld [tilespmem:s24+$0x3030]  }
0x2c3: {  	v30 =	vsel vm5, $0x1, v6;
	v31 =	vsel vm6, $0x1, v6;
	v40 =	vshll.u32 v32, $0x4;
	v23 =	vld [tilespmem:s24+$0x7020]  }
0x2c4: {  	v30 =	vadd.s32 v33, v30;
	v32 =	vshrl.u32 v32, $0x8;
	v33 =	vshll.u32 v34, $0x4;
	v41 =	vld.idx.msk [tilespmem:v18+s13+$0x0], $0xffff  }
0x2c5: {  	v43 =	vsel vm4, $0x1, v6;
	v34 =	vshrl.u32 v34, $0x8;
	v33 =	vand.u32 $0xFF0, v33;
	v42 =	vld.idx.msk [tilespmem:v16+s14+$0x0], $0xffff  }
0x2c6: {  	v40 =	vand.u32 $0xFF0, v40;
	v38 =	vadd.s32 v26, v38;
	v33 =	vor.u32 v34, v33;
	v44 =	vld.idx.msk [tilespmem:v20+s13+$0x0], $0xffff  }
0x2c7: {  	v32 =	vor.u32 v32, v40;
	v34 =	vadd.s32 v36, v39;
	v36 =	vshll.u32 v38, $0x4;
	v26 =	vld [tilespmem:s24+$0x3020]  }
0x2c8: {  	vm4 =	veq.s32 v37, v29;
	v29 =	vand.u32 $0xFF0, v36;
	v36 =	vshll.u32 v34, $0x4;
	v39 =	vld [tilespmem:s24+$0x7010]  }
0x2c9: {  	v38 =	vshrl.u32 v38, $0x8;
	v34 =	vshrl.u32 v34, $0x8;
	v36 =	vand.u32 $0xFF0, v36;
	v37 =	vld.idx.msk [tilespmem:v19+s14+$0x0], $0xffff  }
0x2ca: {  	v45 =	vsel vm3, $0x1, v6;
	v30 =	vadd.s32 v41, v30;
	v41 =	vsel vm2, $0x1, v6;
	v40 =	vld [tilespmem:s24+$0x3000]  }
0x2cb: {  	v35 =	vadd.s32 v43, v35;
	v34 =	vor.u32 v34, v36;
	v36 =	vshll.u32 v30, $0x4;
	v46 =	vld [tilespmem:s24+$0x7000]  }
0x2cc: {  	v29 =	vor.u32 v38, v29;
	v30 =	vshrl.u32 v30, $0x8;
	v36 =	vand.u32 $0xFF0, v36;
	v43 =	vld [tilespmem:s24+$0x3010]  }
0x2cd: {  	v47 =	vsel vm0, $0x1, v6;
	v38 =	vsel vm4, $0x1, v6;
	[tilespmem:v32+s2+$0x0] =	vst.idx.msk $0xffff, v27;
	v27 =	vor.u32 v30, v36  }
0x2ce: {  	v31 =	vadd.s32 v38, v31;
	v30 =	vadd.s32 v42, v35;
	v35 =	vsel vm1, $0x1, v6;
	[tilespmem:v33+s12+$0x0] =	vst.idx.msk $0xffff, v28  }
0x2cf: {  	v31 =	vadd.s32 v45, v31;
	v28 =	vadd.s32 v47, v41;
	[tilespmem:v32+s19+$0x0] =	vst.idx.msk $0xffff, v40;
	v32 =	vshll.u32 v30, $0x4  }
.Ltmp17:
0x2d0: {  	v28 =	vadd.s32 v35, v28;
	v30 =	vshrl.u32 v30, $0x8;
	[tilespmem:v33+s20+$0x0] =	vst.idx.msk $0xffff, v46;
	v32 =	vand.u32 $0xFF0, v32;
	(pc) =	sbr.rel @p0 .LBB2_25-.Ltmp17, $4  }
0x2d1: {  	v31 =	vadd.s32 v44, v31;
	[tilespmem:v29+s2+$0x0] =	vst.idx.msk $0xffff, v24;
	v24 =	vor.u32 v30, v32  }
0x2d2: {  	v30 =	vadd.s32 v37, v28;
	[tilespmem:v34+s12+$0x0] =	vst.idx.msk $0xffff, v25;
	v25 =	vshll.u32 v31, $0x4  }
0x2d3: {  	v31 =	vshrl.u32 v31, $0x8;
	v28 =	vshll.u32 v30, $0x4;
	[tilespmem:v29+s19+$0x0] =	vst.idx.msk $0xffff, v43;
	v25 =	vand.u32 $0xFF0, v25  }
0x2d4: {  	v28 =	vand.u32 $0xFF0, v28;
	v29 =	vshrl.u32 v30, $0x8;
	[tilespmem:v34+s20+$0x0] =	vst.idx.msk $0xffff, v39;
	v25 =	vor.u32 v31, v25  }
0x2d5: {  	_ =	sdelay $0x3  }
0x2d6: {  	[tilespmem:v27+s2+$0x0] =	vst.idx.msk $0xffff, v14;
	v63 =	vor.u32 v29, v28  }
0x2d7: {  	[tilespmem:v24+s12+$0x0] =	vst.idx.msk $0xffff, v11  }
0x2d8: {  	[tilespmem:v27+s19+$0x0] =	vst.idx.msk $0xffff, v26  }
0x2d9: {  	[tilespmem:v24+s20+$0x0] =	vst.idx.msk $0xffff, v23  }
0x2da: {  	[tilespmem:v25+s2+$0x0] =	vst.idx.msk $0xffff, v15  }
0x2db: {  	[tilespmem:v63+s12+$0x0] =	vst.idx.msk $0xffff, v9  }
0x2dc: {  	[tilespmem:v25+s19+$0x0] =	vst.idx.msk $0xffff, v22  }
0x2dd: {  	[tilespmem:v63+s20+$0x0] =	vst.idx.msk $0xffff, v21  }
0x2de: {  	[tilespmem:v10+s13+$0x0] =	vst.idx.add.s32.msk $0xffff, v8  }
0x2df: {  	[tilespmem:v12+s14+$0x0] =	vst.idx.add.s32.msk $0xffff, v8  }
0x2e0: {  	[tilespmem:v13+s13+$0x0] =	vst.idx.add.s32.msk $0xffff, v8  }
0x2e1: {  	[tilespmem:v17+s14+$0x0] =	vst.idx.add.s32.msk $0xffff, v8  }
0x2e2: {  	[tilespmem:v18+s13+$0x0] =	vst.idx.add.s32.msk $0xffff, v8  }
0x2e3: {  	[tilespmem:v16+s14+$0x0] =	vst.idx.add.s32.msk $0xffff, v8  }
0x2e4: {  	[tilespmem:v20+s13+$0x0] =	vst.idx.add.s32.msk $0xffff, v8  }
0x2e5: {  	s7 =	simm.s32 $0xA020;
	[tilespmem:v19+s14+$0x0] =	vst.idx.add.s32.msk $0xffff, v8  }
0x2e6: {  	s3 =	simm.s32 $0xB020;
	[tilespmem:s7+$0xFFFFFFE0] =	vst v6  }
0x2e7: {  	[tilespmem:s3+$0xFFFFFFE0] =	vst v6  }
0x2e8: {  	[tilespmem:s7+$0xFFFFFFF0] =	vst v6  }
0x2e9: {  	[tilespmem:s3+$0xFFFFFFF0] =	vst v6  }
0x2ea: {  	[tilespmem:s7+$0x0] =	vst v6  }
0x2eb: {  	[tilespmem:s3+$0x0] =	vst v6  }
0x2ec: {  	[tilespmem:s7+$0x10] =	vst v6  }
0x2ed: {  	s8 =	simm.s32 $0xA060;
	s7 =	simm.s32 $0x0;
	[tilespmem:s3+$0x10] =	vst v6  }
.LBB2_27:
0x2ee: {  	[tilespmem:s8+$0xFFFFFFE0] =	vst v6;
	s3 =	sadd.s32 $0x40, s3  }
0x2ef: {  	s7 =	sadd.s32 $0x4, s7;
	[tilespmem:s3+$0xFFFFFFE0] =	vst v6  }
0x2f0: {  	p0 =	slt.u32 s7, $0xFC;
	[tilespmem:s8+$0xFFFFFFF0] =	vst v6  }
.Ltmp18:
0x2f1: {  	[tilespmem:s3+$0xFFFFFFF0] =	vst v6;
	(pc) =	sbr.rel @p0 .LBB2_27-.Ltmp18, $4  }
0x2f2: {  	[tilespmem:s8+$0x0] =	vst v6  }
0x2f3: {  	[tilespmem:s3+$0x0] =	vst v6  }
0x2f4: {  	[tilespmem:s8+$0x10] =	vst v6  }
0x2f5: {  	s8 =	sadd.s32 $0x40, s8;
	[tilespmem:s3+$0x10] =	vst v6  }
0x2f6: {  	s3 =	simm.s32 $0x0  }
0x2f7: {  	v9 =	vld [tilespmem:s3+$0x20]  }
0x2f8: {  	v10 =	vld [tilespmem:s3+$0x4010]  }
0x2f9: {  	v11 =	vld [tilespmem:s3+$0x10]  }
0x2fa: {  	v12 =	vld [tilespmem:s3+$0x4000]  }
0x2fb: {  	v13 =	vld [tilespmem:s3+$0x0]  }
0x2fc: {  	v14 =	vld [tilespmem:s3+$0x4020]  }
0x2fd: {  	v15 =	vld [tilespmem:s3+$0x60]  }
0x2fe: {  	v16 =	vld [tilespmem:s3+$0x30]  }
0x2ff: {  	v17 =	vld [tilespmem:s3+$0x4030]  }
0x300: {  	v18 =	vld [tilespmem:s3+$0x40];
	v13 =	vshrl.u32 v13, $0xC  }
0x301: {  	v19 =	vld [tilespmem:s3+$0x4040];
	v12 =	vshrl.u32 v12, $0xC;
	v13 =	vand.u32 $0xFF0, v13  }
0x302: {  	v20 =	vld [tilespmem:s3+$0x50];
	v11 =	vshrl.u32 v11, $0xC;
	v12 =	vand.u32 $0xFF0, v12;
	v13 =	vor.u32 v0, v13  }
0x303: {  	v21 =	vld [tilespmem:s3+$0x4050];
	v10 =	vshrl.u32 v10, $0xC;
	v11 =	vand.u32 $0xFF0, v11;
	v12 =	vor.u32 v0, v12  }
0x304: {  	v22 =	vld [tilespmem:s3+$0x4060];
	v9 =	vshrl.u32 v9, $0xC;
	v10 =	vand.u32 $0xFF0, v10;
	v11 =	vor.u32 v0, v11  }
0x305: {  	v23 =	vld [tilespmem:s3+$0x4070];
	v14 =	vshrl.u32 v14, $0xC;
	v9 =	vand.u32 $0xFF0, v9;
	v10 =	vor.u32 v0, v10  }
0x306: {  	v24 =	vld [tilespmem:s3+$0x70];
	v16 =	vshrl.u32 v16, $0xC;
	v14 =	vand.u32 $0xFF0, v14;
	v9 =	vor.u32 v0, v9  }
0x307: {  	v17 =	vshrl.u32 v17, $0xC;
	v16 =	vand.u32 $0xFF0, v16;
	v46 =	vor.u32 v0, v14;
	[tilespmem:v13+s13+$0x0] =	vst.idx.add.s32.msk $0xffff, v8  }
0x308: {  	v48 =	vshrl.u32 v18, $0xC;
	v47 =	vand.u32 $0xFF0, v17;
	v49 =	vor.u32 v0, v16;
	[tilespmem:v12+s14+$0x0] =	vst.idx.add.s32.msk $0xffff, v8  }
0x309: {  	v51 =	vshrl.u32 v19, $0xC;
	v50 =	vand.u32 $0xFF0, v48;
	[tilespmem:v11+s13+$0x0] =	vst.idx.add.s32.msk $0xffff, v8;
	v11 =	vor.u32 v0, v47  }
0x30a: {  	v52 =	vand.u32 $0xFF0, v51;
	[tilespmem:v10+s14+$0x0] =	vst.idx.add.s32.msk $0xffff, v8;
	v10 =	vor.u32 v0, v50  }
0x30b: {  	v53 =	vshrl.u32 v20, $0xC;
	[tilespmem:v9+s13+$0x0] =	vst.idx.add.s32.msk $0xffff, v8;
	v9 =	vor.u32 v0, v52  }
0x30c: {  	v55 =	vshrl.u32 v21, $0xC;
	v54 =	vand.u32 $0xFF0, v53;
	[tilespmem:v46+s14+$0x0] =	vst.idx.add.s32.msk $0xffff, v8  }
0x30d: {  	v56 =	vshrl.u32 v15, $0xC;
	v57 =	vand.u32 $0xFF0, v55;
	v58 =	vor.u32 v0, v54;
	[tilespmem:v49+s13+$0x0] =	vst.idx.add.s32.msk $0xffff, v8  }
0x30e: {  	v59 =	vshrl.u32 v22, $0xC;
	v14 =	vand.u32 $0xFF0, v56;
	v60 =	vor.u32 v0, v57;
	[tilespmem:v11+s14+$0x0] =	vst.idx.add.s32.msk $0xffff, v8  }
0x30f: {  	v62 =	vshrl.u32 v24, $0xC;
	v61 =	vand.u32 $0xFF0, v59;
	v11 =	vor.u32 v0, v14;
	[tilespmem:v10+s13+$0x0] =	vst.idx.add.s32.msk $0xffff, v8  }
0x310: {  	v63 =	vand.u32 $0xFF0, v62;
	v10 =	vor.u32 v0, v61;
	[tilespmem:v9+s14+$0x0] =	vst.idx.add.s32.msk $0xffff, v8;
	v9 =	vshrl.u32 v23, $0xC  }
0x311: {  	v14 =	vor.u32 v0, v63;
	v9 =	vand.u32 $0xFF0, v9  }
0x312: {  	[tilespmem:v58+s13+$0x0] =	vst.idx.add.s32.msk $0xffff, v8;
	v9 =	vor.u32 v0, v9  }
0x313: {  	[tilespmem:v60+s14+$0x0] =	vst.idx.add.s32.msk $0xffff, v8  }
0x314: {  	[tilespmem:v11+s13+$0x0] =	vst.idx.add.s32.msk $0xffff, v8  }
0x315: {  	[tilespmem:v10+s14+$0x0] =	vst.idx.add.s32.msk $0xffff, v8  }
0x316: {  	s3 =	simm.s32 $0x200;
	[tilespmem:v14+s13+$0x0] =	vst.idx.add.s32.msk $0xffff, v8  }
.LBB2_29:
0x317: {  	s7 =	sshra.s32 s3, $0x2;
	p0 =	sne.s32 s3, $0x3E00;
	s3 =	sadd.s32 $0x200, s3;
	[tilespmem:v9+s14+$0x0] =	vst.idx.add.s32.msk $0xffff, v8  }
0x318: {  	v9 =	vld [tilespmem:s7+$0x20]  }
0x319: {  	v10 =	vld [tilespmem:s7+$0x4010]  }
0x31a: {  	v11 =	vld [tilespmem:s7+$0x10]  }
0x31b: {  	v12 =	vld [tilespmem:s7+$0x4000]  }
0x31c: {  	v13 =	vld [tilespmem:s7+$0x0]  }
0x31d: {  	v14 =	vld [tilespmem:s7+$0x4020];
	v9 =	vshrl.u32 v9, $0xC  }
0x31e: {  	v15 =	vld [tilespmem:s7+$0x60];
	v10 =	vshrl.u32 v10, $0xC;
	v9 =	vand.u32 $0xFF0, v9  }
0x31f: {  	v16 =	vld [tilespmem:s7+$0x30];
	v11 =	vshrl.u32 v11, $0xC;
	v10 =	vand.u32 $0xFF0, v10  }
0x320: {  	v17 =	vld [tilespmem:s7+$0x4030];
	v12 =	vshrl.u32 v12, $0xC;
	v11 =	vand.u32 $0xFF0, v11  }
0x321: {  	v18 =	vld [tilespmem:s7+$0x40];
	v13 =	vshrl.u32 v13, $0xC;
	v12 =	vand.u32 $0xFF0, v12  }
0x322: {  	v19 =	vld [tilespmem:s7+$0x4040];
	v13 =	vand.u32 $0xFF0, v13;
	v14 =	vshrl.u32 v14, $0xC  }
0x323: {  	v20 =	vld [tilespmem:s7+$0x50];
	v13 =	vor.u32 v0, v13;
	v14 =	vand.u32 $0xFF0, v14;
	v15 =	vshrl.u32 v15, $0xC  }
0x324: {  	v12 =	vor.u32 v0, v12;
	v21 =	vld [tilespmem:s7+$0x4050];
	v16 =	vshrl.u32 v16, $0xC;
	v15 =	vand.u32 $0xFF0, v15  }
0x325: {  	v11 =	vor.u32 v0, v11;
	v22 =	vld [tilespmem:s7+$0x4060];
	v16 =	vand.u32 $0xFF0, v16;
	v17 =	vshrl.u32 v17, $0xC  }
0x326: {  	v10 =	vor.u32 v0, v10;
	v23 =	vld [tilespmem:s7+$0x4070];
	v17 =	vand.u32 $0xFF0, v17;
	v18 =	vshrl.u32 v18, $0xC  }
0x327: {  	v9 =	vor.u32 v0, v9;
	v24 =	vld [tilespmem:s7+$0x70];
	v18 =	vand.u32 $0xFF0, v18;
	v19 =	vshrl.u32 v19, $0xC  }
0x328: {  	[tilespmem:v13+s13+$0x0] =	vst.idx.add.s32.msk $0xffff, v8;
	v13 =	vor.u32 v0, v14;
	v14 =	vand.u32 $0xFF0, v19;
	v19 =	vshrl.u32 v20, $0xC  }
0x329: {  	[tilespmem:v12+s14+$0x0] =	vst.idx.add.s32.msk $0xffff, v8;
	v12 =	vor.u32 v0, v16;
	v16 =	vand.u32 $0xFF0, v19;
	v19 =	vshrl.u32 v21, $0xC  }
0x32a: {  	[tilespmem:v11+s13+$0x0] =	vst.idx.add.s32.msk $0xffff, v8;
	v11 =	vor.u32 v0, v17;
	v17 =	vand.u32 $0xFF0, v19;
	v19 =	vshrl.u32 v22, $0xC  }
0x32b: {  	[tilespmem:v10+s14+$0x0] =	vst.idx.add.s32.msk $0xffff, v8;
	v10 =	vor.u32 v0, v18;
	v18 =	vand.u32 $0xFF0, v19;
	v19 =	vshrl.u32 v23, $0xC  }
0x32c: {  	[tilespmem:v9+s13+$0x0] =	vst.idx.add.s32.msk $0xffff, v8;
	v9 =	vor.u32 v0, v14;
	v14 =	vshrl.u32 v24, $0xC;
	v19 =	vand.u32 $0xFF0, v19  }
0x32d: {  	[tilespmem:v13+s14+$0x0] =	vst.idx.add.s32.msk $0xffff, v8;
	v13 =	vor.u32 v0, v16;
	v14 =	vand.u32 $0xFF0, v14  }
0x32e: {  	[tilespmem:v12+s13+$0x0] =	vst.idx.add.s32.msk $0xffff, v8;
	v12 =	vor.u32 v0, v17  }
0x32f: {  	[tilespmem:v11+s14+$0x0] =	vst.idx.add.s32.msk $0xffff, v8;
	v11 =	vor.u32 v0, v15  }
0x330: {  	[tilespmem:v10+s13+$0x0] =	vst.idx.add.s32.msk $0xffff, v8;
	v10 =	vor.u32 v0, v18  }
0x331: {  	v14 =	vor.u32 v0, v14;
	[tilespmem:v9+s14+$0x0] =	vst.idx.add.s32.msk $0xffff, v8  }
.Ltmp19:
0x332: {  	v9 =	vor.u32 v0, v19;
	[tilespmem:v13+s13+$0x0] =	vst.idx.add.s32.msk $0xffff, v8;
	(pc) =	sbr.rel @p0 .LBB2_29-.Ltmp19, $4  }
0x333: {  	[tilespmem:v12+s14+$0x0] =	vst.idx.add.s32.msk $0xffff, v8  }
0x334: {  	[tilespmem:v11+s13+$0x0] =	vst.idx.add.s32.msk $0xffff, v8  }
0x335: {  	[tilespmem:v10+s14+$0x0] =	vst.idx.add.s32.msk $0xffff, v8  }
0x336: {  	[tilespmem:v14+s13+$0x0] =	vst.idx.add.s32.msk $0xffff, v8  }
0x337: {  	_ =	sdelay $0x3  }
0x338: {  	[tilespmem:v9+s14+$0x0] =	vst.idx.add.s32.msk $0xffff, v8;
	s3 =	simm.s32 $0xA020  }
0x339: {  	v9 =	vld [tilespmem:s3+$0xFFFFFFE0]  }
0x33a: {  	s7 =	simm.s32 $0xB020  }
0x33b: {  	v10 =	vld [tilespmem:s7+$0xFFFFFFE0]  }
0x33c: {  	v11 =	vld [tilespmem:s3+$0xFFFFFFF0]  }
0x33d: {  	v12 =	vld [tilespmem:s7+$0xFFFFFFF0]  }
0x33e: {  	v13 =	vld [tilespmem:s3+$0x0];
	(xrf0) =	vadd.scan.msk.s32 $0xffff, v9  }
0x33f: {  	v14 =	vld [tilespmem:s7+$0x0]  }
0x340: {  	v9 =	vld [tilespmem:s3+$0x10];
	(xrf0) =	vadd.scan.msk.s32 $0xffff, v10  }
0x341: {  	s24 =	simm.s32 $0xA060;
	v10 =	vld [tilespmem:s7+$0x10];
	(xrf0) =	vadd.scan.msk.s32 $0xffff, v11  }
0x342: {  	s26 =	simm.s32 $0xB060;
	v11 =	vld [tilespmem:s24+$0xFFFFFFE0];
	(xrf0) =	vadd.scan.msk.s32 $0xffff, v12  }
0x343: {  	v12 =	vld [tilespmem:s26+$0xFFFFFFE0];
	(xrf0) =	vadd.scan.msk.s32 $0xffff, v13  }
0x344: {  	v13 =	vld [tilespmem:s24+$0xFFFFFFF0];
	(xrf0) =	vadd.scan.msk.s32 $0xffff, v14;
	v14, _, _ =	vpop (xrf0)  }
0x345: {  	(xrf0) =	vadd.scan.msk.s32 $0xffff, v9;
	v9 =	vld [tilespmem:s26+$0xFFFFFFF0];
	(v2sf) =	vpush v14, $0xF  }
0x346: {  	v14, _, _ =	vpop (xrf0);
	(xrf0) =	vadd.scan.msk.s32 $0xffff, v10;
	v10 =	vld [tilespmem:s24+$0x0]  }
0x347: {  	v15 =	vld [tilespmem:s26+$0x0];
	(v2sf) =	vpush v14, $0xF;
	v14, _, _ =	vpop (xrf0);
	(xrf0) =	vadd.scan.msk.s32 $0xffff, v11  }
0x348: {  	(v2sf) =	vpush v14, $0xF;
	v11, _, _ =	vpop (xrf0);
	v14 =	vld [tilespmem:s24+$0x10];
	(xrf0) =	vadd.scan.msk.s32 $0xffff, v12  }
0x349: {  	v12 =	vld [tilespmem:s26+$0x10];
	(v2sf) =	vpush v11, $0xF;
	v11, _, _ =	vpop (xrf0);
	(xrf0) =	vadd.scan.msk.s32 $0xffff, v13  }
0x34a: {  	s8 =	simm.s32 $0xA0A0;
	(v2sf) =	vpush v11, $0xF;
	v11, _, _ =	vpop (xrf0);
	(xrf0) =	vadd.scan.msk.s32 $0xffff, v9  }
0x34b: {  	s11 =	simm.s32 $0xB0A0;
	(v2sf) =	vpush v11, $0xF;
	v9, _, _ =	vpop (xrf0);
	v11 =	vld [tilespmem:s8+$0xFFFFFFE0];
	(xrf0) =	vadd.scan.msk.s32 $0xffff, v10  }
0x34c: {  	v10 =	vld [tilespmem:s11+$0xFFFFFFE0];
	(v2sf) =	vpush v9, $0xF;
	v9, _, _ =	vpop (xrf0);
	(xrf0) =	vadd.scan.msk.s32 $0xffff, v15  }
0x34d: {  	(v2sf) =	vpush v9, $0xF;
	v9 =	vld [tilespmem:s8+$0xFFFFFFF0];
	v13, _, _ =	vpop (xrf0);
	(xrf0) =	vadd.scan.msk.s32 $0xffff, v14  }
0x34e: {  	v14 =	vld [tilespmem:s11+$0xFFFFFFF0];
	(v2sf) =	vpush v13, $0xF;
	v13, _, _ =	vpop (xrf0);
	(xrf0) =	vadd.scan.msk.s32 $0xffff, v12  }
0x34f: {  	v12 =	vld [tilespmem:s8+$0x0];
	(v2sf) =	vpush v13, $0xF;
	v13, _, _ =	vpop (xrf0)  }
0x350: {  	v15 =	vld [tilespmem:s11+$0x0];
	(xrf0) =	vadd.scan.msk.s32 $0xffff, v11;
	(v2sf) =	vpush v13, $0xF;
	v11, _, _ =	vpop (xrf0)  }
0x351: {  	(xrf0) =	vadd.scan.msk.s32 $0xffff, v10;
	(v2sf) =	vpush v11, $0xF;
	v10, _, _ =	vpop (xrf0)  }
0x352: {  	s3 =	simm.s32 $0xA0E0;
	v11 =	vld [tilespmem:s8+$0x10];
	(xrf0) =	vadd.scan.msk.s32 $0xffff, v9;
	(v2sf) =	vpush v10, $0xF;
	v9, _, _ =	vpop (xrf0)  }
0x353: {  	v13 =	vld [tilespmem:s3+$0xFFFFFFE0];
	(xrf0) =	vadd.scan.msk.s32 $0xffff, v14;
	(v2sf) =	vpush v9, $0xF;
	v9, _, _ =	vpop (xrf0)  }
0x354: {  	s8 =	simm.s32 $0xB0E0;
	v10 =	vld [tilespmem:s11+$0x10];
	(xrf0) =	vadd.scan.msk.s32 $0xffff, v12;
	(v2sf) =	vpush v9, $0xF;
	v9, _, _ =	vpop (xrf0);
	s24 =	spop (v2sf)  }
0x355: {  	v14 =	vld [tilespmem:s8+$0xFFFFFFE0];
	(xrf0) =	vadd.scan.msk.s32 $0xffff, v15;
	(v2sf) =	vpush v9, $0xF;
	[smem:$0x0] =	sst s24  }
0x356: {  	s7 =	spop (v2sf)  }
0x357: {  	v15 =	vld [tilespmem:s3+$0xFFFFFFF0];
	v12, _, _ =	vpop (xrf0);
	(xrf0) =	vadd.scan.msk.s32 $0xffff, v11;
	[smem:$0x100] =	sst s7  }
0x358: {  	s7 =	spop (v2sf)  }
0x359: {  	v9 =	vld [tilespmem:s8+$0xFFFFFFF0];
	(v2sf) =	vpush v12, $0xF;
	v11, _, _ =	vpop (xrf0);
	(xrf0) =	vadd.scan.msk.s32 $0xffff, v10;
	[smem:$0x1] =	sst s7  }
0x35a: {  	s7 =	spop (v2sf)  }
0x35b: {  	v10 =	vld [tilespmem:s3+$0x0];
	(v2sf) =	vpush v11, $0xF;
	v12, _, _ =	vpop (xrf0);
	[smem:$0x101] =	sst s7  }
0x35c: {  	(xrf0) =	vadd.scan.msk.s32 $0xffff, v13;
	(v2sf) =	vpush v12, $0xF;
	v13, _, _ =	vpop (xrf0)  }
0x35d: {  	s26 =	simm.s32 $0x2;
	s11 =	spop (v2sf);
	(xrf0) =	vadd.scan.msk.s32 $0xffff, v14;
	(v2sf) =	vpush v13, $0xF;
	v14, _, _ =	vpop (xrf0)  }
0x35e: {  	[smem:s26] =	sst s11;
	s11 =	spop (v2sf);
	(v2sf) =	vpush v14, $0xF  }
0x35f: {  	_ = 	snop  }
0x360: {  	s24 =	simm.s32 $0x102;
	v11 =	vld [tilespmem:s8+$0x0]  }
0x361: {  	v12 =	vld [tilespmem:s3+$0x10];
	[smem:s24] =	sst s11;
	s26 =	spop (v2sf)  }
0x362: {  	s28 =	simm.s32 $0xC;
	v13 =	vld [tilespmem:s8+$0x10];
	(xrf0) =	vadd.scan.msk.s32 $0xffff, v15;
	v14, _, _ =	vpop (xrf0);
	[smem:$0x3] =	sst s26  }
0x363: {  	s7 =	simm.s32 $0x106;
	s11 =	simm.s32 $0x6;
	s26 =	spop (v2sf)  }
.LBB2_31:
0x364: {  	s28 =	sadd.s32 $0x4, s28;
	s3 =	sadd.s32 $0x40, s3;
	(xrf0) =	vadd.scan.msk.s32 $0xffff, v9;
	(v2sf) =	vpush v14, $0xF;
	v9, _, _ =	vpop (xrf0);
	[smem:s24+$0x1] =	sst s26  }
0x365: {  	s8 =	sadd.s32 $0x40, s8;
	v14 =	vld [tilespmem:s3+$0xFFFFFFE0];
	p0 =	slt.u32 s28, $0xFC;
	(xrf0) =	vadd.scan.msk.s32 $0xffff, v10;
	(v2sf) =	vpush v9, $0xF;
	v9, _, _ =	vpop (xrf0);
	s24 =	spop (v2sf)  }
0x366: {  	v15 =	vld [tilespmem:s8+$0xFFFFFFE0];
	(xrf0) =	vadd.scan.msk.s32 $0xffff, v11;
	(v2sf) =	vpush v9, $0xF;
	[smem:s11+$0xFFFFFFFE] =	sst s24;
	s26 =	spop (v2sf);
	s24 =	smov.u32 s7  }
0x367: {  	v16 =	vld [tilespmem:s3+$0xFFFFFFF0];
	v10, _, _ =	vpop (xrf0);
	(xrf0) =	vadd.scan.msk.s32 $0xffff, v12;
	[smem:s7+$0xFFFFFFFE] =	sst s26;
	s26 =	spop (v2sf)  }
0x368: {  	[smem:s11+$0xFFFFFFFF] =	sst s26  }
.Ltmp20:
0x369: {  	v9 =	vld [tilespmem:s8+$0xFFFFFFF0];
	(v2sf) =	vpush v10, $0xF;
	v11, _, _ =	vpop (xrf0);
	(xrf0) =	vadd.scan.msk.s32 $0xffff, v13;
	s26 =	spop (v2sf);
	(pc) =	sbr.rel @p0 .LBB2_31-.Ltmp20, $4  }
0x36a: {  	v10 =	vld [tilespmem:s3+$0x0];
	(v2sf) =	vpush v11, $0xF;
	v12, _, _ =	vpop (xrf0);
	[smem:s7+$0xFFFFFFFF] =	sst s26;
	s26 =	spop (v2sf)  }
0x36b: {  	v11 =	vld [tilespmem:s8+$0x0];
	(xrf0) =	vadd.scan.msk.s32 $0xffff, v14;
	(v2sf) =	vpush v12, $0xF;
	v13, _, _ =	vpop (xrf0);
	[smem:s11] =	sst s26;
	s26 =	spop (v2sf)  }
0x36c: {  	s7 =	sadd.s32 $0x4, s7;
	v12 =	vld [tilespmem:s3+$0x10];
	(xrf0) =	vadd.scan.msk.s32 $0xffff, v15;
	(v2sf) =	vpush v13, $0xF;
	v14, _, _ =	vpop (xrf0);
	[smem:s24] =	sst s26;
	s26 =	spop (v2sf)  }
0x36d: {  	v13 =	vld [tilespmem:s8+$0x10];
	(xrf0) =	vadd.scan.msk.s32 $0xffff, v16;
	(v2sf) =	vpush v14, $0xF;
	v14, _, _ =	vpop (xrf0);
	[smem:s11+$0x1] =	sst s26;
	s11 =	sadd.s32 $0x4, s11;
	s26 =	spop (v2sf)  }
0x36e: {  	(xrf0) =	vadd.scan.msk.s32 $0xffff, v9  }
0x36f: {  	(v2sf) =	vpush v14, $0xF;
	v9, _, _ =	vpop (xrf0);
	(xrf0) =	vadd.scan.msk.s32 $0xffff, v10  }
0x370: {  	(v2sf) =	vpush v9, $0xF;
	v9, _, _ =	vpop (xrf0);
	(xrf0) =	vadd.scan.msk.s32 $0xffff, v11  }
0x371: {  	[smem:s24+$0x1] =	sst s26;
	s3 =	spop (v2sf);
	(v2sf) =	vpush v9, $0xF;
	v9, _, _ =	vpop (xrf0);
	(xrf0) =	vadd.scan.msk.s32 $0xffff, v12  }
0x372: {  	[smem:s11+$0xFFFFFFFE] =	sst s3;
	s24 =	spop (v2sf);
	(v2sf) =	vpush v9, $0xF;
	v9, _, _ =	vpop (xrf0)  }
0x373: {  	[smem:s7+$0xFFFFFFFE] =	sst s24;
	s26 =	spop (v2sf);
	(xrf0) =	vadd.scan.msk.s32 $0xffff, v13;
	(v2sf) =	vpush v9, $0xF;
	v9, _, _ =	vpop (xrf0)  }
0x374: {  	[smem:s11+$0xFFFFFFFF] =	sst s26;
	s28 =	spop (v2sf);
	(v2sf) =	vpush v9, $0xF;
	v9, _, _ =	vpop (xrf0)  }
0x375: {  	[smem:s7+$0xFFFFFFFF] =	sst s28;
	s8 =	spop (v2sf);
	(v2sf) =	vpush v9, $0xF;
	v9, _, _ =	vpop (xrf0)  }
0x376: {  	[smem:s11] =	sst s8;
	s24 =	spop (v2sf);
	(v2sf) =	vpush v9, $0xF;
	v9, _, _ =	vpop (xrf0)  }
0x377: {  	[smem:s7] =	sst s24;
	s26 =	spop (v2sf);
	(v2sf) =	vpush v9, $0xF;
	v9, _, _ =	vpop (xrf0)  }
0x378: {  	[smem:s11+$0x1] =	sst s26;
	s28 =	spop (v2sf);
	(v2sf) =	vpush v9, $0xF  }
0x379: {  	s8 =	sadd.s32 $0x4, s11;
	[smem:s7+$0x1] =	sst s28;
	v9, _, _ =	vpop (xrf0);
	s11 =	spop (v2sf)  }
0x37a: {  	s7 =	sadd.s32 $0x4, s7;
	(v2sf) =	vpush v9, $0xF;
	[smem:s8+$0xFFFFFFFE] =	sst s11;
	s24 =	spop (v2sf)  }
0x37b: {  	[smem:s7+$0xFFFFFFFE] =	sst s24;
	s26 =	spop (v2sf)  }
0x37c: {  	[smem:s8+$0xFFFFFFFF] =	sst s26;
	s28 =	spop (v2sf)  }
0x37d: {  	[smem:s7+$0xFFFFFFFF] =	sst s28;
	s11 =	spop (v2sf)  }
0x37e: {  	[smem:s8] =	sst s11;
	s24 =	spop (v2sf)  }
0x37f: {  	[smem:s7] =	sst s24;
	s26 =	spop (v2sf)  }
0x380: {  	[smem:s8+$0x1] =	sst s26;
	s28 =	spop (v2sf)  }
0x381: {  	s8 =	sadd.s32 $0x4, s8;
	[smem:s7+$0x1] =	sst s28;
	s11 =	spop (v2sf)  }
0x382: {  	s7 =	sadd.s32 $0x4, s7;
	[smem:s8+$0xFFFFFFFE] =	sst s11;
	s24 =	spop (v2sf)  }
0x383: {  	[smem:s7+$0xFFFFFFFE] =	sst s24;
	s26 =	spop (v2sf)  }
0x384: {  	[smem:s8+$0xFFFFFFFF] =	sst s26;
	s28 =	spop (v2sf)  }
0x385: {  	[smem:s7+$0xFFFFFFFF] =	sst s28;
	s11 =	spop (v2sf)  }
0x386: {  	[smem:s8] =	sst s11;
	s24 =	spop (v2sf)  }
0x387: {  	[smem:s7] =	sst s24;
	s26 =	spop (v2sf)  }
0x388: {  	p0 =	por $0x1, $0x1;
	[smem:s8+$0x1] =	sst s26  }
.Ltmp21:
0x389: {  	s28 =	spop (v2sf);
	(pc) =	sbr.rel @!p0 .LBB2_34-.Ltmp21, $4  }
0x38a: {  	[smem:s7+$0x1] =	sst s28  }
0x38b: {  	s24 =	sld [smem:$0x0]  }
0x38c: {  	s3 =	simm.s32 $0x0;
	s7 =	simm.s32 $0x0;
	s26 =	sld [smem:$0x100]  }
0x38d: {  	s11 =	simm.s32 $0x0;
	s8 =	simm.s32 $0x4;
	[smem:s7] =	sst s3  }
.LBB2_33:
0x38e: {  	p0 =	sne.s32 s8, $0x3FC  }
0x38f: {  	[smem:s7+$0x100] =	sst s3;
	s11 =	sadd.s32 s11, s24;
	s7 =	smov.u32 s8  }
.Ltmp22:
0x390: {  	s8 =	sadd.s32 $0x4, s8;
	s3 =	sadd.s32 s3, s26;
	(pc) =	sbr.rel @p0 .LBB2_33-.Ltmp22, $4  }
0x391: {  	s7 =	sshra.s32 s7, $0x2  }
0x392: {  	s24 =	sld [smem:s7+$0x0]  }
0x393: {  	s26 =	sld [smem:s7+$0x100]  }
0x394: {  	[smem:s7] =	sst s11  }
.LBB2_34:
0x395: {  	s24 =	simm.s32 $0xA020  }
0x396: {  	s8 =	simm.s32 $0xB020;
	v9 =	vld [tilespmem:s24+$0xFFFFFFE0]  }
0x397: {  	v10 =	vld [tilespmem:s8+$0xFFFFFFE0];
	_ =	sdelay $0x3  }
0x398: {  	(xrf0) =	vadd.scan.msk.s32 $0xffff, v9  }
0x399: {  	(xrf0) =	vadd.scan.msk.s32 $0xffff, v10;
	_ =	sdelay $0x2  }
0x39a: {  	[smem:s7+$0x100] =	sst s3  }
0x39b: {  	s3 =	sld [smem:$0x0]  }
0x39c: {  	s11 =	sld [smem:$0x100];
	v11, _, _ =	vpop (xrf0)  }
0x39d: {  	v9 =	vsub.s32 v11, v9;
	v11, _, _ =	vpop (xrf0)  }
0x39e: {  	v9 =	vadd.s32 s3, v9;
	v10 =	vsub.s32 v11, v10  }
0x39f: {  	[tilespmem:s24+$0xFFFFFFE0] =	vst v9;
	v9 =	vadd.s32 s11, v10  }
0x3a0: {  	[tilespmem:s8+$0xFFFFFFE0] =	vst v9  }
0x3a1: {  	v9 =	vld [tilespmem:s24+$0xFFFFFFF0]  }
0x3a2: {  	v10 =	vld [tilespmem:s8+$0xFFFFFFF0];
	_ =	sdelay $0x3  }
0x3a3: {  	(xrf0) =	vadd.scan.msk.s32 $0xffff, v9  }
0x3a4: {  	(xrf0) =	vadd.scan.msk.s32 $0xffff, v10;
	_ =	sdelay $0x3  }
0x3a5: {  	s26 =	sld [smem:$0x1]  }
0x3a6: {  	s28 =	sld [smem:$0x101];
	v11, _, _ =	vpop (xrf0)  }
0x3a7: {  	v9 =	vsub.s32 v11, v9;
	v11, _, _ =	vpop (xrf0)  }
0x3a8: {  	v9 =	vadd.s32 s26, v9;
	v10 =	vsub.s32 v11, v10  }
0x3a9: {  	[tilespmem:s24+$0xFFFFFFF0] =	vst v9;
	v9 =	vadd.s32 s28, v10  }
0x3aa: {  	[tilespmem:s8+$0xFFFFFFF0] =	vst v9  }
0x3ab: {  	v9 =	vld [tilespmem:s24+$0x0]  }
0x3ac: {  	v10 =	vld [tilespmem:s8+$0x0];
	_ =	sdelay $0x3  }
0x3ad: {  	(xrf0) =	vadd.scan.msk.s32 $0xffff, v9  }
0x3ae: {  	(xrf0) =	vadd.scan.msk.s32 $0xffff, v10;
	_ =	sdelay $0x3  }
0x3af: {  	s7 =	sld [smem:$0x2]  }
0x3b0: {  	s11 =	sld [smem:$0x102];
	v11, _, _ =	vpop (xrf0)  }
0x3b1: {  	v9 =	vsub.s32 v11, v9;
	v11, _, _ =	vpop (xrf0)  }
0x3b2: {  	v9 =	vadd.s32 s7, v9;
	v10 =	vsub.s32 v11, v10  }
0x3b3: {  	[tilespmem:s24+$0x0] =	vst v9;
	v9 =	vadd.s32 s11, v10  }
0x3b4: {  	[tilespmem:s8+$0x0] =	vst v9;
	v9 =	vld [tilespmem:s8+$0x10]  }
0x3b5: {  	v10 =	vld [tilespmem:s24+$0x10];
	_ =	sdelay $0x3  }
0x3b6: {  	(xrf0) =	vadd.scan.msk.s32 $0xffff, v9  }
0x3b7: {  	(xrf0) =	vadd.scan.msk.s32 $0xffff, v10;
	_ =	sdelay $0x4  }
0x3b8: {  	s26 =	sld [smem:$0x3];
	v11, _, _ =	vpop (xrf0)  }
0x3b9: {  	s28 =	sld [smem:$0x103];
	v12, _, _ =	vpop (xrf0)  }
0x3ba: {  	v10 =	vsub.s32 v12, v10  }
0x3bb: {  	v9 =	vsub.s32 v11, v9;
	v10 =	vadd.s32 s26, v10  }
0x3bc: {  	s3 =	simm.s32 $0x0;
	s7 =	simm.s32 $0x6;
	s11 =	simm.s32 $0x106;
	[tilespmem:s24+$0x10] =	vst v10;
	v9 =	vadd.s32 s28, v9  }
.LBB2_35:
0x3bd: {  	s3 =	sadd.s32 $0x4, s3;
	[tilespmem:s8+$0x10] =	vst v9;
	s8 =	sadd.s32 $0x40, s8;
	s24 =	sadd.s32 $0x40, s24  }
0x3be: {  	v9 =	vld [tilespmem:s24+$0xFFFFFFE0];
	p0 =	slt.u32 s3, $0xFC  }
0x3bf: {  	v10 =	vld [tilespmem:s8+$0xFFFFFFE0];
	_ =	sdelay $0x3  }
0x3c0: {  	(xrf0) =	vadd.scan.msk.s32 $0xffff, v9  }
0x3c1: {  	(xrf0) =	vadd.scan.msk.s32 $0xffff, v10;
	_ =	sdelay $0x3  }
0x3c2: {  	s26 =	sld [smem:s7+$0xFFFFFFFE]  }
0x3c3: {  	s28 =	sld [smem:s11+$0xFFFFFFFE];
	v11, _, _ =	vpop (xrf0)  }
0x3c4: {  	v9 =	vsub.s32 v11, v9;
	v11, _, _ =	vpop (xrf0)  }
0x3c5: {  	v9 =	vadd.s32 s26, v9;
	v10 =	vsub.s32 v11, v10  }
0x3c6: {  	[tilespmem:s24+$0xFFFFFFE0] =	vst v9;
	v9 =	vadd.s32 s28, v10  }
0x3c7: {  	[tilespmem:s8+$0xFFFFFFE0] =	vst v9  }
0x3c8: {  	v9 =	vld [tilespmem:s24+$0xFFFFFFF0]  }
0x3c9: {  	v10 =	vld [tilespmem:s8+$0xFFFFFFF0];
	_ =	sdelay $0x3  }
0x3ca: {  	(xrf0) =	vadd.scan.msk.s32 $0xffff, v9  }
0x3cb: {  	(xrf0) =	vadd.scan.msk.s32 $0xffff, v10;
	_ =	sdelay $0x3  }
0x3cc: {  	s26 =	sld [smem:s7+$0xFFFFFFFF]  }
0x3cd: {  	s28 =	sld [smem:s11+$0xFFFFFFFF];
	v11, _, _ =	vpop (xrf0)  }
0x3ce: {  	v9 =	vsub.s32 v11, v9;
	v11, _, _ =	vpop (xrf0)  }
0x3cf: {  	v9 =	vadd.s32 s26, v9;
	v10 =	vsub.s32 v11, v10  }
0x3d0: {  	[tilespmem:s24+$0xFFFFFFF0] =	vst v9;
	v9 =	vadd.s32 s28, v10  }
0x3d1: {  	[tilespmem:s8+$0xFFFFFFF0] =	vst v9  }
0x3d2: {  	v9 =	vld [tilespmem:s24+$0x0]  }
0x3d3: {  	v10 =	vld [tilespmem:s8+$0x0];
	_ =	sdelay $0x3  }
0x3d4: {  	(xrf0) =	vadd.scan.msk.s32 $0xffff, v9  }
0x3d5: {  	(xrf0) =	vadd.scan.msk.s32 $0xffff, v10;
	_ =	sdelay $0x3  }
0x3d6: {  	s26 =	sld [smem:s7+$0x0]  }
0x3d7: {  	s28 =	sld [smem:s11+$0x0];
	v11, _, _ =	vpop (xrf0)  }
0x3d8: {  	v9 =	vsub.s32 v11, v9;
	v11, _, _ =	vpop (xrf0)  }
0x3d9: {  	v9 =	vadd.s32 s26, v9;
	v10 =	vsub.s32 v11, v10  }
0x3da: {  	[tilespmem:s24+$0x0] =	vst v9;
	v9 =	vadd.s32 s28, v10  }
0x3db: {  	[tilespmem:s8+$0x0] =	vst v9;
	v9 =	vld [tilespmem:s8+$0x10]  }
0x3dc: {  	v10 =	vld [tilespmem:s24+$0x10];
	_ =	sdelay $0x3  }
0x3dd: {  	(xrf0) =	vadd.scan.msk.s32 $0xffff, v9  }
0x3de: {  	(xrf0) =	vadd.scan.msk.s32 $0xffff, v10;
	_ =	sdelay $0x4  }
.Ltmp23:
0x3df: {  	s26 =	sld [smem:s7+$0x1];
	v11, _, _ =	vpop (xrf0);
	(pc) =	sbr.rel @p0 .LBB2_35-.Ltmp23, $4  }
0x3e0: {  	v9 =	vsub.s32 v11, v9;
	s28 =	sld [smem:s11+$0x1];
	v11, _, _ =	vpop (xrf0)  }
0x3e1: {  	v10 =	vsub.s32 v11, v10  }
0x3e2: {  	v10 =	vadd.s32 s26, v10  }
0x3e3: {  	s7 =	sadd.s32 $0x4, s7;
	s11 =	sadd.s32 $0x4, s11;
	[tilespmem:s24+$0x10] =	vst v10;
	v9 =	vadd.s32 s28, v9  }
0x3e4: {  	[tilespmem:s8+$0x10] =	vst v9;
	s8 =	simm.s32 $0x0  }
0x3e5: {  	v9 =	vld [tilespmem:s8+$0x20]  }
0x3e6: {  	v10 =	vld [tilespmem:s8+$0x0]  }
0x3e7: {  	v11 =	vld [tilespmem:s8+$0x4010]  }
0x3e8: {  	v12 =	vld [tilespmem:s8+$0x10]  }
0x3e9: {  	v14 =	vld [tilespmem:s8+$0x4000]  }
0x3ea: {  	v15 =	vld [tilespmem:s8+$0x4020];
	_ =	sdelay $0x1  }
0x3eb: {  	v18 =	vld [tilespmem:s8+$0x4030]  }
0x3ec: {  	v17 =	vld [tilespmem:s8+$0x30];
	v9 =	vshrl.u32 v9, $0xC;
	v10 =	vshrl.u32 v10, $0xC;
	v11 =	vshrl.u32 v11, $0xC  }
0x3ed: {  	v12 =	vshrl.u32 v12, $0xC;
	v14 =	vshrl.u32 v14, $0xC;
	v21 =	vand.u32 $0xFF0, v9  }
0x3ee: {  	v13 =	vld [tilespmem:s8+$0x2030];
	v15 =	vshrl.u32 v15, $0xC;
	v22 =	vand.u32 $0xFF0, v10;
	v9 =	vor.u32 v0, v21  }
0x3ef: {  	v16 =	vld [tilespmem:s8+$0x6020];
	v27 =	vand.u32 $0xFF0, v11;
	v26 =	vand.u32 $0xFF0, v12;
	v11 =	vor.u32 v0, v22  }
0x3f0: {  	v20 =	vld [tilespmem:s8+$0x6000];
	v18 =	vshrl.u32 v18, $0xC;
	v31 =	vand.u32 $0xFF0, v14;
	v14 =	vor.u32 v0, v26  }
0x3f1: {  	v23 =	vld [tilespmem:s8+$0x2000];
	v29 =	vand.u32 $0xFF0, v15;
	v15 =	vshrl.u32 v17, $0xC;
	v12 =	vor.u32 v0, v27  }
0x3f2: {  	v10 =	vld [tilespmem:s8+$0x6030];
	v33 =	vand.u32 $0xFF0, v18;
	v17 =	vor.u32 v0, v31;
	v36 =	vand.u32 $0xFF0, v15  }
0x3f3: {  	v15 =	vor.u32 v0, v29;
	v19 =	vor.u32 v0, v33;
	vm0 =	veq.s32 v36, v22;
	v25 =	vld.idx.msk [tilespmem:v9+s13+$0x0], $0xffff  }
0x3f4: {  	v18 =	vor.u32 v0, v36;
	v28 =	vsel vm0, $0x1, v6;
	vm0 =	veq.s32 v36, v26;
	v24 =	vld.idx.msk [tilespmem:v11+s13+$0x0], $0xffff  }
0x3f5: {  	vm1 =	veq.s32 v33, v31;
	v30 =	vsel vm0, $0x1, v6;
	vm0 =	veq.s32 v33, v27;
	v34 =	vld.idx.msk [tilespmem:v14+s13+$0x0], $0xffff  }
0x3f6: {  	v32 =	vsel vm1, $0x1, v6;
	vm1 =	veq.s32 v26, v22;
	v37 =	vsel vm0, $0x1, v6;
	v35 =	vld.idx.msk [tilespmem:v12+s14+$0x0], $0xffff  }
0x3f7: {  	s24 =	simm.s32 $0x100;
	v30 =	vadd.s32 v30, v28;
	vm0 =	veq.s32 v27, v31;
	v28 =	vld.idx.msk [tilespmem:v17+s14+$0x0], $0xffff;
	v32 =	vadd.s32 v37, v32  }
.LBB2_37:
0x3f8: {  	p0 =	sne.s32 s24, $0x3F00;
	v37 =	vld.idx.msk [tilespmem:v15+s14+$0x0], $0xffff;
	vm2 =	veq.s32 v29, v31;
	vm3 =	veq.s32 v29, v27;
	vm4 =	veq.s32 v36, v21;
	s3 =	smov.u32 s24;
	s24 =	sadd.s32 $0x100, s24  }
0x3f9: {  	vm5 =	veq.s32 v33, v29;
	v27 =	vld.idx.msk [tilespmem:v18+s13+$0x0], $0xffff;
	v31 =	vsel vm2, $0x1, v6;
	vm2 =	veq.s32 v21, v26  }
0x3fa: {  	v29 =	vsel vm1, $0x1, v6;
	vm1 =	veq.s32 v21, v22;
	v26 =	vld.idx.msk [tilespmem:v19+s14+$0x0], $0xffff;
	v21 =	vsel vm2, $0x1, v6  }
0x3fb: {  	v33 =	vsel vm0, $0x1, v6;
	s3 =	sshra.s32 s3, $0x2;
	v29 =	vadd.s32 v29, v34;
	v34 =	vsel vm1, $0x1, v6;
	v22 =	vld [tilespmem:s8+$0x2010]  }
0x3fc: {  	v33 =	vadd.s32 v33, v35;
	v21 =	vadd.s32 v21, v34;
	v34 =	vsel vm3, $0x1, v6;
	v36 =	vld [tilespmem:s8+$0x6010]  }
0x3fd: {  	v31 =	vadd.s32 v34, v31;
	v21 =	vadd.s32 v25, v21;
	v25 =	vsel vm4, $0x1, v6;
	v35 =	vld [tilespmem:s8+$0x2020];
	s8 =	smov.u32 s3  }
0x3fe: {  	v31 =	vadd.s32 v37, v31;
	v25 =	vadd.s32 v25, v30;
	v30 =	vsel vm5, $0x1, v6;
	[tilespmem:v24+s21+$0x0] =	vst.idx.msk $0xffff, v23  }
0x3ff: {  	v23 =	vadd.s32 v30, v32;
	v24 =	vadd.s32 v27, v25;
	[tilespmem:v28+s22+$0x0] =	vst.idx.msk $0xffff, v20  }
0x400: {  	v20 =	vadd.s32 v26, v23;
	[tilespmem:v29+s21+$0x0] =	vst.idx.msk $0xffff, v22  }
0x401: {  	[tilespmem:v33+s22+$0x0] =	vst.idx.msk $0xffff, v36  }
0x402: {  	[tilespmem:v21+s21+$0x0] =	vst.idx.msk $0xffff, v35  }
0x403: {  	[tilespmem:v31+s22+$0x0] =	vst.idx.msk $0xffff, v16  }
0x404: {  	[tilespmem:v24+s21+$0x0] =	vst.idx.msk $0xffff, v13  }
0x405: {  	[tilespmem:v20+s22+$0x0] =	vst.idx.msk $0xffff, v10  }
0x406: {  	[tilespmem:v11+s13+$0x0] =	vst.idx.add.s32.msk $0xffff, v8  }
0x407: {  	[tilespmem:v17+s14+$0x0] =	vst.idx.add.s32.msk $0xffff, v8  }
0x408: {  	[tilespmem:v14+s13+$0x0] =	vst.idx.add.s32.msk $0xffff, v8  }
0x409: {  	[tilespmem:v12+s14+$0x0] =	vst.idx.add.s32.msk $0xffff, v8  }
0x40a: {  	[tilespmem:v9+s13+$0x0] =	vst.idx.add.s32.msk $0xffff, v8  }
0x40b: {  	[tilespmem:v15+s14+$0x0] =	vst.idx.add.s32.msk $0xffff, v8  }
0x40c: {  	[tilespmem:v18+s13+$0x0] =	vst.idx.add.s32.msk $0xffff, v8  }
0x40d: {  	[tilespmem:v19+s14+$0x0] =	vst.idx.add.s32.msk $0xffff, v8  }
0x40e: {  	v9 =	vld [tilespmem:s8+$0x20]  }
0x40f: {  	v10 =	vld [tilespmem:s8+$0x0]  }
0x410: {  	v11 =	vld [tilespmem:s8+$0x4010]  }
0x411: {  	v12 =	vld [tilespmem:s8+$0x10]  }
0x412: {  	v14 =	vld [tilespmem:s8+$0x4000]  }
0x413: {  	v15 =	vld [tilespmem:s8+$0x4020];
	v9 =	vshrl.u32 v9, $0xC  }
0x414: {  	v17 =	vld [tilespmem:s8+$0x30];
	v10 =	vshrl.u32 v10, $0xC;
	v21 =	vand.u32 $0xFF0, v9  }
0x415: {  	v18 =	vld [tilespmem:s8+$0x4030];
	v22 =	vand.u32 $0xFF0, v10;
	v11 =	vshrl.u32 v11, $0xC;
	v9 =	vor.u32 v0, v21  }
0x416: {  	v10 =	vld [tilespmem:s8+$0x6030];
	v12 =	vshrl.u32 v12, $0xC;
	v27 =	vand.u32 $0xFF0, v11;
	v11 =	vor.u32 v0, v22  }
0x417: {  	v13 =	vld [tilespmem:s8+$0x2030];
	v14 =	vshrl.u32 v14, $0xC;
	v26 =	vand.u32 $0xFF0, v12;
	v12 =	vor.u32 v0, v27  }
0x418: {  	v16 =	vld [tilespmem:s8+$0x6020];
	v31 =	vand.u32 $0xFF0, v14;
	v15 =	vshrl.u32 v15, $0xC;
	v14 =	vor.u32 v0, v26  }
0x419: {  	v20 =	vld [tilespmem:s8+$0x6000];
	v29 =	vand.u32 $0xFF0, v15;
	v15 =	vshrl.u32 v17, $0xC;
	v17 =	vor.u32 v0, v31  }
0x41a: {  	v23 =	vld [tilespmem:s8+$0x2000];
	v36 =	vand.u32 $0xFF0, v15;
	v18 =	vshrl.u32 v18, $0xC;
	v15 =	vor.u32 v0, v29  }
.Ltmp24:
0x41b: {  	v33 =	vand.u32 $0xFF0, v18;
	v25 =	vld.idx.msk [tilespmem:v9+s13+$0x0], $0xffff;
	v18 =	vor.u32 v0, v36;
	vm0 =	veq.s32 v36, v22;
	(pc) =	sbr.rel @p0 .LBB2_37-.Ltmp24, $4  }
0x41c: {  	v24 =	vld.idx.msk [tilespmem:v11+s13+$0x0], $0xffff;
	v19 =	vor.u32 v0, v33;
	v28 =	vsel vm0, $0x1, v6;
	vm0 =	veq.s32 v36, v26  }
0x41d: {  	vm1 =	veq.s32 v33, v31;
	v34 =	vld.idx.msk [tilespmem:v14+s13+$0x0], $0xffff;
	v30 =	vsel vm0, $0x1, v6;
	vm0 =	veq.s32 v33, v27  }
0x41e: {  	v32 =	vsel vm1, $0x1, v6;
	v35 =	vld.idx.msk [tilespmem:v12+s14+$0x0], $0xffff;
	v30 =	vadd.s32 v30, v28;
	v37 =	vsel vm0, $0x1, v6  }
0x41f: {  	vm1 =	veq.s32 v26, v22;
	vm0 =	veq.s32 v27, v31;
	v28 =	vld.idx.msk [tilespmem:v17+s14+$0x0], $0xffff;
	v32 =	vadd.s32 v37, v32  }
0x420: {  	_ =	sdelay $0x3  }
0x421: {  	v37 =	vld.idx.msk [tilespmem:v15+s14+$0x0], $0xffff;
	vm2 =	veq.s32 v29, v31;
	vm3 =	veq.s32 v29, v27;
	vm4 =	veq.s32 v36, v21  }
0x422: {  	v49 =	vld.idx.msk [tilespmem:v18+s13+$0x0], $0xffff;
	vm14 =	veq.s32 v21, v26;
	vm5 =	veq.s32 v33, v29;
	v51 =	vsel vm1, $0x1, v6  }
0x423: {  	v50 =	vld.idx.msk [tilespmem:v19+s14+$0x0], $0xffff;
	vm15 =	veq.s32 v21, v22;
	v54 =	vsel vm0, $0x1, v6;
	v31 =	vsel vm2, $0x1, v6  }
0x424: {  	v53 =	vld [tilespmem:s8+$0x2010];
	v52 =	vsel vm14, $0x1, v6;
	v55 =	vsel vm15, $0x1, v6;
	v29 =	vadd.s32 v51, v34  }
0x425: {  	v56 =	vld [tilespmem:s8+$0x6010];
	v57 =	vsel vm3, $0x1, v6;
	v21 =	vadd.s32 v52, v55;
	v33 =	vadd.s32 v54, v35  }
0x426: {  	v58 =	vld [tilespmem:s8+$0x2020];
	v59 =	vsel vm4, $0x1, v6;
	v31 =	vadd.s32 v57, v31;
	v21 =	vadd.s32 v25, v21  }
0x427: {  	v60 =	vsel vm5, $0x1, v6;
	[tilespmem:v24+s21+$0x0] =	vst.idx.msk $0xffff, v23;
	v25 =	vadd.s32 v59, v30;
	v31 =	vadd.s32 v37, v31  }
0x428: {  	v61 =	vadd.s32 v60, v32;
	[tilespmem:v28+s22+$0x0] =	vst.idx.msk $0xffff, v20;
	v62 =	vadd.s32 v49, v25  }
0x429: {  	v63 =	vadd.s32 v50, v61;
	[tilespmem:v29+s21+$0x0] =	vst.idx.msk $0xffff, v53  }
0x42a: {  	[tilespmem:v33+s22+$0x0] =	vst.idx.msk $0xffff, v56  }
0x42b: {  	[tilespmem:v21+s21+$0x0] =	vst.idx.msk $0xffff, v58  }
0x42c: {  	[tilespmem:v31+s22+$0x0] =	vst.idx.msk $0xffff, v16  }
0x42d: {  	[tilespmem:v62+s21+$0x0] =	vst.idx.msk $0xffff, v13  }
0x42e: {  	[tilespmem:v63+s22+$0x0] =	vst.idx.msk $0xffff, v10  }
0x42f: {  	[tilespmem:v11+s13+$0x0] =	vst.idx.add.s32.msk $0xffff, v8  }
0x430: {  	[tilespmem:v17+s14+$0x0] =	vst.idx.add.s32.msk $0xffff, v8  }
0x431: {  	[tilespmem:v14+s13+$0x0] =	vst.idx.add.s32.msk $0xffff, v8  }
0x432: {  	[tilespmem:v12+s14+$0x0] =	vst.idx.add.s32.msk $0xffff, v8  }
0x433: {  	[tilespmem:v9+s13+$0x0] =	vst.idx.add.s32.msk $0xffff, v8  }
0x434: {  	[tilespmem:v15+s14+$0x0] =	vst.idx.add.s32.msk $0xffff, v8  }
0x435: {  	[tilespmem:v18+s13+$0x0] =	vst.idx.add.s32.msk $0xffff, v8  }
0x436: {  	s3 =	simm.s32 $0xC000;
	[tilespmem:v19+s14+$0x0] =	vst.idx.add.s32.msk $0xffff, v8  }
0x437: {  	[tilespmem:s3], [sflag:$0x1] =	stream.indirect.gather [hbm4b:s4+s23], $0x50, s21, s23, $0xb8;
	[tilespmem:$0x16200] =	vst v63  }
0x438: {  	s7 =	simm.s32 $0x8080;
	s26 =	simm.s32 $0xE800;
	s28 =	simm.s32 $0x1  }
0x439: {  	[tilespmem:s26], [sflag:$0x2] =	stream.indirect.gather [hbm4b:s4+s23], $0x50, s7, s23, $0xb8;
	[tilespmem:$0x16200] =	vst v63  }
0x43a: {  	_ =	swait.ge [sflag:s28], $0x2800  }
0x43b: {  	[sflag:s28] =	ssyncset.done $0x0  }
0x43c: {  	s8 =	simm.s32 $0x0;
	v10 =	vimm.f32 $0.0e+00;
	[sflag:s28] =	ssyncadd.s32 $0xFFFFD800  }
0x43d: {  	v11 =	vimm.f32 $0.0e+00;
	v12 =	vimm.f32 $0.0e+00;
	v9 =	vimm.f32 $0.0e+00;
	[tilespmem:s3], [sflag:$0x5] =	stream.indirect.gather.add.bf16 [hbm:s5], $0x50, s22, s23, $0xb8;
	[tilespmem:$0x16200] =	vst v63  }
.LBB2_39:
0x43e: {  	s3 =	sshll.u32 s8, $0xB;
	_ =	swait.ge [sflag:s29], $0x2800  }
0x43f: {  	[sflag:s29] =	ssyncset.done $0x0;
	s24 =	sshrl.u32 s3, $0x2  }
0x440: {  	[sflag:s29] =	ssyncadd.s32 $0xFFFFD800;
	s3 =	sadd.s32 $0x9080, s24  }
0x441: {  	[tilespmem:s26], [sflag:$0x6] =	stream.indirect.gather.add.bf16 [hbm:s5], $0x50, s3, s23, $0xb8;
	[tilespmem:$0x16200] =	vst v63  }
0x442: {  	_ =	swait.ge [sflag:s30], $0x2800  }
0x443: {  	[sflag:s30] =	ssyncset.done $0x0  }
0x444: {  	s7 =	simm.s32 $0xC0A0;
	[sflag:s30] =	ssyncadd.s32 $0xFFFFD800  }
0x445: {  	v13 =	vld [tilespmem:s7+$0x0]  }
0x446: {  	v14 =	vld [tilespmem:s7+$0x10]  }
0x447: {  	v15 =	vld [tilespmem:s7+$0x20]  }
0x448: {  	v16 =	vld [tilespmem:s7+$0x30]  }
0x449: {  	v17 =	vld [tilespmem:s7+$0x50]  }
0x44a: {  	v18 =	vld [tilespmem:s7+$0x60]  }
0x44b: {  	v19 =	vld [tilespmem:s7+$0x70]  }
0x44c: {  	v20 =	vld [tilespmem:s7+$0xFFFFFF60]  }
0x44d: {  	v21 =	vld [tilespmem:s7+$0xFFFFFF70]  }
0x44e: {  	v22 =	vld [tilespmem:s7+$0xFFFFFF80]  }
0x44f: {  	v23 =	vld [tilespmem:s7+$0xFFFFFF90]  }
0x450: {  	v24 =	vld [tilespmem:s7+$0xFFFFFFB0]  }
0x451: {  	v25 =	vld [tilespmem:s7+$0xFFFFFFC0]  }
0x452: {  	v26 =	vld [tilespmem:s7+$0xFFFFFFD0];
	v27 =	vand.u32 $0x7FFF7FFF, v13;
	v28 =	vand.u32 $0x7FFF7FFF, v14  }
0x453: {  	v29 =	vld [tilespmem:s7+$0xFFFFFFE0];
	v30 =	vand.u32 $0x7FFF7FFF, v15;
	v31 =	vand.u32 $0x7FFF7FFF, v16;
	v17 =	vand.u32 $0x7FFF7FFF, v17  }
0x454: {  	v32 =	vand.u32 $0x7FFF7FFF, v20;
	v14 =	vld [tilespmem:s7+$0x80];
	v18 =	vand.u32 $0x7FFF7FFF, v18;
	v13 =	vand.u32 $0x7FFF7FFF, v19  }
0x455: {  	v33 =	vand.u32 $0x7FFF7FFF, v21;
	v34 =	vand.u32 $0x7FFF7FFF, v22;
	v35 =	vand.u32 $0x7FFF7FFF, v23;
	v19 =	vld [tilespmem:s7+$0x40]  }
0x456: {  	v15 =	vld [tilespmem:s7+$0xFFFFFFA0];
	v23 =	vand.u32 $0x7FFF7FFF, v24;
	v25 =	vand.u32 $0x7FFF7FFF, v25;
	v20 =	vadd.bf16 v28, v27  }
0x457: {  	v16 =	vld [tilespmem:s7+$0xFFFFFFF0];
	v26 =	vand.u32 $0x7FFF7FFF, v26;
	v21 =	vadd.bf16 v31, v30;
	v17 =	vadd.bf16 v18, v17  }
0x458: {  	s3 =	simm.s32 $0x0;
	v27 =	vand.u32 $0x7FFF7FFF, v29;
	v22 =	vadd.bf16 v33, v32;
	v24 =	vadd.bf16 v35, v34;
	v18 =	vld [tilespmem:s7+$0x90];
	s7 =	simm.s32 $0xC1E0  }
.LBB2_40:
0x459: {  	v28 =	vld [tilespmem:s7+$0x0];
	v23 =	vadd.bf16 v25, v23;
	v25 =	vadd.bf16 v27, v26;
	v14 =	vand.u32 $0x7FFF7FFF, v14  }
0x45a: {  	v20 =	vadd.bf16 v21, v20;
	v26 =	vld [tilespmem:s7+$0x10];
	v19 =	vand.u32 $0x7FFF7FFF, v19;
	v13 =	vadd.bf16 v14, v13  }
0x45b: {  	v21 =	vadd.bf16 v24, v22;
	v14 =	vld [tilespmem:s7+$0x20];
	v15 =	vand.u32 $0x7FFF7FFF, v15;
	v22 =	vadd.bf16 v25, v23  }
0x45c: {  	v19 =	vadd.bf16 v20, v19;
	v23 =	vld [tilespmem:s7+$0x30];
	v16 =	vand.u32 $0x7FFF7FFF, v16;
	v13 =	vadd.bf16 v13, v17  }
0x45d: {  	v15 =	vadd.bf16 v21, v15;
	v17 =	vld [tilespmem:s7+$0x50];
	v16 =	vadd.bf16 v22, v16;
	v18 =	vand.u32 $0x7FFF7FFF, v18  }
0x45e: {  	v20 =	vld [tilespmem:s7+$0x60];
	v13 =	vadd.bf16 v13, v18;
	v18 =	vunpack.i.u.bf16.f32 v19;
	v19 =	vunpack.i.l.bf16.f32 v19  }
0x45f: {  	v22 =	vunpack.i.u.bf16.f32 v15;
	v15 =	vunpack.i.l.bf16.f32 v15;
	v21 =	vld [tilespmem:s7+$0x70];
	v24 =	vunpack.i.u.bf16.f32 v16  }
0x460: {  	v16 =	vunpack.i.l.bf16.f32 v16;
	v12 =	vadd.f32 v15, v12;
	v11 =	vadd.f32 v22, v11;
	v25 =	vld [tilespmem:s7+$0xFFFFFF60]  }
0x461: {  	v10 =	vadd.f32 v16, v10;
	v9 =	vadd.f32 v24, v9;
	v16 =	vunpack.i.u.bf16.f32 v13;
	v15 =	vld [tilespmem:s7+$0xFFFFFF70]  }
0x462: {  	v13 =	vunpack.i.l.bf16.f32 v13;
	v12 =	vadd.f32 v19, v12;
	v11 =	vadd.f32 v18, v11;
	v22 =	vld [tilespmem:s7+$0xFFFFFF80]  }
0x463: {  	v10 =	vadd.f32 v13, v10;
	v9 =	vadd.f32 v16, v9;
	v18 =	vld [tilespmem:s7+$0xFFFFFF90]  }
0x464: {  	v16 =	vld [tilespmem:s7+$0xFFFFFFB0]  }
0x465: {  	v24 =	vld [tilespmem:s7+$0xFFFFFFC0]  }
0x466: {  	s3 =	sadd.s32 $0x2, s3;
	v28 =	vand.u32 $0x7FFF7FFF, v28;
	v26 =	vand.u32 $0x7FFF7FFF, v26;
	v27 =	vld [tilespmem:s7+$0xFFFFFFD0]  }
0x467: {  	p0 =	slt.u32 s3, $0x3E;
	v30 =	vand.u32 $0x7FFF7FFF, v14;
	v31 =	vand.u32 $0x7FFF7FFF, v23;
	v17 =	vand.u32 $0x7FFF7FFF, v17;
	v29 =	vld [tilespmem:s7+$0xFFFFFFE0]  }
.Ltmp25:
0x468: {  	v33 =	vand.u32 $0x7FFF7FFF, v20;
	v13 =	vand.u32 $0x7FFF7FFF, v21;
	v32 =	vand.u32 $0x7FFF7FFF, v25;
	v14 =	vld [tilespmem:s7+$0x80];
	(pc) =	sbr.rel @p0 .LBB2_40-.Ltmp25, $4  }
0x469: {  	v34 =	vand.u32 $0x7FFF7FFF, v15;
	v35 =	vand.u32 $0x7FFF7FFF, v22;
	v18 =	vand.u32 $0x7FFF7FFF, v18;
	v19 =	vld [tilespmem:s7+$0x40]  }
0x46a: {  	v20 =	vadd.bf16 v26, v28;
	v23 =	vand.u32 $0x7FFF7FFF, v16;
	v15 =	vld [tilespmem:s7+$0xFFFFFFA0];
	v25 =	vand.u32 $0x7FFF7FFF, v24  }
0x46b: {  	v21 =	vadd.bf16 v31, v30;
	v17 =	vadd.bf16 v33, v17;
	v16 =	vld [tilespmem:s7+$0xFFFFFFF0];
	v26 =	vand.u32 $0x7FFF7FFF, v27  }
0x46c: {  	v22 =	vadd.bf16 v34, v32;
	v24 =	vadd.bf16 v18, v35;
	v27 =	vand.u32 $0x7FFF7FFF, v29;
	v18 =	vld [tilespmem:s7+$0x90];
	s7 =	sadd.s32 $0x140, s7  }
0x46d: {  	s28 =	sshll.u32 s8, $0x9  }
0x46e: {  	s3 =	sadd.s32 $0x8100, s28  }
0x46f: {  	[tilespmem:s31], [sflag:$0x3] =	stream.indirect.gather [hbm4b:s4+s23], $0x50, s3, s23, $0xb8;
	[tilespmem:$0x16200] =	vst v63  }
0x470: {  	_ =	swait.ge [sflag:s0], $0x2800  }
0x471: {  	[sflag:s0] =	ssyncset.done $0x0  }
0x472: {  	s11 =	sadd.s32 $0x9100, s28;
	[sflag:s0] =	ssyncadd.s32 $0xFFFFD800  }
0x473: {  	[tilespmem:s31], [sflag:$0x7] =	stream.indirect.gather.add.bf16 [hbm:s5], $0x50, s11, s23, $0xb8;
	[tilespmem:$0x16200] =	vst v63  }
0x474: {  	_ =	swait.ge [sflag:s1], $0x2800  }
0x475: {  	[sflag:s1] =	ssyncset.done $0x0  }
0x476: {  	s7 =	simm.s32 $0xE8A0;
	[sflag:s1] =	ssyncadd.s32 $0xFFFFD800  }
0x477: {  	v28 =	vld [tilespmem:s7+$0x0]  }
0x478: {  	v29 =	vld [tilespmem:s7+$0x10]  }
0x479: {  	v23 =	vadd.bf16 v25, v23;
	v14 =	vand.u32 $0x7FFF7FFF, v14;
	v26 =	vadd.bf16 v27, v26;
	v25 =	vld [tilespmem:s7+$0x20]  }
0x47a: {  	v20 =	vadd.bf16 v21, v20;
	v13 =	vadd.bf16 v14, v13;
	v14 =	vld [tilespmem:s7+$0x30]  }
0x47b: {  	v19 =	vand.u32 $0x7FFF7FFF, v19;
	v21 =	vadd.bf16 v24, v22;
	v23 =	vadd.bf16 v26, v23;
	v22 =	vld [tilespmem:s7+$0x50]  }
0x47c: {  	v15 =	vand.u32 $0x7FFF7FFF, v15;
	v19 =	vadd.bf16 v20, v19;
	v13 =	vadd.bf16 v13, v17;
	v17 =	vld [tilespmem:s7+$0x60]  }
0x47d: {  	v16 =	vand.u32 $0x7FFF7FFF, v16;
	v15 =	vadd.bf16 v21, v15;
	v18 =	vand.u32 $0x7FFF7FFF, v18;
	v20 =	vld [tilespmem:s7+$0x70]  }
0x47e: {  	v16 =	vadd.bf16 v23, v16;
	v13 =	vadd.bf16 v13, v18;
	v18 =	vld [tilespmem:s7+$0xFFFFFF60]  }
0x47f: {  	v21 =	vunpack.i.u.bf16.f32 v19;
	v19 =	vunpack.i.l.bf16.f32 v19;
	v23 =	vunpack.i.l.bf16.f32 v15;
	v24 =	vld [tilespmem:s7+$0xFFFFFF70]  }
0x480: {  	v15 =	vunpack.i.u.bf16.f32 v15;
	v26 =	vunpack.i.l.bf16.f32 v16;
	v12 =	vadd.f32 v23, v12;
	v23 =	vld [tilespmem:s7+$0xFFFFFF80]  }
0x481: {  	v16 =	vunpack.i.u.bf16.f32 v16;
	v11 =	vadd.f32 v15, v11;
	v15 =	vadd.f32 v26, v10;
	v26 =	vld [tilespmem:s7+$0xFFFFFF90]  }
0x482: {  	v16 =	vadd.f32 v16, v9;
	v27 =	vunpack.i.l.bf16.f32 v13;
	v9 =	vadd.f32 v19, v12;
	v30 =	vld [tilespmem:s7+$0xFFFFFFB0]  }
0x483: {  	v12 =	vunpack.i.u.bf16.f32 v13;
	v10 =	vadd.f32 v21, v11;
	v11 =	vadd.f32 v27, v15;
	v21 =	vld [tilespmem:s7+$0xFFFFFFC0]  }
0x484: {  	v12 =	vadd.f32 v12, v16;
	v27 =	vld [tilespmem:s7+$0xFFFFFFD0];
	v16 =	vand.u32 $0x7FFF7FFF, v28;
	v28 =	vand.u32 $0x7FFF7FFF, v29  }
0x485: {  	v29 =	vld [tilespmem:s7+$0xFFFFFFE0];
	v31 =	vand.u32 $0x7FFF7FFF, v25;
	v32 =	vand.u32 $0x7FFF7FFF, v14;
	v22 =	vand.u32 $0x7FFF7FFF, v22  }
0x486: {  	v18 =	vand.u32 $0x7FFF7FFF, v18;
	v14 =	vld [tilespmem:s7+$0x80];
	v17 =	vand.u32 $0x7FFF7FFF, v17;
	v13 =	vand.u32 $0x7FFF7FFF, v20  }
0x487: {  	v19 =	vld [tilespmem:s7+$0x40];
	v24 =	vand.u32 $0x7FFF7FFF, v24;
	v33 =	vand.u32 $0x7FFF7FFF, v23;
	v34 =	vand.u32 $0x7FFF7FFF, v26  }
0x488: {  	v15 =	vld [tilespmem:s7+$0xFFFFFFA0];
	v23 =	vand.u32 $0x7FFF7FFF, v30;
	v25 =	vand.u32 $0x7FFF7FFF, v21;
	v20 =	vadd.bf16 v28, v16  }
0x489: {  	v26 =	vand.u32 $0x7FFF7FFF, v27;
	v16 =	vld [tilespmem:s7+$0xFFFFFFF0];
	v21 =	vadd.bf16 v32, v31;
	v17 =	vadd.bf16 v17, v22  }
0x48a: {  	s3 =	simm.s32 $0x0;
	v22 =	vadd.bf16 v24, v18;
	v24 =	vadd.bf16 v34, v33;
	v18 =	vld [tilespmem:s7+$0x90];
	s7 =	simm.s32 $0xE9E0;
	v27 =	vand.u32 $0x7FFF7FFF, v29  }
.LBB2_42:
0x48b: {  	v28 =	vld [tilespmem:s7+$0x0];
	v23 =	vadd.bf16 v25, v23;
	v25 =	vadd.bf16 v27, v26;
	v14 =	vand.u32 $0x7FFF7FFF, v14  }
0x48c: {  	v20 =	vadd.bf16 v21, v20;
	v26 =	vld [tilespmem:s7+$0x10];
	v19 =	vand.u32 $0x7FFF7FFF, v19;
	v13 =	vadd.bf16 v14, v13  }
0x48d: {  	v21 =	vadd.bf16 v24, v22;
	v14 =	vld [tilespmem:s7+$0x20];
	v15 =	vand.u32 $0x7FFF7FFF, v15;
	v22 =	vadd.bf16 v25, v23  }
0x48e: {  	v19 =	vadd.bf16 v20, v19;
	v23 =	vld [tilespmem:s7+$0x30];
	v16 =	vand.u32 $0x7FFF7FFF, v16;
	v13 =	vadd.bf16 v13, v17  }
0x48f: {  	v15 =	vadd.bf16 v21, v15;
	v17 =	vld [tilespmem:s7+$0x50];
	v16 =	vadd.bf16 v22, v16;
	v18 =	vand.u32 $0x7FFF7FFF, v18  }
0x490: {  	v20 =	vld [tilespmem:s7+$0x60];
	v13 =	vadd.bf16 v13, v18;
	v18 =	vunpack.i.u.bf16.f32 v19;
	v19 =	vunpack.i.l.bf16.f32 v19  }
0x491: {  	v22 =	vunpack.i.u.bf16.f32 v15;
	v15 =	vunpack.i.l.bf16.f32 v15;
	v21 =	vld [tilespmem:s7+$0x70];
	v24 =	vunpack.i.u.bf16.f32 v16  }
0x492: {  	v16 =	vunpack.i.l.bf16.f32 v16;
	v9 =	vadd.f32 v15, v9;
	v10 =	vadd.f32 v22, v10;
	v25 =	vld [tilespmem:s7+$0xFFFFFF60]  }
0x493: {  	v11 =	vadd.f32 v16, v11;
	v12 =	vadd.f32 v24, v12;
	v16 =	vunpack.i.u.bf16.f32 v13;
	v15 =	vld [tilespmem:s7+$0xFFFFFF70]  }
0x494: {  	v13 =	vunpack.i.l.bf16.f32 v13;
	v9 =	vadd.f32 v19, v9;
	v10 =	vadd.f32 v18, v10;
	v22 =	vld [tilespmem:s7+$0xFFFFFF80]  }
0x495: {  	v11 =	vadd.f32 v13, v11;
	v12 =	vadd.f32 v16, v12;
	v18 =	vld [tilespmem:s7+$0xFFFFFF90]  }
0x496: {  	v16 =	vld [tilespmem:s7+$0xFFFFFFB0]  }
0x497: {  	v24 =	vld [tilespmem:s7+$0xFFFFFFC0]  }
0x498: {  	s3 =	sadd.s32 $0x2, s3;
	v28 =	vand.u32 $0x7FFF7FFF, v28;
	v26 =	vand.u32 $0x7FFF7FFF, v26;
	v27 =	vld [tilespmem:s7+$0xFFFFFFD0]  }
0x499: {  	p0 =	slt.u32 s3, $0x3E;
	v30 =	vand.u32 $0x7FFF7FFF, v14;
	v31 =	vand.u32 $0x7FFF7FFF, v23;
	v17 =	vand.u32 $0x7FFF7FFF, v17;
	v29 =	vld [tilespmem:s7+$0xFFFFFFE0]  }
.Ltmp26:
0x49a: {  	v33 =	vand.u32 $0x7FFF7FFF, v20;
	v13 =	vand.u32 $0x7FFF7FFF, v21;
	v32 =	vand.u32 $0x7FFF7FFF, v25;
	v14 =	vld [tilespmem:s7+$0x80];
	(pc) =	sbr.rel @p0 .LBB2_42-.Ltmp26, $4  }
0x49b: {  	v34 =	vand.u32 $0x7FFF7FFF, v15;
	v35 =	vand.u32 $0x7FFF7FFF, v22;
	v18 =	vand.u32 $0x7FFF7FFF, v18;
	v19 =	vld [tilespmem:s7+$0x40]  }
0x49c: {  	v20 =	vadd.bf16 v26, v28;
	v23 =	vand.u32 $0x7FFF7FFF, v16;
	v15 =	vld [tilespmem:s7+$0xFFFFFFA0];
	v25 =	vand.u32 $0x7FFF7FFF, v24  }
0x49d: {  	v21 =	vadd.bf16 v31, v30;
	v17 =	vadd.bf16 v33, v17;
	v16 =	vld [tilespmem:s7+$0xFFFFFFF0];
	v26 =	vand.u32 $0x7FFF7FFF, v27  }
0x49e: {  	v22 =	vadd.bf16 v34, v32;
	v24 =	vadd.bf16 v18, v35;
	v27 =	vand.u32 $0x7FFF7FFF, v29;
	v18 =	vld [tilespmem:s7+$0x90];
	s7 =	sadd.s32 $0x140, s7  }
0x49f: {  	s3 =	sadd.s32 $0x8180, s28  }
0x4a0: {  	[tilespmem:s9], [sflag:$0x4] =	stream.indirect.gather [hbm4b:s4+s23], $0x50, s3, s23, $0xb8;
	[tilespmem:$0x16200] =	vst v63  }
0x4a1: {  	_ =	swait.ge [sflag:s10], $0x2800  }
0x4a2: {  	[sflag:s10] =	ssyncset.done $0x0  }
0x4a3: {  	s11 =	sadd.s32 $0x9180, s28;
	[sflag:s10] =	ssyncadd.s32 $0xFFFFD800  }
0x4a4: {  	[tilespmem:s9], [sflag:$0x8] =	stream.indirect.gather.add.bf16 [hbm:s5], $0x50, s11, s23, $0xb8;
	[tilespmem:$0x16200] =	vst v63  }
0x4a5: {  	_ =	swait.ge [sflag:s25], $0x2800  }
0x4a6: {  	[sflag:s25] =	ssyncset.done $0x0  }
0x4a7: {  	s7 =	simm.s32 $0x110A0;
	[sflag:s25] =	ssyncadd.s32 $0xFFFFD800  }
0x4a8: {  	v28 =	vld [tilespmem:s7+$0x0]  }
0x4a9: {  	v29 =	vld [tilespmem:s7+$0x10]  }
0x4aa: {  	v23 =	vadd.bf16 v25, v23;
	v14 =	vand.u32 $0x7FFF7FFF, v14;
	v26 =	vadd.bf16 v27, v26;
	v25 =	vld [tilespmem:s7+$0x20]  }
0x4ab: {  	v20 =	vadd.bf16 v21, v20;
	v13 =	vadd.bf16 v14, v13;
	v14 =	vld [tilespmem:s7+$0x30]  }
0x4ac: {  	v19 =	vand.u32 $0x7FFF7FFF, v19;
	v21 =	vadd.bf16 v24, v22;
	v23 =	vadd.bf16 v26, v23;
	v22 =	vld [tilespmem:s7+$0x50]  }
0x4ad: {  	v15 =	vand.u32 $0x7FFF7FFF, v15;
	v19 =	vadd.bf16 v20, v19;
	v13 =	vadd.bf16 v13, v17;
	v17 =	vld [tilespmem:s7+$0x60]  }
0x4ae: {  	v16 =	vand.u32 $0x7FFF7FFF, v16;
	v15 =	vadd.bf16 v21, v15;
	v18 =	vand.u32 $0x7FFF7FFF, v18;
	v20 =	vld [tilespmem:s7+$0x70]  }
0x4af: {  	v16 =	vadd.bf16 v23, v16;
	v13 =	vadd.bf16 v13, v18;
	v18 =	vld [tilespmem:s7+$0xFFFFFF60]  }
0x4b0: {  	v21 =	vunpack.i.u.bf16.f32 v19;
	v19 =	vunpack.i.l.bf16.f32 v19;
	v23 =	vunpack.i.l.bf16.f32 v15;
	v24 =	vld [tilespmem:s7+$0xFFFFFF70]  }
0x4b1: {  	v15 =	vunpack.i.u.bf16.f32 v15;
	v26 =	vunpack.i.l.bf16.f32 v16;
	v9 =	vadd.f32 v23, v9;
	v23 =	vld [tilespmem:s7+$0xFFFFFF80]  }
0x4b2: {  	v16 =	vunpack.i.u.bf16.f32 v16;
	v10 =	vadd.f32 v15, v10;
	v11 =	vadd.f32 v26, v11;
	v15 =	vld [tilespmem:s7+$0xFFFFFF90]  }
0x4b3: {  	v12 =	vadd.f32 v16, v12;
	v16 =	vunpack.i.l.bf16.f32 v13;
	v9 =	vadd.f32 v19, v9;
	v26 =	vld [tilespmem:s7+$0xFFFFFFB0]  }
0x4b4: {  	v13 =	vunpack.i.u.bf16.f32 v13;
	v10 =	vadd.f32 v21, v10;
	v11 =	vadd.f32 v16, v11;
	v16 =	vld [tilespmem:s7+$0xFFFFFFC0]  }
0x4b5: {  	v12 =	vadd.f32 v13, v12;
	v21 =	vld [tilespmem:s7+$0xFFFFFFD0];
	v27 =	vand.u32 $0x7FFF7FFF, v28;
	v28 =	vand.u32 $0x7FFF7FFF, v29  }
0x4b6: {  	v29 =	vld [tilespmem:s7+$0xFFFFFFE0];
	v30 =	vand.u32 $0x7FFF7FFF, v25;
	v31 =	vand.u32 $0x7FFF7FFF, v14;
	v22 =	vand.u32 $0x7FFF7FFF, v22  }
0x4b7: {  	v18 =	vand.u32 $0x7FFF7FFF, v18;
	v14 =	vld [tilespmem:s7+$0x80];
	v17 =	vand.u32 $0x7FFF7FFF, v17;
	v13 =	vand.u32 $0x7FFF7FFF, v20  }
0x4b8: {  	v19 =	vld [tilespmem:s7+$0x40];
	v24 =	vand.u32 $0x7FFF7FFF, v24;
	v32 =	vand.u32 $0x7FFF7FFF, v23;
	v33 =	vand.u32 $0x7FFF7FFF, v15  }
0x4b9: {  	v15 =	vld [tilespmem:s7+$0xFFFFFFA0];
	v23 =	vand.u32 $0x7FFF7FFF, v26;
	v25 =	vand.u32 $0x7FFF7FFF, v16;
	v20 =	vadd.bf16 v28, v27  }
0x4ba: {  	v16 =	vld [tilespmem:s7+$0xFFFFFFF0];
	v26 =	vand.u32 $0x7FFF7FFF, v21;
	v21 =	vadd.bf16 v31, v30;
	v17 =	vadd.bf16 v17, v22  }
0x4bb: {  	s3 =	simm.s32 $0x0;
	v22 =	vadd.bf16 v24, v18;
	v24 =	vadd.bf16 v33, v32;
	v18 =	vld [tilespmem:s7+$0x90];
	s7 =	simm.s32 $0x111E0;
	v27 =	vand.u32 $0x7FFF7FFF, v29  }
.LBB2_44:
0x4bc: {  	v28 =	vld [tilespmem:s7+$0x0];
	v23 =	vadd.bf16 v25, v23;
	v25 =	vadd.bf16 v27, v26;
	v14 =	vand.u32 $0x7FFF7FFF, v14  }
0x4bd: {  	v20 =	vadd.bf16 v21, v20;
	v26 =	vld [tilespmem:s7+$0x10];
	v19 =	vand.u32 $0x7FFF7FFF, v19;
	v13 =	vadd.bf16 v14, v13  }
0x4be: {  	v21 =	vadd.bf16 v24, v22;
	v14 =	vld [tilespmem:s7+$0x20];
	v15 =	vand.u32 $0x7FFF7FFF, v15;
	v22 =	vadd.bf16 v25, v23  }
0x4bf: {  	v19 =	vadd.bf16 v20, v19;
	v23 =	vld [tilespmem:s7+$0x30];
	v16 =	vand.u32 $0x7FFF7FFF, v16;
	v13 =	vadd.bf16 v13, v17  }
0x4c0: {  	v15 =	vadd.bf16 v21, v15;
	v17 =	vld [tilespmem:s7+$0x50];
	v16 =	vadd.bf16 v22, v16;
	v18 =	vand.u32 $0x7FFF7FFF, v18  }
0x4c1: {  	v20 =	vld [tilespmem:s7+$0x60];
	v13 =	vadd.bf16 v13, v18;
	v18 =	vunpack.i.u.bf16.f32 v19;
	v19 =	vunpack.i.l.bf16.f32 v19  }
0x4c2: {  	v22 =	vunpack.i.u.bf16.f32 v15;
	v15 =	vunpack.i.l.bf16.f32 v15;
	v21 =	vld [tilespmem:s7+$0x70];
	v24 =	vunpack.i.u.bf16.f32 v16  }
0x4c3: {  	v16 =	vunpack.i.l.bf16.f32 v16;
	v9 =	vadd.f32 v15, v9;
	v10 =	vadd.f32 v22, v10;
	v25 =	vld [tilespmem:s7+$0xFFFFFF60]  }
0x4c4: {  	v11 =	vadd.f32 v16, v11;
	v12 =	vadd.f32 v24, v12;
	v16 =	vunpack.i.u.bf16.f32 v13;
	v15 =	vld [tilespmem:s7+$0xFFFFFF70]  }
0x4c5: {  	v13 =	vunpack.i.l.bf16.f32 v13;
	v9 =	vadd.f32 v19, v9;
	v10 =	vadd.f32 v18, v10;
	v22 =	vld [tilespmem:s7+$0xFFFFFF80]  }
0x4c6: {  	v11 =	vadd.f32 v13, v11;
	v12 =	vadd.f32 v16, v12;
	v18 =	vld [tilespmem:s7+$0xFFFFFF90]  }
0x4c7: {  	v16 =	vld [tilespmem:s7+$0xFFFFFFB0]  }
0x4c8: {  	v24 =	vld [tilespmem:s7+$0xFFFFFFC0]  }
0x4c9: {  	s3 =	sadd.s32 $0x2, s3;
	v28 =	vand.u32 $0x7FFF7FFF, v28;
	v26 =	vand.u32 $0x7FFF7FFF, v26;
	v27 =	vld [tilespmem:s7+$0xFFFFFFD0]  }
0x4ca: {  	p0 =	slt.u32 s3, $0x3E;
	v30 =	vand.u32 $0x7FFF7FFF, v14;
	v31 =	vand.u32 $0x7FFF7FFF, v23;
	v17 =	vand.u32 $0x7FFF7FFF, v17;
	v29 =	vld [tilespmem:s7+$0xFFFFFFE0]  }
.Ltmp27:
0x4cb: {  	v33 =	vand.u32 $0x7FFF7FFF, v20;
	v13 =	vand.u32 $0x7FFF7FFF, v21;
	v32 =	vand.u32 $0x7FFF7FFF, v25;
	v14 =	vld [tilespmem:s7+$0x80];
	(pc) =	sbr.rel @p0 .LBB2_44-.Ltmp27, $4  }
0x4cc: {  	v34 =	vand.u32 $0x7FFF7FFF, v15;
	v35 =	vand.u32 $0x7FFF7FFF, v22;
	v18 =	vand.u32 $0x7FFF7FFF, v18;
	v19 =	vld [tilespmem:s7+$0x40]  }
0x4cd: {  	v20 =	vadd.bf16 v26, v28;
	v23 =	vand.u32 $0x7FFF7FFF, v16;
	v15 =	vld [tilespmem:s7+$0xFFFFFFA0];
	v25 =	vand.u32 $0x7FFF7FFF, v24  }
0x4ce: {  	v21 =	vadd.bf16 v31, v30;
	v17 =	vadd.bf16 v33, v17;
	v16 =	vld [tilespmem:s7+$0xFFFFFFF0];
	v26 =	vand.u32 $0x7FFF7FFF, v27  }
0x4cf: {  	v22 =	vadd.bf16 v34, v32;
	v24 =	vadd.bf16 v18, v35;
	v27 =	vand.u32 $0x7FFF7FFF, v29;
	v18 =	vld [tilespmem:s7+$0x90];
	s7 =	sadd.s32 $0x140, s7  }
0x4d0: {  	p0 =	seq.s32 s8, $0x7  }
0x4d1: {  	s3 =	sadd.s32 @!p0 $0x8200, s28;
	s7 =	simm.s32 @!p0 $0x80;
	s11 =	simm.s32 @!p0 $0xC000  }
0x4d2: {  	[tilespmem:s11], [sflag:$0x1] =	stream.indirect.gather @!p0 [hbm4b:s4+s7], $0x50, s3, s7, $0xb8;
	[tilespmem:$0x16200] =	vst v63  }
0x4d3: {  	s3 =	simm.s32 @!p0 $0x1  }
0x4d4: {  	_ =	swait.ge @!p0 [sflag:s3], $0x2800  }
0x4d5: {  	[sflag:s3] =	ssyncset.done @!p0 $0x0  }
0x4d6: {  	[sflag:s3] =	ssyncadd.s32 @!p0 $0xFFFFD800;
	s3 =	sadd.s32 @!p0 $0x9200, s28  }
0x4d7: {  	[tilespmem:s11], [sflag:$0x5] =	stream.indirect.gather.add.bf16 @!p0 [hbm:s5], $0x50, s3, s7, $0xb8;
	[tilespmem:$0x16200] =	vst v63  }
0x4d8: {  	_ =	swait.ge [sflag:s6], $0x2800  }
0x4d9: {  	[sflag:s6] =	ssyncset.done $0x0  }
0x4da: {  	s28 =	simm.s32 $0x138A0;
	[sflag:s6] =	ssyncadd.s32 $0xFFFFD800  }
0x4db: {  	v28 =	vld [tilespmem:s28+$0x0]  }
0x4dc: {  	v29 =	vld [tilespmem:s28+$0x10]  }
0x4dd: {  	v23 =	vadd.bf16 v25, v23;
	v14 =	vand.u32 $0x7FFF7FFF, v14;
	v26 =	vadd.bf16 v27, v26;
	v25 =	vld [tilespmem:s28+$0x20]  }
0x4de: {  	v20 =	vadd.bf16 v21, v20;
	v13 =	vadd.bf16 v14, v13;
	v14 =	vld [tilespmem:s28+$0x30]  }
0x4df: {  	v19 =	vand.u32 $0x7FFF7FFF, v19;
	v21 =	vadd.bf16 v24, v22;
	v23 =	vadd.bf16 v26, v23;
	v22 =	vld [tilespmem:s28+$0x50]  }
0x4e0: {  	v15 =	vand.u32 $0x7FFF7FFF, v15;
	v19 =	vadd.bf16 v20, v19;
	v13 =	vadd.bf16 v13, v17;
	v17 =	vld [tilespmem:s28+$0x60]  }
0x4e1: {  	v16 =	vand.u32 $0x7FFF7FFF, v16;
	v15 =	vadd.bf16 v21, v15;
	v18 =	vand.u32 $0x7FFF7FFF, v18;
	v20 =	vld [tilespmem:s28+$0x70]  }
0x4e2: {  	v16 =	vadd.bf16 v23, v16;
	v13 =	vadd.bf16 v13, v18;
	v18 =	vld [tilespmem:s28+$0xFFFFFF60]  }
0x4e3: {  	v21 =	vunpack.i.u.bf16.f32 v19;
	v19 =	vunpack.i.l.bf16.f32 v19;
	v23 =	vunpack.i.l.bf16.f32 v15;
	v24 =	vld [tilespmem:s28+$0xFFFFFF70]  }
0x4e4: {  	v15 =	vunpack.i.u.bf16.f32 v15;
	v26 =	vunpack.i.l.bf16.f32 v16;
	v9 =	vadd.f32 v23, v9;
	v23 =	vld [tilespmem:s28+$0xFFFFFF80]  }
0x4e5: {  	v16 =	vunpack.i.u.bf16.f32 v16;
	v10 =	vadd.f32 v15, v10;
	v11 =	vadd.f32 v26, v11;
	v15 =	vld [tilespmem:s28+$0xFFFFFF90]  }
0x4e6: {  	v12 =	vadd.f32 v16, v12;
	v16 =	vunpack.i.l.bf16.f32 v13;
	v9 =	vadd.f32 v19, v9;
	v19 =	vld [tilespmem:s28+$0xFFFFFFB0]  }
0x4e7: {  	v13 =	vunpack.i.u.bf16.f32 v13;
	v10 =	vadd.f32 v21, v10;
	v11 =	vadd.f32 v16, v11;
	v16 =	vld [tilespmem:s28+$0xFFFFFFC0]  }
0x4e8: {  	v12 =	vadd.f32 v13, v12;
	v26 =	vld [tilespmem:s28+$0xFFFFFFD0];
	v27 =	vand.u32 $0x7FFF7FFF, v28;
	v28 =	vand.u32 $0x7FFF7FFF, v29  }
0x4e9: {  	v29 =	vld [tilespmem:s28+$0xFFFFFFE0];
	v25 =	vand.u32 $0x7FFF7FFF, v25;
	v30 =	vand.u32 $0x7FFF7FFF, v14;
	v31 =	vand.u32 $0x7FFF7FFF, v22  }
0x4ea: {  	v32 =	vand.u32 $0x7FFF7FFF, v18;
	v14 =	vld [tilespmem:s28+$0x80];
	v17 =	vand.u32 $0x7FFF7FFF, v17;
	v13 =	vand.u32 $0x7FFF7FFF, v20  }
0x4eb: {  	v33 =	vand.u32 $0x7FFF7FFF, v24;
	v34 =	vand.u32 $0x7FFF7FFF, v23;
	v35 =	vand.u32 $0x7FFF7FFF, v15;
	v18 =	vld [tilespmem:s28+$0x40]  }
0x4ec: {  	v15 =	vld [tilespmem:s28+$0xFFFFFFA0];
	v21 =	vand.u32 $0x7FFF7FFF, v19;
	v24 =	vand.u32 $0x7FFF7FFF, v16;
	v20 =	vadd.bf16 v28, v27  }
0x4ed: {  	v16 =	vld [tilespmem:s28+$0xFFFFFFF0];
	v26 =	vand.u32 $0x7FFF7FFF, v26;
	v22 =	vadd.bf16 v30, v25;
	v17 =	vadd.bf16 v17, v31  }
0x4ee: {  	s3 =	simm.s32 $0x0;
	s7 =	simm.s32 $0x139E0;
	v19 =	vld [tilespmem:s28+$0x90];
	v23 =	vadd.bf16 v33, v32;
	v25 =	vadd.bf16 v35, v34;
	v27 =	vand.u32 $0x7FFF7FFF, v29  }
.LBB2_46:
0x4ef: {  	v28 =	vld [tilespmem:s7+$0x0];
	v21 =	vadd.bf16 v24, v21;
	v24 =	vadd.bf16 v27, v26;
	v14 =	vand.u32 $0x7FFF7FFF, v14  }
0x4f0: {  	v20 =	vadd.bf16 v22, v20;
	v26 =	vld [tilespmem:s7+$0x10];
	v18 =	vand.u32 $0x7FFF7FFF, v18;
	v13 =	vadd.bf16 v14, v13  }
0x4f1: {  	v22 =	vadd.bf16 v25, v23;
	v14 =	vld [tilespmem:s7+$0x20];
	v15 =	vand.u32 $0x7FFF7FFF, v15;
	v21 =	vadd.bf16 v24, v21  }
0x4f2: {  	v18 =	vadd.bf16 v20, v18;
	v23 =	vld [tilespmem:s7+$0x30];
	v16 =	vand.u32 $0x7FFF7FFF, v16;
	v13 =	vadd.bf16 v13, v17  }
0x4f3: {  	v15 =	vadd.bf16 v22, v15;
	v17 =	vld [tilespmem:s7+$0x50];
	v16 =	vadd.bf16 v21, v16;
	v19 =	vand.u32 $0x7FFF7FFF, v19  }
0x4f4: {  	v20 =	vld [tilespmem:s7+$0x60];
	v13 =	vadd.bf16 v13, v19;
	v19 =	vunpack.i.u.bf16.f32 v18;
	v18 =	vunpack.i.l.bf16.f32 v18  }
0x4f5: {  	v22 =	vunpack.i.u.bf16.f32 v15;
	v15 =	vunpack.i.l.bf16.f32 v15;
	v21 =	vld [tilespmem:s7+$0x70];
	v24 =	vunpack.i.u.bf16.f32 v16  }
0x4f6: {  	v16 =	vunpack.i.l.bf16.f32 v16;
	v9 =	vadd.f32 v15, v9;
	v10 =	vadd.f32 v22, v10;
	v25 =	vld [tilespmem:s7+$0xFFFFFF60]  }
0x4f7: {  	v11 =	vadd.f32 v16, v11;
	v12 =	vadd.f32 v24, v12;
	v16 =	vunpack.i.u.bf16.f32 v13;
	v15 =	vld [tilespmem:s7+$0xFFFFFF70]  }
0x4f8: {  	v13 =	vunpack.i.l.bf16.f32 v13;
	v9 =	vadd.f32 v18, v9;
	v10 =	vadd.f32 v19, v10;
	v22 =	vld [tilespmem:s7+$0xFFFFFF80]  }
0x4f9: {  	v11 =	vadd.f32 v13, v11;
	v12 =	vadd.f32 v16, v12;
	v18 =	vld [tilespmem:s7+$0xFFFFFF90]  }
0x4fa: {  	v16 =	vld [tilespmem:s7+$0xFFFFFFB0]  }
0x4fb: {  	v19 =	vld [tilespmem:s7+$0xFFFFFFC0]  }
0x4fc: {  	s3 =	sadd.s32 $0x2, s3;
	v28 =	vand.u32 $0x7FFF7FFF, v28;
	v26 =	vand.u32 $0x7FFF7FFF, v26;
	v27 =	vld [tilespmem:s7+$0xFFFFFFD0]  }
0x4fd: {  	p1 =	slt.u32 s3, $0x3E;
	v30 =	vand.u32 $0x7FFF7FFF, v14;
	v23 =	vand.u32 $0x7FFF7FFF, v23;
	v17 =	vand.u32 $0x7FFF7FFF, v17;
	v29 =	vld [tilespmem:s7+$0xFFFFFFE0]  }
.Ltmp28:
0x4fe: {  	v31 =	vand.u32 $0x7FFF7FFF, v20;
	v13 =	vand.u32 $0x7FFF7FFF, v21;
	v25 =	vand.u32 $0x7FFF7FFF, v25;
	v14 =	vld [tilespmem:s7+$0x80];
	(pc) =	sbr.rel @p1 .LBB2_46-.Ltmp28, $4  }
0x4ff: {  	v32 =	vand.u32 $0x7FFF7FFF, v15;
	v33 =	vand.u32 $0x7FFF7FFF, v22;
	v34 =	vand.u32 $0x7FFF7FFF, v18;
	v18 =	vld [tilespmem:s7+$0x40]  }
0x500: {  	v20 =	vadd.bf16 v26, v28;
	v21 =	vand.u32 $0x7FFF7FFF, v16;
	v15 =	vld [tilespmem:s7+$0xFFFFFFA0];
	v24 =	vand.u32 $0x7FFF7FFF, v19  }
0x501: {  	v17 =	vadd.bf16 v31, v17;
	v22 =	vadd.bf16 v23, v30;
	v16 =	vld [tilespmem:s7+$0xFFFFFFF0];
	v26 =	vand.u32 $0x7FFF7FFF, v27  }
0x502: {  	v23 =	vadd.bf16 v32, v25;
	v25 =	vadd.bf16 v34, v33;
	v27 =	vand.u32 $0x7FFF7FFF, v29;
	v19 =	vld [tilespmem:s7+$0x90];
	s7 =	sadd.s32 $0x140, s7  }
0x503: {  	v21 =	vadd.bf16 v24, v21;
	v57 =	vadd.bf16 v27, v26;
	v14 =	vand.u32 $0x7FFF7FFF, v14  }
0x504: {  	v20 =	vadd.bf16 v22, v20;
	v18 =	vand.u32 $0x7FFF7FFF, v18;
	v13 =	vadd.bf16 v14, v13  }
0x505: {  	v14 =	vand.u32 $0x7FFF7FFF, v15;
	v15 =	vadd.bf16 v25, v23;
	v21 =	vadd.bf16 v57, v21  }
0x506: {  	v18 =	vadd.bf16 v20, v18;
	v16 =	vand.u32 $0x7FFF7FFF, v16;
	v13 =	vadd.bf16 v13, v17  }
0x507: {  	v14 =	vadd.bf16 v15, v14;
	v15 =	vadd.bf16 v21, v16;
	v58 =	vand.u32 $0x7FFF7FFF, v19  }
0x508: {  	v59 =	vunpack.i.u.bf16.f32 v18;
	v60 =	vunpack.i.l.bf16.f32 v18;
	v13 =	vadd.bf16 v13, v58  }
.Ltmp29:
0x509: {  	v61 =	vunpack.i.u.bf16.f32 v14;
	v14 =	vunpack.i.l.bf16.f32 v14;
	v62 =	vunpack.i.u.bf16.f32 v15;
	(pc) =	sbr.rel @p0 .LBB2_49-.Ltmp29, $4  }
0x50a: {  	v15 =	vunpack.i.l.bf16.f32 v15;
	v9 =	vadd.f32 v14, v9;
	v10 =	vadd.f32 v61, v10  }
0x50b: {  	v14 =	vadd.f32 v15, v11;
	v15 =	vadd.f32 v62, v12;
	v63 =	vunpack.i.u.bf16.f32 v13  }
0x50c: {  	v13 =	vunpack.i.l.bf16.f32 v13;
	v12 =	vadd.f32 v60, v9;
	v11 =	vadd.f32 v59, v10  }
0x50d: {  	v10 =	vadd.f32 v13, v14;
	v9 =	vadd.f32 v63, v15  }
.Ltmp30:
0x50e: {  	(pc) =	sbr.rel .LBB2_39-.Ltmp30, $3  }
0x50f: {  	_ =	sdelay $0x1  }
0x510: {  	s3 =	sadd.s32 $0x8280, s24;
	s8 =	sadd.s32 $0x1, s8  }
0x511: {  	[tilespmem:s26], [sflag:$0x2] =	stream.indirect.gather [hbm4b:s4+s23], $0x50, s3, s23, $0xb8;
	[tilespmem:$0x16200] =	vst v63  }
.LBB2_51:
0x512: {  	_ =	sfence.sel $0x180000  }
0x513: {  	[bflag:$0x0] =	sbarrier.arrive $0xFFFF  }
0x514: {  	_ =	strace $0x9000004A  }
0x515: {  	s0 =	stileid.u32;
	[bflag:$0x2] =	sbarrier.arrive $0xFFFF  }
0x516: {  	p0 =	sne.s32 s0, $0x0;
	s0 =	rddreg [dreg:$0x1]  }
0x517: {  	s0 =	sadd.s32 @!p0 $0x100000, s0  }
0x518: {  	[sflag:s0] =	ssyncadd.tile.s32 @!p0 $0x1;
	_ =	shalt  }
.Lfunc_end2:
_tile_overlayer_lowered:
.L_overlay_start_2:
0x519: {  	(tag) =	ssettag $0x2  }
0x51a: {  	s0 =	rddreg [dreg:$0x0];
	s2 =	stileid.u32  }
0x51b: {  	s1 =	rddreg [dreg:$0x1];
	p0 =	sne.s32 s2, $0x0  }
0x51c: {  	s3 =	rddreg [dreg:$0x2];
	[bflag:$0x3] =	sbarrier.arrive $0xFFFF;
	s2 =	simm.s32 @!p0 $0x1C09  }
0x51d: {  	[timem:s3], [sflag:s2] =	dma.local @!p0 [hbm:s0], s1  }
0x51e: {  	s0 =	simm.s32 @!p0 $0x9  }
0x51f: {  	_ =	swait.ge @!p0 [sflag:s0], s1  }
0x520: {  	s1 =	ssub.s32 @!p0 $0x0, s1;
	[sflag:s0] =	ssyncset.done @!p0 $0x0  }
0x521: {  	[sflag:s0] =	ssyncadd.s32 @!p0 s1  }
0x522: {  	[bflag:$0x3] =	sbarrier.arrive $0xFFFF  }
0x523: {  	_ =	shalt  }

// kernel: sparse-core-data-format-call.cloned.1.call-start
scs
called_computation_lowered:
.L_overlay_start_0:
0x0: {  	s1 =	sld [smem:$0x3FD9]  }
0x1: {  	s2 =	sld [smem:$0x3FFE];
	_ =	sdelay $0x1  }
0x2: {  	s3 =	srdreg.scid  }
0x3: {  	s0 =	sand.u32 $0x1, s3  }
0x4: {  	s17 =	sshll.u32 s0, $0xA;
	s1 =	sadd.s32 s2, s1  }
0x5: {  	s1 =	sadd.s32 s1, s17  }
0x6: {  	[smem:$0x3FC5] =	sst s1  }
0x7: {  	_ = 	snop  }
0x8: {  	(tm) =	ssettm $0x1  }
0x9: {  	s18 =	sld [smem:$0x3FFB];
	_ =	sdelay $0x3  }
0xa: {  	_ =	strace s18  }
0xb: {  	s1 =	sld [smem:$0x3FFC];
	_ =	sdelay $0x3  }
0xc: {  	_ =	strace s1  }
0xd: {  	s1 =	sld [smem:$0x3FFD];
	_ =	sdelay $0x3  }
0xe: {  	_ =	strace s1  }
0xf: {  	_ =	strace $0x8FFFFFFF  }
0x10: {  	s19 =	sld [smem:$0x3FDB];
	_ =	sdelay $0x1  }
0x11: {  	s20 =	simm.s32 $_scs_section_size  }
0x12: {  	s4 =	simm.s32 $_size__tile_overlayer_lowered;
	s5 =	simm.s32 $_tile_overlayer_lowered  }
0x13: {  	s23 =	simm.s32 $0x1BFF;
	s22 =	sshll.u32 s5, $0x1;
	s1 =	sadd.s32 s20, s19  }
0x14: {  	s6 =	simm.s32 $0x0;
	s21 =	sshll.u32 s4, $0x1;
	s4 =	sadd.s32 s22, s1  }
0x15: {  	[timem:s6], [sflag:s23] =	dma.local [hbm:s4], s21  }
0x16: {  	_ =	swait.ge [sflag:s23], s21  }
0x17: {  	s2 =	ssub.s32 $0x0, s21;
	[sflag:s23] =	ssyncset.done $0x0  }
0x18: {  	[sflag:s23] =	ssyncadd.s32 s2;
	_ =	sdelay $0x1  }
0x19: {  	s24 =	simm.s32 $0x1B8B  }
0x1a: {  	_ =	swait.ge [sflag:s24], $0x1  }
0x1b: {  	[sflag:s24] =	ssyncset.done $0x0  }
0x1c: {  	s26 =	simm.s32 $0x1B8E;
	s25 =	sld [smem:$0x3FFE];
	[sflag:s24] =	ssyncadd.s32 $0xFFFFFFFF  }
0x1d: {  	s27 =	simm.s32 $execute0_lowered;
	[smem:$0x3FD2] =	sst s26  }
0x1e: {  	s4 =	sshll.u32 s27, $0x1;
	_ =	strace $0x80000046;
	[dreg:$0x1] =	wrdreg $0xFFFFFFFF  }
0x1f: {  	s28 =	simm.s32 $_size_execute0_lowered;
	s1 =	sadd.s32 s1, s4;
	[dreg:$0x0] =	wrdreg $0x0  }
0x20: {  	s4 =	sshll.u32 s28, $0x1;
	[dreg:$0x2] =	wrdreg s1  }
0x21: {  	[dreg:$0x3] =	wrdreg s4  }
0x22: {  	[dreg:$0x4] =	wrdreg $0xC0  }
0x23: {  	_ =	task [dreg:s6], $0x5FFFF  }
0x24: {  	[dreg:$0x1] =	wrdreg $0xFFFFFFFF  }
0x25: {  	[dreg:$0x0] =	wrdreg $0x60  }
0x26: {  	[dreg:$0x2] =	wrdreg s25  }
0x27: {  	[dreg:$0x3] =	wrdreg $0x9  }
0x28: {  	_ =	task.clear_ibuf [dreg:s6], $0x4FFFF;
	_ =	strace $0x90000046  }
0x29: {  	s29 =	simm.s32 $0x9;
	_ =	strace $0x80000048  }
0x2a: {  	_ =	swait.ge [sflag:s29], $0x1  }
0x2b: {  	[sflag:s29] =	ssyncadd.s32 $0xFFFFFFFF  }
0x2c: {  	_ =	strace $0x90000048  }
0x2d: {  	_ =	sfence  }
0x2e: {  	s30 =	sld [smem:$0x0];
	_ =	sdelay $0x2  }
0x2f: {  	s31 =	sshll.u32 s3, $0xD;
	s3 =	sshrl.u32 s3, $0x2  }
0x30: {  	s2 =	sand.u32 $0x4000, s31;
	s1 =	sadd.s32 s3, s30  }
0x31: {  	s0 =	sor.u32 s2, s0;
	s1 =	sshll.u32 s1, $0x11  }
0x32: {  	s0 =	sor.u32 s1, s0  }
0x33: {  	s0 =	sadd.s32 $0x8F2B, s0  }
0x34: {  	[sflag:s0] =	ssyncadd.remote.s32 $0x1  }
0x35: {  	_ =	sfence.sel $0xFFFF  }
0x36: {  	[dreg:$0x0] =	wrdreg $0xFFFFFFFF;
	(pc) =	sbr.abs _section_cstart, $3  }
0x37: {  	[dreg:$0x1] =	wrdreg $0xFFFFFFFF  }
0x38: {  	_ =	task.clear_ibuf [dreg:s6], $0x2FFFF;
	_ =	strace $0x9FFFFFFF  }
0x39: {  	(tm) =	ssettm $0x7FFFFFFF  }
tec
execute0_lowered:
.L_overlay_start_1:
0x0: {  	(tag) =	ssettag $0x1  }
0x1: {  	s1 =	rddreg [dreg:$0x0]  }
0x2: {  	s0 =	rddreg [dreg:$0x1]  }
0x3: {  	_ =	strace $0x80000047;
	s4 =	srdreg.scid;
	s6 =	simm.s32 $0x2  }
0x4: {  	s11 =	simm.s32 $0x0;
	p0 =	por $0x0, $0x0;
	s7 =	simm.s32 $0x1000  }
.Ltmp0:
0x5: {  	s12 =	simm.s32 $0x0;
	s9 =	simm.s32 $0x0;
	(pc) =	sbr.rel .LBB1_1-.Ltmp0, $4  }
0x6: {  	s2 =	sadd.s32 $0x77E00, s1;
	s3 =	sadd.s32 $0x177E00, s1;
	s5 =	sshll.u32 s4, $0x4  }
0x7: {  	s1 =	stileid.u32;
	s4 =	simm.s32 $0x1;
	s5 =	sand.u32 $0x10, s5  }
0x8: {  	s8 =	simm.s32 $0x0;
	[sflag:s4] =	ssyncpa.u1 $0x0;
	s5 =	sor.u32 s1, s5  }
0x9: {  	[sflag:s6] =	ssyncpa.u1 $0x0;
	s6 =	simm.s32 $0x800;
	s10 =	smov.u32 s5  }
.LBB1_7:
0xa: {  	s13 =	sadd.s32 $0x10, s9  }
0xb: {  	s11 =	sadd.s32 $0x20, s10;
	s15 =	smov.u32 s10;
	p2 =	sgt.s32 s13, $0x1F  }
0xc: {  	p1 =	slt.u32 s8, $0x2;
	s15 =	smov.u32 @p2 s11  }
0xd: {  	s8 =	sadd.s32 $0x1, s8;
	s13 =	simm.s32 @p2 $0x0;
	p2 =	sgt.s32 s15, $0xFF  }
0xe: {  	s15 =	smov.u32 @p2 s5;
	p2 =	sne.s32 s8, $0x12  }
.Ltmp1:
0xf: {  	_ = 	snop;
	(pc) =	sbr.rel @!p2 .LBB1_8-.Ltmp1, $4  }
0x10: {  	s14 =	simm.s32 @!p1 $0x2  }
0x11: {  	s12 =	smov.u32 s10;
	_ =	swait.ge @!p1 [sflag:s14], $0x4000  }
0x12: {  	p0 =	por !p0, !p0;
	s11 =	smov.u32 s9;
	[sflag:s14] =	ssyncset.done @!p1 $0x0  }
0x13: {  	s9 =	smov.u32 s13;
	[sflag:s14] =	ssyncadd.s32 @!p1 $0xFFFFC000;
	s10 =	smov.u32 s15  }
.LBB1_1:
0x14: {  	p1 =	sgt.u32 s8, $0xF  }
0x15: {  	s13 =	sxor.u32 @!p1 $0xFFFFFFFF, s8;
	s14 =	sshll.u32 @!p1 s10, $0xC  }
0x16: {  	s15 =	sshll.u32 @!p1 s9, $0x7;
	s13 =	sshll.u32 @!p1 s13, $0xE;
	s14 =	sadd.s32 @!p1 s2, s14  }
0x17: {  	s13 =	sand.u32 @!p1 $0x4000, s13;
	s14 =	sadd.s32 @!p1 s15, s14;
	s15 =	simm.s32 @!p1 $0x0  }
0x18: {  	[tilespmem:s13], [sflag:$0x1] =	stream.linear.gather @!p1 [hbm4b:s14+s15], $0x4000, $0x38;
	[tilespmem:$0x10000] =	vst v63  }
0x19: {  	p1 =	seq.s32 s8, $0x0  }
0x1a: {  	p2 =	seq.s32 @!p1 s8, $0x11  }
0x1b: {  	p1 =	por p1, p2  }
.Ltmp2:
0x1c: {  	_ = 	snop;
	(pc) =	sbr.rel @p1 .LBB1_7-.Ltmp2, $1  }
0x1d: {  	_ =	sdelay $0x3  }
0x1e: {  	s13 =	simm.s32 $0x1;
	_ =	swait.ge [sflag:s4], $0x4000;
	s16 =	sshll.u32 s8, $0xE  }
0x1f: {  	s13 =	simm.s32 @!p0 $0x0;
	[sflag:s4] =	ssyncset.done $0x0;
	s31 =	sand.u32 $0x4000, s16  }
0x20: {  	s16 =	simm.s32 $0x0;
	s14 =	sshll.u32 s13, $0xE;
	[sflag:s4] =	ssyncadd.s32 $0xFFFFC000  }
0x21: {  	s13 =	sor.u32 $0x8040, s14;
	s15 =	sor.u32 $0x40, s14;
	s14 =	sor.u32 $0x8000, s31  }
.LBB1_3:
0x22: {  	v0 =	vmov s15;
	_ =	sdelay $0x3  }
0x23: {  	s18 =	simm.s32 $0x0  }
0x24: {  	v6 =	vld.idx.msk [tilespmem:v0+s18+$0x30 ss:$0x1], $0xffff  }
0x25: {  	v7 =	vld.idx.msk [tilespmem:v0+s18+$0xFFFFFFC0 ss:$0x1], $0xffff  }
0x26: {  	v5 =	vld.idx.msk [tilespmem:v0+s18+$0xFFFFFFD0 ss:$0x1], $0xffff  }
0x27: {  	v4 =	vld.idx.msk [tilespmem:v0+s18+$0xFFFFFFE0 ss:$0x1], $0xffff  }
0x28: {  	v3 =	vld.idx.msk [tilespmem:v0+s18+$0xFFFFFFF0 ss:$0x1], $0xffff  }
0x29: {  	v1 =	vld.idx.msk [tilespmem:v0+s18+$0x0 ss:$0x1], $0xffff  }
0x2a: {  	v2 =	vld.idx.msk [tilespmem:v0+s18+$0x10 ss:$0x1], $0xffff;
	[tilespmem:s13+$0x30] =	vst v6  }
0x2b: {  	s17 =	simm.s32 $0x80;
	s19 =	simm.s32 $0x400;
	[tilespmem:s13+$0xFFFFFFC0] =	vst v7;
	v6 =	vld.idx.msk [tilespmem:v0+s18+$0x20 ss:$0x1], $0xffff;
	s18 =	smov.u32 s13  }
.LBB1_4:
0x2c: {  	p1 =	sne.s32 s19, $0xE00;
	v7 =	vld.idx.msk [tilespmem:v0+s17+$0x30 ss:$0x1], $0xffff;
	[tilespmem:s18+$0xFFFFFFD0] =	vst v5  }
0x2d: {  	v8 =	vld.idx.msk [tilespmem:v0+s17+$0xFFFFFFC0 ss:$0x1], $0xffff;
	[tilespmem:s18+$0xFFFFFFE0] =	vst v4  }
0x2e: {  	v5 =	vld.idx.msk [tilespmem:v0+s17+$0xFFFFFFD0 ss:$0x1], $0xffff;
	[tilespmem:s18+$0xFFFFFFF0] =	vst v3  }
.Ltmp3:
0x2f: {  	v4 =	vld.idx.msk [tilespmem:v0+s17+$0xFFFFFFE0 ss:$0x1], $0xffff;
	[tilespmem:s18+$0x0] =	vst v1;
	(pc) =	sbr.rel @p1 .LBB1_4-.Ltmp3, $4  }
0x30: {  	v3 =	vld.idx.msk [tilespmem:v0+s17+$0xFFFFFFF0 ss:$0x1], $0xffff;
	[tilespmem:s18+$0x10] =	vst v2  }
0x31: {  	v1 =	vld.idx.msk [tilespmem:v0+s17+$0x0 ss:$0x1], $0xffff;
	[tilespmem:s18+$0x20] =	vst v6;
	s18 =	sadd.s32 $0x800, s18  }
0x32: {  	v2 =	vld.idx.msk [tilespmem:v0+s17+$0x10 ss:$0x1], $0xffff;
	[tilespmem:s18+$0x30] =	vst v7  }
0x33: {  	[tilespmem:s18+$0xFFFFFFC0] =	vst v8;
	v6 =	vld.idx.msk [tilespmem:v0+s17+$0x20 ss:$0x1], $0xffff;
	s17 =	sshra.s32 s19, $0x2;
	s19 =	sadd.s32 $0x200, s19  }
0x34: {  	_ =	sdelay $0x2  }
0x35: {  	[tilespmem:s18+$0xFFFFFFD0] =	vst v5  }
0x36: {  	v56 =	vld.idx.msk [tilespmem:v0+s17+$0x30 ss:$0x1], $0xffff;
	[tilespmem:s18+$0xFFFFFFE0] =	vst v4  }
0x37: {  	v57 =	vld.idx.msk [tilespmem:v0+s17+$0xFFFFFFC0 ss:$0x1], $0xffff;
	[tilespmem:s18+$0xFFFFFFF0] =	vst v3  }
0x38: {  	v58 =	vld.idx.msk [tilespmem:v0+s17+$0xFFFFFFD0 ss:$0x1], $0xffff;
	[tilespmem:s18+$0x0] =	vst v1  }
0x39: {  	v59 =	vld.idx.msk [tilespmem:v0+s17+$0xFFFFFFE0 ss:$0x1], $0xffff;
	[tilespmem:s18+$0x10] =	vst v2  }
0x3a: {  	v60 =	vld.idx.msk [tilespmem:v0+s17+$0xFFFFFFF0 ss:$0x1], $0xffff;
	s31 =	sadd.s32 $0x800, s18;
	[tilespmem:s18+$0x20] =	vst v6  }
0x3b: {  	v61 =	vld.idx.msk [tilespmem:v0+s17+$0x0 ss:$0x1], $0xffff;
	[tilespmem:s31+$0x30] =	vst v56  }
0x3c: {  	v62 =	vld.idx.msk [tilespmem:v0+s17+$0x10 ss:$0x1], $0xffff;
	s16 =	sadd.s32 $0x1, s16;
	[tilespmem:s31+$0xFFFFFFC0] =	vst v57  }
0x3d: {  	v63 =	vld.idx.msk [tilespmem:v0+s17+$0x20 ss:$0x1], $0xffff;
	p1 =	sne.s32 s16, $0x10;
	[tilespmem:s31+$0xFFFFFFD0] =	vst v58  }
.Ltmp4:
0x3e: {  	[tilespmem:s31+$0xFFFFFFE0] =	vst v59;
	(pc) =	sbr.rel @p1 .LBB1_3-.Ltmp4, $4  }
0x3f: {  	[tilespmem:s31+$0xFFFFFFF0] =	vst v60  }
0x40: {  	[tilespmem:s31+$0x0] =	vst v61  }
0x41: {  	[tilespmem:s31+$0x10] =	vst v62  }
0x42: {  	s13 =	sadd.s32 $0x80, s13;
	s15 =	sadd.s32 $0x400, s15;
	[tilespmem:s31+$0x20] =	vst v63  }
.Ltmp5:
0x43: {  	(pc) =	sbr.rel .LBB1_7-.Ltmp5, $4  }
0x44: {  	s12 =	sshll.u32 s12, $0xC;
	s11 =	sshll.u32 s11, $0x4  }
0x45: {  	s11 =	sand.u32 $0x1F0, s11;
	s12 =	sadd.s32 s3, s12  }
0x46: {  	s11 =	sadd.s32 s11, s12  }
0x47: {  	[hbm4b:s11+s6] =	stream.strided.scatter [tilespmem:s14], [sflag:$0x2], $0x4000, s7, s6, $0x38;
	[tilespmem:$0x10000] =	vst v63  }
.LBB1_8:
0x48: {  	_ =	sfence.sel $0x180000  }
0x49: {  	s2 =	simm.s32 $0x1;
	[bflag:$0x0] =	sbarrier.arrive $0xFFFF  }
0x4a: {  	s31 =	simm.s32 $0x2;
	[sflag:s2] =	ssyncpa.u1 $0x1  }
0x4b: {  	[sflag:s31] =	ssyncpa.u1 $0x1  }
0x4c: {  	p0 =	sne.s32 s1, $0x0;
	_ =	strace $0x90000047  }
0x4d: {  	s0 =	sadd.s32 @!p0 $0x100000, s0;
	[bflag:$0x2] =	sbarrier.arrive $0xFFFF  }
0x4e: {  	[sflag:s0] =	ssyncadd.tile.s32 @!p0 $0x1;
	_ =	shalt  }
.Lfunc_end1:
_tile_overlayer_lowered:
.L_overlay_start_2:
0x4f: {  	(tag) =	ssettag $0x2  }
0x50: {  	s0 =	rddreg [dreg:$0x0];
	s2 =	stileid.u32  }
0x51: {  	s1 =	rddreg [dreg:$0x1];
	p0 =	sne.s32 s2, $0x0  }
0x52: {  	s3 =	rddreg [dreg:$0x2];
	[bflag:$0x3] =	sbarrier.arrive $0xFFFF;
	s2 =	simm.s32 @!p0 $0x1C01  }
0x53: {  	[timem:s3], [sflag:s2] =	dma.local @!p0 [hbm:s0], s1  }
0x54: {  	s0 =	simm.s32 @!p0 $0x1  }
0x55: {  	_ =	swait.ge @!p0 [sflag:s0], s1  }
0x56: {  	s1 =	ssub.s32 @!p0 $0x0, s1;
	[sflag:s0] =	ssyncset.done @!p0 $0x0  }
0x57: {  	[sflag:s0] =	ssyncadd.s32 @!p0 s1  }
0x58: {  	[bflag:$0x3] =	sbarrier.arrive $0xFFFF  }
0x59: {  	_ =	shalt  }

</sc_bundles>
